<compile_context>
chip_gen: v7x
topology: tpu7x:2x2x1
jax: 0.10.2.dev20260603
libtpu: 0.0.44.dev20260713+nightly
codegen_flags: <defaults>
</compile_context>

<pallas_src>
import jax
import jax.numpy as jnp
from jax import lax
from jax.experimental import pallas as pl
from jax.experimental.pallas import tpu as pltpu
from jax.experimental.pallas import tpu_sc as plsc

_N = 10000
_NC = 2
_NS = 16


def _scmean_body(x2, i2, ones_hbm, zf_hbm, zn_hbm,
                 sums_out, cnts_out,
                 xbuf, ibuf, ones_v, acc, cnt):
    E = x2.shape[1]
    epw = E // _NS
    W = 1000
    nwin = epw // W
    c = lax.axis_index("c")
    s = lax.axis_index("s")

    pltpu.sync_copy(ones_hbm, ones_v)
    @pl.when(s == 0)
    def _init():
        pltpu.sync_copy(zf_hbm, acc)
        pltpu.sync_copy(zn_hbm, cnt)
    plsc.subcore_barrier()

    base = s * epw
    for w in range(nwin):
        off = base + w * W
        pltpu.sync_copy(i2.at[c, pl.ds(off, W)], ibuf)
        pltpu.sync_copy(x2.at[c, pl.ds(off, W), :], xbuf)
        pltpu.sync_copy(xbuf, acc.at[ibuf], add=True)
        pltpu.sync_copy(ones_v, cnt.at[ibuf], add=True)
    plsc.subcore_barrier()

    @pl.when(s == 0)
    def _flush():
        pltpu.sync_copy(acc, sums_out.at[c])
        pltpu.sync_copy(cnt, cnts_out.at[c])


def _scmean(x2, a0, b0):
    _, E, F = x2.shape
    W = 1000
    ones_hbm = jnp.ones((W,), jnp.float32)
    zf_hbm = jnp.zeros((_N, F), jnp.float32)
    zn_hbm = jnp.zeros((_N,), jnp.float32)
    i2 = jnp.stack([a0, b0])
    k = pl.kernel(
        _scmean_body,
        out_type=[jax.ShapeDtypeStruct((2, _N, F), jnp.float32),
                  jax.ShapeDtypeStruct((2, _N), jnp.float32)],
        mesh=plsc.VectorSubcoreMesh(core_axis_name="c", subcore_axis_name="s"),
        compiler_params=pltpu.CompilerParams(use_tc_tiling_on_sc=False),
        scratch_types=[
            pltpu.VMEM((W, F), jnp.float32),
            pltpu.VMEM((W,), jnp.int32),
            pltpu.VMEM((W,), jnp.float32),
            pltpu.VMEM_SHARED((_N, F), jnp.float32),
            pltpu.VMEM_SHARED((_N,), jnp.float32),
        ],
    )
    sums, cnts = k(x2, i2, ones_hbm, zf_hbm, zn_hbm)
    return sums[0], sums[1], cnts[0], cnts[1]


def _scmax_body(u_fbt, tm_fb, ig2, im2, ninf_hbm, zpart_out,
                ubuf, gbuf, ib1, ib0, acc):
    E = ig2.shape[1]
    Q = E // 4
    W = 640
    nwin = Q // W
    ng = W // 16
    c = lax.axis_index("c")
    s = lax.axis_index("s")
    fg = s % 8
    eg = c * 2 + s // 8
    iota = lax.iota(jnp.int32, 16)
    im1 = jnp.maximum(iota - 1, 0)
    fsp = [jnp.full((16,), f, jnp.int32) for f in range(8)]

    for d in range(2):
        pltpu.sync_copy(ninf_hbm, acc)
        qbase = eg * Q

        def _win(w):
            off = qbase + w * W
            pltpu.sync_copy(ig2.at[d, pl.ds(off, W)], ib1)
            pltpu.sync_copy(im2.at[d, pl.ds(off, W)], ib0)
            pltpu.sync_copy(u_fbt.at[d, fg, :, pl.ds(off // 128, W // 128), :],
                            ubuf)
            pltpu.sync_copy(tm_fb.at[d, fg].at[ib1], gbuf)

            def _grp(j):
                b16 = j * 16
                a0v = ib0[pl.ds(b16, 16)]
                arow = lax.shift_right_logical(a0v, 4)
                acol = (a0v & 15) * 8
                rows = iota + b16
                zs = []
                for f in range(8):
                    zt = plsc.load_gather(gbuf, [rows, fsp[f]])
                    uv = ubuf[f, j >> 3, pl.ds((b16 % 128), 16)]
                    zs.append(zt + uv)

                sk, _ = plsc.sort_key_val(a0v, a0v)
                skm1 = lax.gather(
                    sk, im1[:, None],
                    lax.GatherDimensionNumbers(offset_dims=(),
                                               collapsed_slice_dims=(0,),
                                               start_index_map=(0,)),
                    (1,), mode=lax.GatherScatterMode.PROMISE_IN_BOUNDS)
                dup = jnp.any((sk == skm1) & (iota > 0))

                @pl.when(jnp.logical_not(dup))
                def _fast():
                    for f in range(8):
                        cur = plsc.load_gather(acc, [arow, acol + f])
                        plsc.store_scatter(acc, [arow, acol + f],
                                           jnp.maximum(cur, zs[f]))

                @pl.when(dup)
                def _slow():
                    def _cond(pending):
                        return jnp.any(pending)

                    def _body(pending):
                        fail = jnp.zeros((16,), jnp.bool_)
                        for f in range(8):
                            cur = plsc.load_gather(acc, [arow, acol + f])
                            mx = jnp.maximum(cur, zs[f])
                            plsc.store_scatter(acc, [arow, acol + f], mx,
                                               mask=pending)
                            chk = plsc.load_gather(acc, [arow, acol + f])
                            fail = fail | (chk < mx)
                        return pending & fail

                    lax.while_loop(_cond, _body, jnp.ones((16,), jnp.bool_))

            lax.fori_loop(0, ng, lambda j, _: (_grp(j), 0)[1], 0)

        lax.fori_loop(0, nwin, lambda w, _: (_win(w), 0)[1], 0)
        pltpu.sync_copy(acc, zpart_out.at[d, eg, fg])


def _scmax(u_fbt, tm_fb, ig2, im2):
    E = ig2.shape[1]
    W = 640
    ninf_hbm = jnp.full((_N * 8 // 128, 128), -jnp.inf, jnp.float32)
    k = pl.kernel(
        _scmax_body,
        out_type=jax.ShapeDtypeStruct((2, 4, 8, _N * 8 // 128, 128),
                                      jnp.float32),
        mesh=plsc.VectorSubcoreMesh(core_axis_name="c", subcore_axis_name="s"),
        compiler_params=pltpu.CompilerParams(use_tc_tiling_on_sc=False,
                                             needs_layout_passes=False),
        scratch_types=[
            pltpu.VMEM((8, W // 128, 128), jnp.float32),
            pltpu.VMEM((W, 8), jnp.float32),
            pltpu.VMEM((W,), jnp.int32),
            pltpu.VMEM((W,), jnp.int32),
            pltpu.VMEM((_N * 8 // 128, 128), jnp.float32),
        ],
    )
    return k(u_fbt, tm_fb, ig2, im2, ninf_hbm)


def _scg_body(tc2, sc2, igf, imf, g_out, s_out, gb, sb, ibg, ibm):
    E = g_out.shape[1]
    epw = E // _NS
    W = 400
    nwin = epw // W
    c = lax.axis_index("c")
    s = lax.axis_index("s")
    base = s * epw

    def _win(w):
        off = base + w * W
        pltpu.sync_copy(igf.at[pl.ds(c * E + off, W)], ibg)
        pltpu.sync_copy(imf.at[pl.ds(c * E + off, W)], ibm)
        pltpu.sync_copy(tc2.at[c].at[ibg], gb)
        pltpu.sync_copy(sc2.at[c].at[ibm], sb)
        pltpu.sync_copy(gb, g_out.at[c, pl.ds(off, W), :])
        pltpu.sync_copy(sb, s_out.at[c, pl.ds(off, W), :])

    lax.fori_loop(0, nwin, lambda w, _: (_win(w), 0)[1], 0)


def _scgather2(tc2, sc2, ig2, im2):
    E = ig2.shape[1]
    C = tc2.shape[2]
    W = 400
    igf = ig2.reshape(2 * E)
    imf = im2.reshape(2 * E)
    k = pl.kernel(
        _scg_body,
        out_type=[jax.ShapeDtypeStruct((2, E, C), jnp.float32),
                  jax.ShapeDtypeStruct((2, E, C), jnp.float32)],
        mesh=plsc.VectorSubcoreMesh(core_axis_name="c", subcore_axis_name="s"),
        compiler_params=pltpu.CompilerParams(use_tc_tiling_on_sc=True,
                                             needs_layout_passes=False),
        scratch_types=[
            pltpu.VMEM((W, C), jnp.float32),
            pltpu.VMEM((W, C), jnp.float32),
            pltpu.VMEM((W,), jnp.int32),
            pltpu.VMEM((W,), jnp.int32),
        ],
    )
    return k(tc2, sc2, igf, imf)


def _conv_bn_prelu_kernel(x_ref, g_ref, s_ref, w_ref, bc_ref, gam_ref,
                          bet_ref, a_ref, o_ref):
    d = pl.program_id(0)
    blk = pl.program_id(1)
    xb = x_ref[0]
    y = lax.dot_general(xb, w_ref[...], (((1,), (1,)), ((), ())),
                        preferred_element_type=jnp.float32)
    y = y + bc_ref[...]
    y = y + g_ref[0] + s_ref[0]
    a = a_ref[0]
    for h in range(2):
        yh = y[h * 2500:(h + 1) * 2500, :]
        mu = jnp.mean(yh)
        var = jnp.mean(yh * yh) - mu * mu
        g = gam_ref[d, 2 * blk + h]
        b = bet_ref[d, 2 * blk + h]
        yn = g * (yh - mu) * jax.lax.rsqrt(var + 1e-5) + b
        o_ref[0, h * 2500:(h + 1) * 2500, :] = jnp.where(yn >= 0, yn, a * yn)


def _conv_bn_prelu(x2, G, S, Wc1, b_conv, gamma, beta, prelu_a):
    D, E, F = x2.shape
    C = G.shape[2]
    BS = 5000
    nb = E // BS
    out = pl.pallas_call(
        _conv_bn_prelu_kernel,
        grid=(D, nb),
        in_specs=[
            pl.BlockSpec((1, BS, F), lambda d, g: (d, g, 0)),
            pl.BlockSpec((1, BS, C), lambda d, g: (d, g, 0)),
            pl.BlockSpec((1, BS, C), lambda d, g: (d, g, 0)),
            pl.BlockSpec((C, F), lambda d, g: (0, 0)),
            pl.BlockSpec((1, C), lambda d, g: (0, 0)),
            pl.BlockSpec(memory_space=pltpu.SMEM),
            pl.BlockSpec(memory_space=pltpu.SMEM),
            pl.BlockSpec(memory_space=pltpu.SMEM),
        ],
        out_specs=pl.BlockSpec((1, BS, C), lambda d, g: (d, g, 0)),
        out_shape=jax.ShapeDtypeStruct((D, E, C), jnp.float32),
    )(x2, G, S, Wc1, b_conv.reshape(1, C), gamma, beta, prelu_a.reshape(1))
    return out.reshape(D, 1, E, C)


def kernel(xs, A_to_B_edge_idx, B_to_A_edge_idx, W_max, b_max, W_conv, b_conv,
           bn_fw_gamma, bn_fw_beta, bn_bw_gamma, bn_bw_beta, prelu_a):
    E = xs.shape[2]
    x0 = xs[0, 0]
    x1 = xs[1, 0]
    a0 = A_to_B_edge_idx[0, 0]
    a1 = A_to_B_edge_idx[0, 1]
    b0 = B_to_A_edge_idx[0, 0]
    b1 = B_to_A_edge_idx[0, 1]

    s0, s1, c0, c1 = _scmean(xs.reshape(2, E, -1), a0, b0)
    m0 = s0 / jnp.clip(c0, 1.0)[:, None]
    m1 = s1 / jnp.clip(c1, 1.0)[:, None]

    F = x0.shape[1]
    Wm1, Wm2 = W_max[:, :F], W_max[:, F:]
    t1m = m1 @ Wm2.T + b_max
    t0m = m0 @ Wm2.T + b_max

    u = jnp.einsum('def,gf->dge', xs.reshape(2, E, -1), Wm1)
    u_fbt = u.reshape(2, 8, 8, E // 128, 128)
    tm = jnp.stack([t1m, t0m])
    tm_fb = tm.reshape(2, _N, 8, 8).transpose(0, 2, 1, 3)
    ig2 = jnp.stack([a1, b1])
    im2 = jnp.stack([a0, b0])
    zpart = _scmax(u_fbt, tm_fb, ig2, im2)
    zmax = (zpart.max(axis=1).reshape(2, 8, _N // 16, 16, 8)
            .transpose(0, 2, 3, 1, 4).reshape(2, _N, 64))
    cnt2 = jnp.stack([c0, c1])
    zmax = jnp.where(cnt2[:, :, None] > 0, zmax, 0.0)
    zmax_fw, zmax_bw = zmax[0], zmax[1]

    Wc1, Wc2, Wc3 = W_conv[:, :F], W_conv[:, F:2 * F], W_conv[:, 2 * F:]
    t1c = m1 @ Wc2.T
    t0c = m0 @ Wc2.T
    sf = zmax_fw @ Wc3.T
    sb = zmax_bw @ Wc3.T

    tc2 = jnp.stack([t1c, t0c])
    sc2 = jnp.stack([sf, sb])
    G, S = _scgather2(tc2, sc2, ig2, im2)

    return _conv_bn_prelu(xs.reshape(2, E, -1), G, S, Wc1, b_conv,
                          jnp.stack([bn_fw_gamma, bn_bw_gamma]),
                          jnp.stack([bn_fw_beta, bn_bw_beta]), prelu_a)

# --- scband reference (transcript-rebuilt; emitter-appended) ---
"""Pipeline reference for scband-sparse-feature-weaving-layer-72155450573412 (READ-ONLY COPY).

The authoritative reference and input builder live on the scoring server;
editing this copy changes nothing except your own understanding.
"""

import jax, jax.numpy as jnp
import numpy as np

N_NODES = 10000

def _scatter_mean(data, idx, n):
    # data: [B, E, F], idx: [B, E] -> [B, n, F]
    sums = jax.vmap(lambda d, i: jax.ops.segment_sum(d, i, num_segments=n))(data, idx)
    cnts = jax.vmap(lambda i: jax.ops.segment_sum(jnp.ones(i.shape, jnp.float32), i, num_segments=n))(idx)
    return sums / jnp.clip(cnts, 1.0)[..., None]

def _gather(data, idx):
    # data: [B, N, F], idx: [B, E] -> [B, E, F]
    return jax.vmap(lambda a, i: jnp.take(a, i, axis=0))(data, idx)

def setup_inputs(seed: int = 0) -> dict:
    key = jax.random.key(seed)
    ks = jax.random.split(key, 8)
    B, E, F = 1, 320000, 64
    IN, MID, OUT = 128, 64, 128
    xs = jax.random.normal(ks[0], (2, B, E, F), dtype=jnp.float32)
    A_to_B_edge_idx = jax.random.randint(ks[1], (B, 2, E), 0, N_NODES)
    B_to_A_edge_idx = jax.random.randint(ks[2], (B, 2, E), 0, N_NODES)
    W_max = jax.random.normal(ks[3], (MID, IN), dtype=jnp.float32) / np.sqrt(IN)
    b_max = jax.random.normal(ks[4], (MID,), dtype=jnp.float32) * 0.01
    W_conv = jax.random.normal(ks[5], (OUT, IN + MID), dtype=jnp.float32) / np.sqrt(IN + MID)
    b_conv = jax.random.normal(ks[6], (OUT,), dtype=jnp.float32) * 0.01
    return {
        'xs': xs,
        'A_to_B_edge_idx': A_to_B_edge_idx,
        'B_to_A_edge_idx': B_to_A_edge_idx,
        'W_max': W_max, 'b_max': b_max,
        'W_conv': W_conv, 'b_conv': b_conv,
        'bn_fw_gamma': jnp.ones((OUT,), jnp.float32), 'bn_fw_beta': jnp.zeros((OUT,), jnp.float32),
        'bn_bw_gamma': jnp.ones((OUT,), jnp.float32), 'bn_bw_beta': jnp.zeros((OUT,), jnp.float32),
        'prelu_a': jnp.array(0.25, jnp.float32),
    }

def reference(xs, A_to_B_edge_idx, B_to_A_edge_idx, W_max, b_max, W_conv, b_conv,
              bn_fw_gamma, bn_fw_beta, bn_bw_gamma, bn_bw_beta, prelu_a):
    # first_layer=False path
    B, E = xs.shape[1], xs.shape[2]
    x0, x1 = xs[0], xs[1]
    m1 = _scatter_mean(x1, B_to_A_edge_idx[:, 0], N_NODES)
    x_fw = jnp.concatenate([x0, _gather(m1, A_to_B_edge_idx[:, 1])], axis=2)
    m0 = _scatter_mean(x0, A_to_B_edge_idx[:, 0], N_NODES)
    x_bw = jnp.concatenate([x1, _gather(m0, B_to_A_edge_idx[:, 1])], axis=2)
    x = jnp.stack([x_fw, x_bw], axis=1)  # [B, 2, E, IN]
    end_points = jnp.stack([A_to_B_edge_idx[:, 0], B_to_A_edge_idx[:, 0]], axis=1)  # [B, 2, E]
    # encode
    z = x @ W_max.T + b_max  # [B, 2, E, MID]
    zf = z.reshape(B * 2, E, z.shape[-1])
    ef = end_points.reshape(B * 2, E)
    zmax = jax.vmap(lambda d, i: jax.ops.segment_max(d, i, num_segments=N_NODES))(zf, ef)
    zmax = jnp.where(jnp.isneginf(zmax), 0.0, zmax).reshape(B, 2, N_NODES, -1)
    z_fw = _gather(zmax[:, 0], end_points[:, 0])
    z_bw = _gather(zmax[:, 1], end_points[:, 1])
    x = jnp.concatenate([x, jnp.stack([z_fw, z_bw], axis=1)], axis=3)
    x = x @ W_conv.T + b_conv  # [B, 2, E, OUT]
    C = x.shape[-1]
    def _bn(y, g, b):
        mu = jnp.mean(y, axis=(0, 2), keepdims=True)
        var = jnp.var(y, axis=(0, 2), keepdims=True)
        return g[None, :, None] * (y - mu) / jnp.sqrt(var + 1e-5) + b[None, :, None]
    # torch .view() raw-reshape semantics (NOT transpose) reproduced with jnp.reshape
    xf = _bn(x[:, 0].reshape(B, C, E), bn_fw_gamma, bn_fw_beta)[:, None]  # [B,1,C,E]
    xb = _bn(x[:, 1].reshape(B, C, E), bn_bw_gamma, bn_bw_beta)[:, None]
    x = jnp.stack([xf, xb], axis=1).reshape(B, 2, E, C)
    x = jnp.where(x >= 0, x, prelu_a * x)  # PReLU
    return jnp.transpose(x, (1, 0, 2, 3))

if __name__ == "__main__":
    import jax
    _d = setup_inputs()
    print(jax.jit(kernel)(*tuple(_d.values())))

</pallas_src>

<mosaic_0001>
#map = affine_map<(d0, d1) -> (0, 0, 0)>
#map1 = affine_map<(d0, d1) -> (0, 0)>
#map2 = affine_map<(d0, d1) -> (0)>
module attributes {stable_mosaic.version = 14 : i64} {
  func.func @_scmean_body(%arg0: i32, %arg1: i32, %arg2: memref<2x320000x64xf32, #tpu.memory_space<hbm>>, %arg3: memref<2x320000xi32, #tpu.memory_space<hbm>>, %arg4: memref<1000xf32, #tpu.memory_space<hbm>>, %arg5: memref<10000x64xf32, #tpu.memory_space<hbm>>, %arg6: memref<10000xf32, #tpu.memory_space<hbm>>, %arg7: memref<2x10000x64xf32, #tpu.memory_space<hbm>>, %arg8: memref<2x10000xf32, #tpu.memory_space<hbm>>, %arg9: memref<1000x64xf32, #tpu.memory_space<vmem>>, %arg10: memref<1000xi32, #tpu.memory_space<vmem>>, %arg11: memref<1000xf32, #tpu.memory_space<vmem>>, %arg12: memref<10000x64xf32, #tpu.memory_space<vmem_shared>>, %arg13: memref<10000xf32, #tpu.memory_space<vmem_shared>>) attributes {dimension_semantics = [#tpu.dimension_semantics<core_parallel>, #tpu.dimension_semantics<subcore_parallel>], iteration_bounds = array<i64: 2, 16>, scalar_prefetch = 0 : i64, scratch_operands = 5 : i64, tpu.core_type = #tpu.core_type<sc_vector_subcore>, window_params = [{transform_indices = #map}, {transform_indices = #map1}, {transform_indices = #map2}, {transform_indices = #map1}, {transform_indices = #map2}, {transform_indices = #map}, {transform_indices = #map1}]} {
    "tpu.region"() ({
      %run_scoped3A = tpu.sem_alloc : memref<!tpu.dma_semaphore, #tpu.memory_space<semaphore_mem>>
      tpu.enqueue_dma source(%arg4 : memref<1000xf32, #tpu.memory_space<hbm>>) target(%arg11 : memref<1000xf32, #tpu.memory_space<vmem>>) target_semaphore(%run_scoped3A : memref<!tpu.dma_semaphore, #tpu.memory_space<semaphore_mem>>)
      tpu.wait_dma2 semaphore(%run_scoped3A : memref<!tpu.dma_semaphore, #tpu.memory_space<semaphore_mem>>) src(%arg4 : memref<1000xf32, #tpu.memory_space<hbm>>) dst(%arg11 : memref<1000xf32, #tpu.memory_space<vmem>>)
      tpu.yield
    }) : () -> ()
    %eq3A = arith.constant 0 : i32
    %eq3A_0 = arith.cmpi eq, %arg1, %eq3A : i32
    %convert_element_type3A = arith.extui %eq3A_0 : i1 to i32
    %cond3A = arith.constant 0 : i32
    %cond3A_1 = arith.cmpi ne, %convert_element_type3A, %cond3A : i32
    scf.if %cond3A_1 {
      "tpu.region"() ({
        %run_scoped3A = tpu.sem_alloc : memref<!tpu.dma_semaphore, #tpu.memory_space<semaphore_mem>>
        tpu.enqueue_dma source(%arg5 : memref<10000x64xf32, #tpu.memory_space<hbm>>) target(%arg12 : memref<10000x64xf32, #tpu.memory_space<vmem_shared>>) target_semaphore(%run_scoped3A : memref<!tpu.dma_semaphore, #tpu.memory_space<semaphore_mem>>)
        tpu.wait_dma2 semaphore(%run_scoped3A : memref<!tpu.dma_semaphore, #tpu.memory_space<semaphore_mem>>) src(%arg5 : memref<10000x64xf32, #tpu.memory_space<hbm>>) dst(%arg12 : memref<10000x64xf32, #tpu.memory_space<vmem_shared>>)
        tpu.yield
      }) : () -> ()
      "tpu.region"() ({
        %run_scoped3A = tpu.sem_alloc : memref<!tpu.dma_semaphore, #tpu.memory_space<semaphore_mem>>
        tpu.enqueue_dma source(%arg6 : memref<10000xf32, #tpu.memory_space<hbm>>) target(%arg13 : memref<10000xf32, #tpu.memory_space<vmem_shared>>) target_semaphore(%run_scoped3A : memref<!tpu.dma_semaphore, #tpu.memory_space<semaphore_mem>>)
        tpu.wait_dma2 semaphore(%run_scoped3A : memref<!tpu.dma_semaphore, #tpu.memory_space<semaphore_mem>>) src(%arg6 : memref<10000xf32, #tpu.memory_space<hbm>>) dst(%arg13 : memref<10000xf32, #tpu.memory_space<vmem_shared>>)
        tpu.yield
      }) : () -> ()
    } else {
    }
    %barrier3A = arith.constant 0 : index
    tpu.barrier barrier_id(%barrier3A)
    %mul3A = arith.constant 20000 : i32
    %mul3A_2 = arith.muli %arg1, %mul3A : i32
    %add3A = arith.constant 0 : i32
    %add3A_3 = arith.addi %mul3A_2, %add3A : i32
    "tpu.region"() ({
      %run_scoped3A = tpu.sem_alloc : memref<!tpu.dma_semaphore, #tpu.memory_space<semaphore_mem>>
      %dma_start3A = tpu.memref_slice %arg3[%arg0, %add3A_3] : memref<2x320000xi32, #tpu.memory_space<hbm>> -> memref<1x1000xi32, #tpu.memory_space<hbm>>
      %dma_start3A_48 = tpu.memref_squeeze %dma_start3A : memref<1x1000xi32, #tpu.memory_space<hbm>> -> memref<1000xi32, #tpu.memory_space<hbm>>
      %dma_start3A_49 = tpu.memref_slice %arg3[%arg0, %add3A_3] : memref<2x320000xi32, #tpu.memory_space<hbm>> -> memref<1x1000xi32, #tpu.memory_space<hbm>>
      %dma_start3A_50 = tpu.memref_squeeze %dma_start3A_49 : memref<1x1000xi32, #tpu.memory_space<hbm>> -> memref<1000xi32, #tpu.memory_space<hbm>>
      tpu.enqueue_dma source(%dma_start3A_50 : memref<1000xi32, #tpu.memory_space<hbm>>) target(%arg10 : memref<1000xi32, #tpu.memory_space<vmem>>) target_semaphore(%run_scoped3A : memref<!tpu.dma_semaphore, #tpu.memory_space<semaphore_mem>>)
      %dma_wait3A = tpu.memref_slice %arg3[%arg0, %add3A_3] : memref<2x320000xi32, #tpu.memory_space<hbm>> -> memref<1x1000xi32, #tpu.memory_space<hbm>>
      %dma_wait3A_51 = tpu.memref_squeeze %dma_wait3A : memref<1x1000xi32, #tpu.memory_space<hbm>> -> memref<1000xi32, #tpu.memory_space<hbm>>
      %dma_wait3A_52 = tpu.memref_slice %arg3[%arg0, %add3A_3] : memref<2x320000xi32, #tpu.memory_space<hbm>> -> memref<1x1000xi32, #tpu.memory_space<hbm>>
      %dma_wait3A_53 = tpu.memref_squeeze %dma_wait3A_52 : memref<1x1000xi32, #tpu.memory_space<hbm>> -> memref<1000xi32, #tpu.memory_space<hbm>>
      tpu.wait_dma2 semaphore(%run_scoped3A : memref<!tpu.dma_semaphore, #tpu.memory_space<semaphore_mem>>) src(%dma_wait3A_53 : memref<1000xi32, #tpu.memory_space<hbm>>) dst(%arg10 : memref<1000xi32, #tpu.memory_space<vmem>>)
      tpu.yield
    }) : () -> ()
    "tpu.region"() ({
      %run_scoped3A = tpu.sem_alloc : memref<!tpu.dma_semaphore, #tpu.memory_space<semaphore_mem>>
      %dma_start3A = arith.constant 0 : i32
      %dma_start3A_48 = tpu.memref_slice %arg2[%arg0, %add3A_3, %dma_start3A] : memref<2x320000x64xf32, #tpu.memory_space<hbm>> -> memref<1x1000x64xf32, #tpu.memory_space<hbm>>
      %dma_start3A_49 = tpu.memref_squeeze %dma_start3A_48 : memref<1x1000x64xf32, #tpu.memory_space<hbm>> -> memref<1000x64xf32, #tpu.memory_space<hbm>>
      %dma_start3A_50 = arith.constant 0 : i32
      %dma_start3A_51 = tpu.memref_slice %arg2[%arg0, %add3A_3, %dma_start3A_50] : memref<2x320000x64xf32, #tpu.memory_space<hbm>> -> memref<1x1000x64xf32, #tpu.memory_space<hbm>>
      %dma_start3A_52 = tpu.memref_squeeze %dma_start3A_51 : memref<1x1000x64xf32, #tpu.memory_space<hbm>> -> memref<1000x64xf32, #tpu.memory_space<hbm>>
      tpu.enqueue_dma source(%dma_start3A_52 : memref<1000x64xf32, #tpu.memory_space<hbm>>) target(%arg9 : memref<1000x64xf32, #tpu.memory_space<vmem>>) target_semaphore(%run_scoped3A : memref<!tpu.dma_semaphore, #tpu.memory_space<semaphore_mem>>)
      %dma_wait3A = arith.constant 0 : i32
      %dma_wait3A_53 = tpu.memref_slice %arg2[%arg0, %add3A_3, %dma_wait3A] : memref<2x320000x64xf32, #tpu.memory_space<hbm>> -> memref<1x1000x64xf32, #tpu.memory_space<hbm>>
      %dma_wait3A_54 = tpu.memref_squeeze %dma_wait3A_53 : memref<1x1000x64xf32, #tpu.memory_space<hbm>> -> memref<1000x64xf32, #tpu.memory_space<hbm>>
      %dma_wait3A_55 = arith.constant 0 : i32
      %dma_wait3A_56 = tpu.memref_slice %arg2[%arg0, %add3A_3, %dma_wait3A_55] : memref<2x320000x64xf32, #tpu.memory_space<hbm>> -> memref<1x1000x64xf32, #tpu.memory_space<hbm>>
      %dma_wait3A_57 = tpu.memref_squeeze %dma_wait3A_56 : memref<1x1000x64xf32, #tpu.memory_space<hbm>> -> memref<1000x64xf32, #tpu.memory_space<hbm>>
      tpu.wait_dma2 semaphore(%run_scoped3A : memref<!tpu.dma_semaphore, #tpu.memory_space<semaphore_mem>>) src(%dma_wait3A_57 : memref<1000x64xf32, #tpu.memory_space<hbm>>) dst(%arg9 : memref<1000x64xf32, #tpu.memory_space<vmem>>)
      tpu.yield
    }) : () -> ()
    "tpu.region"() ({
      %run_scoped3A = tpu.sem_alloc : memref<!tpu.dma_semaphore, #tpu.memory_space<semaphore_mem>>
      %dma_start3A = arith.constant 0 : i32
      %dma_start3A_48 = arith.constant 0 : i32
      %dma_start3A_49 = tpu.memref_slice %arg12[%dma_start3A, %dma_start3A_48] : memref<10000x64xf32, #tpu.memory_space<vmem_shared>> -> memref<10000x64xf32, #tpu.memory_space<vmem_shared>>
      tpu.enqueue_indirect_dma source(%arg9 : memref<1000x64xf32, #tpu.memory_space<vmem>>) target(%dma_start3A_49 : memref<10000x64xf32, #tpu.memory_space<vmem_shared>>) offsets(%arg10 : memref<1000xi32, #tpu.memory_space<vmem>>) semaphore(%run_scoped3A : memref<!tpu.dma_semaphore, #tpu.memory_space<semaphore_mem>>) {add = true}
      %dma_wait3A = arith.constant 0 : i32
      %dma_wait3A_50 = arith.constant 0 : i32
      %dma_wait3A_51 = tpu.memref_slice %arg12[%dma_wait3A, %dma_wait3A_50] : memref<10000x64xf32, #tpu.memory_space<vmem_shared>> -> memref<10000x64xf32, #tpu.memory_space<vmem_shared>>
      tpu.wait_indirect_dma semaphore(%run_scoped3A : memref<!tpu.dma_semaphore, #tpu.memory_space<semaphore_mem>>) src(%arg9 : memref<1000x64xf32, #tpu.memory_space<vmem>>) dst(%dma_wait3A_51 : memref<10000x64xf32, #tpu.memory_space<vmem_shared>>)
      tpu.yield
    }) : () -> ()
    "tpu.region"() ({
      %run_scoped3A = tpu.sem_alloc : memref<!tpu.dma_semaphore, #tpu.memory_space<semaphore_mem>>
      %dma_start3A = arith.constant 0 : i32
      %dma_start3A_48 = tpu.memref_slice %arg13[%dma_start3A] : memref<10000xf32, #tpu.memory_space<vmem_shared>> -> memref<10000xf32, #tpu.memory_space<vmem_shared>>
      tpu.enqueue_indirect_dma source(%arg11 : memref<1000xf32, #tpu.memory_space<vmem>>) target(%dma_start3A_48 : memref<10000xf32, #tpu.memory_space<vmem_shared>>) offsets(%arg10 : memref<1000xi32, #tpu.memory_space<vmem>>) semaphore(%run_scoped3A : memref<!tpu.dma_semaphore, #tpu.memory_space<semaphore_mem>>) {add = true}
      %dma_wait3A = arith.constant 0 : i32
      %dma_wait3A_49 = tpu.memref_slice %arg13[%dma_wait3A] : memref<10000xf32, #tpu.memory_space<vmem_shared>> -> memref<10000xf32, #tpu.memory_space<vmem_shared>>
      tpu.wait_indirect_dma semaphore(%run_scoped3A : memref<!tpu.dma_semaphore, #tpu.memory_space<semaphore_mem>>) src(%arg11 : memref<1000xf32, #tpu.memory_space<vmem>>) dst(%dma_wait3A_49 : memref<10000xf32, #tpu.memory_space<vmem_shared>>)
      tpu.yield
    }) : () -> ()
    %add3A_4 = arith.constant 1000 : i32
    %add3A_5 = arith.addi %mul3A_2, %add3A_4 : i32
    "tpu.region"() ({
      %run_scoped3A = tpu.sem_alloc : memref<!tpu.dma_semaphore, #tpu.memory_space<semaphore_mem>>
      %dma_start3A = tpu.memref_slice %arg3[%arg0, %add3A_5] : memref<2x320000xi32, #tpu.memory_space<hbm>> -> memref<1x1000xi32, #tpu.memory_space<hbm>>
      %dma_start3A_48 = tpu.memref_squeeze %dma_start3A : memref<1x1000xi32, #tpu.memory_space<hbm>> -> memref<1000xi32, #tpu.memory_space<hbm>>
      %dma_start3A_49 = tpu.memref_slice %arg3[%arg0, %add3A_5] : memref<2x320000xi32, #tpu.memory_space<hbm>> -> memref<1x1000xi32, #tpu.memory_space<hbm>>
      %dma_start3A_50 = tpu.memref_squeeze %dma_start3A_49 : memref<1x1000xi32, #tpu.memory_space<hbm>> -> memref<1000xi32, #tpu.memory_space<hbm>>
      tpu.enqueue_dma source(%dma_start3A_50 : memref<1000xi32, #tpu.memory_space<hbm>>) target(%arg10 : memref<1000xi32, #tpu.memory_space<vmem>>) target_semaphore(%run_scoped3A : memref<!tpu.dma_semaphore, #tpu.memory_space<semaphore_mem>>)
      %dma_wait3A = tpu.memref_slice %arg3[%arg0, %add3A_5] : memref<2x320000xi32, #tpu.memory_space<hbm>> -> memref<1x1000xi32, #tpu.memory_space<hbm>>
      %dma_wait3A_51 = tpu.memref_squeeze %dma_wait3A : memref<1x1000xi32, #tpu.memory_space<hbm>> -> memref<1000xi32, #tpu.memory_space<hbm>>
      %dma_wait3A_52 = tpu.memref_slice %arg3[%arg0, %add3A_5] : memref<2x320000xi32, #tpu.memory_space<hbm>> -> memref<1x1000xi32, #tpu.memory_space<hbm>>
      %dma_wait3A_53 = tpu.memref_squeeze %dma_wait3A_52 : memref<1x1000xi32, #tpu.memory_space<hbm>> -> memref<1000xi32, #tpu.memory_space<hbm>>
      tpu.wait_dma2 semaphore(%run_scoped3A : memref<!tpu.dma_semaphore, #tpu.memory_space<semaphore_mem>>) src(%dma_wait3A_53 : memref<1000xi32, #tpu.memory_space<hbm>>) dst(%arg10 : memref<1000xi32, #tpu.memory_space<vmem>>)
      tpu.yield
    }) : () -> ()
    "tpu.region"() ({
      %run_scoped3A = tpu.sem_alloc : memref<!tpu.dma_semaphore, #tpu.memory_space<semaphore_mem>>
      %dma_start3A = arith.constant 0 : i32
      %dma_start3A_48 = tpu.memref_slice %arg2[%arg0, %add3A_5, %dma_start3A] : memref<2x320000x64xf32, #tpu.memory_space<hbm>> -> memref<1x1000x64xf32, #tpu.memory_space<hbm>>
      %dma_start3A_49 = tpu.memref_squeeze %dma_start3A_48 : memref<1x1000x64xf32, #tpu.memory_space<hbm>> -> memref<1000x64xf32, #tpu.memory_space<hbm>>
      %dma_start3A_50 = arith.constant 0 : i32
      %dma_start3A_51 = tpu.memref_slice %arg2[%arg0, %add3A_5, %dma_start3A_50] : memref<2x320000x64xf32, #tpu.memory_space<hbm>> -> memref<1x1000x64xf32, #tpu.memory_space<hbm>>
      %dma_start3A_52 = tpu.memref_squeeze %dma_start3A_51 : memref<1x1000x64xf32, #tpu.memory_space<hbm>> -> memref<1000x64xf32, #tpu.memory_space<hbm>>
      tpu.enqueue_dma source(%dma_start3A_52 : memref<1000x64xf32, #tpu.memory_space<hbm>>) target(%arg9 : memref<1000x64xf32, #tpu.memory_space<vmem>>) target_semaphore(%run_scoped3A : memref<!tpu.dma_semaphore, #tpu.memory_space<semaphore_mem>>)
      %dma_wait3A = arith.constant 0 : i32
      %dma_wait3A_53 = tpu.memref_slice %arg2[%arg0, %add3A_5, %dma_wait3A] : memref<2x320000x64xf32, #tpu.memory_space<hbm>> -> memref<1x1000x64xf32, #tpu.memory_space<hbm>>
      %dma_wait3A_54 = tpu.memref_squeeze %dma_wait3A_53 : memref<1x1000x64xf32, #tpu.memory_space<hbm>> -> memref<1000x64xf32, #tpu.memory_space<hbm>>
      %dma_wait3A_55 = arith.constant 0 : i32
      %dma_wait3A_56 = tpu.memref_slice %arg2[%arg0, %add3A_5, %dma_wait3A_55] : memref<2x320000x64xf32, #tpu.memory_space<hbm>> -> memref<1x1000x64xf32, #tpu.memory_space<hbm>>
      %dma_wait3A_57 = tpu.memref_squeeze %dma_wait3A_56 : memref<1x1000x64xf32, #tpu.memory_space<hbm>> -> memref<1000x64xf32, #tpu.memory_space<hbm>>
      tpu.wait_dma2 semaphore(%run_scoped3A : memref<!tpu.dma_semaphore, #tpu.memory_space<semaphore_mem>>) src(%dma_wait3A_57 : memref<1000x64xf32, #tpu.memory_space<hbm>>) dst(%arg9 : memref<1000x64xf32, #tpu.memory_space<vmem>>)
      tpu.yield
    }) : () -> ()
    "tpu.region"() ({
      %run_scoped3A = tpu.sem_alloc : memref<!tpu.dma_semaphore, #tpu.memory_space<semaphore_mem>>
      %dma_start3A = arith.constant 0 : i32
      %dma_start3A_48 = arith.constant 0 : i32
      %dma_start3A_49 = tpu.memref_slice %arg12[%dma_start3A, %dma_start3A_48] : memref<10000x64xf32, #tpu.memory_space<vmem_shared>> -> memref<10000x64xf32, #tpu.memory_space<vmem_shared>>
      tpu.enqueue_indirect_dma source(%arg9 : memref<1000x64xf32, #tpu.memory_space<vmem>>) target(%dma_start3A_49 : memref<10000x64xf32, #tpu.memory_space<vmem_shared>>) offsets(%arg10 : memref<1000xi32, #tpu.memory_space<vmem>>) semaphore(%run_scoped3A : memref<!tpu.dma_semaphore, #tpu.memory_space<semaphore_mem>>) {add = true}
      %dma_wait3A = arith.constant 0 : i32
      %dma_wait3A_50 = arith.constant 0 : i32
      %dma_wait3A_51 = tpu.memref_slice %arg12[%dma_wait3A, %dma_wait3A_50] : memref<10000x64xf32, #tpu.memory_space<vmem_shared>> -> memref<10000x64xf32, #tpu.memory_space<vmem_shared>>
      tpu.wait_indirect_dma semaphore(%run_scoped3A : memref<!tpu.dma_semaphore, #tpu.memory_space<semaphore_mem>>) src(%arg9 : memref<1000x64xf32, #tpu.memory_space<vmem>>) dst(%dma_wait3A_51 : memref<10000x64xf32, #tpu.memory_space<vmem_shared>>)
      tpu.yield
    }) : () -> ()
    "tpu.region"() ({
      %run_scoped3A = tpu.sem_alloc : memref<!tpu.dma_semaphore, #tpu.memory_space<semaphore_mem>>
      %dma_start3A = arith.constant 0 : i32
      %dma_start3A_48 = tpu.memref_slice %arg13[%dma_start3A] : memref<10000xf32, #tpu.memory_space<vmem_shared>> -> memref<10000xf32, #tpu.memory_space<vmem_shared>>
      tpu.enqueue_indirect_dma source(%arg11 : memref<1000xf32, #tpu.memory_space<vmem>>) target(%dma_start3A_48 : memref<10000xf32, #tpu.memory_space<vmem_shared>>) offsets(%arg10 : memref<1000xi32, #tpu.memory_space<vmem>>) semaphore(%run_scoped3A : memref<!tpu.dma_semaphore, #tpu.memory_space<semaphore_mem>>) {add = true}
      %dma_wait3A = arith.constant 0 : i32
      %dma_wait3A_49 = tpu.memref_slice %arg13[%dma_wait3A] : memref<10000xf32, #tpu.memory_space<vmem_shared>> -> memref<10000xf32, #tpu.memory_space<vmem_shared>>
      tpu.wait_indirect_dma semaphore(%run_scoped3A : memref<!tpu.dma_semaphore, #tpu.memory_space<semaphore_mem>>) src(%arg11 : memref<1000xf32, #tpu.memory_space<vmem>>) dst(%dma_wait3A_49 : memref<10000xf32, #tpu.memory_space<vmem_shared>>)
      tpu.yield
    }) : () -> ()
    %add3A_6 = arith.constant 2000 : i32
    %add3A_7 = arith.addi %mul3A_2, %add3A_6 : i32
    "tpu.region"() ({
      %run_scoped3A = tpu.sem_alloc : memref<!tpu.dma_semaphore, #tpu.memory_space<semaphore_mem>>
      %dma_start3A = tpu.memref_slice %arg3[%arg0, %add3A_7] : memref<2x320000xi32, #tpu.memory_space<hbm>> -> memref<1x1000xi32, #tpu.memory_space<hbm>>
      %dma_start3A_48 = tpu.memref_squeeze %dma_start3A : memref<1x1000xi32, #tpu.memory_space<hbm>> -> memref<1000xi32, #tpu.memory_space<hbm>>
      %dma_start3A_49 = tpu.memref_slice %arg3[%arg0, %add3A_7] : memref<2x320000xi32, #tpu.memory_space<hbm>> -> memref<1x1000xi32, #tpu.memory_space<hbm>>
      %dma_start3A_50 = tpu.memref_squeeze %dma_start3A_49 : memref<1x1000xi32, #tpu.memory_space<hbm>> -> memref<1000xi32, #tpu.memory_space<hbm>>
      tpu.enqueue_dma source(%dma_start3A_50 : memref<1000xi32, #tpu.memory_space<hbm>>) target(%arg10 : memref<1000xi32, #tpu.memory_space<vmem>>) target_semaphore(%run_scoped3A : memref<!tpu.dma_semaphore, #tpu.memory_space<semaphore_mem>>)
      %dma_wait3A = tpu.memref_slice %arg3[%arg0, %add3A_7] : memref<2x320000xi32, #tpu.memory_space<hbm>> -> memref<1x1000xi32, #tpu.memory_space<hbm>>
      %dma_wait3A_51 = tpu.memref_squeeze %dma_wait3A : memref<1x1000xi32, #tpu.memory_space<hbm>> -> memref<1000xi32, #tpu.memory_space<hbm>>
      %dma_wait3A_52 = tpu.memref_slice %arg3[%arg0, %add3A_7] : memref<2x320000xi32, #tpu.memory_space<hbm>> -> memref<1x1000xi32, #tpu.memory_space<hbm>>
      %dma_wait3A_53 = tpu.memref_squeeze %dma_wait3A_52 : memref<1x1000xi32, #tpu.memory_space<hbm>> -> memref<1000xi32, #tpu.memory_space<hbm>>
      tpu.wait_dma2 semaphore(%run_scoped3A : memref<!tpu.dma_semaphore, #tpu.memory_space<semaphore_mem>>) src(%dma_wait3A_53 : memref<1000xi32, #tpu.memory_space<hbm>>) dst(%arg10 : memref<1000xi32, #tpu.memory_space<vmem>>)
      tpu.yield
    }) : () -> ()
    "tpu.region"() ({
      %run_scoped3A = tpu.sem_alloc : memref<!tpu.dma_semaphore, #tpu.memory_space<semaphore_mem>>
      %dma_start3A = arith.constant 0 : i32
      %dma_start3A_48 = tpu.memref_slice %arg2[%arg0, %add3A_7, %dma_start3A] : memref<2x320000x64xf32, #tpu.memory_space<hbm>> -> memref<1x1000x64xf32, #tpu.memory_space<hbm>>
      %dma_start3A_49 = tpu.memref_squeeze %dma_start3A_48 : memref<1x1000x64xf32, #tpu.memory_space<hbm>> -> memref<1000x64xf32, #tpu.memory_space<hbm>>
      %dma_start3A_50 = arith.constant 0 : i32
      %dma_start3A_51 = tpu.memref_slice %arg2[%arg0, %add3A_7, %dma_start3A_50] : memref<2x320000x64xf32, #tpu.memory_space<hbm>> -> memref<1x1000x64xf32, #tpu.memory_space<hbm>>
      %dma_start3A_52 = tpu.memref_squeeze %dma_start3A_51 : memref<1x1000x64xf32, #tpu.memory_space<hbm>> -> memref<1000x64xf32, #tpu.memory_space<hbm>>
      tpu.enqueue_dma source(%dma_start3A_52 : memref<1000x64xf32, #tpu.memory_space<hbm>>) target(%arg9 : memref<1000x64xf32, #tpu.memory_space<vmem>>) target_semaphore(%run_scoped3A : memref<!tpu.dma_semaphore, #tpu.memory_space<semaphore_mem>>)
      %dma_wait3A = arith.constant 0 : i32
      %dma_wait3A_53 = tpu.memref_slice %arg2[%arg0, %add3A_7, %dma_wait3A] : memref<2x320000x64xf32, #tpu.memory_space<hbm>> -> memref<1x1000x64xf32, #tpu.memory_space<hbm>>
      %dma_wait3A_54 = tpu.memref_squeeze %dma_wait3A_53 : memref<1x1000x64xf32, #tpu.memory_space<hbm>> -> memref<1000x64xf32, #tpu.memory_space<hbm>>
      %dma_wait3A_55 = arith.constant 0 : i32
      %dma_wait3A_56 = tpu.memref_slice %arg2[%arg0, %add3A_7, %dma_wait3A_55] : memref<2x320000x64xf32, #tpu.memory_space<hbm>> -> memref<1x1000x64xf32, #tpu.memory_space<hbm>>
      %dma_wait3A_57 = tpu.memref_squeeze %dma_wait3A_56 : memref<1x1000x64xf32, #tpu.memory_space<hbm>> -> memref<1000x64xf32, #tpu.memory_space<hbm>>
      tpu.wait_dma2 semaphore(%run_scoped3A : memref<!tpu.dma_semaphore, #tpu.memory_space<semaphore_mem>>) src(%dma_wait3A_57 : memref<1000x64xf32, #tpu.memory_space<hbm>>) dst(%arg9 : memref<1000x64xf32, #tpu.memory_space<vmem>>)
      tpu.yield
    }) : () -> ()
    "tpu.region"() ({
      %run_scoped3A = tpu.sem_alloc : memref<!tpu.dma_semaphore, #tpu.memory_space<semaphore_mem>>
      %dma_start3A = arith.constant 0 : i32
      %dma_start3A_48 = arith.constant 0 : i32
      %dma_start3A_49 = tpu.memref_slice %arg12[%dma_start3A, %dma_start3A_48] : memref<10000x64xf32, #tpu.memory_space<vmem_shared>> -> memref<10000x64xf32, #tpu.memory_space<vmem_shared>>
      tpu.enqueue_indirect_dma source(%arg9 : memref<1000x64xf32, #tpu.memory_space<vmem>>) target(%dma_start3A_49 : memref<10000x64xf32, #tpu.memory_space<vmem_shared>>) offsets(%arg10 : memref<1000xi32, #tpu.memory_space<vmem>>) semaphore(%run_scoped3A : memref<!tpu.dma_semaphore, #tpu.memory_space<semaphore_mem>>) {add = true}
      %dma_wait3A = arith.constant 0 : i32
      %dma_wait3A_50 = arith.constant 0 : i32
      %dma_wait3A_51 = tpu.memref_slice %arg12[%dma_wait3A, %dma_wait3A_50] : memref<10000x64xf32, #tpu.memory_space<vmem_shared>> -> memref<10000x64xf32, #tpu.memory_space<vmem_shared>>
      tpu.wait_indirect_dma semaphore(%run_scoped3A : memref<!tpu.dma_semaphore, #tpu.memory_space<semaphore_mem>>) src(%arg9 : memref<1000x64xf32, #tpu.memory_space<vmem>>) dst(%dma_wait3A_51 : memref<10000x64xf32, #tpu.memory_space<vmem_shared>>)
      tpu.yield
    }) : () -> ()
    "tpu.region"() ({
      %run_scoped3A = tpu.sem_alloc : memref<!tpu.dma_semaphore, #tpu.memory_space<semaphore_mem>>
      %dma_start3A = arith.constant 0 : i32
      %dma_start3A_48 = tpu.memref_slice %arg13[%dma_start3A] : memref<10000xf32, #tpu.memory_space<vmem_shared>> -> memref<10000xf32, #tpu.memory_space<vmem_shared>>
      tpu.enqueue_indirect_dma source(%arg11 : memref<1000xf32, #tpu.memory_space<vmem>>) target(%dma_start3A_48 : memref<10000xf32, #tpu.memory_space<vmem_shared>>) offsets(%arg10 : memref<1000xi32, #tpu.memory_space<vmem>>) semaphore(%run_scoped3A : memref<!tpu.dma_semaphore, #tpu.memory_space<semaphore_mem>>) {add = true}
      %dma_wait3A = arith.constant 0 : i32
      %dma_wait3A_49 = tpu.memref_slice %arg13[%dma_wait3A] : memref<10000xf32, #tpu.memory_space<vmem_shared>> -> memref<10000xf32, #tpu.memory_space<vmem_shared>>
      tpu.wait_indirect_dma semaphore(%run_scoped3A : memref<!tpu.dma_semaphore, #tpu.memory_space<semaphore_mem>>) src(%arg11 : memref<1000xf32, #tpu.memory_space<vmem>>) dst(%dma_wait3A_49 : memref<10000xf32, #tpu.memory_space<vmem_shared>>)
      tpu.yield
    }) : () -> ()
    %add3A_8 = arith.constant 3000 : i32
    %add3A_9 = arith.addi %mul3A_2, %add3A_8 : i32
    "tpu.region"() ({
      %run_scoped3A = tpu.sem_alloc : memref<!tpu.dma_semaphore, #tpu.memory_space<semaphore_mem>>
      %dma_start3A = tpu.memref_slice %arg3[%arg0, %add3A_9] : memref<2x320000xi32, #tpu.memory_space<hbm>> -> memref<1x1000xi32, #tpu.memory_space<hbm>>
      %dma_start3A_48 = tpu.memref_squeeze %dma_start3A : memref<1x1000xi32, #tpu.memory_space<hbm>> -> memref<1000xi32, #tpu.memory_space<hbm>>
      %dma_start3A_49 = tpu.memref_slice %arg3[%arg0, %add3A_9] : memref<2x320000xi32, #tpu.memory_space<hbm>> -> memref<1x1000xi32, #tpu.memory_space<hbm>>
      %dma_start3A_50 = tpu.memref_squeeze %dma_start3A_49 : memref<1x1000xi32, #tpu.memory_space<hbm>> -> memref<1000xi32, #tpu.memory_space<hbm>>
      tpu.enqueue_dma source(%dma_start3A_50 : memref<1000xi32, #tpu.memory_space<hbm>>) target(%arg10 : memref<1000xi32, #tpu.memory_space<vmem>>) target_semaphore(%run_scoped3A : memref<!tpu.dma_semaphore, #tpu.memory_space<semaphore_mem>>)
      %dma_wait3A = tpu.memref_slice %arg3[%arg0, %add3A_9] : memref<2x320000xi32, #tpu.memory_space<hbm>> -> memref<1x1000xi32, #tpu.memory_space<hbm>>
      %dma_wait3A_51 = tpu.memref_squeeze %dma_wait3A : memref<1x1000xi32, #tpu.memory_space<hbm>> -> memref<1000xi32, #tpu.memory_space<hbm>>
      %dma_wait3A_52 = tpu.memref_slice %arg3[%arg0, %add3A_9] : memref<2x320000xi32, #tpu.memory_space<hbm>> -> memref<1x1000xi32, #tpu.memory_space<hbm>>
      %dma_wait3A_53 = tpu.memref_squeeze %dma_wait3A_52 : memref<1x1000xi32, #tpu.memory_space<hbm>> -> memref<1000xi32, #tpu.memory_space<hbm>>
      tpu.wait_dma2 semaphore(%run_scoped3A : memref<!tpu.dma_semaphore, #tpu.memory_space<semaphore_mem>>) src(%dma_wait3A_53 : memref<1000xi32, #tpu.memory_space<hbm>>) dst(%arg10 : memref<1000xi32, #tpu.memory_space<vmem>>)
      tpu.yield
    }) : () -> ()
    "tpu.region"() ({
      %run_scoped3A = tpu.sem_alloc : memref<!tpu.dma_semaphore, #tpu.memory_space<semaphore_mem>>
      %dma_start3A = arith.constant 0 : i32
      %dma_start3A_48 = tpu.memref_slice %arg2[%arg0, %add3A_9, %dma_start3A] : memref<2x320000x64xf32, #tpu.memory_space<hbm>> -> memref<1x1000x64xf32, #tpu.memory_space<hbm>>
      %dma_start3A_49 = tpu.memref_squeeze %dma_start3A_48 : memref<1x1000x64xf32, #tpu.memory_space<hbm>> -> memref<1000x64xf32, #tpu.memory_space<hbm>>
      %dma_start3A_50 = arith.constant 0 : i32
      %dma_start3A_51 = tpu.memref_slice %arg2[%arg0, %add3A_9, %dma_start3A_50] : memref<2x320000x64xf32, #tpu.memory_space<hbm>> -> memref<1x1000x64xf32, #tpu.memory_space<hbm>>
      %dma_start3A_52 = tpu.memref_squeeze %dma_start3A_51 : memref<1x1000x64xf32, #tpu.memory_space<hbm>> -> memref<1000x64xf32, #tpu.memory_space<hbm>>
      tpu.enqueue_dma source(%dma_start3A_52 : memref<1000x64xf32, #tpu.memory_space<hbm>>) target(%arg9 : memref<1000x64xf32, #tpu.memory_space<vmem>>) target_semaphore(%run_scoped3A : memref<!tpu.dma_semaphore, #tpu.memory_space<semaphore_mem>>)
      %dma_wait3A = arith.constant 0 : i32
      %dma_wait3A_53 = tpu.memref_slice %arg2[%arg0, %add3A_9, %dma_wait3A] : memref<2x320000x64xf32, #tpu.memory_space<hbm>> -> memref<1x1000x64xf32, #tpu.memory_space<hbm>>
      %dma_wait3A_54 = tpu.memref_squeeze %dma_wait3A_53 : memref<1x1000x64xf32, #tpu.memory_space<hbm>> -> memref<1000x64xf32, #tpu.memory_space<hbm>>
      %dma_wait3A_55 = arith.constant 0 : i32
      %dma_wait3A_56 = tpu.memref_slice %arg2[%arg0, %add3A_9, %dma_wait3A_55] : memref<2x320000x64xf32, #tpu.memory_space<hbm>> -> memref<1x1000x64xf32, #tpu.memory_space<hbm>>
      %dma_wait3A_57 = tpu.memref_squeeze %dma_wait3A_56 : memref<1x1000x64xf32, #tpu.memory_space<hbm>> -> memref<1000x64xf32, #tpu.memory_space<hbm>>
      tpu.wait_dma2 semaphore(%run_scoped3A : memref<!tpu.dma_semaphore, #tpu.memory_space<semaphore_mem>>) src(%dma_wait3A_57 : memref<1000x64xf32, #tpu.memory_space<hbm>>) dst(%arg9 : memref<1000x64xf32, #tpu.memory_space<vmem>>)
      tpu.yield
    }) : () -> ()
    "tpu.region"() ({
      %run_scoped3A = tpu.sem_alloc : memref<!tpu.dma_semaphore, #tpu.memory_space<semaphore_mem>>
      %dma_start3A = arith.constant 0 : i32
      %dma_start3A_48 = arith.constant 0 : i32
      %dma_start3A_49 = tpu.memref_slice %arg12[%dma_start3A, %dma_start3A_48] : memref<10000x64xf32, #tpu.memory_space<vmem_shared>> -> memref<10000x64xf32, #tpu.memory_space<vmem_shared>>
      tpu.enqueue_indirect_dma source(%arg9 : memref<1000x64xf32, #tpu.memory_space<vmem>>) target(%dma_start3A_49 : memref<10000x64xf32, #tpu.memory_space<vmem_shared>>) offsets(%arg10 : memref<1000xi32, #tpu.memory_space<vmem>>) semaphore(%run_scoped3A : memref<!tpu.dma_semaphore, #tpu.memory_space<semaphore_mem>>) {add = true}
      %dma_wait3A = arith.constant 0 : i32
      %dma_wait3A_50 = arith.constant 0 : i32
      %dma_wait3A_51 = tpu.memref_slice %arg12[%dma_wait3A, %dma_wait3A_50] : memref<10000x64xf32, #tpu.memory_space<vmem_shared>> -> memref<10000x64xf32, #tpu.memory_space<vmem_shared>>
      tpu.wait_indirect_dma semaphore(%run_scoped3A : memref<!tpu.dma_semaphore, #tpu.memory_space<semaphore_mem>>) src(%arg9 : memref<1000x64xf32, #tpu.memory_space<vmem>>) dst(%dma_wait3A_51 : memref<10000x64xf32, #tpu.memory_space<vmem_shared>>)
      tpu.yield
    }) : () -> ()
    "tpu.region"() ({
      %run_scoped3A = tpu.sem_alloc : memref<!tpu.dma_semaphore, #tpu.memory_space<semaphore_mem>>
      %dma_start3A = arith.constant 0 : i32
      %dma_start3A_48 = tpu.memref_slice %arg13[%dma_start3A] : memref<10000xf32, #tpu.memory_space<vmem_shared>> -> memref<10000xf32, #tpu.memory_space<vmem_shared>>
      tpu.enqueue_indirect_dma source(%arg11 : memref<1000xf32, #tpu.memory_space<vmem>>) target(%dma_start3A_48 : memref<10000xf32, #tpu.memory_space<vmem_shared>>) offsets(%arg10 : memref<1000xi32, #tpu.memory_space<vmem>>) semaphore(%run_scoped3A : memref<!tpu.dma_semaphore, #tpu.memory_space<semaphore_mem>>) {add = true}
      %dma_wait3A = arith.constant 0 : i32
      %dma_wait3A_49 = tpu.memref_slice %arg13[%dma_wait3A] : memref<10000xf32, #tpu.memory_space<vmem_shared>> -> memref<10000xf32, #tpu.memory_space<vmem_shared>>
      tpu.wait_indirect_dma semaphore(%run_scoped3A : memref<!tpu.dma_semaphore, #tpu.memory_space<semaphore_mem>>) src(%arg11 : memref<1000xf32, #tpu.memory_space<vmem>>) dst(%dma_wait3A_49 : memref<10000xf32, #tpu.memory_space<vmem_shared>>)
      tpu.yield
    }) : () -> ()
    %add3A_10 = arith.constant 4000 : i32
    %add3A_11 = arith.addi %mul3A_2, %add3A_10 : i32
    "tpu.region"() ({
      %run_scoped3A = tpu.sem_alloc : memref<!tpu.dma_semaphore, #tpu.memory_space<semaphore_mem>>
      %dma_start3A = tpu.memref_slice %arg3[%arg0, %add3A_11] : memref<2x320000xi32, #tpu.memory_space<hbm>> -> memref<1x1000xi32, #tpu.memory_space<hbm>>
      %dma_start3A_48 = tpu.memref_squeeze %dma_start3A : memref<1x1000xi32, #tpu.memory_space<hbm>> -> memref<1000xi32, #tpu.memory_space<hbm>>
      %dma_start3A_49 = tpu.memref_slice %arg3[%arg0, %add3A_11] : memref<2x320000xi32, #tpu.memory_space<hbm>> -> memref<1x1000xi32, #tpu.memory_space<hbm>>
      %dma_start3A_50 = tpu.memref_squeeze %dma_start3A_49 : memref<1x1000xi32, #tpu.memory_space<hbm>> -> memref<1000xi32, #tpu.memory_space<hbm>>
      tpu.enqueue_dma source(%dma_start3A_50 : memref<1000xi32, #tpu.memory_space<hbm>>) target(%arg10 : memref<1000xi32, #tpu.memory_space<vmem>>) target_semaphore(%run_scoped3A : memref<!tpu.dma_semaphore, #tpu.memory_space<semaphore_mem>>)
      %dma_wait3A = tpu.memref_slice %arg3[%arg0, %add3A_11] : memref<2x320000xi32, #tpu.memory_space<hbm>> -> memref<1x1000xi32, #tpu.memory_space<hbm>>
      %dma_wait3A_51 = tpu.memref_squeeze %dma_wait3A : memref<1x1000xi32, #tpu.memory_space<hbm>> -> memref<1000xi32, #tpu.memory_space<hbm>>
      %dma_wait3A_52 = tpu.memref_slice %arg3[%arg0, %add3A_11] : memref<2x320000xi32, #tpu.memory_space<hbm>> -> memref<1x1000xi32, #tpu.memory_space<hbm>>
      %dma_wait3A_53 = tpu.memref_squeeze %dma_wait3A_52 : memref<1x1000xi32, #tpu.memory_space<hbm>> -> memref<1000xi32, #tpu.memory_space<hbm>>
      tpu.wait_dma2 semaphore(%run_scoped3A : memref<!tpu.dma_semaphore, #tpu.memory_space<semaphore_mem>>) src(%dma_wait3A_53 : memref<1000xi32, #tpu.memory_space<hbm>>) dst(%arg10 : memref<1000xi32, #tpu.memory_space<vmem>>)
      tpu.yield
    }) : () -> ()
    "tpu.region"() ({
      %run_scoped3A = tpu.sem_alloc : memref<!tpu.dma_semaphore, #tpu.memory_space<semaphore_mem>>
      %dma_start3A = arith.constant 0 : i32
      %dma_start3A_48 = tpu.memref_slice %arg2[%arg0, %add3A_11, %dma_start3A] : memref<2x320000x64xf32, #tpu.memory_space<hbm>> -> memref<1x1000x64xf32, #tpu.memory_space<hbm>>
      %dma_start3A_49 = tpu.memref_squeeze %dma_start3A_48 : memref<1x1000x64xf32, #tpu.memory_space<hbm>> -> memref<1000x64xf32, #tpu.memory_space<hbm>>
      %dma_start3A_50 = arith.constant 0 : i32
      %dma_start3A_51 = tpu.memref_slice %arg2[%arg0, %add3A_11, %dma_start3A_50] : memref<2x320000x64xf32, #tpu.memory_space<hbm>> -> memref<1x1000x64xf32, #tpu.memory_space<hbm>>
      %dma_start3A_52 = tpu.memref_squeeze %dma_start3A_51 : memref<1x1000x64xf32, #tpu.memory_space<hbm>> -> memref<1000x64xf32, #tpu.memory_space<hbm>>
      tpu.enqueue_dma source(%dma_start3A_52 : memref<1000x64xf32, #tpu.memory_space<hbm>>) target(%arg9 : memref<1000x64xf32, #tpu.memory_space<vmem>>) target_semaphore(%run_scoped3A : memref<!tpu.dma_semaphore, #tpu.memory_space<semaphore_mem>>)
      %dma_wait3A = arith.constant 0 : i32
      %dma_wait3A_53 = tpu.memref_slice %arg2[%arg0, %add3A_11, %dma_wait3A] : memref<2x320000x64xf32, #tpu.memory_space<hbm>> -> memref<1x1000x64xf32, #tpu.memory_space<hbm>>
      %dma_wait3A_54 = tpu.memref_squeeze %dma_wait3A_53 : memref<1x1000x64xf32, #tpu.memory_space<hbm>> -> memref<1000x64xf32, #tpu.memory_space<hbm>>
      %dma_wait3A_55 = arith.constant 0 : i32
      %dma_wait3A_56 = tpu.memref_slice %arg2[%arg0, %add3A_11, %dma_wait3A_55] : memref<2x320000x64xf32, #tpu.memory_space<hbm>> -> memref<1x1000x64xf32, #tpu.memory_space<hbm>>
      %dma_wait3A_57 = tpu.memref_squeeze %dma_wait3A_56 : memref<1x1000x64xf32, #tpu.memory_space<hbm>> -> memref<1000x64xf32, #tpu.memory_space<hbm>>
      tpu.wait_dma2 semaphore(%run_scoped3A : memref<!tpu.dma_semaphore, #tpu.memory_space<semaphore_mem>>) src(%dma_wait3A_57 : memref<1000x64xf32, #tpu.memory_space<hbm>>) dst(%arg9 : memref<1000x64xf32, #tpu.memory_space<vmem>>)
      tpu.yield
    }) : () -> ()
    "tpu.region"() ({
      %run_scoped3A = tpu.sem_alloc : memref<!tpu.dma_semaphore, #tpu.memory_space<semaphore_mem>>
      %dma_start3A = arith.constant 0 : i32
      %dma_start3A_48 = arith.constant 0 : i32
      %dma_start3A_49 = tpu.memref_slice %arg12[%dma_start3A, %dma_start3A_48] : memref<10000x64xf32, #tpu.memory_space<vmem_shared>> -> memref<10000x64xf32, #tpu.memory_space<vmem_shared>>
      tpu.enqueue_indirect_dma source(%arg9 : memref<1000x64xf32, #tpu.memory_space<vmem>>) target(%dma_start3A_49 : memref<10000x64xf32, #tpu.memory_space<vmem_shared>>) offsets(%arg10 : memref<1000xi32, #tpu.memory_space<vmem>>) semaphore(%run_scoped3A : memref<!tpu.dma_semaphore, #tpu.memory_space<semaphore_mem>>) {add = true}
      %dma_wait3A = arith.constant 0 : i32
      %dma_wait3A_50 = arith.constant 0 : i32
      %dma_wait3A_51 = tpu.memref_slice %arg12[%dma_wait3A, %dma_wait3A_50] : memref<10000x64xf32, #tpu.memory_space<vmem_shared>> -> memref<10000x64xf32, #tpu.memory_space<vmem_shared>>
      tpu.wait_indirect_dma semaphore(%run_scoped3A : memref<!tpu.dma_semaphore, #tpu.memory_space<semaphore_mem>>) src(%arg9 : memref<1000x64xf32, #tpu.memory_space<vmem>>) dst(%dma_wait3A_51 : memref<10000x64xf32, #tpu.memory_space<vmem_shared>>)
      tpu.yield
    }) : () -> ()
    "tpu.region"() ({
      %run_scoped3A = tpu.sem_alloc : memref<!tpu.dma_semaphore, #tpu.memory_space<semaphore_mem>>
      %dma_start3A = arith.constant 0 : i32
      %dma_start3A_48 = tpu.memref_slice %arg13[%dma_start3A] : memref<10000xf32, #tpu.memory_space<vmem_shared>> -> memref<10000xf32, #tpu.memory_space<vmem_shared>>
      tpu.enqueue_indirect_dma source(%arg11 : memref<1000xf32, #tpu.memory_space<vmem>>) target(%dma_start3A_48 : memref<10000xf32, #tpu.memory_space<vmem_shared>>) offsets(%arg10 : memref<1000xi32, #tpu.memory_space<vmem>>) semaphore(%run_scoped3A : memref<!tpu.dma_semaphore, #tpu.memory_space<semaphore_mem>>) {add = true}
      %dma_wait3A = arith.constant 0 : i32
      %dma_wait3A_49 = tpu.memref_slice %arg13[%dma_wait3A] : memref<10000xf32, #tpu.memory_space<vmem_shared>> -> memref<10000xf32, #tpu.memory_space<vmem_shared>>
      tpu.wait_indirect_dma semaphore(%run_scoped3A : memref<!tpu.dma_semaphore, #tpu.memory_space<semaphore_mem>>) src(%arg11 : memref<1000xf32, #tpu.memory_space<vmem>>) dst(%dma_wait3A_49 : memref<10000xf32, #tpu.memory_space<vmem_shared>>)
      tpu.yield
    }) : () -> ()
    %add3A_12 = arith.constant 5000 : i32
    %add3A_13 = arith.addi %mul3A_2, %add3A_12 : i32
    "tpu.region"() ({
      %run_scoped3A = tpu.sem_alloc : memref<!tpu.dma_semaphore, #tpu.memory_space<semaphore_mem>>
      %dma_start3A = tpu.memref_slice %arg3[%arg0, %add3A_13] : memref<2x320000xi32, #tpu.memory_space<hbm>> -> memref<1x1000xi32, #tpu.memory_space<hbm>>
      %dma_start3A_48 = tpu.memref_squeeze %dma_start3A : memref<1x1000xi32, #tpu.memory_space<hbm>> -> memref<1000xi32, #tpu.memory_space<hbm>>
      %dma_start3A_49 = tpu.memref_slice %arg3[%arg0, %add3A_13] : memref<2x320000xi32, #tpu.memory_space<hbm>> -> memref<1x1000xi32, #tpu.memory_space<hbm>>
      %dma_start3A_50 = tpu.memref_squeeze %dma_start3A_49 : memref<1x1000xi32, #tpu.memory_space<hbm>> -> memref<1000xi32, #tpu.memory_space<hbm>>
      tpu.enqueue_dma source(%dma_start3A_50 : memref<1000xi32, #tpu.memory_space<hbm>>) target(%arg10 : memref<1000xi32, #tpu.memory_space<vmem>>) target_semaphore(%run_scoped3A : memref<!tpu.dma_semaphore, #tpu.memory_space<semaphore_mem>>)
      %dma_wait3A = tpu.memref_slice %arg3[%arg0, %add3A_13] : memref<2x320000xi32, #tpu.memory_space<hbm>> -> memref<1x1000xi32, #tpu.memory_space<hbm>>
      %dma_wait3A_51 = tpu.memref_squeeze %dma_wait3A : memref<1x1000xi32, #tpu.memory_space<hbm>> -> memref<1000xi32, #tpu.memory_space<hbm>>
      %dma_wait3A_52 = tpu.memref_slice %arg3[%arg0, %add3A_13] : memref<2x320000xi32, #tpu.memory_space<hbm>> -> memref<1x1000xi32, #tpu.memory_space<hbm>>
      %dma_wait3A_53 = tpu.memref_squeeze %dma_wait3A_52 : memref<1x1000xi32, #tpu.memory_space<hbm>> -> memref<1000xi32, #tpu.memory_space<hbm>>
      tpu.wait_dma2 semaphore(%run_scoped3A : memref<!tpu.dma_semaphore, #tpu.memory_space<semaphore_mem>>) src(%dma_wait3A_53 : memref<1000xi32, #tpu.memory_space<hbm>>) dst(%arg10 : memref<1000xi32, #tpu.memory_space<vmem>>)
      tpu.yield
    }) : () -> ()
    "tpu.region"() ({
      %run_scoped3A = tpu.sem_alloc : memref<!tpu.dma_semaphore, #tpu.memory_space<semaphore_mem>>
      %dma_start3A = arith.constant 0 : i32
      %dma_start3A_48 = tpu.memref_slice %arg2[%arg0, %add3A_13, %dma_start3A] : memref<2x320000x64xf32, #tpu.memory_space<hbm>> -> memref<1x1000x64xf32, #tpu.memory_space<hbm>>
      %dma_start3A_49 = tpu.memref_squeeze %dma_start3A_48 : memref<1x1000x64xf32, #tpu.memory_space<hbm>> -> memref<1000x64xf32, #tpu.memory_space<hbm>>
      %dma_start3A_50 = arith.constant 0 : i32
      %dma_start3A_51 = tpu.memref_slice %arg2[%arg0, %add3A_13, %dma_start3A_50] : memref<2x320000x64xf32, #tpu.memory_space<hbm>> -> memref<1x1000x64xf32, #tpu.memory_space<hbm>>
      %dma_start3A_52 = tpu.memref_squeeze %dma_start3A_51 : memref<1x1000x64xf32, #tpu.memory_space<hbm>> -> memref<1000x64xf32, #tpu.memory_space<hbm>>
      tpu.enqueue_dma source(%dma_start3A_52 : memref<1000x64xf32, #tpu.memory_space<hbm>>) target(%arg9 : memref<1000x64xf32, #tpu.memory_space<vmem>>) target_semaphore(%run_scoped3A : memref<!tpu.dma_semaphore, #tpu.memory_space<semaphore_mem>>)
      %dma_wait3A = arith.constant 0 : i32
      %dma_wait3A_53 = tpu.memref_slice %arg2[%arg0, %add3A_13, %dma_wait3A] : memref<2x320000x64xf32, #tpu.memory_space<hbm>> -> memref<1x1000x64xf32, #tpu.memory_space<hbm>>
      %dma_wait3A_54 = tpu.memref_squeeze %dma_wait3A_53 : memref<1x1000x64xf32, #tpu.memory_space<hbm>> -> memref<1000x64xf32, #tpu.memory_space<hbm>>
      %dma_wait3A_55 = arith.constant 0 : i32
      %dma_wait3A_56 = tpu.memref_slice %arg2[%arg0, %add3A_13, %dma_wait3A_55] : memref<2x320000x64xf32, #tpu.memory_space<hbm>> -> memref<1x1000x64xf32, #tpu.memory_space<hbm>>
      %dma_wait3A_57 = tpu.memref_squeeze %dma_wait3A_56 : memref<1x1000x64xf32, #tpu.memory_space<hbm>> -> memref<1000x64xf32, #tpu.memory_space<hbm>>
      tpu.wait_dma2 semaphore(%run_scoped3A : memref<!tpu.dma_semaphore, #tpu.memory_space<semaphore_mem>>) src(%dma_wait3A_57 : memref<1000x64xf32, #tpu.memory_space<hbm>>) dst(%arg9 : memref<1000x64xf32, #tpu.memory_space<vmem>>)
      tpu.yield
    }) : () -> ()
    "tpu.region"() ({
      %run_scoped3A = tpu.sem_alloc : memref<!tpu.dma_semaphore, #tpu.memory_space<semaphore_mem>>
      %dma_start3A = arith.constant 0 : i32
      %dma_start3A_48 = arith.constant 0 : i32
      %dma_start3A_49 = tpu.memref_slice %arg12[%dma_start3A, %dma_start3A_48] : memref<10000x64xf32, #tpu.memory_space<vmem_shared>> -> memref<10000x64xf32, #tpu.memory_space<vmem_shared>>
      tpu.enqueue_indirect_dma source(%arg9 : memref<1000x64xf32, #tpu.memory_space<vmem>>) target(%dma_start3A_49 : memref<10000x64xf32, #tpu.memory_space<vmem_shared>>) offsets(%arg10 : memref<1000xi32, #tpu.memory_space<vmem>>) semaphore(%run_scoped3A : memref<!tpu.dma_semaphore, #tpu.memory_space<semaphore_mem>>) {add = true}
      %dma_wait3A = arith.constant 0 : i32
      %dma_wait3A_50 = arith.constant 0 : i32
      %dma_wait3A_51 = tpu.memref_slice %arg12[%dma_wait3A, %dma_wait3A_50] : memref<10000x64xf32, #tpu.memory_space<vmem_shared>> -> memref<10000x64xf32, #tpu.memory_space<vmem_shared>>
      tpu.wait_indirect_dma semaphore(%run_scoped3A : memref<!tpu.dma_semaphore, #tpu.memory_space<semaphore_mem>>) src(%arg9 : memref<1000x64xf32, #tpu.memory_space<vmem>>) dst(%dma_wait3A_51 : memref<10000x64xf32, #tpu.memory_space<vmem_shared>>)
      tpu.yield
    }) : () -> ()
    "tpu.region"() ({
      %run_scoped3A = tpu.sem_alloc : memref<!tpu.dma_semaphore, #tpu.memory_space<semaphore_mem>>
      %dma_start3A = arith.constant 0 : i32
      %dma_start3A_48 = tpu.memref_slice %arg13[%dma_start3A] : memref<10000xf32, #tpu.memory_space<vmem_shared>> -> memref<10000xf32, #tpu.memory_space<vmem_shared>>
      tpu.enqueue_indirect_dma source(%arg11 : memref<1000xf32, #tpu.memory_space<vmem>>) target(%dma_start3A_48 : memref<10000xf32, #tpu.memory_space<vmem_shared>>) offsets(%arg10 : memref<1000xi32, #tpu.memory_space<vmem>>) semaphore(%run_scoped3A : memref<!tpu.dma_semaphore, #tpu.memory_space<semaphore_mem>>) {add = true}
      %dma_wait3A = arith.constant 0 : i32
      %dma_wait3A_49 = tpu.memref_slice %arg13[%dma_wait3A] : memref<10000xf32, #tpu.memory_space<vmem_shared>> -> memref<10000xf32, #tpu.memory_space<vmem_shared>>
      tpu.wait_indirect_dma semaphore(%run_scoped3A : memref<!tpu.dma_semaphore, #tpu.memory_space<semaphore_mem>>) src(%arg11 : memref<1000xf32, #tpu.memory_space<vmem>>) dst(%dma_wait3A_49 : memref<10000xf32, #tpu.memory_space<vmem_shared>>)
      tpu.yield
    }) : () -> ()
    %add3A_14 = arith.constant 6000 : i32
    %add3A_15 = arith.addi %mul3A_2, %add3A_14 : i32
    "tpu.region"() ({
      %run_scoped3A = tpu.sem_alloc : memref<!tpu.dma_semaphore, #tpu.memory_space<semaphore_mem>>
      %dma_start3A = tpu.memref_slice %arg3[%arg0, %add3A_15] : memref<2x320000xi32, #tpu.memory_space<hbm>> -> memref<1x1000xi32, #tpu.memory_space<hbm>>
      %dma_start3A_48 = tpu.memref_squeeze %dma_start3A : memref<1x1000xi32, #tpu.memory_space<hbm>> -> memref<1000xi32, #tpu.memory_space<hbm>>
      %dma_start3A_49 = tpu.memref_slice %arg3[%arg0, %add3A_15] : memref<2x320000xi32, #tpu.memory_space<hbm>> -> memref<1x1000xi32, #tpu.memory_space<hbm>>
      %dma_start3A_50 = tpu.memref_squeeze %dma_start3A_49 : memref<1x1000xi32, #tpu.memory_space<hbm>> -> memref<1000xi32, #tpu.memory_space<hbm>>
      tpu.enqueue_dma source(%dma_start3A_50 : memref<1000xi32, #tpu.memory_space<hbm>>) target(%arg10 : memref<1000xi32, #tpu.memory_space<vmem>>) target_semaphore(%run_scoped3A : memref<!tpu.dma_semaphore, #tpu.memory_space<semaphore_mem>>)
      %dma_wait3A = tpu.memref_slice %arg3[%arg0, %add3A_15] : memref<2x320000xi32, #tpu.memory_space<hbm>> -> memref<1x1000xi32, #tpu.memory_space<hbm>>
      %dma_wait3A_51 = tpu.memref_squeeze %dma_wait3A : memref<1x1000xi32, #tpu.memory_space<hbm>> -> memref<1000xi32, #tpu.memory_space<hbm>>
      %dma_wait3A_52 = tpu.memref_slice %arg3[%arg0, %add3A_15] : memref<2x320000xi32, #tpu.memory_space<hbm>> -> memref<1x1000xi32, #tpu.memory_space<hbm>>
      %dma_wait3A_53 = tpu.memref_squeeze %dma_wait3A_52 : memref<1x1000xi32, #tpu.memory_space<hbm>> -> memref<1000xi32, #tpu.memory_space<hbm>>
      tpu.wait_dma2 semaphore(%run_scoped3A : memref<!tpu.dma_semaphore, #tpu.memory_space<semaphore_mem>>) src(%dma_wait3A_53 : memref<1000xi32, #tpu.memory_space<hbm>>) dst(%arg10 : memref<1000xi32, #tpu.memory_space<vmem>>)
      tpu.yield
    }) : () -> ()
    "tpu.region"() ({
      %run_scoped3A = tpu.sem_alloc : memref<!tpu.dma_semaphore, #tpu.memory_space<semaphore_mem>>
      %dma_start3A = arith.constant 0 : i32
      %dma_start3A_48 = tpu.memref_slice %arg2[%arg0, %add3A_15, %dma_start3A] : memref<2x320000x64xf32, #tpu.memory_space<hbm>> -> memref<1x1000x64xf32, #tpu.memory_space<hbm>>
      %dma_start3A_49 = tpu.memref_squeeze %dma_start3A_48 : memref<1x1000x64xf32, #tpu.memory_space<hbm>> -> memref<1000x64xf32, #tpu.memory_space<hbm>>
      %dma_start3A_50 = arith.constant 0 : i32
      %dma_start3A_51 = tpu.memref_slice %arg2[%arg0, %add3A_15, %dma_start3A_50] : memref<2x320000x64xf32, #tpu.memory_space<hbm>> -> memref<1x1000x64xf32, #tpu.memory_space<hbm>>
      %dma_start3A_52 = tpu.memref_squeeze %dma_start3A_51 : memref<1x1000x64xf32, #tpu.memory_space<hbm>> -> memref<1000x64xf32, #tpu.memory_space<hbm>>
      tpu.enqueue_dma source(%dma_start3A_52 : memref<1000x64xf32, #tpu.memory_space<hbm>>) target(%arg9 : memref<1000x64xf32, #tpu.memory_space<vmem>>) target_semaphore(%run_scoped3A : memref<!tpu.dma_semaphore, #tpu.memory_space<semaphore_mem>>)
      %dma_wait3A = arith.constant 0 : i32
      %dma_wait3A_53 = tpu.memref_slice %arg2[%arg0, %add3A_15, %dma_wait3A] : memref<2x320000x64xf32, #tpu.memory_space<hbm>> -> memref<1x1000x64xf32, #tpu.memory_space<hbm>>
      %dma_wait3A_54 = tpu.memref_squeeze %dma_wait3A_53 : memref<1x1000x64xf32, #tpu.memory_space<hbm>> -> memref<1000x64xf32, #tpu.memory_space<hbm>>
      %dma_wait3A_55 = arith.constant 0 : i32
      %dma_wait3A_56 = tpu.memref_slice %arg2[%arg0, %add3A_15, %dma_wait3A_55] : memref<2x320000x64xf32, #tpu.memory_space<hbm>> -> memref<1x1000x64xf32, #tpu.memory_space<hbm>>
      %dma_wait3A_57 = tpu.memref_squeeze %dma_wait3A_56 : memref<1x1000x64xf32, #tpu.memory_space<hbm>> -> memref<1000x64xf32, #tpu.memory_space<hbm>>
      tpu.wait_dma2 semaphore(%run_scoped3A : memref<!tpu.dma_semaphore, #tpu.memory_space<semaphore_mem>>) src(%dma_wait3A_57 : memref<1000x64xf32, #tpu.memory_space<hbm>>) dst(%arg9 : memref<1000x64xf32, #tpu.memory_space<vmem>>)
      tpu.yield
    }) : () -> ()
    "tpu.region"() ({
      %run_scoped3A = tpu.sem_alloc : memref<!tpu.dma_semaphore, #tpu.memory_space<semaphore_mem>>
      %dma_start3A = arith.constant 0 : i32
      %dma_start3A_48 = arith.constant 0 : i32
      %dma_start3A_49 = tpu.memref_slice %arg12[%dma_start3A, %dma_start3A_48] : memref<10000x64xf32, #tpu.memory_space<vmem_shared>> -> memref<10000x64xf32, #tpu.memory_space<vmem_shared>>
      tpu.enqueue_indirect_dma source(%arg9 : memref<1000x64xf32, #tpu.memory_space<vmem>>) target(%dma_start3A_49 : memref<10000x64xf32, #tpu.memory_space<vmem_shared>>) offsets(%arg10 : memref<1000xi32, #tpu.memory_space<vmem>>) semaphore(%run_scoped3A : memref<!tpu.dma_semaphore, #tpu.memory_space<semaphore_mem>>) {add = true}
      %dma_wait3A = arith.constant 0 : i32
      %dma_wait3A_50 = arith.constant 0 : i32
      %dma_wait3A_51 = tpu.memref_slice %arg12[%dma_wait3A, %dma_wait3A_50] : memref<10000x64xf32, #tpu.memory_space<vmem_shared>> -> memref<10000x64xf32, #tpu.memory_space<vmem_shared>>
      tpu.wait_indirect_dma semaphore(%run_scoped3A : memref<!tpu.dma_semaphore, #tpu.memory_space<semaphore_mem>>) src(%arg9 : memref<1000x64xf32, #tpu.memory_space<vmem>>) dst(%dma_wait3A_51 : memref<10000x64xf32, #tpu.memory_space<vmem_shared>>)
      tpu.yield
    }) : () -> ()
    "tpu.region"() ({
      %run_scoped3A = tpu.sem_alloc : memref<!tpu.dma_semaphore, #tpu.memory_space<semaphore_mem>>
      %dma_start3A = arith.constant 0 : i32
      %dma_start3A_48 = tpu.memref_slice %arg13[%dma_start3A] : memref<10000xf32, #tpu.memory_space<vmem_shared>> -> memref<10000xf32, #tpu.memory_space<vmem_shared>>
      tpu.enqueue_indirect_dma source(%arg11 : memref<1000xf32, #tpu.memory_space<vmem>>) target(%dma_start3A_48 : memref<10000xf32, #tpu.memory_space<vmem_shared>>) offsets(%arg10 : memref<1000xi32, #tpu.memory_space<vmem>>) semaphore(%run_scoped3A : memref<!tpu.dma_semaphore, #tpu.memory_space<semaphore_mem>>) {add = true}
      %dma_wait3A = arith.constant 0 : i32
      %dma_wait3A_49 = tpu.memref_slice %arg13[%dma_wait3A] : memref<10000xf32, #tpu.memory_space<vmem_shared>> -> memref<10000xf32, #tpu.memory_space<vmem_shared>>
      tpu.wait_indirect_dma semaphore(%run_scoped3A : memref<!tpu.dma_semaphore, #tpu.memory_space<semaphore_mem>>) src(%arg11 : memref<1000xf32, #tpu.memory_space<vmem>>) dst(%dma_wait3A_49 : memref<10000xf32, #tpu.memory_space<vmem_shared>>)
      tpu.yield
    }) : () -> ()
    %add3A_16 = arith.constant 7000 : i32
    %add3A_17 = arith.addi %mul3A_2, %add3A_16 : i32
    "tpu.region"() ({
      %run_scoped3A = tpu.sem_alloc : memref<!tpu.dma_semaphore, #tpu.memory_space<semaphore_mem>>
      %dma_start3A = tpu.memref_slice %arg3[%arg0, %add3A_17] : memref<2x320000xi32, #tpu.memory_space<hbm>> -> memref<1x1000xi32, #tpu.memory_space<hbm>>
      %dma_start3A_48 = tpu.memref_squeeze %dma_start3A : memref<1x1000xi32, #tpu.memory_space<hbm>> -> memref<1000xi32, #tpu.memory_space<hbm>>
      %dma_start3A_49 = tpu.memref_slice %arg3[%arg0, %add3A_17] : memref<2x320000xi32, #tpu.memory_space<hbm>> -> memref<1x1000xi32, #tpu.memory_space<hbm>>
      %dma_start3A_50 = tpu.memref_squeeze %dma_start3A_49 : memref<1x1000xi32, #tpu.memory_space<hbm>> -> memref<1000xi32, #tpu.memory_space<hbm>>
      tpu.enqueue_dma source(%dma_start3A_50 : memref<1000xi32, #tpu.memory_space<hbm>>) target(%arg10 : memref<1000xi32, #tpu.memory_space<vmem>>) target_semaphore(%run_scoped3A : memref<!tpu.dma_semaphore, #tpu.memory_space<semaphore_mem>>)
      %dma_wait3A = tpu.memref_slice %arg3[%arg0, %add3A_17] : memref<2x320000xi32, #tpu.memory_space<hbm>> -> memref<1x1000xi32, #tpu.memory_space<hbm>>
      %dma_wait3A_51 = tpu.memref_squeeze %dma_wait3A : memref<1x1000xi32, #tpu.memory_space<hbm>> -> memref<1000xi32, #tpu.memory_space<hbm>>
      %dma_wait3A_52 = tpu.memref_slice %arg3[%arg0, %add3A_17] : memref<2x320000xi32, #tpu.memory_space<hbm>> -> memref<1x1000xi32, #tpu.memory_space<hbm>>
      %dma_wait3A_53 = tpu.memref_squeeze %dma_wait3A_52 : memref<1x1000xi32, #tpu.memory_space<hbm>> -> memref<1000xi32, #tpu.memory_space<hbm>>
      tpu.wait_dma2 semaphore(%run_scoped3A : memref<!tpu.dma_semaphore, #tpu.memory_space<semaphore_mem>>) src(%dma_wait3A_53 : memref<1000xi32, #tpu.memory_space<hbm>>) dst(%arg10 : memref<1000xi32, #tpu.memory_space<vmem>>)
      tpu.yield
    }) : () -> ()
    "tpu.region"() ({
      %run_scoped3A = tpu.sem_alloc : memref<!tpu.dma_semaphore, #tpu.memory_space<semaphore_mem>>
      %dma_start3A = arith.constant 0 : i32
      %dma_start3A_48 = tpu.memref_slice %arg2[%arg0, %add3A_17, %dma_start3A] : memref<2x320000x64xf32, #tpu.memory_space<hbm>> -> memref<1x1000x64xf32, #tpu.memory_space<hbm>>
      %dma_start3A_49 = tpu.memref_squeeze %dma_start3A_48 : memref<1x1000x64xf32, #tpu.memory_space<hbm>> -> memref<1000x64xf32, #tpu.memory_space<hbm>>
      %dma_start3A_50 = arith.constant 0 : i32
      %dma_start3A_51 = tpu.memref_slice %arg2[%arg0, %add3A_17, %dma_start3A_50] : memref<2x320000x64xf32, #tpu.memory_space<hbm>> -> memref<1x1000x64xf32, #tpu.memory_space<hbm>>
      %dma_start3A_52 = tpu.memref_squeeze %dma_start3A_51 : memref<1x1000x64xf32, #tpu.memory_space<hbm>> -> memref<1000x64xf32, #tpu.memory_space<hbm>>
      tpu.enqueue_dma source(%dma_start3A_52 : memref<1000x64xf32, #tpu.memory_space<hbm>>) target(%arg9 : memref<1000x64xf32, #tpu.memory_space<vmem>>) target_semaphore(%run_scoped3A : memref<!tpu.dma_semaphore, #tpu.memory_space<semaphore_mem>>)
      %dma_wait3A = arith.constant 0 : i32
      %dma_wait3A_53 = tpu.memref_slice %arg2[%arg0, %add3A_17, %dma_wait3A] : memref<2x320000x64xf32, #tpu.memory_space<hbm>> -> memref<1x1000x64xf32, #tpu.memory_space<hbm>>
      %dma_wait3A_54 = tpu.memref_squeeze %dma_wait3A_53 : memref<1x1000x64xf32, #tpu.memory_space<hbm>> -> memref<1000x64xf32, #tpu.memory_space<hbm>>
      %dma_wait3A_55 = arith.constant 0 : i32
      %dma_wait3A_56 = tpu.memref_slice %arg2[%arg0, %add3A_17, %dma_wait3A_55] : memref<2x320000x64xf32, #tpu.memory_space<hbm>> -> memref<1x1000x64xf32, #tpu.memory_space<hbm>>
      %dma_wait3A_57 = tpu.memref_squeeze %dma_wait3A_56 : memref<1x1000x64xf32, #tpu.memory_space<hbm>> -> memref<1000x64xf32, #tpu.memory_space<hbm>>
      tpu.wait_dma2 semaphore(%run_scoped3A : memref<!tpu.dma_semaphore, #tpu.memory_space<semaphore_mem>>) src(%dma_wait3A_57 : memref<1000x64xf32, #tpu.memory_space<hbm>>) dst(%arg9 : memref<1000x64xf32, #tpu.memory_space<vmem>>)
      tpu.yield
    }) : () -> ()
    "tpu.region"() ({
      %run_scoped3A = tpu.sem_alloc : memref<!tpu.dma_semaphore, #tpu.memory_space<semaphore_mem>>
      %dma_start3A = arith.constant 0 : i32
      %dma_start3A_48 = arith.constant 0 : i32
      %dma_start3A_49 = tpu.memref_slice %arg12[%dma_start3A, %dma_start3A_48] : memref<10000x64xf32, #tpu.memory_space<vmem_shared>> -> memref<10000x64xf32, #tpu.memory_space<vmem_shared>>
      tpu.enqueue_indirect_dma source(%arg9 : memref<1000x64xf32, #tpu.memory_space<vmem>>) target(%dma_start3A_49 : memref<10000x64xf32, #tpu.memory_space<vmem_shared>>) offsets(%arg10 : memref<1000xi32, #tpu.memory_space<vmem>>) semaphore(%run_scoped3A : memref<!tpu.dma_semaphore, #tpu.memory_space<semaphore_mem>>) {add = true}
      %dma_wait3A = arith.constant 0 : i32
      %dma_wait3A_50 = arith.constant 0 : i32
      %dma_wait3A_51 = tpu.memref_slice %arg12[%dma_wait3A, %dma_wait3A_50] : memref<10000x64xf32, #tpu.memory_space<vmem_shared>> -> memref<10000x64xf32, #tpu.memory_space<vmem_shared>>
      tpu.wait_indirect_dma semaphore(%run_scoped3A : memref<!tpu.dma_semaphore, #tpu.memory_space<semaphore_mem>>) src(%arg9 : memref<1000x64xf32, #tpu.memory_space<vmem>>) dst(%dma_wait3A_51 : memref<10000x64xf32, #tpu.memory_space<vmem_shared>>)
      tpu.yield
    }) : () -> ()
    "tpu.region"() ({
      %run_scoped3A = tpu.sem_alloc : memref<!tpu.dma_semaphore, #tpu.memory_space<semaphore_mem>>
      %dma_start3A = arith.constant 0 : i32
      %dma_start3A_48 = tpu.memref_slice %arg13[%dma_start3A] : memref<10000xf32, #tpu.memory_space<vmem_shared>> -> memref<10000xf32, #tpu.memory_space<vmem_shared>>
      tpu.enqueue_indirect_dma source(%arg11 : memref<1000xf32, #tpu.memory_space<vmem>>) target(%dma_start3A_48 : memref<10000xf32, #tpu.memory_space<vmem_shared>>) offsets(%arg10 : memref<1000xi32, #tpu.memory_space<vmem>>) semaphore(%run_scoped3A : memref<!tpu.dma_semaphore, #tpu.memory_space<semaphore_mem>>) {add = true}
      %dma_wait3A = arith.constant 0 : i32
      %dma_wait3A_49 = tpu.memref_slice %arg13[%dma_wait3A] : memref<10000xf32, #tpu.memory_space<vmem_shared>> -> memref<10000xf32, #tpu.memory_space<vmem_shared>>
      tpu.wait_indirect_dma semaphore(%run_scoped3A : memref<!tpu.dma_semaphore, #tpu.memory_space<semaphore_mem>>) src(%arg11 : memref<1000xf32, #tpu.memory_space<vmem>>) dst(%dma_wait3A_49 : memref<10000xf32, #tpu.memory_space<vmem_shared>>)
      tpu.yield
    }) : () -> ()
    %add3A_18 = arith.constant 8000 : i32
    %add3A_19 = arith.addi %mul3A_2, %add3A_18 : i32
    "tpu.region"() ({
      %run_scoped3A = tpu.sem_alloc : memref<!tpu.dma_semaphore, #tpu.memory_space<semaphore_mem>>
      %dma_start3A = tpu.memref_slice %arg3[%arg0, %add3A_19] : memref<2x320000xi32, #tpu.memory_space<hbm>> -> memref<1x1000xi32, #tpu.memory_space<hbm>>
      %dma_start3A_48 = tpu.memref_squeeze %dma_start3A : memref<1x1000xi32, #tpu.memory_space<hbm>> -> memref<1000xi32, #tpu.memory_space<hbm>>
      %dma_start3A_49 = tpu.memref_slice %arg3[%arg0, %add3A_19] : memref<2x320000xi32, #tpu.memory_space<hbm>> -> memref<1x1000xi32, #tpu.memory_space<hbm>>
      %dma_start3A_50 = tpu.memref_squeeze %dma_start3A_49 : memref<1x1000xi32, #tpu.memory_space<hbm>> -> memref<1000xi32, #tpu.memory_space<hbm>>
      tpu.enqueue_dma source(%dma_start3A_50 : memref<1000xi32, #tpu.memory_space<hbm>>) target(%arg10 : memref<1000xi32, #tpu.memory_space<vmem>>) target_semaphore(%run_scoped3A : memref<!tpu.dma_semaphore, #tpu.memory_space<semaphore_mem>>)
      %dma_wait3A = tpu.memref_slice %arg3[%arg0, %add3A_19] : memref<2x320000xi32, #tpu.memory_space<hbm>> -> memref<1x1000xi32, #tpu.memory_space<hbm>>
      %dma_wait3A_51 = tpu.memref_squeeze %dma_wait3A : memref<1x1000xi32, #tpu.memory_space<hbm>> -> memref<1000xi32, #tpu.memory_space<hbm>>
      %dma_wait3A_52 = tpu.memref_slice %arg3[%arg0, %add3A_19] : memref<2x320000xi32, #tpu.memory_space<hbm>> -> memref<1x1000xi32, #tpu.memory_space<hbm>>
      %dma_wait3A_53 = tpu.memref_squeeze %dma_wait3A_52 : memref<1x1000xi32, #tpu.memory_space<hbm>> -> memref<1000xi32, #tpu.memory_space<hbm>>
      tpu.wait_dma2 semaphore(%run_scoped3A : memref<!tpu.dma_semaphore, #tpu.memory_space<semaphore_mem>>) src(%dma_wait3A_53 : memref<1000xi32, #tpu.memory_space<hbm>>) dst(%arg10 : memref<1000xi32, #tpu.memory_space<vmem>>)
      tpu.yield
    }) : () -> ()
    "tpu.region"() ({
      %run_scoped3A = tpu.sem_alloc : memref<!tpu.dma_semaphore, #tpu.memory_space<semaphore_mem>>
      %dma_start3A = arith.constant 0 : i32
      %dma_start3A_48 = tpu.memref_slice %arg2[%arg0, %add3A_19, %dma_start3A] : memref<2x320000x64xf32, #tpu.memory_space<hbm>> -> memref<1x1000x64xf32, #tpu.memory_space<hbm>>
      %dma_start3A_49 = tpu.memref_squeeze %dma_start3A_48 : memref<1x1000x64xf32, #tpu.memory_space<hbm>> -> memref<1000x64xf32, #tpu.memory_space<hbm>>
      %dma_start3A_50 = arith.constant 0 : i32
      %dma_start3A_51 = tpu.memref_slice %arg2[%arg0, %add3A_19, %dma_start3A_50] : memref<2x320000x64xf32, #tpu.memory_space<hbm>> -> memref<1x1000x64xf32, #tpu.memory_space<hbm>>
      %dma_start3A_52 = tpu.memref_squeeze %dma_start3A_51 : memref<1x1000x64xf32, #tpu.memory_space<hbm>> -> memref<1000x64xf32, #tpu.memory_space<hbm>>
      tpu.enqueue_dma source(%dma_start3A_52 : memref<1000x64xf32, #tpu.memory_space<hbm>>) target(%arg9 : memref<1000x64xf32, #tpu.memory_space<vmem>>) target_semaphore(%run_scoped3A : memref<!tpu.dma_semaphore, #tpu.memory_space<semaphore_mem>>)
      %dma_wait3A = arith.constant 0 : i32
      %dma_wait3A_53 = tpu.memref_slice %arg2[%arg0, %add3A_19, %dma_wait3A] : memref<2x320000x64xf32, #tpu.memory_space<hbm>> -> memref<1x1000x64xf32, #tpu.memory_space<hbm>>
      %dma_wait3A_54 = tpu.memref_squeeze %dma_wait3A_53 : memref<1x1000x64xf32, #tpu.memory_space<hbm>> -> memref<1000x64xf32, #tpu.memory_space<hbm>>
      %dma_wait3A_55 = arith.constant 0 : i32
      %dma_wait3A_56 = tpu.memref_slice %arg2[%arg0, %add3A_19, %dma_wait3A_55] : memref<2x320000x64xf32, #tpu.memory_space<hbm>> -> memref<1x1000x64xf32, #tpu.memory_space<hbm>>
      %dma_wait3A_57 = tpu.memref_squeeze %dma_wait3A_56 : memref<1x1000x64xf32, #tpu.memory_space<hbm>> -> memref<1000x64xf32, #tpu.memory_space<hbm>>
      tpu.wait_dma2 semaphore(%run_scoped3A : memref<!tpu.dma_semaphore, #tpu.memory_space<semaphore_mem>>) src(%dma_wait3A_57 : memref<1000x64xf32, #tpu.memory_space<hbm>>) dst(%arg9 : memref<1000x64xf32, #tpu.memory_space<vmem>>)
      tpu.yield
    }) : () -> ()
    "tpu.region"() ({
      %run_scoped3A = tpu.sem_alloc : memref<!tpu.dma_semaphore, #tpu.memory_space<semaphore_mem>>
      %dma_start3A = arith.constant 0 : i32
      %dma_start3A_48 = arith.constant 0 : i32
      %dma_start3A_49 = tpu.memref_slice %arg12[%dma_start3A, %dma_start3A_48] : memref<10000x64xf32, #tpu.memory_space<vmem_shared>> -> memref<10000x64xf32, #tpu.memory_space<vmem_shared>>
      tpu.enqueue_indirect_dma source(%arg9 : memref<1000x64xf32, #tpu.memory_space<vmem>>) target(%dma_start3A_49 : memref<10000x64xf32, #tpu.memory_space<vmem_shared>>) offsets(%arg10 : memref<1000xi32, #tpu.memory_space<vmem>>) semaphore(%run_scoped3A : memref<!tpu.dma_semaphore, #tpu.memory_space<semaphore_mem>>) {add = true}
      %dma_wait3A = arith.constant 0 : i32
      %dma_wait3A_50 = arith.constant 0 : i32
      %dma_wait3A_51 = tpu.memref_slice %arg12[%dma_wait3A, %dma_wait3A_50] : memref<10000x64xf32, #tpu.memory_space<vmem_shared>> -> memref<10000x64xf32, #tpu.memory_space<vmem_shared>>
      tpu.wait_indirect_dma semaphore(%run_scoped3A : memref<!tpu.dma_semaphore, #tpu.memory_space<semaphore_mem>>) src(%arg9 : memref<1000x64xf32, #tpu.memory_space<vmem>>) dst(%dma_wait3A_51 : memref<10000x64xf32, #tpu.memory_space<vmem_shared>>)
      tpu.yield
    }) : () -> ()
    "tpu.region"() ({
      %run_scoped3A = tpu.sem_alloc : memref<!tpu.dma_semaphore, #tpu.memory_space<semaphore_mem>>
      %dma_start3A = arith.constant 0 : i32
      %dma_start3A_48 = tpu.memref_slice %arg13[%dma_start3A] : memref<10000xf32, #tpu.memory_space<vmem_shared>> -> memref<10000xf32, #tpu.memory_space<vmem_shared>>
      tpu.enqueue_indirect_dma source(%arg11 : memref<1000xf32, #tpu.memory_space<vmem>>) target(%dma_start3A_48 : memref<10000xf32, #tpu.memory_space<vmem_shared>>) offsets(%arg10 : memref<1000xi32, #tpu.memory_space<vmem>>) semaphore(%run_scoped3A : memref<!tpu.dma_semaphore, #tpu.memory_space<semaphore_mem>>) {add = true}
      %dma_wait3A = arith.constant 0 : i32
      %dma_wait3A_49 = tpu.memref_slice %arg13[%dma_wait3A] : memref<10000xf32, #tpu.memory_space<vmem_shared>> -> memref<10000xf32, #tpu.memory_space<vmem_shared>>
      tpu.wait_indirect_dma semaphore(%run_scoped3A : memref<!tpu.dma_semaphore, #tpu.memory_space<semaphore_mem>>) src(%arg11 : memref<1000xf32, #tpu.memory_space<vmem>>) dst(%dma_wait3A_49 : memref<10000xf32, #tpu.memory_space<vmem_shared>>)
      tpu.yield
    }) : () -> ()
    %add3A_20 = arith.constant 9000 : i32
    %add3A_21 = arith.addi %mul3A_2, %add3A_20 : i32
    "tpu.region"() ({
      %run_scoped3A = tpu.sem_alloc : memref<!tpu.dma_semaphore, #tpu.memory_space<semaphore_mem>>
      %dma_start3A = tpu.memref_slice %arg3[%arg0, %add3A_21] : memref<2x320000xi32, #tpu.memory_space<hbm>> -> memref<1x1000xi32, #tpu.memory_space<hbm>>
      %dma_start3A_48 = tpu.memref_squeeze %dma_start3A : memref<1x1000xi32, #tpu.memory_space<hbm>> -> memref<1000xi32, #tpu.memory_space<hbm>>
      %dma_start3A_49 = tpu.memref_slice %arg3[%arg0, %add3A_21] : memref<2x320000xi32, #tpu.memory_space<hbm>> -> memref<1x1000xi32, #tpu.memory_space<hbm>>
      %dma_start3A_50 = tpu.memref_squeeze %dma_start3A_49 : memref<1x1000xi32, #tpu.memory_space<hbm>> -> memref<1000xi32, #tpu.memory_space<hbm>>
      tpu.enqueue_dma source(%dma_start3A_50 : memref<1000xi32, #tpu.memory_space<hbm>>) target(%arg10 : memref<1000xi32, #tpu.memory_space<vmem>>) target_semaphore(%run_scoped3A : memref<!tpu.dma_semaphore, #tpu.memory_space<semaphore_mem>>)
      %dma_wait3A = tpu.memref_slice %arg3[%arg0, %add3A_21] : memref<2x320000xi32, #tpu.memory_space<hbm>> -> memref<1x1000xi32, #tpu.memory_space<hbm>>
      %dma_wait3A_51 = tpu.memref_squeeze %dma_wait3A : memref<1x1000xi32, #tpu.memory_space<hbm>> -> memref<1000xi32, #tpu.memory_space<hbm>>
      %dma_wait3A_52 = tpu.memref_slice %arg3[%arg0, %add3A_21] : memref<2x320000xi32, #tpu.memory_space<hbm>> -> memref<1x1000xi32, #tpu.memory_space<hbm>>
      %dma_wait3A_53 = tpu.memref_squeeze %dma_wait3A_52 : memref<1x1000xi32, #tpu.memory_space<hbm>> -> memref<1000xi32, #tpu.memory_space<hbm>>
      tpu.wait_dma2 semaphore(%run_scoped3A : memref<!tpu.dma_semaphore, #tpu.memory_space<semaphore_mem>>) src(%dma_wait3A_53 : memref<1000xi32, #tpu.memory_space<hbm>>) dst(%arg10 : memref<1000xi32, #tpu.memory_space<vmem>>)
      tpu.yield
    }) : () -> ()
    "tpu.region"() ({
      %run_scoped3A = tpu.sem_alloc : memref<!tpu.dma_semaphore, #tpu.memory_space<semaphore_mem>>
      %dma_start3A = arith.constant 0 : i32
      %dma_start3A_48 = tpu.memref_slice %arg2[%arg0, %add3A_21, %dma_start3A] : memref<2x320000x64xf32, #tpu.memory_space<hbm>> -> memref<1x1000x64xf32, #tpu.memory_space<hbm>>
      %dma_start3A_49 = tpu.memref_squeeze %dma_start3A_48 : memref<1x1000x64xf32, #tpu.memory_space<hbm>> -> memref<1000x64xf32, #tpu.memory_space<hbm>>
      %dma_start3A_50 = arith.constant 0 : i32
      %dma_start3A_51 = tpu.memref_slice %arg2[%arg0, %add3A_21, %dma_start3A_50] : memref<2x320000x64xf32, #tpu.memory_space<hbm>> -> memref<1x1000x64xf32, #tpu.memory_space<hbm>>
      %dma_start3A_52 = tpu.memref_squeeze %dma_start3A_51 : memref<1x1000x64xf32, #tpu.memory_space<hbm>> -> memref<1000x64xf32, #tpu.memory_space<hbm>>
      tpu.enqueue_dma source(%dma_start3A_52 : memref<1000x64xf32, #tpu.memory_space<hbm>>) target(%arg9 : memref<1000x64xf32, #tpu.memory_space<vmem>>) target_semaphore(%run_scoped3A : memref<!tpu.dma_semaphore, #tpu.memory_space<semaphore_mem>>)
      %dma_wait3A = arith.constant 0 : i32
      %dma_wait3A_53 = tpu.memref_slice %arg2[%arg0, %add3A_21, %dma_wait3A] : memref<2x320000x64xf32, #tpu.memory_space<hbm>> -> memref<1x1000x64xf32, #tpu.memory_space<hbm>>
      %dma_wait3A_54 = tpu.memref_squeeze %dma_wait3A_53 : memref<1x1000x64xf32, #tpu.memory_space<hbm>> -> memref<1000x64xf32, #tpu.memory_space<hbm>>
      %dma_wait3A_55 = arith.constant 0 : i32
      %dma_wait3A_56 = tpu.memref_slice %arg2[%arg0, %add3A_21, %dma_wait3A_55] : memref<2x320000x64xf32, #tpu.memory_space<hbm>> -> memref<1x1000x64xf32, #tpu.memory_space<hbm>>
      %dma_wait3A_57 = tpu.memref_squeeze %dma_wait3A_56 : memref<1x1000x64xf32, #tpu.memory_space<hbm>> -> memref<1000x64xf32, #tpu.memory_space<hbm>>
      tpu.wait_dma2 semaphore(%run_scoped3A : memref<!tpu.dma_semaphore, #tpu.memory_space<semaphore_mem>>) src(%dma_wait3A_57 : memref<1000x64xf32, #tpu.memory_space<hbm>>) dst(%arg9 : memref<1000x64xf32, #tpu.memory_space<vmem>>)
      tpu.yield
    }) : () -> ()
    "tpu.region"() ({
      %run_scoped3A = tpu.sem_alloc : memref<!tpu.dma_semaphore, #tpu.memory_space<semaphore_mem>>
      %dma_start3A = arith.constant 0 : i32
      %dma_start3A_48 = arith.constant 0 : i32
      %dma_start3A_49 = tpu.memref_slice %arg12[%dma_start3A, %dma_start3A_48] : memref<10000x64xf32, #tpu.memory_space<vmem_shared>> -> memref<10000x64xf32, #tpu.memory_space<vmem_shared>>
      tpu.enqueue_indirect_dma source(%arg9 : memref<1000x64xf32, #tpu.memory_space<vmem>>) target(%dma_start3A_49 : memref<10000x64xf32, #tpu.memory_space<vmem_shared>>) offsets(%arg10 : memref<1000xi32, #tpu.memory_space<vmem>>) semaphore(%run_scoped3A : memref<!tpu.dma_semaphore, #tpu.memory_space<semaphore_mem>>) {add = true}
      %dma_wait3A = arith.constant 0 : i32
      %dma_wait3A_50 = arith.constant 0 : i32
      %dma_wait3A_51 = tpu.memref_slice %arg12[%dma_wait3A, %dma_wait3A_50] : memref<10000x64xf32, #tpu.memory_space<vmem_shared>> -> memref<10000x64xf32, #tpu.memory_space<vmem_shared>>
      tpu.wait_indirect_dma semaphore(%run_scoped3A : memref<!tpu.dma_semaphore, #tpu.memory_space<semaphore_mem>>) src(%arg9 : memref<1000x64xf32, #tpu.memory_space<vmem>>) dst(%dma_wait3A_51 : memref<10000x64xf32, #tpu.memory_space<vmem_shared>>)
      tpu.yield
    }) : () -> ()
    "tpu.region"() ({
      %run_scoped3A = tpu.sem_alloc : memref<!tpu.dma_semaphore, #tpu.memory_space<semaphore_mem>>
      %dma_start3A = arith.constant 0 : i32
      %dma_start3A_48 = tpu.memref_slice %arg13[%dma_start3A] : memref<10000xf32, #tpu.memory_space<vmem_shared>> -> memref<10000xf32, #tpu.memory_space<vmem_shared>>
      tpu.enqueue_indirect_dma source(%arg11 : memref<1000xf32, #tpu.memory_space<vmem>>) target(%dma_start3A_48 : memref<10000xf32, #tpu.memory_space<vmem_shared>>) offsets(%arg10 : memref<1000xi32, #tpu.memory_space<vmem>>) semaphore(%run_scoped3A : memref<!tpu.dma_semaphore, #tpu.memory_space<semaphore_mem>>) {add = true}
      %dma_wait3A = arith.constant 0 : i32
      %dma_wait3A_49 = tpu.memref_slice %arg13[%dma_wait3A] : memref<10000xf32, #tpu.memory_space<vmem_shared>> -> memref<10000xf32, #tpu.memory_space<vmem_shared>>
      tpu.wait_indirect_dma semaphore(%run_scoped3A : memref<!tpu.dma_semaphore, #tpu.memory_space<semaphore_mem>>) src(%arg11 : memref<1000xf32, #tpu.memory_space<vmem>>) dst(%dma_wait3A_49 : memref<10000xf32, #tpu.memory_space<vmem_shared>>)
      tpu.yield
    }) : () -> ()
    %add3A_22 = arith.constant 10000 : i32
    %add3A_23 = arith.addi %mul3A_2, %add3A_22 : i32
    "tpu.region"() ({
      %run_scoped3A = tpu.sem_alloc : memref<!tpu.dma_semaphore, #tpu.memory_space<semaphore_mem>>
      %dma_start3A = tpu.memref_slice %arg3[%arg0, %add3A_23] : memref<2x320000xi32, #tpu.memory_space<hbm>> -> memref<1x1000xi32, #tpu.memory_space<hbm>>
      %dma_start3A_48 = tpu.memref_squeeze %dma_start3A : memref<1x1000xi32, #tpu.memory_space<hbm>> -> memref<1000xi32, #tpu.memory_space<hbm>>
      %dma_start3A_49 = tpu.memref_slice %arg3[%arg0, %add3A_23] : memref<2x320000xi32, #tpu.memory_space<hbm>> -> memref<1x1000xi32, #tpu.memory_space<hbm>>
      %dma_start3A_50 = tpu.memref_squeeze %dma_start3A_49 : memref<1x1000xi32, #tpu.memory_space<hbm>> -> memref<1000xi32, #tpu.memory_space<hbm>>
      tpu.enqueue_dma source(%dma_start3A_50 : memref<1000xi32, #tpu.memory_space<hbm>>) target(%arg10 : memref<1000xi32, #tpu.memory_space<vmem>>) target_semaphore(%run_scoped3A : memref<!tpu.dma_semaphore, #tpu.memory_space<semaphore_mem>>)
      %dma_wait3A = tpu.memref_slice %arg3[%arg0, %add3A_23] : memref<2x320000xi32, #tpu.memory_space<hbm>> -> memref<1x1000xi32, #tpu.memory_space<hbm>>
      %dma_wait3A_51 = tpu.memref_squeeze %dma_wait3A : memref<1x1000xi32, #tpu.memory_space<hbm>> -> memref<1000xi32, #tpu.memory_space<hbm>>
      %dma_wait3A_52 = tpu.memref_slice %arg3[%arg0, %add3A_23] : memref<2x320000xi32, #tpu.memory_space<hbm>> -> memref<1x1000xi32, #tpu.memory_space<hbm>>
      %dma_wait3A_53 = tpu.memref_squeeze %dma_wait3A_52 : memref<1x1000xi32, #tpu.memory_space<hbm>> -> memref<1000xi32, #tpu.memory_space<hbm>>
      tpu.wait_dma2 semaphore(%run_scoped3A : memref<!tpu.dma_semaphore, #tpu.memory_space<semaphore_mem>>) src(%dma_wait3A_53 : memref<1000xi32, #tpu.memory_space<hbm>>) dst(%arg10 : memref<1000xi32, #tpu.memory_space<vmem>>)
      tpu.yield
    }) : () -> ()
    "tpu.region"() ({
      %run_scoped3A = tpu.sem_alloc : memref<!tpu.dma_semaphore, #tpu.memory_space<semaphore_mem>>
      %dma_start3A = arith.constant 0 : i32
      %dma_start3A_48 = tpu.memref_slice %arg2[%arg0, %add3A_23, %dma_start3A] : memref<2x320000x64xf32, #tpu.memory_space<hbm>> -> memref<1x1000x64xf32, #tpu.memory_space<hbm>>
      %dma_start3A_49 = tpu.memref_squeeze %dma_start3A_48 : memref<1x1000x64xf32, #tpu.memory_space<hbm>> -> memref<1000x64xf32, #tpu.memory_space<hbm>>
      %dma_start3A_50 = arith.constant 0 : i32
      %dma_start3A_51 = tpu.memref_slice %arg2[%arg0, %add3A_23, %dma_start3A_50] : memref<2x320000x64xf32, #tpu.memory_space<hbm>> -> memref<1x1000x64xf32, #tpu.memory_space<hbm>>
      %dma_start3A_52 = tpu.memref_squeeze %dma_start3A_51 : memref<1x1000x64xf32, #tpu.memory_space<hbm>> -> memref<1000x64xf32, #tpu.memory_space<hbm>>
      tpu.enqueue_dma source(%dma_start3A_52 : memref<1000x64xf32, #tpu.memory_space<hbm>>) target(%arg9 : memref<1000x64xf32, #tpu.memory_space<vmem>>) target_semaphore(%run_scoped3A : memref<!tpu.dma_semaphore, #tpu.memory_space<semaphore_mem>>)
      %dma_wait3A = arith.constant 0 : i32
      %dma_wait3A_53 = tpu.memref_slice %arg2[%arg0, %add3A_23, %dma_wait3A] : memref<2x320000x64xf32, #tpu.memory_space<hbm>> -> memref<1x1000x64xf32, #tpu.memory_space<hbm>>
      %dma_wait3A_54 = tpu.memref_squeeze %dma_wait3A_53 : memref<1x1000x64xf32, #tpu.memory_space<hbm>> -> memref<1000x64xf32, #tpu.memory_space<hbm>>
      %dma_wait3A_55 = arith.constant 0 : i32
      %dma_wait3A_56 = tpu.memref_slice %arg2[%arg0, %add3A_23, %dma_wait3A_55] : memref<2x320000x64xf32, #tpu.memory_space<hbm>> -> memref<1x1000x64xf32, #tpu.memory_space<hbm>>
      %dma_wait3A_57 = tpu.memref_squeeze %dma_wait3A_56 : memref<1x1000x64xf32, #tpu.memory_space<hbm>> -> memref<1000x64xf32, #tpu.memory_space<hbm>>
      tpu.wait_dma2 semaphore(%run_scoped3A : memref<!tpu.dma_semaphore, #tpu.memory_space<semaphore_mem>>) src(%dma_wait3A_57 : memref<1000x64xf32, #tpu.memory_space<hbm>>) dst(%arg9 : memref<1000x64xf32, #tpu.memory_space<vmem>>)
      tpu.yield
    }) : () -> ()
    "tpu.region"() ({
      %run_scoped3A = tpu.sem_alloc : memref<!tpu.dma_semaphore, #tpu.memory_space<semaphore_mem>>
      %dma_start3A = arith.constant 0 : i32
      %dma_start3A_48 = arith.constant 0 : i32
      %dma_start3A_49 = tpu.memref_slice %arg12[%dma_start3A, %dma_start3A_48] : memref<10000x64xf32, #tpu.memory_space<vmem_shared>> -> memref<10000x64xf32, #tpu.memory_space<vmem_shared>>
      tpu.enqueue_indirect_dma source(%arg9 : memref<1000x64xf32, #tpu.memory_space<vmem>>) target(%dma_start3A_49 : memref<10000x64xf32, #tpu.memory_space<vmem_shared>>) offsets(%arg10 : memref<1000xi32, #tpu.memory_space<vmem>>) semaphore(%run_scoped3A : memref<!tpu.dma_semaphore, #tpu.memory_space<semaphore_mem>>) {add = true}
      %dma_wait3A = arith.constant 0 : i32
      %dma_wait3A_50 = arith.constant 0 : i32
      %dma_wait3A_51 = tpu.memref_slice %arg12[%dma_wait3A, %dma_wait3A_50] : memref<10000x64xf32, #tpu.memory_space<vmem_shared>> -> memref<10000x64xf32, #tpu.memory_space<vmem_shared>>
      tpu.wait_indirect_dma semaphore(%run_scoped3A : memref<!tpu.dma_semaphore, #tpu.memory_space<semaphore_mem>>) src(%arg9 : memref<1000x64xf32, #tpu.memory_space<vmem>>) dst(%dma_wait3A_51 : memref<10000x64xf32, #tpu.memory_space<vmem_shared>>)
      tpu.yield
    }) : () -> ()
    "tpu.region"() ({
      %run_scoped3A = tpu.sem_alloc : memref<!tpu.dma_semaphore, #tpu.memory_space<semaphore_mem>>
      %dma_start3A = arith.constant 0 : i32
      %dma_start3A_48 = tpu.memref_slice %arg13[%dma_start3A] : memref<10000xf32, #tpu.memory_space<vmem_shared>> -> memref<10000xf32, #tpu.memory_space<vmem_shared>>
      tpu.enqueue_indirect_dma source(%arg11 : memref<1000xf32, #tpu.memory_space<vmem>>) target(%dma_start3A_48 : memref<10000xf32, #tpu.memory_space<vmem_shared>>) offsets(%arg10 : memref<1000xi32, #tpu.memory_space<vmem>>) semaphore(%run_scoped3A : memref<!tpu.dma_semaphore, #tpu.memory_space<semaphore_mem>>) {add = true}
      %dma_wait3A = arith.constant 0 : i32
      %dma_wait3A_49 = tpu.memref_slice %arg13[%dma_wait3A] : memref<10000xf32, #tpu.memory_space<vmem_shared>> -> memref<10000xf32, #tpu.memory_space<vmem_shared>>
      tpu.wait_indirect_dma semaphore(%run_scoped3A : memref<!tpu.dma_semaphore, #tpu.memory_space<semaphore_mem>>) src(%arg11 : memref<1000xf32, #tpu.memory_space<vmem>>) dst(%dma_wait3A_49 : memref<10000xf32, #tpu.memory_space<vmem_shared>>)
      tpu.yield
    }) : () -> ()
    %add3A_24 = arith.constant 11000 : i32
    %add3A_25 = arith.addi %mul3A_2, %add3A_24 : i32
    "tpu.region"() ({
      %run_scoped3A = tpu.sem_alloc : memref<!tpu.dma_semaphore, #tpu.memory_space<semaphore_mem>>
      %dma_start3A = tpu.memref_slice %arg3[%arg0, %add3A_25] : memref<2x320000xi32, #tpu.memory_space<hbm>> -> memref<1x1000xi32, #tpu.memory_space<hbm>>
      %dma_start3A_48 = tpu.memref_squeeze %dma_start3A : memref<1x1000xi32, #tpu.memory_space<hbm>> -> memref<1000xi32, #tpu.memory_space<hbm>>
      %dma_start3A_49 = tpu.memref_slice %arg3[%arg0, %add3A_25] : memref<2x320000xi32, #tpu.memory_space<hbm>> -> memref<1x1000xi32, #tpu.memory_space<hbm>>
      %dma_start3A_50 = tpu.memref_squeeze %dma_start3A_49 : memref<1x1000xi32, #tpu.memory_space<hbm>> -> memref<1000xi32, #tpu.memory_space<hbm>>
      tpu.enqueue_dma source(%dma_start3A_50 : memref<1000xi32, #tpu.memory_space<hbm>>) target(%arg10 : memref<1000xi32, #tpu.memory_space<vmem>>) target_semaphore(%run_scoped3A : memref<!tpu.dma_semaphore, #tpu.memory_space<semaphore_mem>>)
      %dma_wait3A = tpu.memref_slice %arg3[%arg0, %add3A_25] : memref<2x320000xi32, #tpu.memory_space<hbm>> -> memref<1x1000xi32, #tpu.memory_space<hbm>>
      %dma_wait3A_51 = tpu.memref_squeeze %dma_wait3A : memref<1x1000xi32, #tpu.memory_space<hbm>> -> memref<1000xi32, #tpu.memory_space<hbm>>
      %dma_wait3A_52 = tpu.memref_slice %arg3[%arg0, %add3A_25] : memref<2x320000xi32, #tpu.memory_space<hbm>> -> memref<1x1000xi32, #tpu.memory_space<hbm>>
      %dma_wait3A_53 = tpu.memref_squeeze %dma_wait3A_52 : memref<1x1000xi32, #tpu.memory_space<hbm>> -> memref<1000xi32, #tpu.memory_space<hbm>>
      tpu.wait_dma2 semaphore(%run_scoped3A : memref<!tpu.dma_semaphore, #tpu.memory_space<semaphore_mem>>) src(%dma_wait3A_53 : memref<1000xi32, #tpu.memory_space<hbm>>) dst(%arg10 : memref<1000xi32, #tpu.memory_space<vmem>>)
      tpu.yield
    }) : () -> ()
    "tpu.region"() ({
      %run_scoped3A = tpu.sem_alloc : memref<!tpu.dma_semaphore, #tpu.memory_space<semaphore_mem>>
      %dma_start3A = arith.constant 0 : i32
      %dma_start3A_48 = tpu.memref_slice %arg2[%arg0, %add3A_25, %dma_start3A] : memref<2x320000x64xf32, #tpu.memory_space<hbm>> -> memref<1x1000x64xf32, #tpu.memory_space<hbm>>
      %dma_start3A_49 = tpu.memref_squeeze %dma_start3A_48 : memref<1x1000x64xf32, #tpu.memory_space<hbm>> -> memref<1000x64xf32, #tpu.memory_space<hbm>>
      %dma_start3A_50 = arith.constant 0 : i32
      %dma_start3A_51 = tpu.memref_slice %arg2[%arg0, %add3A_25, %dma_start3A_50] : memref<2x320000x64xf32, #tpu.memory_space<hbm>> -> memref<1x1000x64xf32, #tpu.memory_space<hbm>>
      %dma_start3A_52 = tpu.memref_squeeze %dma_start3A_51 : memref<1x1000x64xf32, #tpu.memory_space<hbm>> -> memref<1000x64xf32, #tpu.memory_space<hbm>>
      tpu.enqueue_dma source(%dma_start3A_52 : memref<1000x64xf32, #tpu.memory_space<hbm>>) target(%arg9 : memref<1000x64xf32, #tpu.memory_space<vmem>>) target_semaphore(%run_scoped3A : memref<!tpu.dma_semaphore, #tpu.memory_space<semaphore_mem>>)
      %dma_wait3A = arith.constant 0 : i32
      %dma_wait3A_53 = tpu.memref_slice %arg2[%arg0, %add3A_25, %dma_wait3A] : memref<2x320000x64xf32, #tpu.memory_space<hbm>> -> memref<1x1000x64xf32, #tpu.memory_space<hbm>>
      %dma_wait3A_54 = tpu.memref_squeeze %dma_wait3A_53 : memref<1x1000x64xf32, #tpu.memory_space<hbm>> -> memref<1000x64xf32, #tpu.memory_space<hbm>>
      %dma_wait3A_55 = arith.constant 0 : i32
      %dma_wait3A_56 = tpu.memref_slice %arg2[%arg0, %add3A_25, %dma_wait3A_55] : memref<2x320000x64xf32, #tpu.memory_space<hbm>> -> memref<1x1000x64xf32, #tpu.memory_space<hbm>>
      %dma_wait3A_57 = tpu.memref_squeeze %dma_wait3A_56 : memref<1x1000x64xf32, #tpu.memory_space<hbm>> -> memref<1000x64xf32, #tpu.memory_space<hbm>>
      tpu.wait_dma2 semaphore(%run_scoped3A : memref<!tpu.dma_semaphore, #tpu.memory_space<semaphore_mem>>) src(%dma_wait3A_57 : memref<1000x64xf32, #tpu.memory_space<hbm>>) dst(%arg9 : memref<1000x64xf32, #tpu.memory_space<vmem>>)
      tpu.yield
    }) : () -> ()
    "tpu.region"() ({
      %run_scoped3A = tpu.sem_alloc : memref<!tpu.dma_semaphore, #tpu.memory_space<semaphore_mem>>
      %dma_start3A = arith.constant 0 : i32
      %dma_start3A_48 = arith.constant 0 : i32
      %dma_start3A_49 = tpu.memref_slice %arg12[%dma_start3A, %dma_start3A_48] : memref<10000x64xf32, #tpu.memory_space<vmem_shared>> -> memref<10000x64xf32, #tpu.memory_space<vmem_shared>>
      tpu.enqueue_indirect_dma source(%arg9 : memref<1000x64xf32, #tpu.memory_space<vmem>>) target(%dma_start3A_49 : memref<10000x64xf32, #tpu.memory_space<vmem_shared>>) offsets(%arg10 : memref<1000xi32, #tpu.memory_space<vmem>>) semaphore(%run_scoped3A : memref<!tpu.dma_semaphore, #tpu.memory_space<semaphore_mem>>) {add = true}
      %dma_wait3A = arith.constant 0 : i32
      %dma_wait3A_50 = arith.constant 0 : i32
      %dma_wait3A_51 = tpu.memref_slice %arg12[%dma_wait3A, %dma_wait3A_50] : memref<10000x64xf32, #tpu.memory_space<vmem_shared>> -> memref<10000x64xf32, #tpu.memory_space<vmem_shared>>
      tpu.wait_indirect_dma semaphore(%run_scoped3A : memref<!tpu.dma_semaphore, #tpu.memory_space<semaphore_mem>>) src(%arg9 : memref<1000x64xf32, #tpu.memory_space<vmem>>) dst(%dma_wait3A_51 : memref<10000x64xf32, #tpu.memory_space<vmem_shared>>)
      tpu.yield
    }) : () -> ()
    "tpu.region"() ({
      %run_scoped3A = tpu.sem_alloc : memref<!tpu.dma_semaphore, #tpu.memory_space<semaphore_mem>>
      %dma_start3A = arith.constant 0 : i32
      %dma_start3A_48 = tpu.memref_slice %arg13[%dma_start3A] : memref<10000xf32, #tpu.memory_space<vmem_shared>> -> memref<10000xf32, #tpu.memory_space<vmem_shared>>
      tpu.enqueue_indirect_dma source(%arg11 : memref<1000xf32, #tpu.memory_space<vmem>>) target(%dma_start3A_48 : memref<10000xf32, #tpu.memory_space<vmem_shared>>) offsets(%arg10 : memref<1000xi32, #tpu.memory_space<vmem>>) semaphore(%run_scoped3A : memref<!tpu.dma_semaphore, #tpu.memory_space<semaphore_mem>>) {add = true}
      %dma_wait3A = arith.constant 0 : i32
      %dma_wait3A_49 = tpu.memref_slice %arg13[%dma_wait3A] : memref<10000xf32, #tpu.memory_space<vmem_shared>> -> memref<10000xf32, #tpu.memory_space<vmem_shared>>
      tpu.wait_indirect_dma semaphore(%run_scoped3A : memref<!tpu.dma_semaphore, #tpu.memory_space<semaphore_mem>>) src(%arg11 : memref<1000xf32, #tpu.memory_space<vmem>>) dst(%dma_wait3A_49 : memref<10000xf32, #tpu.memory_space<vmem_shared>>)
      tpu.yield
    }) : () -> ()
    %add3A_26 = arith.constant 12000 : i32
    %add3A_27 = arith.addi %mul3A_2, %add3A_26 : i32
    "tpu.region"() ({
      %run_scoped3A = tpu.sem_alloc : memref<!tpu.dma_semaphore, #tpu.memory_space<semaphore_mem>>
      %dma_start3A = tpu.memref_slice %arg3[%arg0, %add3A_27] : memref<2x320000xi32, #tpu.memory_space<hbm>> -> memref<1x1000xi32, #tpu.memory_space<hbm>>
      %dma_start3A_48 = tpu.memref_squeeze %dma_start3A : memref<1x1000xi32, #tpu.memory_space<hbm>> -> memref<1000xi32, #tpu.memory_space<hbm>>
      %dma_start3A_49 = tpu.memref_slice %arg3[%arg0, %add3A_27] : memref<2x320000xi32, #tpu.memory_space<hbm>> -> memref<1x1000xi32, #tpu.memory_space<hbm>>
      %dma_start3A_50 = tpu.memref_squeeze %dma_start3A_49 : memref<1x1000xi32, #tpu.memory_space<hbm>> -> memref<1000xi32, #tpu.memory_space<hbm>>
      tpu.enqueue_dma source(%dma_start3A_50 : memref<1000xi32, #tpu.memory_space<hbm>>) target(%arg10 : memref<1000xi32, #tpu.memory_space<vmem>>) target_semaphore(%run_scoped3A : memref<!tpu.dma_semaphore, #tpu.memory_space<semaphore_mem>>)
      %dma_wait3A = tpu.memref_slice %arg3[%arg0, %add3A_27] : memref<2x320000xi32, #tpu.memory_space<hbm>> -> memref<1x1000xi32, #tpu.memory_space<hbm>>
      %dma_wait3A_51 = tpu.memref_squeeze %dma_wait3A : memref<1x1000xi32, #tpu.memory_space<hbm>> -> memref<1000xi32, #tpu.memory_space<hbm>>
      %dma_wait3A_52 = tpu.memref_slice %arg3[%arg0, %add3A_27] : memref<2x320000xi32, #tpu.memory_space<hbm>> -> memref<1x1000xi32, #tpu.memory_space<hbm>>
      %dma_wait3A_53 = tpu.memref_squeeze %dma_wait3A_52 : memref<1x1000xi32, #tpu.memory_space<hbm>> -> memref<1000xi32, #tpu.memory_space<hbm>>
      tpu.wait_dma2 semaphore(%run_scoped3A : memref<!tpu.dma_semaphore, #tpu.memory_space<semaphore_mem>>) src(%dma_wait3A_53 : memref<1000xi32, #tpu.memory_space<hbm>>) dst(%arg10 : memref<1000xi32, #tpu.memory_space<vmem>>)
      tpu.yield
    }) : () -> ()
    "tpu.region"() ({
      %run_scoped3A = tpu.sem_alloc : memref<!tpu.dma_semaphore, #tpu.memory_space<semaphore_mem>>
      %dma_start3A = arith.constant 0 : i32
      %dma_start3A_48 = tpu.memref_slice %arg2[%arg0, %add3A_27, %dma_start3A] : memref<2x320000x64xf32, #tpu.memory_space<hbm>> -> memref<1x1000x64xf32, #tpu.memory_space<hbm>>
      %dma_start3A_49 = tpu.memref_squeeze %dma_start3A_48 : memref<1x1000x64xf32, #tpu.memory_space<hbm>> -> memref<1000x64xf32, #tpu.memory_space<hbm>>
      %dma_start3A_50 = arith.constant 0 : i32
      %dma_start3A_51 = tpu.memref_slice %arg2[%arg0, %add3A_27, %dma_start3A_50] : memref<2x320000x64xf32, #tpu.memory_space<hbm>> -> memref<1x1000x64xf32, #tpu.memory_space<hbm>>
      %dma_start3A_52 = tpu.memref_squeeze %dma_start3A_51 : memref<1x1000x64xf32, #tpu.memory_space<hbm>> -> memref<1000x64xf32, #tpu.memory_space<hbm>>
      tpu.enqueue_dma source(%dma_start3A_52 : memref<1000x64xf32, #tpu.memory_space<hbm>>) target(%arg9 : memref<1000x64xf32, #tpu.memory_space<vmem>>) target_semaphore(%run_scoped3A : memref<!tpu.dma_semaphore, #tpu.memory_space<semaphore_mem>>)
      %dma_wait3A = arith.constant 0 : i32
      %dma_wait3A_53 = tpu.memref_slice %arg2[%arg0, %add3A_27, %dma_wait3A] : memref<2x320000x64xf32, #tpu.memory_space<hbm>> -> memref<1x1000x64xf32, #tpu.memory_space<hbm>>
      %dma_wait3A_54 = tpu.memref_squeeze %dma_wait3A_53 : memref<1x1000x64xf32, #tpu.memory_space<hbm>> -> memref<1000x64xf32, #tpu.memory_space<hbm>>
      %dma_wait3A_55 = arith.constant 0 : i32
      %dma_wait3A_56 = tpu.memref_slice %arg2[%arg0, %add3A_27, %dma_wait3A_55] : memref<2x320000x64xf32, #tpu.memory_space<hbm>> -> memref<1x1000x64xf32, #tpu.memory_space<hbm>>
      %dma_wait3A_57 = tpu.memref_squeeze %dma_wait3A_56 : memref<1x1000x64xf32, #tpu.memory_space<hbm>> -> memref<1000x64xf32, #tpu.memory_space<hbm>>
      tpu.wait_dma2 semaphore(%run_scoped3A : memref<!tpu.dma_semaphore, #tpu.memory_space<semaphore_mem>>) src(%dma_wait3A_57 : memref<1000x64xf32, #tpu.memory_space<hbm>>) dst(%arg9 : memref<1000x64xf32, #tpu.memory_space<vmem>>)
      tpu.yield
    }) : () -> ()
    "tpu.region"() ({
      %run_scoped3A = tpu.sem_alloc : memref<!tpu.dma_semaphore, #tpu.memory_space<semaphore_mem>>
      %dma_start3A = arith.constant 0 : i32
      %dma_start3A_48 = arith.constant 0 : i32
      %dma_start3A_49 = tpu.memref_slice %arg12[%dma_start3A, %dma_start3A_48] : memref<10000x64xf32, #tpu.memory_space<vmem_shared>> -> memref<10000x64xf32, #tpu.memory_space<vmem_shared>>
      tpu.enqueue_indirect_dma source(%arg9 : memref<1000x64xf32, #tpu.memory_space<vmem>>) target(%dma_start3A_49 : memref<10000x64xf32, #tpu.memory_space<vmem_shared>>) offsets(%arg10 : memref<1000xi32, #tpu.memory_space<vmem>>) semaphore(%run_scoped3A : memref<!tpu.dma_semaphore, #tpu.memory_space<semaphore_mem>>) {add = true}
      %dma_wait3A = arith.constant 0 : i32
      %dma_wait3A_50 = arith.constant 0 : i32
      %dma_wait3A_51 = tpu.memref_slice %arg12[%dma_wait3A, %dma_wait3A_50] : memref<10000x64xf32, #tpu.memory_space<vmem_shared>> -> memref<10000x64xf32, #tpu.memory_space<vmem_shared>>
      tpu.wait_indirect_dma semaphore(%run_scoped3A : memref<!tpu.dma_semaphore, #tpu.memory_space<semaphore_mem>>) src(%arg9 : memref<1000x64xf32, #tpu.memory_space<vmem>>) dst(%dma_wait3A_51 : memref<10000x64xf32, #tpu.memory_space<vmem_shared>>)
      tpu.yield
    }) : () -> ()
    "tpu.region"() ({
      %run_scoped3A = tpu.sem_alloc : memref<!tpu.dma_semaphore, #tpu.memory_space<semaphore_mem>>
      %dma_start3A = arith.constant 0 : i32
      %dma_start3A_48 = tpu.memref_slice %arg13[%dma_start3A] : memref<10000xf32, #tpu.memory_space<vmem_shared>> -> memref<10000xf32, #tpu.memory_space<vmem_shared>>
      tpu.enqueue_indirect_dma source(%arg11 : memref<1000xf32, #tpu.memory_space<vmem>>) target(%dma_start3A_48 : memref<10000xf32, #tpu.memory_space<vmem_shared>>) offsets(%arg10 : memref<1000xi32, #tpu.memory_space<vmem>>) semaphore(%run_scoped3A : memref<!tpu.dma_semaphore, #tpu.memory_space<semaphore_mem>>) {add = true}
      %dma_wait3A = arith.constant 0 : i32
      %dma_wait3A_49 = tpu.memref_slice %arg13[%dma_wait3A] : memref<10000xf32, #tpu.memory_space<vmem_shared>> -> memref<10000xf32, #tpu.memory_space<vmem_shared>>
      tpu.wait_indirect_dma semaphore(%run_scoped3A : memref<!tpu.dma_semaphore, #tpu.memory_space<semaphore_mem>>) src(%arg11 : memref<1000xf32, #tpu.memory_space<vmem>>) dst(%dma_wait3A_49 : memref<10000xf32, #tpu.memory_space<vmem_shared>>)
      tpu.yield
    }) : () -> ()
    %add3A_28 = arith.constant 13000 : i32
    %add3A_29 = arith.addi %mul3A_2, %add3A_28 : i32
    "tpu.region"() ({
      %run_scoped3A = tpu.sem_alloc : memref<!tpu.dma_semaphore, #tpu.memory_space<semaphore_mem>>
      %dma_start3A = tpu.memref_slice %arg3[%arg0, %add3A_29] : memref<2x320000xi32, #tpu.memory_space<hbm>> -> memref<1x1000xi32, #tpu.memory_space<hbm>>
      %dma_start3A_48 = tpu.memref_squeeze %dma_start3A : memref<1x1000xi32, #tpu.memory_space<hbm>> -> memref<1000xi32, #tpu.memory_space<hbm>>
      %dma_start3A_49 = tpu.memref_slice %arg3[%arg0, %add3A_29] : memref<2x320000xi32, #tpu.memory_space<hbm>> -> memref<1x1000xi32, #tpu.memory_space<hbm>>
      %dma_start3A_50 = tpu.memref_squeeze %dma_start3A_49 : memref<1x1000xi32, #tpu.memory_space<hbm>> -> memref<1000xi32, #tpu.memory_space<hbm>>
      tpu.enqueue_dma source(%dma_start3A_50 : memref<1000xi32, #tpu.memory_space<hbm>>) target(%arg10 : memref<1000xi32, #tpu.memory_space<vmem>>) target_semaphore(%run_scoped3A : memref<!tpu.dma_semaphore, #tpu.memory_space<semaphore_mem>>)
      %dma_wait3A = tpu.memref_slice %arg3[%arg0, %add3A_29] : memref<2x320000xi32, #tpu.memory_space<hbm>> -> memref<1x1000xi32, #tpu.memory_space<hbm>>
      %dma_wait3A_51 = tpu.memref_squeeze %dma_wait3A : memref<1x1000xi32, #tpu.memory_space<hbm>> -> memref<1000xi32, #tpu.memory_space<hbm>>
      %dma_wait3A_52 = tpu.memref_slice %arg3[%arg0, %add3A_29] : memref<2x320000xi32, #tpu.memory_space<hbm>> -> memref<1x1000xi32, #tpu.memory_space<hbm>>
      %dma_wait3A_53 = tpu.memref_squeeze %dma_wait3A_52 : memref<1x1000xi32, #tpu.memory_space<hbm>> -> memref<1000xi32, #tpu.memory_space<hbm>>
      tpu.wait_dma2 semaphore(%run_scoped3A : memref<!tpu.dma_semaphore, #tpu.memory_space<semaphore_mem>>) src(%dma_wait3A_53 : memref<1000xi32, #tpu.memory_space<hbm>>) dst(%arg10 : memref<1000xi32, #tpu.memory_space<vmem>>)
      tpu.yield
    }) : () -> ()
    "tpu.region"() ({
      %run_scoped3A = tpu.sem_alloc : memref<!tpu.dma_semaphore, #tpu.memory_space<semaphore_mem>>
      %dma_start3A = arith.constant 0 : i32
      %dma_start3A_48 = tpu.memref_slice %arg2[%arg0, %add3A_29, %dma_start3A] : memref<2x320000x64xf32, #tpu.memory_space<hbm>> -> memref<1x1000x64xf32, #tpu.memory_space<hbm>>
      %dma_start3A_49 = tpu.memref_squeeze %dma_start3A_48 : memref<1x1000x64xf32, #tpu.memory_space<hbm>> -> memref<1000x64xf32, #tpu.memory_space<hbm>>
      %dma_start3A_50 = arith.constant 0 : i32
      %dma_start3A_51 = tpu.memref_slice %arg2[%arg0, %add3A_29, %dma_start3A_50] : memref<2x320000x64xf32, #tpu.memory_space<hbm>> -> memref<1x1000x64xf32, #tpu.memory_space<hbm>>
      %dma_start3A_52 = tpu.memref_squeeze %dma_start3A_51 : memref<1x1000x64xf32, #tpu.memory_space<hbm>> -> memref<1000x64xf32, #tpu.memory_space<hbm>>
      tpu.enqueue_dma source(%dma_start3A_52 : memref<1000x64xf32, #tpu.memory_space<hbm>>) target(%arg9 : memref<1000x64xf32, #tpu.memory_space<vmem>>) target_semaphore(%run_scoped3A : memref<!tpu.dma_semaphore, #tpu.memory_space<semaphore_mem>>)
      %dma_wait3A = arith.constant 0 : i32
      %dma_wait3A_53 = tpu.memref_slice %arg2[%arg0, %add3A_29, %dma_wait3A] : memref<2x320000x64xf32, #tpu.memory_space<hbm>> -> memref<1x1000x64xf32, #tpu.memory_space<hbm>>
      %dma_wait3A_54 = tpu.memref_squeeze %dma_wait3A_53 : memref<1x1000x64xf32, #tpu.memory_space<hbm>> -> memref<1000x64xf32, #tpu.memory_space<hbm>>
      %dma_wait3A_55 = arith.constant 0 : i32
      %dma_wait3A_56 = tpu.memref_slice %arg2[%arg0, %add3A_29, %dma_wait3A_55] : memref<2x320000x64xf32, #tpu.memory_space<hbm>> -> memref<1x1000x64xf32, #tpu.memory_space<hbm>>
      %dma_wait3A_57 = tpu.memref_squeeze %dma_wait3A_56 : memref<1x1000x64xf32, #tpu.memory_space<hbm>> -> memref<1000x64xf32, #tpu.memory_space<hbm>>
      tpu.wait_dma2 semaphore(%run_scoped3A : memref<!tpu.dma_semaphore, #tpu.memory_space<semaphore_mem>>) src(%dma_wait3A_57 : memref<1000x64xf32, #tpu.memory_space<hbm>>) dst(%arg9 : memref<1000x64xf32, #tpu.memory_space<vmem>>)
      tpu.yield
    }) : () -> ()
    "tpu.region"() ({
      %run_scoped3A = tpu.sem_alloc : memref<!tpu.dma_semaphore, #tpu.memory_space<semaphore_mem>>
      %dma_start3A = arith.constant 0 : i32
      %dma_start3A_48 = arith.constant 0 : i32
      %dma_start3A_49 = tpu.memref_slice %arg12[%dma_start3A, %dma_start3A_48] : memref<10000x64xf32, #tpu.memory_space<vmem_shared>> -> memref<10000x64xf32, #tpu.memory_space<vmem_shared>>
      tpu.enqueue_indirect_dma source(%arg9 : memref<1000x64xf32, #tpu.memory_space<vmem>>) target(%dma_start3A_49 : memref<10000x64xf32, #tpu.memory_space<vmem_shared>>) offsets(%arg10 : memref<1000xi32, #tpu.memory_space<vmem>>) semaphore(%run_scoped3A : memref<!tpu.dma_semaphore, #tpu.memory_space<semaphore_mem>>) {add = true}
      %dma_wait3A = arith.constant 0 : i32
      %dma_wait3A_50 = arith.constant 0 : i32
      %dma_wait3A_51 = tpu.memref_slice %arg12[%dma_wait3A, %dma_wait3A_50] : memref<10000x64xf32, #tpu.memory_space<vmem_shared>> -> memref<10000x64xf32, #tpu.memory_space<vmem_shared>>
      tpu.wait_indirect_dma semaphore(%run_scoped3A : memref<!tpu.dma_semaphore, #tpu.memory_space<semaphore_mem>>) src(%arg9 : memref<1000x64xf32, #tpu.memory_space<vmem>>) dst(%dma_wait3A_51 : memref<10000x64xf32, #tpu.memory_space<vmem_shared>>)
      tpu.yield
    }) : () -> ()
    "tpu.region"() ({
      %run_scoped3A = tpu.sem_alloc : memref<!tpu.dma_semaphore, #tpu.memory_space<semaphore_mem>>
      %dma_start3A = arith.constant 0 : i32
      %dma_start3A_48 = tpu.memref_slice %arg13[%dma_start3A] : memref<10000xf32, #tpu.memory_space<vmem_shared>> -> memref<10000xf32, #tpu.memory_space<vmem_shared>>
      tpu.enqueue_indirect_dma source(%arg11 : memref<1000xf32, #tpu.memory_space<vmem>>) target(%dma_start3A_48 : memref<10000xf32, #tpu.memory_space<vmem_shared>>) offsets(%arg10 : memref<1000xi32, #tpu.memory_space<vmem>>) semaphore(%run_scoped3A : memref<!tpu.dma_semaphore, #tpu.memory_space<semaphore_mem>>) {add = true}
      %dma_wait3A = arith.constant 0 : i32
      %dma_wait3A_49 = tpu.memref_slice %arg13[%dma_wait3A] : memref<10000xf32, #tpu.memory_space<vmem_shared>> -> memref<10000xf32, #tpu.memory_space<vmem_shared>>
      tpu.wait_indirect_dma semaphore(%run_scoped3A : memref<!tpu.dma_semaphore, #tpu.memory_space<semaphore_mem>>) src(%arg11 : memref<1000xf32, #tpu.memory_space<vmem>>) dst(%dma_wait3A_49 : memref<10000xf32, #tpu.memory_space<vmem_shared>>)
      tpu.yield
    }) : () -> ()
    %add3A_30 = arith.constant 14000 : i32
    %add3A_31 = arith.addi %mul3A_2, %add3A_30 : i32
    "tpu.region"() ({
      %run_scoped3A = tpu.sem_alloc : memref<!tpu.dma_semaphore, #tpu.memory_space<semaphore_mem>>
      %dma_start3A = tpu.memref_slice %arg3[%arg0, %add3A_31] : memref<2x320000xi32, #tpu.memory_space<hbm>> -> memref<1x1000xi32, #tpu.memory_space<hbm>>
      %dma_start3A_48 = tpu.memref_squeeze %dma_start3A : memref<1x1000xi32, #tpu.memory_space<hbm>> -> memref<1000xi32, #tpu.memory_space<hbm>>
      %dma_start3A_49 = tpu.memref_slice %arg3[%arg0, %add3A_31] : memref<2x320000xi32, #tpu.memory_space<hbm>> -> memref<1x1000xi32, #tpu.memory_space<hbm>>
      %dma_start3A_50 = tpu.memref_squeeze %dma_start3A_49 : memref<1x1000xi32, #tpu.memory_space<hbm>> -> memref<1000xi32, #tpu.memory_space<hbm>>
      tpu.enqueue_dma source(%dma_start3A_50 : memref<1000xi32, #tpu.memory_space<hbm>>) target(%arg10 : memref<1000xi32, #tpu.memory_space<vmem>>) target_semaphore(%run_scoped3A : memref<!tpu.dma_semaphore, #tpu.memory_space<semaphore_mem>>)
      %dma_wait3A = tpu.memref_slice %arg3[%arg0, %add3A_31] : memref<2x320000xi32, #tpu.memory_space<hbm>> -> memref<1x1000xi32, #tpu.memory_space<hbm>>
      %dma_wait3A_51 = tpu.memref_squeeze %dma_wait3A : memref<1x1000xi32, #tpu.memory_space<hbm>> -> memref<1000xi32, #tpu.memory_space<hbm>>
      %dma_wait3A_52 = tpu.memref_slice %arg3[%arg0, %add3A_31] : memref<2x320000xi32, #tpu.memory_space<hbm>> -> memref<1x1000xi32, #tpu.memory_space<hbm>>
      %dma_wait3A_53 = tpu.memref_squeeze %dma_wait3A_52 : memref<1x1000xi32, #tpu.memory_space<hbm>> -> memref<1000xi32, #tpu.memory_space<hbm>>
      tpu.wait_dma2 semaphore(%run_scoped3A : memref<!tpu.dma_semaphore, #tpu.memory_space<semaphore_mem>>) src(%dma_wait3A_53 : memref<1000xi32, #tpu.memory_space<hbm>>) dst(%arg10 : memref<1000xi32, #tpu.memory_space<vmem>>)
      tpu.yield
    }) : () -> ()
    "tpu.region"() ({
      %run_scoped3A = tpu.sem_alloc : memref<!tpu.dma_semaphore, #tpu.memory_space<semaphore_mem>>
      %dma_start3A = arith.constant 0 : i32
      %dma_start3A_48 = tpu.memref_slice %arg2[%arg0, %add3A_31, %dma_start3A] : memref<2x320000x64xf32, #tpu.memory_space<hbm>> -> memref<1x1000x64xf32, #tpu.memory_space<hbm>>
      %dma_start3A_49 = tpu.memref_squeeze %dma_start3A_48 : memref<1x1000x64xf32, #tpu.memory_space<hbm>> -> memref<1000x64xf32, #tpu.memory_space<hbm>>
      %dma_start3A_50 = arith.constant 0 : i32
      %dma_start3A_51 = tpu.memref_slice %arg2[%arg0, %add3A_31, %dma_start3A_50] : memref<2x320000x64xf32, #tpu.memory_space<hbm>> -> memref<1x1000x64xf32, #tpu.memory_space<hbm>>
      %dma_start3A_52 = tpu.memref_squeeze %dma_start3A_51 : memref<1x1000x64xf32, #tpu.memory_space<hbm>> -> memref<1000x64xf32, #tpu.memory_space<hbm>>
      tpu.enqueue_dma source(%dma_start3A_52 : memref<1000x64xf32, #tpu.memory_space<hbm>>) target(%arg9 : memref<1000x64xf32, #tpu.memory_space<vmem>>) target_semaphore(%run_scoped3A : memref<!tpu.dma_semaphore, #tpu.memory_space<semaphore_mem>>)
      %dma_wait3A = arith.constant 0 : i32
      %dma_wait3A_53 = tpu.memref_slice %arg2[%arg0, %add3A_31, %dma_wait3A] : memref<2x320000x64xf32, #tpu.memory_space<hbm>> -> memref<1x1000x64xf32, #tpu.memory_space<hbm>>
      %dma_wait3A_54 = tpu.memref_squeeze %dma_wait3A_53 : memref<1x1000x64xf32, #tpu.memory_space<hbm>> -> memref<1000x64xf32, #tpu.memory_space<hbm>>
      %dma_wait3A_55 = arith.constant 0 : i32
      %dma_wait3A_56 = tpu.memref_slice %arg2[%arg0, %add3A_31, %dma_wait3A_55] : memref<2x320000x64xf32, #tpu.memory_space<hbm>> -> memref<1x1000x64xf32, #tpu.memory_space<hbm>>
      %dma_wait3A_57 = tpu.memref_squeeze %dma_wait3A_56 : memref<1x1000x64xf32, #tpu.memory_space<hbm>> -> memref<1000x64xf32, #tpu.memory_space<hbm>>
      tpu.wait_dma2 semaphore(%run_scoped3A : memref<!tpu.dma_semaphore, #tpu.memory_space<semaphore_mem>>) src(%dma_wait3A_57 : memref<1000x64xf32, #tpu.memory_space<hbm>>) dst(%arg9 : memref<1000x64xf32, #tpu.memory_space<vmem>>)
      tpu.yield
    }) : () -> ()
    "tpu.region"() ({
      %run_scoped3A = tpu.sem_alloc : memref<!tpu.dma_semaphore, #tpu.memory_space<semaphore_mem>>
      %dma_start3A = arith.constant 0 : i32
      %dma_start3A_48 = arith.constant 0 : i32
      %dma_start3A_49 = tpu.memref_slice %arg12[%dma_start3A, %dma_start3A_48] : memref<10000x64xf32, #tpu.memory_space<vmem_shared>> -> memref<10000x64xf32, #tpu.memory_space<vmem_shared>>
      tpu.enqueue_indirect_dma source(%arg9 : memref<1000x64xf32, #tpu.memory_space<vmem>>) target(%dma_start3A_49 : memref<10000x64xf32, #tpu.memory_space<vmem_shared>>) offsets(%arg10 : memref<1000xi32, #tpu.memory_space<vmem>>) semaphore(%run_scoped3A : memref<!tpu.dma_semaphore, #tpu.memory_space<semaphore_mem>>) {add = true}
      %dma_wait3A = arith.constant 0 : i32
      %dma_wait3A_50 = arith.constant 0 : i32
      %dma_wait3A_51 = tpu.memref_slice %arg12[%dma_wait3A, %dma_wait3A_50] : memref<10000x64xf32, #tpu.memory_space<vmem_shared>> -> memref<10000x64xf32, #tpu.memory_space<vmem_shared>>
      tpu.wait_indirect_dma semaphore(%run_scoped3A : memref<!tpu.dma_semaphore, #tpu.memory_space<semaphore_mem>>) src(%arg9 : memref<1000x64xf32, #tpu.memory_space<vmem>>) dst(%dma_wait3A_51 : memref<10000x64xf32, #tpu.memory_space<vmem_shared>>)
      tpu.yield
    }) : () -> ()
    "tpu.region"() ({
      %run_scoped3A = tpu.sem_alloc : memref<!tpu.dma_semaphore, #tpu.memory_space<semaphore_mem>>
      %dma_start3A = arith.constant 0 : i32
      %dma_start3A_48 = tpu.memref_slice %arg13[%dma_start3A] : memref<10000xf32, #tpu.memory_space<vmem_shared>> -> memref<10000xf32, #tpu.memory_space<vmem_shared>>
      tpu.enqueue_indirect_dma source(%arg11 : memref<1000xf32, #tpu.memory_space<vmem>>) target(%dma_start3A_48 : memref<10000xf32, #tpu.memory_space<vmem_shared>>) offsets(%arg10 : memref<1000xi32, #tpu.memory_space<vmem>>) semaphore(%run_scoped3A : memref<!tpu.dma_semaphore, #tpu.memory_space<semaphore_mem>>) {add = true}
      %dma_wait3A = arith.constant 0 : i32
      %dma_wait3A_49 = tpu.memref_slice %arg13[%dma_wait3A] : memref<10000xf32, #tpu.memory_space<vmem_shared>> -> memref<10000xf32, #tpu.memory_space<vmem_shared>>
      tpu.wait_indirect_dma semaphore(%run_scoped3A : memref<!tpu.dma_semaphore, #tpu.memory_space<semaphore_mem>>) src(%arg11 : memref<1000xf32, #tpu.memory_space<vmem>>) dst(%dma_wait3A_49 : memref<10000xf32, #tpu.memory_space<vmem_shared>>)
      tpu.yield
    }) : () -> ()
    %add3A_32 = arith.constant 15000 : i32
    %add3A_33 = arith.addi %mul3A_2, %add3A_32 : i32
    "tpu.region"() ({
      %run_scoped3A = tpu.sem_alloc : memref<!tpu.dma_semaphore, #tpu.memory_space<semaphore_mem>>
      %dma_start3A = tpu.memref_slice %arg3[%arg0, %add3A_33] : memref<2x320000xi32, #tpu.memory_space<hbm>> -> memref<1x1000xi32, #tpu.memory_space<hbm>>
      %dma_start3A_48 = tpu.memref_squeeze %dma_start3A : memref<1x1000xi32, #tpu.memory_space<hbm>> -> memref<1000xi32, #tpu.memory_space<hbm>>
      %dma_start3A_49 = tpu.memref_slice %arg3[%arg0, %add3A_33] : memref<2x320000xi32, #tpu.memory_space<hbm>> -> memref<1x1000xi32, #tpu.memory_space<hbm>>
      %dma_start3A_50 = tpu.memref_squeeze %dma_start3A_49 : memref<1x1000xi32, #tpu.memory_space<hbm>> -> memref<1000xi32, #tpu.memory_space<hbm>>
      tpu.enqueue_dma source(%dma_start3A_50 : memref<1000xi32, #tpu.memory_space<hbm>>) target(%arg10 : memref<1000xi32, #tpu.memory_space<vmem>>) target_semaphore(%run_scoped3A : memref<!tpu.dma_semaphore, #tpu.memory_space<semaphore_mem>>)
      %dma_wait3A = tpu.memref_slice %arg3[%arg0, %add3A_33] : memref<2x320000xi32, #tpu.memory_space<hbm>> -> memref<1x1000xi32, #tpu.memory_space<hbm>>
      %dma_wait3A_51 = tpu.memref_squeeze %dma_wait3A : memref<1x1000xi32, #tpu.memory_space<hbm>> -> memref<1000xi32, #tpu.memory_space<hbm>>
      %dma_wait3A_52 = tpu.memref_slice %arg3[%arg0, %add3A_33] : memref<2x320000xi32, #tpu.memory_space<hbm>> -> memref<1x1000xi32, #tpu.memory_space<hbm>>
      %dma_wait3A_53 = tpu.memref_squeeze %dma_wait3A_52 : memref<1x1000xi32, #tpu.memory_space<hbm>> -> memref<1000xi32, #tpu.memory_space<hbm>>
      tpu.wait_dma2 semaphore(%run_scoped3A : memref<!tpu.dma_semaphore, #tpu.memory_space<semaphore_mem>>) src(%dma_wait3A_53 : memref<1000xi32, #tpu.memory_space<hbm>>) dst(%arg10 : memref<1000xi32, #tpu.memory_space<vmem>>)
      tpu.yield
    }) : () -> ()
    "tpu.region"() ({
      %run_scoped3A = tpu.sem_alloc : memref<!tpu.dma_semaphore, #tpu.memory_space<semaphore_mem>>
      %dma_start3A = arith.constant 0 : i32
      %dma_start3A_48 = tpu.memref_slice %arg2[%arg0, %add3A_33, %dma_start3A] : memref<2x320000x64xf32, #tpu.memory_space<hbm>> -> memref<1x1000x64xf32, #tpu.memory_space<hbm>>
      %dma_start3A_49 = tpu.memref_squeeze %dma_start3A_48 : memref<1x1000x64xf32, #tpu.memory_space<hbm>> -> memref<1000x64xf32, #tpu.memory_space<hbm>>
      %dma_start3A_50 = arith.constant 0 : i32
      %dma_start3A_51 = tpu.memref_slice %arg2[%arg0, %add3A_33, %dma_start3A_50] : memref<2x320000x64xf32, #tpu.memory_space<hbm>> -> memref<1x1000x64xf32, #tpu.memory_space<hbm>>
      %dma_start3A_52 = tpu.memref_squeeze %dma_start3A_51 : memref<1x1000x64xf32, #tpu.memory_space<hbm>> -> memref<1000x64xf32, #tpu.memory_space<hbm>>
      tpu.enqueue_dma source(%dma_start3A_52 : memref<1000x64xf32, #tpu.memory_space<hbm>>) target(%arg9 : memref<1000x64xf32, #tpu.memory_space<vmem>>) target_semaphore(%run_scoped3A : memref<!tpu.dma_semaphore, #tpu.memory_space<semaphore_mem>>)
      %dma_wait3A = arith.constant 0 : i32
      %dma_wait3A_53 = tpu.memref_slice %arg2[%arg0, %add3A_33, %dma_wait3A] : memref<2x320000x64xf32, #tpu.memory_space<hbm>> -> memref<1x1000x64xf32, #tpu.memory_space<hbm>>
      %dma_wait3A_54 = tpu.memref_squeeze %dma_wait3A_53 : memref<1x1000x64xf32, #tpu.memory_space<hbm>> -> memref<1000x64xf32, #tpu.memory_space<hbm>>
      %dma_wait3A_55 = arith.constant 0 : i32
      %dma_wait3A_56 = tpu.memref_slice %arg2[%arg0, %add3A_33, %dma_wait3A_55] : memref<2x320000x64xf32, #tpu.memory_space<hbm>> -> memref<1x1000x64xf32, #tpu.memory_space<hbm>>
      %dma_wait3A_57 = tpu.memref_squeeze %dma_wait3A_56 : memref<1x1000x64xf32, #tpu.memory_space<hbm>> -> memref<1000x64xf32, #tpu.memory_space<hbm>>
      tpu.wait_dma2 semaphore(%run_scoped3A : memref<!tpu.dma_semaphore, #tpu.memory_space<semaphore_mem>>) src(%dma_wait3A_57 : memref<1000x64xf32, #tpu.memory_space<hbm>>) dst(%arg9 : memref<1000x64xf32, #tpu.memory_space<vmem>>)
      tpu.yield
    }) : () -> ()
    "tpu.region"() ({
      %run_scoped3A = tpu.sem_alloc : memref<!tpu.dma_semaphore, #tpu.memory_space<semaphore_mem>>
      %dma_start3A = arith.constant 0 : i32
      %dma_start3A_48 = arith.constant 0 : i32
      %dma_start3A_49 = tpu.memref_slice %arg12[%dma_start3A, %dma_start3A_48] : memref<10000x64xf32, #tpu.memory_space<vmem_shared>> -> memref<10000x64xf32, #tpu.memory_space<vmem_shared>>
      tpu.enqueue_indirect_dma source(%arg9 : memref<1000x64xf32, #tpu.memory_space<vmem>>) target(%dma_start3A_49 : memref<10000x64xf32, #tpu.memory_space<vmem_shared>>) offsets(%arg10 : memref<1000xi32, #tpu.memory_space<vmem>>) semaphore(%run_scoped3A : memref<!tpu.dma_semaphore, #tpu.memory_space<semaphore_mem>>) {add = true}
      %dma_wait3A = arith.constant 0 : i32
      %dma_wait3A_50 = arith.constant 0 : i32
      %dma_wait3A_51 = tpu.memref_slice %arg12[%dma_wait3A, %dma_wait3A_50] : memref<10000x64xf32, #tpu.memory_space<vmem_shared>> -> memref<10000x64xf32, #tpu.memory_space<vmem_shared>>
      tpu.wait_indirect_dma semaphore(%run_scoped3A : memref<!tpu.dma_semaphore, #tpu.memory_space<semaphore_mem>>) src(%arg9 : memref<1000x64xf32, #tpu.memory_space<vmem>>) dst(%dma_wait3A_51 : memref<10000x64xf32, #tpu.memory_space<vmem_shared>>)
      tpu.yield
    }) : () -> ()
    "tpu.region"() ({
      %run_scoped3A = tpu.sem_alloc : memref<!tpu.dma_semaphore, #tpu.memory_space<semaphore_mem>>
      %dma_start3A = arith.constant 0 : i32
      %dma_start3A_48 = tpu.memref_slice %arg13[%dma_start3A] : memref<10000xf32, #tpu.memory_space<vmem_shared>> -> memref<10000xf32, #tpu.memory_space<vmem_shared>>
      tpu.enqueue_indirect_dma source(%arg11 : memref<1000xf32, #tpu.memory_space<vmem>>) target(%dma_start3A_48 : memref<10000xf32, #tpu.memory_space<vmem_shared>>) offsets(%arg10 : memref<1000xi32, #tpu.memory_space<vmem>>) semaphore(%run_scoped3A : memref<!tpu.dma_semaphore, #tpu.memory_space<semaphore_mem>>) {add = true}
      %dma_wait3A = arith.constant 0 : i32
      %dma_wait3A_49 = tpu.memref_slice %arg13[%dma_wait3A] : memref<10000xf32, #tpu.memory_space<vmem_shared>> -> memref<10000xf32, #tpu.memory_space<vmem_shared>>
      tpu.wait_indirect_dma semaphore(%run_scoped3A : memref<!tpu.dma_semaphore, #tpu.memory_space<semaphore_mem>>) src(%arg11 : memref<1000xf32, #tpu.memory_space<vmem>>) dst(%dma_wait3A_49 : memref<10000xf32, #tpu.memory_space<vmem_shared>>)
      tpu.yield
    }) : () -> ()
    %add3A_34 = arith.constant 16000 : i32
    %add3A_35 = arith.addi %mul3A_2, %add3A_34 : i32
    "tpu.region"() ({
      %run_scoped3A = tpu.sem_alloc : memref<!tpu.dma_semaphore, #tpu.memory_space<semaphore_mem>>
      %dma_start3A = tpu.memref_slice %arg3[%arg0, %add3A_35] : memref<2x320000xi32, #tpu.memory_space<hbm>> -> memref<1x1000xi32, #tpu.memory_space<hbm>>
      %dma_start3A_48 = tpu.memref_squeeze %dma_start3A : memref<1x1000xi32, #tpu.memory_space<hbm>> -> memref<1000xi32, #tpu.memory_space<hbm>>
      %dma_start3A_49 = tpu.memref_slice %arg3[%arg0, %add3A_35] : memref<2x320000xi32, #tpu.memory_space<hbm>> -> memref<1x1000xi32, #tpu.memory_space<hbm>>
      %dma_start3A_50 = tpu.memref_squeeze %dma_start3A_49 : memref<1x1000xi32, #tpu.memory_space<hbm>> -> memref<1000xi32, #tpu.memory_space<hbm>>
      tpu.enqueue_dma source(%dma_start3A_50 : memref<1000xi32, #tpu.memory_space<hbm>>) target(%arg10 : memref<1000xi32, #tpu.memory_space<vmem>>) target_semaphore(%run_scoped3A : memref<!tpu.dma_semaphore, #tpu.memory_space<semaphore_mem>>)
      %dma_wait3A = tpu.memref_slice %arg3[%arg0, %add3A_35] : memref<2x320000xi32, #tpu.memory_space<hbm>> -> memref<1x1000xi32, #tpu.memory_space<hbm>>
      %dma_wait3A_51 = tpu.memref_squeeze %dma_wait3A : memref<1x1000xi32, #tpu.memory_space<hbm>> -> memref<1000xi32, #tpu.memory_space<hbm>>
      %dma_wait3A_52 = tpu.memref_slice %arg3[%arg0, %add3A_35] : memref<2x320000xi32, #tpu.memory_space<hbm>> -> memref<1x1000xi32, #tpu.memory_space<hbm>>
      %dma_wait3A_53 = tpu.memref_squeeze %dma_wait3A_52 : memref<1x1000xi32, #tpu.memory_space<hbm>> -> memref<1000xi32, #tpu.memory_space<hbm>>
      tpu.wait_dma2 semaphore(%run_scoped3A : memref<!tpu.dma_semaphore, #tpu.memory_space<semaphore_mem>>) src(%dma_wait3A_53 : memref<1000xi32, #tpu.memory_space<hbm>>) dst(%arg10 : memref<1000xi32, #tpu.memory_space<vmem>>)
      tpu.yield
    }) : () -> ()
    "tpu.region"() ({
      %run_scoped3A = tpu.sem_alloc : memref<!tpu.dma_semaphore, #tpu.memory_space<semaphore_mem>>
      %dma_start3A = arith.constant 0 : i32
      %dma_start3A_48 = tpu.memref_slice %arg2[%arg0, %add3A_35, %dma_start3A] : memref<2x320000x64xf32, #tpu.memory_space<hbm>> -> memref<1x1000x64xf32, #tpu.memory_space<hbm>>
      %dma_start3A_49 = tpu.memref_squeeze %dma_start3A_48 : memref<1x1000x64xf32, #tpu.memory_space<hbm>> -> memref<1000x64xf32, #tpu.memory_space<hbm>>
      %dma_start3A_50 = arith.constant 0 : i32
      %dma_start3A_51 = tpu.memref_slice %arg2[%arg0, %add3A_35, %dma_start3A_50] : memref<2x320000x64xf32, #tpu.memory_space<hbm>> -> memref<1x1000x64xf32, #tpu.memory_space<hbm>>
      %dma_start3A_52 = tpu.memref_squeeze %dma_start3A_51 : memref<1x1000x64xf32, #tpu.memory_space<hbm>> -> memref<1000x64xf32, #tpu.memory_space<hbm>>
      tpu.enqueue_dma source(%dma_start3A_52 : memref<1000x64xf32, #tpu.memory_space<hbm>>) target(%arg9 : memref<1000x64xf32, #tpu.memory_space<vmem>>) target_semaphore(%run_scoped3A : memref<!tpu.dma_semaphore, #tpu.memory_space<semaphore_mem>>)
      %dma_wait3A = arith.constant 0 : i32
      %dma_wait3A_53 = tpu.memref_slice %arg2[%arg0, %add3A_35, %dma_wait3A] : memref<2x320000x64xf32, #tpu.memory_space<hbm>> -> memref<1x1000x64xf32, #tpu.memory_space<hbm>>
      %dma_wait3A_54 = tpu.memref_squeeze %dma_wait3A_53 : memref<1x1000x64xf32, #tpu.memory_space<hbm>> -> memref<1000x64xf32, #tpu.memory_space<hbm>>
      %dma_wait3A_55 = arith.constant 0 : i32
      %dma_wait3A_56 = tpu.memref_slice %arg2[%arg0, %add3A_35, %dma_wait3A_55] : memref<2x320000x64xf32, #tpu.memory_space<hbm>> -> memref<1x1000x64xf32, #tpu.memory_space<hbm>>
      %dma_wait3A_57 = tpu.memref_squeeze %dma_wait3A_56 : memref<1x1000x64xf32, #tpu.memory_space<hbm>> -> memref<1000x64xf32, #tpu.memory_space<hbm>>
      tpu.wait_dma2 semaphore(%run_scoped3A : memref<!tpu.dma_semaphore, #tpu.memory_space<semaphore_mem>>) src(%dma_wait3A_57 : memref<1000x64xf32, #tpu.memory_space<hbm>>) dst(%arg9 : memref<1000x64xf32, #tpu.memory_space<vmem>>)
      tpu.yield
    }) : () -> ()
    "tpu.region"() ({
      %run_scoped3A = tpu.sem_alloc : memref<!tpu.dma_semaphore, #tpu.memory_space<semaphore_mem>>
      %dma_start3A = arith.constant 0 : i32
      %dma_start3A_48 = arith.constant 0 : i32
      %dma_start3A_49 = tpu.memref_slice %arg12[%dma_start3A, %dma_start3A_48] : memref<10000x64xf32, #tpu.memory_space<vmem_shared>> -> memref<10000x64xf32, #tpu.memory_space<vmem_shared>>
      tpu.enqueue_indirect_dma source(%arg9 : memref<1000x64xf32, #tpu.memory_space<vmem>>) target(%dma_start3A_49 : memref<10000x64xf32, #tpu.memory_space<vmem_shared>>) offsets(%arg10 : memref<1000xi32, #tpu.memory_space<vmem>>) semaphore(%run_scoped3A : memref<!tpu.dma_semaphore, #tpu.memory_space<semaphore_mem>>) {add = true}
      %dma_wait3A = arith.constant 0 : i32
      %dma_wait3A_50 = arith.constant 0 : i32
      %dma_wait3A_51 = tpu.memref_slice %arg12[%dma_wait3A, %dma_wait3A_50] : memref<10000x64xf32, #tpu.memory_space<vmem_shared>> -> memref<10000x64xf32, #tpu.memory_space<vmem_shared>>
      tpu.wait_indirect_dma semaphore(%run_scoped3A : memref<!tpu.dma_semaphore, #tpu.memory_space<semaphore_mem>>) src(%arg9 : memref<1000x64xf32, #tpu.memory_space<vmem>>) dst(%dma_wait3A_51 : memref<10000x64xf32, #tpu.memory_space<vmem_shared>>)
      tpu.yield
    }) : () -> ()
    "tpu.region"() ({
      %run_scoped3A = tpu.sem_alloc : memref<!tpu.dma_semaphore, #tpu.memory_space<semaphore_mem>>
      %dma_start3A = arith.constant 0 : i32
      %dma_start3A_48 = tpu.memref_slice %arg13[%dma_start3A] : memref<10000xf32, #tpu.memory_space<vmem_shared>> -> memref<10000xf32, #tpu.memory_space<vmem_shared>>
      tpu.enqueue_indirect_dma source(%arg11 : memref<1000xf32, #tpu.memory_space<vmem>>) target(%dma_start3A_48 : memref<10000xf32, #tpu.memory_space<vmem_shared>>) offsets(%arg10 : memref<1000xi32, #tpu.memory_space<vmem>>) semaphore(%run_scoped3A : memref<!tpu.dma_semaphore, #tpu.memory_space<semaphore_mem>>) {add = true}
      %dma_wait3A = arith.constant 0 : i32
      %dma_wait3A_49 = tpu.memref_slice %arg13[%dma_wait3A] : memref<10000xf32, #tpu.memory_space<vmem_shared>> -> memref<10000xf32, #tpu.memory_space<vmem_shared>>
      tpu.wait_indirect_dma semaphore(%run_scoped3A : memref<!tpu.dma_semaphore, #tpu.memory_space<semaphore_mem>>) src(%arg11 : memref<1000xf32, #tpu.memory_space<vmem>>) dst(%dma_wait3A_49 : memref<10000xf32, #tpu.memory_space<vmem_shared>>)
      tpu.yield
    }) : () -> ()
    %add3A_36 = arith.constant 17000 : i32
    %add3A_37 = arith.addi %mul3A_2, %add3A_36 : i32
    "tpu.region"() ({
      %run_scoped3A = tpu.sem_alloc : memref<!tpu.dma_semaphore, #tpu.memory_space<semaphore_mem>>
      %dma_start3A = tpu.memref_slice %arg3[%arg0, %add3A_37] : memref<2x320000xi32, #tpu.memory_space<hbm>> -> memref<1x1000xi32, #tpu.memory_space<hbm>>
      %dma_start3A_48 = tpu.memref_squeeze %dma_start3A : memref<1x1000xi32, #tpu.memory_space<hbm>> -> memref<1000xi32, #tpu.memory_space<hbm>>
      %dma_start3A_49 = tpu.memref_slice %arg3[%arg0, %add3A_37] : memref<2x320000xi32, #tpu.memory_space<hbm>> -> memref<1x1000xi32, #tpu.memory_space<hbm>>
      %dma_start3A_50 = tpu.memref_squeeze %dma_start3A_49 : memref<1x1000xi32, #tpu.memory_space<hbm>> -> memref<1000xi32, #tpu.memory_space<hbm>>
      tpu.enqueue_dma source(%dma_start3A_50 : memref<1000xi32, #tpu.memory_space<hbm>>) target(%arg10 : memref<1000xi32, #tpu.memory_space<vmem>>) target_semaphore(%run_scoped3A : memref<!tpu.dma_semaphore, #tpu.memory_space<semaphore_mem>>)
      %dma_wait3A = tpu.memref_slice %arg3[%arg0, %add3A_37] : memref<2x320000xi32, #tpu.memory_space<hbm>> -> memref<1x1000xi32, #tpu.memory_space<hbm>>
      %dma_wait3A_51 = tpu.memref_squeeze %dma_wait3A : memref<1x1000xi32, #tpu.memory_space<hbm>> -> memref<1000xi32, #tpu.memory_space<hbm>>
      %dma_wait3A_52 = tpu.memref_slice %arg3[%arg0, %add3A_37] : memref<2x320000xi32, #tpu.memory_space<hbm>> -> memref<1x1000xi32, #tpu.memory_space<hbm>>
      %dma_wait3A_53 = tpu.memref_squeeze %dma_wait3A_52 : memref<1x1000xi32, #tpu.memory_space<hbm>> -> memref<1000xi32, #tpu.memory_space<hbm>>
      tpu.wait_dma2 semaphore(%run_scoped3A : memref<!tpu.dma_semaphore, #tpu.memory_space<semaphore_mem>>) src(%dma_wait3A_53 : memref<1000xi32, #tpu.memory_space<hbm>>) dst(%arg10 : memref<1000xi32, #tpu.memory_space<vmem>>)
      tpu.yield
    }) : () -> ()
    "tpu.region"() ({
      %run_scoped3A = tpu.sem_alloc : memref<!tpu.dma_semaphore, #tpu.memory_space<semaphore_mem>>
      %dma_start3A = arith.constant 0 : i32
      %dma_start3A_48 = tpu.memref_slice %arg2[%arg0, %add3A_37, %dma_start3A] : memref<2x320000x64xf32, #tpu.memory_space<hbm>> -> memref<1x1000x64xf32, #tpu.memory_space<hbm>>
      %dma_start3A_49 = tpu.memref_squeeze %dma_start3A_48 : memref<1x1000x64xf32, #tpu.memory_space<hbm>> -> memref<1000x64xf32, #tpu.memory_space<hbm>>
      %dma_start3A_50 = arith.constant 0 : i32
      %dma_start3A_51 = tpu.memref_slice %arg2[%arg0, %add3A_37, %dma_start3A_50] : memref<2x320000x64xf32, #tpu.memory_space<hbm>> -> memref<1x1000x64xf32, #tpu.memory_space<hbm>>
      %dma_start3A_52 = tpu.memref_squeeze %dma_start3A_51 : memref<1x1000x64xf32, #tpu.memory_space<hbm>> -> memref<1000x64xf32, #tpu.memory_space<hbm>>
      tpu.enqueue_dma source(%dma_start3A_52 : memref<1000x64xf32, #tpu.memory_space<hbm>>) target(%arg9 : memref<1000x64xf32, #tpu.memory_space<vmem>>) target_semaphore(%run_scoped3A : memref<!tpu.dma_semaphore, #tpu.memory_space<semaphore_mem>>)
      %dma_wait3A = arith.constant 0 : i32
      %dma_wait3A_53 = tpu.memref_slice %arg2[%arg0, %add3A_37, %dma_wait3A] : memref<2x320000x64xf32, #tpu.memory_space<hbm>> -> memref<1x1000x64xf32, #tpu.memory_space<hbm>>
      %dma_wait3A_54 = tpu.memref_squeeze %dma_wait3A_53 : memref<1x1000x64xf32, #tpu.memory_space<hbm>> -> memref<1000x64xf32, #tpu.memory_space<hbm>>
      %dma_wait3A_55 = arith.constant 0 : i32
      %dma_wait3A_56 = tpu.memref_slice %arg2[%arg0, %add3A_37, %dma_wait3A_55] : memref<2x320000x64xf32, #tpu.memory_space<hbm>> -> memref<1x1000x64xf32, #tpu.memory_space<hbm>>
      %dma_wait3A_57 = tpu.memref_squeeze %dma_wait3A_56 : memref<1x1000x64xf32, #tpu.memory_space<hbm>> -> memref<1000x64xf32, #tpu.memory_space<hbm>>
      tpu.wait_dma2 semaphore(%run_scoped3A : memref<!tpu.dma_semaphore, #tpu.memory_space<semaphore_mem>>) src(%dma_wait3A_57 : memref<1000x64xf32, #tpu.memory_space<hbm>>) dst(%arg9 : memref<1000x64xf32, #tpu.memory_space<vmem>>)
      tpu.yield
    }) : () -> ()
    "tpu.region"() ({
      %run_scoped3A = tpu.sem_alloc : memref<!tpu.dma_semaphore, #tpu.memory_space<semaphore_mem>>
      %dma_start3A = arith.constant 0 : i32
      %dma_start3A_48 = arith.constant 0 : i32
      %dma_start3A_49 = tpu.memref_slice %arg12[%dma_start3A, %dma_start3A_48] : memref<10000x64xf32, #tpu.memory_space<vmem_shared>> -> memref<10000x64xf32, #tpu.memory_space<vmem_shared>>
      tpu.enqueue_indirect_dma source(%arg9 : memref<1000x64xf32, #tpu.memory_space<vmem>>) target(%dma_start3A_49 : memref<10000x64xf32, #tpu.memory_space<vmem_shared>>) offsets(%arg10 : memref<1000xi32, #tpu.memory_space<vmem>>) semaphore(%run_scoped3A : memref<!tpu.dma_semaphore, #tpu.memory_space<semaphore_mem>>) {add = true}
      %dma_wait3A = arith.constant 0 : i32
      %dma_wait3A_50 = arith.constant 0 : i32
      %dma_wait3A_51 = tpu.memref_slice %arg12[%dma_wait3A, %dma_wait3A_50] : memref<10000x64xf32, #tpu.memory_space<vmem_shared>> -> memref<10000x64xf32, #tpu.memory_space<vmem_shared>>
      tpu.wait_indirect_dma semaphore(%run_scoped3A : memref<!tpu.dma_semaphore, #tpu.memory_space<semaphore_mem>>) src(%arg9 : memref<1000x64xf32, #tpu.memory_space<vmem>>) dst(%dma_wait3A_51 : memref<10000x64xf32, #tpu.memory_space<vmem_shared>>)
      tpu.yield
    }) : () -> ()
    "tpu.region"() ({
      %run_scoped3A = tpu.sem_alloc : memref<!tpu.dma_semaphore, #tpu.memory_space<semaphore_mem>>
      %dma_start3A = arith.constant 0 : i32
      %dma_start3A_48 = tpu.memref_slice %arg13[%dma_start3A] : memref<10000xf32, #tpu.memory_space<vmem_shared>> -> memref<10000xf32, #tpu.memory_space<vmem_shared>>
      tpu.enqueue_indirect_dma source(%arg11 : memref<1000xf32, #tpu.memory_space<vmem>>) target(%dma_start3A_48 : memref<10000xf32, #tpu.memory_space<vmem_shared>>) offsets(%arg10 : memref<1000xi32, #tpu.memory_space<vmem>>) semaphore(%run_scoped3A : memref<!tpu.dma_semaphore, #tpu.memory_space<semaphore_mem>>) {add = true}
      %dma_wait3A = arith.constant 0 : i32
      %dma_wait3A_49 = tpu.memref_slice %arg13[%dma_wait3A] : memref<10000xf32, #tpu.memory_space<vmem_shared>> -> memref<10000xf32, #tpu.memory_space<vmem_shared>>
      tpu.wait_indirect_dma semaphore(%run_scoped3A : memref<!tpu.dma_semaphore, #tpu.memory_space<semaphore_mem>>) src(%arg11 : memref<1000xf32, #tpu.memory_space<vmem>>) dst(%dma_wait3A_49 : memref<10000xf32, #tpu.memory_space<vmem_shared>>)
      tpu.yield
    }) : () -> ()
    %add3A_38 = arith.constant 18000 : i32
    %add3A_39 = arith.addi %mul3A_2, %add3A_38 : i32
    "tpu.region"() ({
      %run_scoped3A = tpu.sem_alloc : memref<!tpu.dma_semaphore, #tpu.memory_space<semaphore_mem>>
      %dma_start3A = tpu.memref_slice %arg3[%arg0, %add3A_39] : memref<2x320000xi32, #tpu.memory_space<hbm>> -> memref<1x1000xi32, #tpu.memory_space<hbm>>
      %dma_start3A_48 = tpu.memref_squeeze %dma_start3A : memref<1x1000xi32, #tpu.memory_space<hbm>> -> memref<1000xi32, #tpu.memory_space<hbm>>
      %dma_start3A_49 = tpu.memref_slice %arg3[%arg0, %add3A_39] : memref<2x320000xi32, #tpu.memory_space<hbm>> -> memref<1x1000xi32, #tpu.memory_space<hbm>>
      %dma_start3A_50 = tpu.memref_squeeze %dma_start3A_49 : memref<1x1000xi32, #tpu.memory_space<hbm>> -> memref<1000xi32, #tpu.memory_space<hbm>>
      tpu.enqueue_dma source(%dma_start3A_50 : memref<1000xi32, #tpu.memory_space<hbm>>) target(%arg10 : memref<1000xi32, #tpu.memory_space<vmem>>) target_semaphore(%run_scoped3A : memref<!tpu.dma_semaphore, #tpu.memory_space<semaphore_mem>>)
      %dma_wait3A = tpu.memref_slice %arg3[%arg0, %add3A_39] : memref<2x320000xi32, #tpu.memory_space<hbm>> -> memref<1x1000xi32, #tpu.memory_space<hbm>>
      %dma_wait3A_51 = tpu.memref_squeeze %dma_wait3A : memref<1x1000xi32, #tpu.memory_space<hbm>> -> memref<1000xi32, #tpu.memory_space<hbm>>
      %dma_wait3A_52 = tpu.memref_slice %arg3[%arg0, %add3A_39] : memref<2x320000xi32, #tpu.memory_space<hbm>> -> memref<1x1000xi32, #tpu.memory_space<hbm>>
      %dma_wait3A_53 = tpu.memref_squeeze %dma_wait3A_52 : memref<1x1000xi32, #tpu.memory_space<hbm>> -> memref<1000xi32, #tpu.memory_space<hbm>>
      tpu.wait_dma2 semaphore(%run_scoped3A : memref<!tpu.dma_semaphore, #tpu.memory_space<semaphore_mem>>) src(%dma_wait3A_53 : memref<1000xi32, #tpu.memory_space<hbm>>) dst(%arg10 : memref<1000xi32, #tpu.memory_space<vmem>>)
      tpu.yield
    }) : () -> ()
    "tpu.region"() ({
      %run_scoped3A = tpu.sem_alloc : memref<!tpu.dma_semaphore, #tpu.memory_space<semaphore_mem>>
      %dma_start3A = arith.constant 0 : i32
      %dma_start3A_48 = tpu.memref_slice %arg2[%arg0, %add3A_39, %dma_start3A] : memref<2x320000x64xf32, #tpu.memory_space<hbm>> -> memref<1x1000x64xf32, #tpu.memory_space<hbm>>
      %dma_start3A_49 = tpu.memref_squeeze %dma_start3A_48 : memref<1x1000x64xf32, #tpu.memory_space<hbm>> -> memref<1000x64xf32, #tpu.memory_space<hbm>>
      %dma_start3A_50 = arith.constant 0 : i32
      %dma_start3A_51 = tpu.memref_slice %arg2[%arg0, %add3A_39, %dma_start3A_50] : memref<2x320000x64xf32, #tpu.memory_space<hbm>> -> memref<1x1000x64xf32, #tpu.memory_space<hbm>>
      %dma_start3A_52 = tpu.memref_squeeze %dma_start3A_51 : memref<1x1000x64xf32, #tpu.memory_space<hbm>> -> memref<1000x64xf32, #tpu.memory_space<hbm>>
      tpu.enqueue_dma source(%dma_start3A_52 : memref<1000x64xf32, #tpu.memory_space<hbm>>) target(%arg9 : memref<1000x64xf32, #tpu.memory_space<vmem>>) target_semaphore(%run_scoped3A : memref<!tpu.dma_semaphore, #tpu.memory_space<semaphore_mem>>)
      %dma_wait3A = arith.constant 0 : i32
      %dma_wait3A_53 = tpu.memref_slice %arg2[%arg0, %add3A_39, %dma_wait3A] : memref<2x320000x64xf32, #tpu.memory_space<hbm>> -> memref<1x1000x64xf32, #tpu.memory_space<hbm>>
      %dma_wait3A_54 = tpu.memref_squeeze %dma_wait3A_53 : memref<1x1000x64xf32, #tpu.memory_space<hbm>> -> memref<1000x64xf32, #tpu.memory_space<hbm>>
      %dma_wait3A_55 = arith.constant 0 : i32
      %dma_wait3A_56 = tpu.memref_slice %arg2[%arg0, %add3A_39, %dma_wait3A_55] : memref<2x320000x64xf32, #tpu.memory_space<hbm>> -> memref<1x1000x64xf32, #tpu.memory_space<hbm>>
      %dma_wait3A_57 = tpu.memref_squeeze %dma_wait3A_56 : memref<1x1000x64xf32, #tpu.memory_space<hbm>> -> memref<1000x64xf32, #tpu.memory_space<hbm>>
      tpu.wait_dma2 semaphore(%run_scoped3A : memref<!tpu.dma_semaphore, #tpu.memory_space<semaphore_mem>>) src(%dma_wait3A_57 : memref<1000x64xf32, #tpu.memory_space<hbm>>) dst(%arg9 : memref<1000x64xf32, #tpu.memory_space<vmem>>)
      tpu.yield
    }) : () -> ()
    "tpu.region"() ({
      %run_scoped3A = tpu.sem_alloc : memref<!tpu.dma_semaphore, #tpu.memory_space<semaphore_mem>>
      %dma_start3A = arith.constant 0 : i32
      %dma_start3A_48 = arith.constant 0 : i32
      %dma_start3A_49 = tpu.memref_slice %arg12[%dma_start3A, %dma_start3A_48] : memref<10000x64xf32, #tpu.memory_space<vmem_shared>> -> memref<10000x64xf32, #tpu.memory_space<vmem_shared>>
      tpu.enqueue_indirect_dma source(%arg9 : memref<1000x64xf32, #tpu.memory_space<vmem>>) target(%dma_start3A_49 : memref<10000x64xf32, #tpu.memory_space<vmem_shared>>) offsets(%arg10 : memref<1000xi32, #tpu.memory_space<vmem>>) semaphore(%run_scoped3A : memref<!tpu.dma_semaphore, #tpu.memory_space<semaphore_mem>>) {add = true}
      %dma_wait3A = arith.constant 0 : i32
      %dma_wait3A_50 = arith.constant 0 : i32
      %dma_wait3A_51 = tpu.memref_slice %arg12[%dma_wait3A, %dma_wait3A_50] : memref<10000x64xf32, #tpu.memory_space<vmem_shared>> -> memref<10000x64xf32, #tpu.memory_space<vmem_shared>>
      tpu.wait_indirect_dma semaphore(%run_scoped3A : memref<!tpu.dma_semaphore, #tpu.memory_space<semaphore_mem>>) src(%arg9 : memref<1000x64xf32, #tpu.memory_space<vmem>>) dst(%dma_wait3A_51 : memref<10000x64xf32, #tpu.memory_space<vmem_shared>>)
      tpu.yield
    }) : () -> ()
    "tpu.region"() ({
      %run_scoped3A = tpu.sem_alloc : memref<!tpu.dma_semaphore, #tpu.memory_space<semaphore_mem>>
      %dma_start3A = arith.constant 0 : i32
      %dma_start3A_48 = tpu.memref_slice %arg13[%dma_start3A] : memref<10000xf32, #tpu.memory_space<vmem_shared>> -> memref<10000xf32, #tpu.memory_space<vmem_shared>>
      tpu.enqueue_indirect_dma source(%arg11 : memref<1000xf32, #tpu.memory_space<vmem>>) target(%dma_start3A_48 : memref<10000xf32, #tpu.memory_space<vmem_shared>>) offsets(%arg10 : memref<1000xi32, #tpu.memory_space<vmem>>) semaphore(%run_scoped3A : memref<!tpu.dma_semaphore, #tpu.memory_space<semaphore_mem>>) {add = true}
      %dma_wait3A = arith.constant 0 : i32
      %dma_wait3A_49 = tpu.memref_slice %arg13[%dma_wait3A] : memref<10000xf32, #tpu.memory_space<vmem_shared>> -> memref<10000xf32, #tpu.memory_space<vmem_shared>>
      tpu.wait_indirect_dma semaphore(%run_scoped3A : memref<!tpu.dma_semaphore, #tpu.memory_space<semaphore_mem>>) src(%arg11 : memref<1000xf32, #tpu.memory_space<vmem>>) dst(%dma_wait3A_49 : memref<10000xf32, #tpu.memory_space<vmem_shared>>)
      tpu.yield
    }) : () -> ()
    %add3A_40 = arith.constant 19000 : i32
    %add3A_41 = arith.addi %mul3A_2, %add3A_40 : i32
    "tpu.region"() ({
      %run_scoped3A = tpu.sem_alloc : memref<!tpu.dma_semaphore, #tpu.memory_space<semaphore_mem>>
      %dma_start3A = tpu.memref_slice %arg3[%arg0, %add3A_41] : memref<2x320000xi32, #tpu.memory_space<hbm>> -> memref<1x1000xi32, #tpu.memory_space<hbm>>
      %dma_start3A_48 = tpu.memref_squeeze %dma_start3A : memref<1x1000xi32, #tpu.memory_space<hbm>> -> memref<1000xi32, #tpu.memory_space<hbm>>
      %dma_start3A_49 = tpu.memref_slice %arg3[%arg0, %add3A_41] : memref<2x320000xi32, #tpu.memory_space<hbm>> -> memref<1x1000xi32, #tpu.memory_space<hbm>>
      %dma_start3A_50 = tpu.memref_squeeze %dma_start3A_49 : memref<1x1000xi32, #tpu.memory_space<hbm>> -> memref<1000xi32, #tpu.memory_space<hbm>>
      tpu.enqueue_dma source(%dma_start3A_50 : memref<1000xi32, #tpu.memory_space<hbm>>) target(%arg10 : memref<1000xi32, #tpu.memory_space<vmem>>) target_semaphore(%run_scoped3A : memref<!tpu.dma_semaphore, #tpu.memory_space<semaphore_mem>>)
      %dma_wait3A = tpu.memref_slice %arg3[%arg0, %add3A_41] : memref<2x320000xi32, #tpu.memory_space<hbm>> -> memref<1x1000xi32, #tpu.memory_space<hbm>>
      %dma_wait3A_51 = tpu.memref_squeeze %dma_wait3A : memref<1x1000xi32, #tpu.memory_space<hbm>> -> memref<1000xi32, #tpu.memory_space<hbm>>
      %dma_wait3A_52 = tpu.memref_slice %arg3[%arg0, %add3A_41] : memref<2x320000xi32, #tpu.memory_space<hbm>> -> memref<1x1000xi32, #tpu.memory_space<hbm>>
      %dma_wait3A_53 = tpu.memref_squeeze %dma_wait3A_52 : memref<1x1000xi32, #tpu.memory_space<hbm>> -> memref<1000xi32, #tpu.memory_space<hbm>>
      tpu.wait_dma2 semaphore(%run_scoped3A : memref<!tpu.dma_semaphore, #tpu.memory_space<semaphore_mem>>) src(%dma_wait3A_53 : memref<1000xi32, #tpu.memory_space<hbm>>) dst(%arg10 : memref<1000xi32, #tpu.memory_space<vmem>>)
      tpu.yield
    }) : () -> ()
    "tpu.region"() ({
      %run_scoped3A = tpu.sem_alloc : memref<!tpu.dma_semaphore, #tpu.memory_space<semaphore_mem>>
      %dma_start3A = arith.constant 0 : i32
      %dma_start3A_48 = tpu.memref_slice %arg2[%arg0, %add3A_41, %dma_start3A] : memref<2x320000x64xf32, #tpu.memory_space<hbm>> -> memref<1x1000x64xf32, #tpu.memory_space<hbm>>
      %dma_start3A_49 = tpu.memref_squeeze %dma_start3A_48 : memref<1x1000x64xf32, #tpu.memory_space<hbm>> -> memref<1000x64xf32, #tpu.memory_space<hbm>>
      %dma_start3A_50 = arith.constant 0 : i32
      %dma_start3A_51 = tpu.memref_slice %arg2[%arg0, %add3A_41, %dma_start3A_50] : memref<2x320000x64xf32, #tpu.memory_space<hbm>> -> memref<1x1000x64xf32, #tpu.memory_space<hbm>>
      %dma_start3A_52 = tpu.memref_squeeze %dma_start3A_51 : memref<1x1000x64xf32, #tpu.memory_space<hbm>> -> memref<1000x64xf32, #tpu.memory_space<hbm>>
      tpu.enqueue_dma source(%dma_start3A_52 : memref<1000x64xf32, #tpu.memory_space<hbm>>) target(%arg9 : memref<1000x64xf32, #tpu.memory_space<vmem>>) target_semaphore(%run_scoped3A : memref<!tpu.dma_semaphore, #tpu.memory_space<semaphore_mem>>)
      %dma_wait3A = arith.constant 0 : i32
      %dma_wait3A_53 = tpu.memref_slice %arg2[%arg0, %add3A_41, %dma_wait3A] : memref<2x320000x64xf32, #tpu.memory_space<hbm>> -> memref<1x1000x64xf32, #tpu.memory_space<hbm>>
      %dma_wait3A_54 = tpu.memref_squeeze %dma_wait3A_53 : memref<1x1000x64xf32, #tpu.memory_space<hbm>> -> memref<1000x64xf32, #tpu.memory_space<hbm>>
      %dma_wait3A_55 = arith.constant 0 : i32
      %dma_wait3A_56 = tpu.memref_slice %arg2[%arg0, %add3A_41, %dma_wait3A_55] : memref<2x320000x64xf32, #tpu.memory_space<hbm>> -> memref<1x1000x64xf32, #tpu.memory_space<hbm>>
      %dma_wait3A_57 = tpu.memref_squeeze %dma_wait3A_56 : memref<1x1000x64xf32, #tpu.memory_space<hbm>> -> memref<1000x64xf32, #tpu.memory_space<hbm>>
      tpu.wait_dma2 semaphore(%run_scoped3A : memref<!tpu.dma_semaphore, #tpu.memory_space<semaphore_mem>>) src(%dma_wait3A_57 : memref<1000x64xf32, #tpu.memory_space<hbm>>) dst(%arg9 : memref<1000x64xf32, #tpu.memory_space<vmem>>)
      tpu.yield
    }) : () -> ()
    "tpu.region"() ({
      %run_scoped3A = tpu.sem_alloc : memref<!tpu.dma_semaphore, #tpu.memory_space<semaphore_mem>>
      %dma_start3A = arith.constant 0 : i32
      %dma_start3A_48 = arith.constant 0 : i32
      %dma_start3A_49 = tpu.memref_slice %arg12[%dma_start3A, %dma_start3A_48] : memref<10000x64xf32, #tpu.memory_space<vmem_shared>> -> memref<10000x64xf32, #tpu.memory_space<vmem_shared>>
      tpu.enqueue_indirect_dma source(%arg9 : memref<1000x64xf32, #tpu.memory_space<vmem>>) target(%dma_start3A_49 : memref<10000x64xf32, #tpu.memory_space<vmem_shared>>) offsets(%arg10 : memref<1000xi32, #tpu.memory_space<vmem>>) semaphore(%run_scoped3A : memref<!tpu.dma_semaphore, #tpu.memory_space<semaphore_mem>>) {add = true}
      %dma_wait3A = arith.constant 0 : i32
      %dma_wait3A_50 = arith.constant 0 : i32
      %dma_wait3A_51 = tpu.memref_slice %arg12[%dma_wait3A, %dma_wait3A_50] : memref<10000x64xf32, #tpu.memory_space<vmem_shared>> -> memref<10000x64xf32, #tpu.memory_space<vmem_shared>>
      tpu.wait_indirect_dma semaphore(%run_scoped3A : memref<!tpu.dma_semaphore, #tpu.memory_space<semaphore_mem>>) src(%arg9 : memref<1000x64xf32, #tpu.memory_space<vmem>>) dst(%dma_wait3A_51 : memref<10000x64xf32, #tpu.memory_space<vmem_shared>>)
      tpu.yield
    }) : () -> ()
    "tpu.region"() ({
      %run_scoped3A = tpu.sem_alloc : memref<!tpu.dma_semaphore, #tpu.memory_space<semaphore_mem>>
      %dma_start3A = arith.constant 0 : i32
      %dma_start3A_48 = tpu.memref_slice %arg13[%dma_start3A] : memref<10000xf32, #tpu.memory_space<vmem_shared>> -> memref<10000xf32, #tpu.memory_space<vmem_shared>>
      tpu.enqueue_indirect_dma source(%arg11 : memref<1000xf32, #tpu.memory_space<vmem>>) target(%dma_start3A_48 : memref<10000xf32, #tpu.memory_space<vmem_shared>>) offsets(%arg10 : memref<1000xi32, #tpu.memory_space<vmem>>) semaphore(%run_scoped3A : memref<!tpu.dma_semaphore, #tpu.memory_space<semaphore_mem>>) {add = true}
      %dma_wait3A = arith.constant 0 : i32
      %dma_wait3A_49 = tpu.memref_slice %arg13[%dma_wait3A] : memref<10000xf32, #tpu.memory_space<vmem_shared>> -> memref<10000xf32, #tpu.memory_space<vmem_shared>>
      tpu.wait_indirect_dma semaphore(%run_scoped3A : memref<!tpu.dma_semaphore, #tpu.memory_space<semaphore_mem>>) src(%arg11 : memref<1000xf32, #tpu.memory_space<vmem>>) dst(%dma_wait3A_49 : memref<10000xf32, #tpu.memory_space<vmem_shared>>)
      tpu.yield
    }) : () -> ()
    %barrier3A_42 = arith.constant 0 : index
    tpu.barrier barrier_id(%barrier3A_42)
    %eq3A_43 = arith.constant 0 : i32
    %eq3A_44 = arith.cmpi eq, %arg1, %eq3A_43 : i32
    %convert_element_type3A_45 = arith.extui %eq3A_44 : i1 to i32
    %cond3A_46 = arith.constant 0 : i32
    %cond3A_47 = arith.cmpi ne, %convert_element_type3A_45, %cond3A_46 : i32
    scf.if %cond3A_47 {
      "tpu.region"() ({
        %run_scoped3A = tpu.sem_alloc : memref<!tpu.dma_semaphore, #tpu.memory_space<semaphore_mem>>
        %dma_start3A = arith.constant 0 : i32
        %dma_start3A_48 = arith.constant 0 : i32
        %dma_start3A_49 = tpu.memref_slice %arg7[%arg0, %dma_start3A, %dma_start3A_48] : memref<2x10000x64xf32, #tpu.memory_space<hbm>> -> memref<1x10000x64xf32, #tpu.memory_space<hbm>>
        %dma_start3A_50 = tpu.memref_squeeze %dma_start3A_49 : memref<1x10000x64xf32, #tpu.memory_space<hbm>> -> memref<10000x64xf32, #tpu.memory_space<hbm>>
        tpu.enqueue_dma source(%arg12 : memref<10000x64xf32, #tpu.memory_space<vmem_shared>>) target(%dma_start3A_50 : memref<10000x64xf32, #tpu.memory_space<hbm>>) target_semaphore(%run_scoped3A : memref<!tpu.dma_semaphore, #tpu.memory_space<semaphore_mem>>)
        %dma_wait3A = arith.constant 0 : i32
        %dma_wait3A_51 = arith.constant 0 : i32
        %dma_wait3A_52 = tpu.memref_slice %arg7[%arg0, %dma_wait3A, %dma_wait3A_51] : memref<2x10000x64xf32, #tpu.memory_space<hbm>> -> memref<1x10000x64xf32, #tpu.memory_space<hbm>>
        %dma_wait3A_53 = tpu.memref_squeeze %dma_wait3A_52 : memref<1x10000x64xf32, #tpu.memory_space<hbm>> -> memref<10000x64xf32, #tpu.memory_space<hbm>>
        tpu.wait_dma2 semaphore(%run_scoped3A : memref<!tpu.dma_semaphore, #tpu.memory_space<semaphore_mem>>) src(%arg12 : memref<10000x64xf32, #tpu.memory_space<vmem_shared>>) dst(%dma_wait3A_53 : memref<10000x64xf32, #tpu.memory_space<hbm>>)
        tpu.yield
      }) : () -> ()
      "tpu.region"() ({
        %run_scoped3A = tpu.sem_alloc : memref<!tpu.dma_semaphore, #tpu.memory_space<semaphore_mem>>
        %dma_start3A = arith.constant 0 : i32
        %dma_start3A_48 = tpu.memref_slice %arg8[%arg0, %dma_start3A] : memref<2x10000xf32, #tpu.memory_space<hbm>> -> memref<1x10000xf32, #tpu.memory_space<hbm>>
        %dma_start3A_49 = tpu.memref_squeeze %dma_start3A_48 : memref<1x10000xf32, #tpu.memory_space<hbm>> -> memref<10000xf32, #tpu.memory_space<hbm>>
        tpu.enqueue_dma source(%arg13 : memref<10000xf32, #tpu.memory_space<vmem_shared>>) target(%dma_start3A_49 : memref<10000xf32, #tpu.memory_space<hbm>>) target_semaphore(%run_scoped3A : memref<!tpu.dma_semaphore, #tpu.memory_space<semaphore_mem>>)
        %dma_wait3A = arith.constant 0 : i32
        %dma_wait3A_50 = tpu.memref_slice %arg8[%arg0, %dma_wait3A] : memref<2x10000xf32, #tpu.memory_space<hbm>> -> memref<1x10000xf32, #tpu.memory_space<hbm>>
        %dma_wait3A_51 = tpu.memref_squeeze %dma_wait3A_50 : memref<1x10000xf32, #tpu.memory_space<hbm>> -> memref<10000xf32, #tpu.memory_space<hbm>>
        tpu.wait_dma2 semaphore(%run_scoped3A : memref<!tpu.dma_semaphore, #tpu.memory_space<semaphore_mem>>) src(%arg13 : memref<10000xf32, #tpu.memory_space<vmem_shared>>) dst(%dma_wait3A_51 : memref<10000xf32, #tpu.memory_space<hbm>>)
        tpu.yield
      }) : () -> ()
    } else {
    }
    return
  }
}

#map = affine_map<(d0, d1) -> (0, 0, 0, 0, 0)>
#map1 = affine_map<(d0, d1) -> (0, 0, 0, 0)>
#map2 = affine_map<(d0, d1) -> (0, 0)>
module attributes {stable_mosaic.version = 14 : i64} {
  func.func @_scmax_body(%arg0: i32, %arg1: i32, %arg2: memref<2x8x8x2500x128xf32, #tpu.memory_space<hbm>>, %arg3: memref<2x8x10000x8xf32, #tpu.memory_space<hbm>>, %arg4: memref<2x320000xi32, #tpu.memory_space<hbm>>, %arg5: memref<2x320000xi32, #tpu.memory_space<hbm>>, %arg6: memref<625x128xf32, #tpu.memory_space<hbm>>, %arg7: memref<2x4x8x625x128xf32, #tpu.memory_space<hbm>>, %arg8: memref<8x5x128xf32, #tpu.memory_space<vmem>>, %arg9: memref<640x8xf32, #tpu.memory_space<vmem>>, %arg10: memref<640xi32, #tpu.memory_space<vmem>>, %arg11: memref<640xi32, #tpu.memory_space<vmem>>, %arg12: memref<625x128xf32, #tpu.memory_space<vmem>>) attributes {dimension_semantics = [#tpu.dimension_semantics<core_parallel>, #tpu.dimension_semantics<subcore_parallel>], iteration_bounds = array<i64: 2, 16>, scalar_prefetch = 0 : i64, scratch_operands = 5 : i64, tpu.core_type = #tpu.core_type<sc_vector_subcore>, window_params = [{transform_indices = #map}, {transform_indices = #map1}, {transform_indices = #map2}, {transform_indices = #map2}, {transform_indices = #map2}, {transform_indices = #map}]} {
    %jit3A = arith.constant 8 : i32
    %eq3A = arith.constant 0 : i32
    %eq3A_0 = arith.cmpi eq, %jit3A, %eq3A : i32
    %jit3A_1 = arith.constant 1 : i32
    %select_n3A = arith.select %eq3A_0, %jit3A_1, %jit3A : i32
    %rem3A = arith.remsi %arg1, %select_n3A : i32
    %ne3A = arith.constant 0 : i32
    %ne3A_2 = arith.cmpi ne, %rem3A, %ne3A : i32
    %lt3A = arith.constant 0 : i32
    %lt3A_3 = arith.cmpi slt, %rem3A, %lt3A : i32
    %lt3A_4 = arith.constant 0 : i32
    %lt3A_5 = arith.cmpi slt, %select_n3A, %lt3A_4 : i32
    %ne3A_6 = arith.xori %lt3A_3, %lt3A_5 : i1
    %and3A = arith.andi %ne3A_6, %ne3A_2 : i1
    %add3A = arith.addi %rem3A, %select_n3A : i32
    %select_n3A_7 = arith.select %and3A, %add3A, %rem3A : i32
    %mul3A = arith.constant 2 : i32
    %mul3A_8 = arith.muli %arg0, %mul3A : i32
    %jit3A_9 = arith.constant 8 : i32
    %div3A = arith.divsi %arg1, %jit3A_9 : i32
    %sign3A = arith.constant 0 : i32
    %sign3A_10 = arith.cmpi sgt, %arg1, %sign3A : i32
    %sign3A_11 = arith.extui %sign3A_10 : i1 to i32
    %sign3A_12 = arith.constant 0 : i32
    %sign3A_13 = arith.cmpi slt, %arg1, %sign3A_12 : i32
    %sign3A_14 = arith.extui %sign3A_13 : i1 to i32
    %sign3A_15 = arith.subi %sign3A_11, %sign3A_14 : i32
    %sign3A_16 = arith.constant 0 : i32
    %sign3A_17 = arith.cmpi sgt, %jit3A_9, %sign3A_16 : i32
    %sign3A_18 = arith.extui %sign3A_17 : i1 to i32
    %sign3A_19 = arith.constant 0 : i32
    %sign3A_20 = arith.cmpi slt, %jit3A_9, %sign3A_19 : i32
    %sign3A_21 = arith.extui %sign3A_20 : i1 to i32
    %sign3A_22 = arith.subi %sign3A_18, %sign3A_21 : i32
    %ne3A_23 = arith.cmpi ne, %sign3A_15, %sign3A_22 : i32
    %rem3A_24 = arith.remsi %arg1, %jit3A_9 : i32
    %ne3A_25 = arith.constant 0 : i32
    %ne3A_26 = arith.cmpi ne, %rem3A_24, %ne3A_25 : i32
    %and3A_27 = arith.andi %ne3A_23, %ne3A_26 : i1
    %sub3A = arith.constant 1 : i32
    %sub3A_28 = arith.subi %div3A, %sub3A : i32
    %select_n3A_29 = arith.select %and3A_27, %sub3A_28, %div3A : i32
    %add3A_30 = arith.addi %mul3A_8, %select_n3A_29 : i32
    %iota3A = tpu.iota {dimensions = array<i32: 0>} : vector<16xi32>
    %sub3A_31 = arith.constant 1 : i32
    %sub3A_32 = vector.broadcast %sub3A_31 : i32 to vector<16xi32>
    %sub3A_33 = arith.subi %iota3A, %sub3A_32 : vector<16xi32>
    %max3A = arith.constant 0 : i32
    %max3A_34 = vector.broadcast %max3A : i32 to vector<16xi32>
    %max3A_35 = arith.maxsi %sub3A_33, %max3A_34 : vector<16xi32>
    %broadcast_in_dim3A = arith.constant 0 : i32
    %broadcast_in_dim3A_36 = vector.broadcast %broadcast_in_dim3A : i32 to vector<16xi32>
    %broadcast_in_dim3A_37 = arith.constant 1 : i32
    %broadcast_in_dim3A_38 = vector.broadcast %broadcast_in_dim3A_37 : i32 to vector<16xi32>
    %broadcast_in_dim3A_39 = arith.constant 2 : i32
    %broadcast_in_dim3A_40 = vector.broadcast %broadcast_in_dim3A_39 : i32 to vector<16xi32>
    %broadcast_in_dim3A_41 = arith.constant 3 : i32
    %broadcast_in_dim3A_42 = vector.broadcast %broadcast_in_dim3A_41 : i32 to vector<16xi32>
    %broadcast_in_dim3A_43 = arith.constant 4 : i32
    %broadcast_in_dim3A_44 = vector.broadcast %broadcast_in_dim3A_43 : i32 to vector<16xi32>
    %broadcast_in_dim3A_45 = arith.constant 5 : i32
    %broadcast_in_dim3A_46 = vector.broadcast %broadcast_in_dim3A_45 : i32 to vector<16xi32>
    %broadcast_in_dim3A_47 = arith.constant 6 : i32
    %broadcast_in_dim3A_48 = vector.broadcast %broadcast_in_dim3A_47 : i32 to vector<16xi32>
    %broadcast_in_dim3A_49 = arith.constant 7 : i32
    %broadcast_in_dim3A_50 = vector.broadcast %broadcast_in_dim3A_49 : i32 to vector<16xi32>
    "tpu.region"() ({
      %run_scoped3A_69 = tpu.sem_alloc : memref<!tpu.dma_semaphore, #tpu.memory_space<semaphore_mem>>
      tpu.enqueue_dma source(%arg6 : memref<625x128xf32, #tpu.memory_space<hbm>>) target(%arg12 : memref<625x128xf32, #tpu.memory_space<vmem>>) target_semaphore(%run_scoped3A_69 : memref<!tpu.dma_semaphore, #tpu.memory_space<semaphore_mem>>)
      tpu.wait_dma2 semaphore(%run_scoped3A_69 : memref<!tpu.dma_semaphore, #tpu.memory_space<semaphore_mem>>) src(%arg6 : memref<625x128xf32, #tpu.memory_space<hbm>>) dst(%arg12 : memref<625x128xf32, #tpu.memory_space<vmem>>)
      tpu.yield
    }) : () -> ()
    %mul3A_51 = arith.constant 80000 : i32
    %mul3A_52 = arith.muli %add3A_30, %mul3A_51 : i32
    %scan3A = arith.constant 0 : i32
    %scan3A_53 = arith.constant 0 : i32
    %scan3A_54 = arith.constant 125 : i32
    %scan3A_55 = arith.addi %scan3A_53, %scan3A_54 : i32
    %scan3A_56 = arith.constant 1 : i32
    %scan3A_57 = scf.for %scan3A_69 = %scan3A_53 to %scan3A_55 step %scan3A_56 iter_args(%scan3A_70 = %scan3A) -> (i32)  : i32 {
      %mul3A_71 = arith.constant 640 : i32
      %mul3A_72 = arith.muli %scan3A_69, %mul3A_71 : i32
      %add3A_73 = arith.addi %mul3A_52, %mul3A_72 : i32
      %run_scoped3A_74 = arith.constant 0 : i32
      "tpu.region"() ({
        %run_scoped3A_110 = tpu.sem_alloc : memref<!tpu.dma_semaphore, #tpu.memory_space<semaphore_mem>>
        %dma_start3A = tpu.memref_slice %arg4[%run_scoped3A_74, %add3A_73] : memref<2x320000xi32, #tpu.memory_space<hbm>> -> memref<1x640xi32, #tpu.memory_space<hbm>>
        %dma_start3A_111 = tpu.memref_squeeze %dma_start3A : memref<1x640xi32, #tpu.memory_space<hbm>> -> memref<640xi32, #tpu.memory_space<hbm>>
        %dma_start3A_112 = tpu.memref_slice %arg4[%run_scoped3A_74, %add3A_73] : memref<2x320000xi32, #tpu.memory_space<hbm>> -> memref<1x640xi32, #tpu.memory_space<hbm>>
        %dma_start3A_113 = tpu.memref_squeeze %dma_start3A_112 : memref<1x640xi32, #tpu.memory_space<hbm>> -> memref<640xi32, #tpu.memory_space<hbm>>
        tpu.enqueue_dma source(%dma_start3A_113 : memref<640xi32, #tpu.memory_space<hbm>>) target(%arg10 : memref<640xi32, #tpu.memory_space<vmem>>) target_semaphore(%run_scoped3A_110 : memref<!tpu.dma_semaphore, #tpu.memory_space<semaphore_mem>>)
        %dma_wait3A = tpu.memref_slice %arg4[%run_scoped3A_74, %add3A_73] : memref<2x320000xi32, #tpu.memory_space<hbm>> -> memref<1x640xi32, #tpu.memory_space<hbm>>
        %dma_wait3A_114 = tpu.memref_squeeze %dma_wait3A : memref<1x640xi32, #tpu.memory_space<hbm>> -> memref<640xi32, #tpu.memory_space<hbm>>
        %dma_wait3A_115 = tpu.memref_slice %arg4[%run_scoped3A_74, %add3A_73] : memref<2x320000xi32, #tpu.memory_space<hbm>> -> memref<1x640xi32, #tpu.memory_space<hbm>>
        %dma_wait3A_116 = tpu.memref_squeeze %dma_wait3A_115 : memref<1x640xi32, #tpu.memory_space<hbm>> -> memref<640xi32, #tpu.memory_space<hbm>>
        tpu.wait_dma2 semaphore(%run_scoped3A_110 : memref<!tpu.dma_semaphore, #tpu.memory_space<semaphore_mem>>) src(%dma_wait3A_116 : memref<640xi32, #tpu.memory_space<hbm>>) dst(%arg10 : memref<640xi32, #tpu.memory_space<vmem>>)
        tpu.yield
      }) : () -> ()
      %run_scoped3A_75 = arith.constant 0 : i32
      "tpu.region"() ({
        %run_scoped3A_110 = tpu.sem_alloc : memref<!tpu.dma_semaphore, #tpu.memory_space<semaphore_mem>>
        %dma_start3A = tpu.memref_slice %arg5[%run_scoped3A_75, %add3A_73] : memref<2x320000xi32, #tpu.memory_space<hbm>> -> memref<1x640xi32, #tpu.memory_space<hbm>>
        %dma_start3A_111 = tpu.memref_squeeze %dma_start3A : memref<1x640xi32, #tpu.memory_space<hbm>> -> memref<640xi32, #tpu.memory_space<hbm>>
        %dma_start3A_112 = tpu.memref_slice %arg5[%run_scoped3A_75, %add3A_73] : memref<2x320000xi32, #tpu.memory_space<hbm>> -> memref<1x640xi32, #tpu.memory_space<hbm>>
        %dma_start3A_113 = tpu.memref_squeeze %dma_start3A_112 : memref<1x640xi32, #tpu.memory_space<hbm>> -> memref<640xi32, #tpu.memory_space<hbm>>
        tpu.enqueue_dma source(%dma_start3A_113 : memref<640xi32, #tpu.memory_space<hbm>>) target(%arg11 : memref<640xi32, #tpu.memory_space<vmem>>) target_semaphore(%run_scoped3A_110 : memref<!tpu.dma_semaphore, #tpu.memory_space<semaphore_mem>>)
        %dma_wait3A = tpu.memref_slice %arg5[%run_scoped3A_75, %add3A_73] : memref<2x320000xi32, #tpu.memory_space<hbm>> -> memref<1x640xi32, #tpu.memory_space<hbm>>
        %dma_wait3A_114 = tpu.memref_squeeze %dma_wait3A : memref<1x640xi32, #tpu.memory_space<hbm>> -> memref<640xi32, #tpu.memory_space<hbm>>
        %dma_wait3A_115 = tpu.memref_slice %arg5[%run_scoped3A_75, %add3A_73] : memref<2x320000xi32, #tpu.memory_space<hbm>> -> memref<1x640xi32, #tpu.memory_space<hbm>>
        %dma_wait3A_116 = tpu.memref_squeeze %dma_wait3A_115 : memref<1x640xi32, #tpu.memory_space<hbm>> -> memref<640xi32, #tpu.memory_space<hbm>>
        tpu.wait_dma2 semaphore(%run_scoped3A_110 : memref<!tpu.dma_semaphore, #tpu.memory_space<semaphore_mem>>) src(%dma_wait3A_116 : memref<640xi32, #tpu.memory_space<hbm>>) dst(%arg11 : memref<640xi32, #tpu.memory_space<vmem>>)
        tpu.yield
      }) : () -> ()
      %jit3A_76 = arith.constant 128 : i32
      %div3A_77 = arith.divsi %add3A_73, %jit3A_76 : i32
      %sign3A_78 = arith.constant 0 : i32
      %sign3A_79 = arith.cmpi sgt, %add3A_73, %sign3A_78 : i32
      %sign3A_80 = arith.extui %sign3A_79 : i1 to i32
      %sign3A_81 = arith.constant 0 : i32
      %sign3A_82 = arith.cmpi slt, %add3A_73, %sign3A_81 : i32
      %sign3A_83 = arith.extui %sign3A_82 : i1 to i32
      %sign3A_84 = arith.subi %sign3A_80, %sign3A_83 : i32
      %sign3A_85 = arith.constant 0 : i32
      %sign3A_86 = arith.cmpi sgt, %jit3A_76, %sign3A_85 : i32
      %sign3A_87 = arith.extui %sign3A_86 : i1 to i32
      %sign3A_88 = arith.constant 0 : i32
      %sign3A_89 = arith.cmpi slt, %jit3A_76, %sign3A_88 : i32
      %sign3A_90 = arith.extui %sign3A_89 : i1 to i32
      %sign3A_91 = arith.subi %sign3A_87, %sign3A_90 : i32
      %ne3A_92 = arith.cmpi ne, %sign3A_84, %sign3A_91 : i32
      %rem3A_93 = arith.remsi %add3A_73, %jit3A_76 : i32
      %ne3A_94 = arith.constant 0 : i32
      %ne3A_95 = arith.cmpi ne, %rem3A_93, %ne3A_94 : i32
      %and3A_96 = arith.andi %ne3A_92, %ne3A_95 : i1
      %sub3A_97 = arith.constant 1 : i32
      %sub3A_98 = arith.subi %div3A_77, %sub3A_97 : i32
      %select_n3A_99 = arith.select %and3A_96, %sub3A_98, %div3A_77 : i32
      %run_scoped3A_100 = arith.constant 0 : i32
      "tpu.region"() ({
        %run_scoped3A_110 = tpu.sem_alloc : memref<!tpu.dma_semaphore, #tpu.memory_space<semaphore_mem>>
        %dma_start3A = arith.constant 0 : i32
        %dma_start3A_111 = arith.constant 0 : i32
        %dma_start3A_112 = tpu.memref_slice %arg2[%run_scoped3A_100, %select_n3A_7, %dma_start3A, %select_n3A_99, %dma_start3A_111] : memref<2x8x8x2500x128xf32, #tpu.memory_space<hbm>> -> memref<1x1x8x5x128xf32, #tpu.memory_space<hbm>>
        %dma_start3A_113 = tpu.memref_squeeze %dma_start3A_112 : memref<1x1x8x5x128xf32, #tpu.memory_space<hbm>> -> memref<8x5x128xf32, #tpu.memory_space<hbm>>
        %dma_start3A_114 = arith.constant 0 : i32
        %dma_start3A_115 = arith.constant 0 : i32
        %dma_start3A_116 = tpu.memref_slice %arg2[%run_scoped3A_100, %select_n3A_7, %dma_start3A_114, %select_n3A_99, %dma_start3A_115] : memref<2x8x8x2500x128xf32, #tpu.memory_space<hbm>> -> memref<1x1x8x5x128xf32, #tpu.memory_space<hbm>>
        %dma_start3A_117 = tpu.memref_squeeze %dma_start3A_116 : memref<1x1x8x5x128xf32, #tpu.memory_space<hbm>> -> memref<8x5x128xf32, #tpu.memory_space<hbm>>
        tpu.enqueue_dma source(%dma_start3A_117 : memref<8x5x128xf32, #tpu.memory_space<hbm>>) target(%arg8 : memref<8x5x128xf32, #tpu.memory_space<vmem>>) target_semaphore(%run_scoped3A_110 : memref<!tpu.dma_semaphore, #tpu.memory_space<semaphore_mem>>)
        %dma_wait3A = arith.constant 0 : i32
        %dma_wait3A_118 = arith.constant 0 : i32
        %dma_wait3A_119 = tpu.memref_slice %arg2[%run_scoped3A_100, %select_n3A_7, %dma_wait3A, %select_n3A_99, %dma_wait3A_118] : memref<2x8x8x2500x128xf32, #tpu.memory_space<hbm>> -> memref<1x1x8x5x128xf32, #tpu.memory_space<hbm>>
        %dma_wait3A_120 = tpu.memref_squeeze %dma_wait3A_119 : memref<1x1x8x5x128xf32, #tpu.memory_space<hbm>> -> memref<8x5x128xf32, #tpu.memory_space<hbm>>
        %dma_wait3A_121 = arith.constant 0 : i32
        %dma_wait3A_122 = arith.constant 0 : i32
        %dma_wait3A_123 = tpu.memref_slice %arg2[%run_scoped3A_100, %select_n3A_7, %dma_wait3A_121, %select_n3A_99, %dma_wait3A_122] : memref<2x8x8x2500x128xf32, #tpu.memory_space<hbm>> -> memref<1x1x8x5x128xf32, #tpu.memory_space<hbm>>
        %dma_wait3A_124 = tpu.memref_squeeze %dma_wait3A_123 : memref<1x1x8x5x128xf32, #tpu.memory_space<hbm>> -> memref<8x5x128xf32, #tpu.memory_space<hbm>>
        tpu.wait_dma2 semaphore(%run_scoped3A_110 : memref<!tpu.dma_semaphore, #tpu.memory_space<semaphore_mem>>) src(%dma_wait3A_124 : memref<8x5x128xf32, #tpu.memory_space<hbm>>) dst(%arg8 : memref<8x5x128xf32, #tpu.memory_space<vmem>>)
        tpu.yield
      }) : () -> ()
      %run_scoped3A_101 = arith.constant 0 : i32
      "tpu.region"() ({
        %run_scoped3A_110 = tpu.sem_alloc : memref<!tpu.dma_semaphore, #tpu.memory_space<semaphore_mem>>
        %dma_start3A = arith.constant 0 : i32
        %dma_start3A_111 = arith.constant 0 : i32
        %dma_start3A_112 = tpu.memref_slice %arg3[%run_scoped3A_101, %select_n3A_7, %dma_start3A, %dma_start3A_111] : memref<2x8x10000x8xf32, #tpu.memory_space<hbm>> -> memref<1x1x10000x8xf32, #tpu.memory_space<hbm>>
        %dma_start3A_113 = tpu.memref_squeeze %dma_start3A_112 : memref<1x1x10000x8xf32, #tpu.memory_space<hbm>> -> memref<10000x8xf32, #tpu.memory_space<hbm>>
        %dma_start3A_114 = arith.constant 0 : i32
        %dma_start3A_115 = arith.constant 0 : i32
        %dma_start3A_116 = tpu.memref_slice %dma_start3A_113[%dma_start3A_114, %dma_start3A_115] : memref<10000x8xf32, #tpu.memory_space<hbm>> -> memref<10000x8xf32, #tpu.memory_space<hbm>>
        tpu.enqueue_indirect_dma source(%dma_start3A_116 : memref<10000x8xf32, #tpu.memory_space<hbm>>) target(%arg9 : memref<640x8xf32, #tpu.memory_space<vmem>>) offsets(%arg10 : memref<640xi32, #tpu.memory_space<vmem>>) semaphore(%run_scoped3A_110 : memref<!tpu.dma_semaphore, #tpu.memory_space<semaphore_mem>>)
        %dma_wait3A = arith.constant 0 : i32
        %dma_wait3A_117 = arith.constant 0 : i32
        %dma_wait3A_118 = tpu.memref_slice %arg3[%run_scoped3A_101, %select_n3A_7, %dma_wait3A, %dma_wait3A_117] : memref<2x8x10000x8xf32, #tpu.memory_space<hbm>> -> memref<1x1x10000x8xf32, #tpu.memory_space<hbm>>
        %dma_wait3A_119 = tpu.memref_squeeze %dma_wait3A_118 : memref<1x1x10000x8xf32, #tpu.memory_space<hbm>> -> memref<10000x8xf32, #tpu.memory_space<hbm>>
        %dma_wait3A_120 = arith.constant 0 : i32
        %dma_wait3A_121 = arith.constant 0 : i32
        %dma_wait3A_122 = tpu.memref_slice %dma_wait3A_119[%dma_wait3A_120, %dma_wait3A_121] : memref<10000x8xf32, #tpu.memory_space<hbm>> -> memref<10000x8xf32, #tpu.memory_space<hbm>>
        tpu.wait_indirect_dma semaphore(%run_scoped3A_110 : memref<!tpu.dma_semaphore, #tpu.memory_space<semaphore_mem>>) src(%dma_wait3A_122 : memref<10000x8xf32, #tpu.memory_space<hbm>>) dst(%arg9 : memref<640x8xf32, #tpu.memory_space<vmem>>)
        tpu.yield
      }) : () -> ()
      %scan3A_102 = arith.constant 0 : i32
      %scan3A_103 = arith.constant 0 : i32
      %scan3A_104 = arith.constant 40 : i32
      %scan3A_105 = arith.addi %scan3A_103, %scan3A_104 : i32
      %scan3A_106 = arith.constant 1 : i32
      %scan3A_107 = scf.for %scan3A_110 = %scan3A_103 to %scan3A_105 step %scan3A_106 iter_args(%scan3A_111 = %scan3A_102) -> (i32)  : i32 {
        %mul3A_112 = arith.constant 16 : i32
        %mul3A_113 = arith.muli %scan3A_110, %mul3A_112 : i32
        %get3A = arith.index_cast %mul3A_113 : i32 to index
        %get3A_114 = tpu.vector_load %arg11[%get3A] {strides = array<i32>} : memref<640xi32, #tpu.memory_space<vmem>>, vector<16xi32>,
        %shift_right_logical3A = arith.constant 4 : i32
        %shift_right_logical3A_115 = vector.broadcast %shift_right_logical3A : i32 to vector<16xi32>
        %shift_right_logical3A_116 = arith.shrui %get3A_114, %shift_right_logical3A_115 : vector<16xi32>
        %and3A_117 = arith.constant 15 : i32
        %and3A_118 = vector.broadcast %and3A_117 : i32 to vector<16xi32>
        %and3A_119 = arith.andi %get3A_114, %and3A_118 : vector<16xi32>
        %mul3A_120 = arith.constant 8 : i32
        %mul3A_121 = vector.broadcast %mul3A_120 : i32 to vector<16xi32>
        %mul3A_122 = arith.muli %and3A_119, %mul3A_121 : vector<16xi32>
        %add3A_123 = vector.broadcast %mul3A_113 : i32 to vector<16xi32>
        %add3A_124 = arith.addi %iota3A, %add3A_123 : vector<16xi32>
        %gather3A = tpu.vector_load_idx %arg9[%add3A_124, %broadcast_in_dim3A_36] : memref<640x8xf32, #tpu.memory_space<vmem>>[vector<16xi32>, vector<16xi32>], vector<16xf32>,
        %shift_right_arithmetic3A = arith.constant 3 : i32
        %shift_right_arithmetic3A_125 = arith.shrsi %scan3A_110, %shift_right_arithmetic3A : i32
        %jit3A_126 = arith.constant 128 : i32
        %eq3A_127 = arith.constant 0 : i32
        %eq3A_128 = arith.cmpi eq, %jit3A_126, %eq3A_127 : i32
        %jit3A_129 = arith.constant 1 : i32
        %select_n3A_130 = arith.select %eq3A_128, %jit3A_129, %jit3A_126 : i32
        %rem3A_131 = arith.remsi %mul3A_113, %select_n3A_130 : i32
        %ne3A_132 = arith.constant 0 : i32
        %ne3A_133 = arith.cmpi ne, %rem3A_131, %ne3A_132 : i32
        %lt3A_134 = arith.constant 0 : i32
        %lt3A_135 = arith.cmpi slt, %rem3A_131, %lt3A_134 : i32
        %lt3A_136 = arith.constant 0 : i32
        %lt3A_137 = arith.cmpi slt, %select_n3A_130, %lt3A_136 : i32
        %ne3A_138 = arith.xori %lt3A_135, %lt3A_137 : i1
        %and3A_139 = arith.andi %ne3A_138, %ne3A_133 : i1
        %add3A_140 = arith.addi %rem3A_131, %select_n3A_130 : i32
        %select_n3A_141 = arith.select %and3A_139, %add3A_140, %rem3A_131 : i32
        %get3A_142 = arith.constant 0 : i32
        %get3A_143 = arith.index_cast %get3A_142 : i32 to index
        %get3A_144 = arith.index_cast %shift_right_arithmetic3A_125 : i32 to index
        %get3A_145 = arith.index_cast %select_n3A_141 : i32 to index
        %get3A_146 = tpu.vector_load %arg8[%get3A_143, %get3A_144, %get3A_145] {strides = array<i32>} : memref<8x5x128xf32, #tpu.memory_space<vmem>>, vector<16xf32>,
        %add3A_147 = arith.addf %gather3A, %get3A_146 : vector<16xf32>
        %gather3A_148 = tpu.vector_load_idx %arg9[%add3A_124, %broadcast_in_dim3A_38] : memref<640x8xf32, #tpu.memory_space<vmem>>[vector<16xi32>, vector<16xi32>], vector<16xf32>,
        %shift_right_arithmetic3A_149 = arith.constant 3 : i32
        %shift_right_arithmetic3A_150 = arith.shrsi %scan3A_110, %shift_right_arithmetic3A_149 : i32
        %jit3A_151 = arith.constant 128 : i32
        %eq3A_152 = arith.constant 0 : i32
        %eq3A_153 = arith.cmpi eq, %jit3A_151, %eq3A_152 : i32
        %jit3A_154 = arith.constant 1 : i32
        %select_n3A_155 = arith.select %eq3A_153, %jit3A_154, %jit3A_151 : i32
        %rem3A_156 = arith.remsi %mul3A_113, %select_n3A_155 : i32
        %ne3A_157 = arith.constant 0 : i32
        %ne3A_158 = arith.cmpi ne, %rem3A_156, %ne3A_157 : i32
        %lt3A_159 = arith.constant 0 : i32
        %lt3A_160 = arith.cmpi slt, %rem3A_156, %lt3A_159 : i32
        %lt3A_161 = arith.constant 0 : i32
        %lt3A_162 = arith.cmpi slt, %select_n3A_155, %lt3A_161 : i32
        %ne3A_163 = arith.xori %lt3A_160, %lt3A_162 : i1
        %and3A_164 = arith.andi %ne3A_163, %ne3A_158 : i1
        %add3A_165 = arith.addi %rem3A_156, %select_n3A_155 : i32
        %select_n3A_166 = arith.select %and3A_164, %add3A_165, %rem3A_156 : i32
        %get3A_167 = arith.constant 1 : i32
        %get3A_168 = arith.index_cast %get3A_167 : i32 to index
        %get3A_169 = arith.index_cast %shift_right_arithmetic3A_150 : i32 to index
        %get3A_170 = arith.index_cast %select_n3A_166 : i32 to index
        %get3A_171 = tpu.vector_load %arg8[%get3A_168, %get3A_169, %get3A_170] {strides = array<i32>} : memref<8x5x128xf32, #tpu.memory_space<vmem>>, vector<16xf32>,
        %add3A_172 = arith.addf %gather3A_148, %get3A_171 : vector<16xf32>
        %gather3A_173 = tpu.vector_load_idx %arg9[%add3A_124, %broadcast_in_dim3A_40] : memref<640x8xf32, #tpu.memory_space<vmem>>[vector<16xi32>, vector<16xi32>], vector<16xf32>,
        %shift_right_arithmetic3A_174 = arith.constant 3 : i32
        %shift_right_arithmetic3A_175 = arith.shrsi %scan3A_110, %shift_right_arithmetic3A_174 : i32
        %jit3A_176 = arith.constant 128 : i32
        %eq3A_177 = arith.constant 0 : i32
        %eq3A_178 = arith.cmpi eq, %jit3A_176, %eq3A_177 : i32
        %jit3A_179 = arith.constant 1 : i32
        %select_n3A_180 = arith.select %eq3A_178, %jit3A_179, %jit3A_176 : i32
        %rem3A_181 = arith.remsi %mul3A_113, %select_n3A_180 : i32
        %ne3A_182 = arith.constant 0 : i32
        %ne3A_183 = arith.cmpi ne, %rem3A_181, %ne3A_182 : i32
        %lt3A_184 = arith.constant 0 : i32
        %lt3A_185 = arith.cmpi slt, %rem3A_181, %lt3A_184 : i32
        %lt3A_186 = arith.constant 0 : i32
        %lt3A_187 = arith.cmpi slt, %select_n3A_180, %lt3A_186 : i32
        %ne3A_188 = arith.xori %lt3A_185, %lt3A_187 : i1
        %and3A_189 = arith.andi %ne3A_188, %ne3A_183 : i1
        %add3A_190 = arith.addi %rem3A_181, %select_n3A_180 : i32
        %select_n3A_191 = arith.select %and3A_189, %add3A_190, %rem3A_181 : i32
        %get3A_192 = arith.constant 2 : i32
        %get3A_193 = arith.index_cast %get3A_192 : i32 to index
        %get3A_194 = arith.index_cast %shift_right_arithmetic3A_175 : i32 to index
        %get3A_195 = arith.index_cast %select_n3A_191 : i32 to index
        %get3A_196 = tpu.vector_load %arg8[%get3A_193, %get3A_194, %get3A_195] {strides = array<i32>} : memref<8x5x128xf32, #tpu.memory_space<vmem>>, vector<16xf32>,
        %add3A_197 = arith.addf %gather3A_173, %get3A_196 : vector<16xf32>
        %gather3A_198 = tpu.vector_load_idx %arg9[%add3A_124, %broadcast_in_dim3A_42] : memref<640x8xf32, #tpu.memory_space<vmem>>[vector<16xi32>, vector<16xi32>], vector<16xf32>,
        %shift_right_arithmetic3A_199 = arith.constant 3 : i32
        %shift_right_arithmetic3A_200 = arith.shrsi %scan3A_110, %shift_right_arithmetic3A_199 : i32
        %jit3A_201 = arith.constant 128 : i32
        %eq3A_202 = arith.constant 0 : i32
        %eq3A_203 = arith.cmpi eq, %jit3A_201, %eq3A_202 : i32
        %jit3A_204 = arith.constant 1 : i32
        %select_n3A_205 = arith.select %eq3A_203, %jit3A_204, %jit3A_201 : i32
        %rem3A_206 = arith.remsi %mul3A_113, %select_n3A_205 : i32
        %ne3A_207 = arith.constant 0 : i32
        %ne3A_208 = arith.cmpi ne, %rem3A_206, %ne3A_207 : i32
        %lt3A_209 = arith.constant 0 : i32
        %lt3A_210 = arith.cmpi slt, %rem3A_206, %lt3A_209 : i32
        %lt3A_211 = arith.constant 0 : i32
        %lt3A_212 = arith.cmpi slt, %select_n3A_205, %lt3A_211 : i32
        %ne3A_213 = arith.xori %lt3A_210, %lt3A_212 : i1
        %and3A_214 = arith.andi %ne3A_213, %ne3A_208 : i1
        %add3A_215 = arith.addi %rem3A_206, %select_n3A_205 : i32
        %select_n3A_216 = arith.select %and3A_214, %add3A_215, %rem3A_206 : i32
        %get3A_217 = arith.constant 3 : i32
        %get3A_218 = arith.index_cast %get3A_217 : i32 to index
        %get3A_219 = arith.index_cast %shift_right_arithmetic3A_200 : i32 to index
        %get3A_220 = arith.index_cast %select_n3A_216 : i32 to index
        %get3A_221 = tpu.vector_load %arg8[%get3A_218, %get3A_219, %get3A_220] {strides = array<i32>} : memref<8x5x128xf32, #tpu.memory_space<vmem>>, vector<16xf32>,
        %add3A_222 = arith.addf %gather3A_198, %get3A_221 : vector<16xf32>
        %gather3A_223 = tpu.vector_load_idx %arg9[%add3A_124, %broadcast_in_dim3A_44] : memref<640x8xf32, #tpu.memory_space<vmem>>[vector<16xi32>, vector<16xi32>], vector<16xf32>,
        %shift_right_arithmetic3A_224 = arith.constant 3 : i32
        %shift_right_arithmetic3A_225 = arith.shrsi %scan3A_110, %shift_right_arithmetic3A_224 : i32
        %jit3A_226 = arith.constant 128 : i32
        %eq3A_227 = arith.constant 0 : i32
        %eq3A_228 = arith.cmpi eq, %jit3A_226, %eq3A_227 : i32
        %jit3A_229 = arith.constant 1 : i32
        %select_n3A_230 = arith.select %eq3A_228, %jit3A_229, %jit3A_226 : i32
        %rem3A_231 = arith.remsi %mul3A_113, %select_n3A_230 : i32
        %ne3A_232 = arith.constant 0 : i32
        %ne3A_233 = arith.cmpi ne, %rem3A_231, %ne3A_232 : i32
        %lt3A_234 = arith.constant 0 : i32
        %lt3A_235 = arith.cmpi slt, %rem3A_231, %lt3A_234 : i32
        %lt3A_236 = arith.constant 0 : i32
        %lt3A_237 = arith.cmpi slt, %select_n3A_230, %lt3A_236 : i32
        %ne3A_238 = arith.xori %lt3A_235, %lt3A_237 : i1
        %and3A_239 = arith.andi %ne3A_238, %ne3A_233 : i1
        %add3A_240 = arith.addi %rem3A_231, %select_n3A_230 : i32
        %select_n3A_241 = arith.select %and3A_239, %add3A_240, %rem3A_231 : i32
        %get3A_242 = arith.constant 4 : i32
        %get3A_243 = arith.index_cast %get3A_242 : i32 to index
        %get3A_244 = arith.index_cast %shift_right_arithmetic3A_225 : i32 to index
        %get3A_245 = arith.index_cast %select_n3A_241 : i32 to index
        %get3A_246 = tpu.vector_load %arg8[%get3A_243, %get3A_244, %get3A_245] {strides = array<i32>} : memref<8x5x128xf32, #tpu.memory_space<vmem>>, vector<16xf32>,
        %add3A_247 = arith.addf %gather3A_223, %get3A_246 : vector<16xf32>
        %gather3A_248 = tpu.vector_load_idx %arg9[%add3A_124, %broadcast_in_dim3A_46] : memref<640x8xf32, #tpu.memory_space<vmem>>[vector<16xi32>, vector<16xi32>], vector<16xf32>,
        %shift_right_arithmetic3A_249 = arith.constant 3 : i32
        %shift_right_arithmetic3A_250 = arith.shrsi %scan3A_110, %shift_right_arithmetic3A_249 : i32
        %jit3A_251 = arith.constant 128 : i32
        %eq3A_252 = arith.constant 0 : i32
        %eq3A_253 = arith.cmpi eq, %jit3A_251, %eq3A_252 : i32
        %jit3A_254 = arith.constant 1 : i32
        %select_n3A_255 = arith.select %eq3A_253, %jit3A_254, %jit3A_251 : i32
        %rem3A_256 = arith.remsi %mul3A_113, %select_n3A_255 : i32
        %ne3A_257 = arith.constant 0 : i32
        %ne3A_258 = arith.cmpi ne, %rem3A_256, %ne3A_257 : i32
        %lt3A_259 = arith.constant 0 : i32
        %lt3A_260 = arith.cmpi slt, %rem3A_256, %lt3A_259 : i32
        %lt3A_261 = arith.constant 0 : i32
        %lt3A_262 = arith.cmpi slt, %select_n3A_255, %lt3A_261 : i32
        %ne3A_263 = arith.xori %lt3A_260, %lt3A_262 : i1
        %and3A_264 = arith.andi %ne3A_263, %ne3A_258 : i1
        %add3A_265 = arith.addi %rem3A_256, %select_n3A_255 : i32
        %select_n3A_266 = arith.select %and3A_264, %add3A_265, %rem3A_256 : i32
        %get3A_267 = arith.constant 5 : i32
        %get3A_268 = arith.index_cast %get3A_267 : i32 to index
        %get3A_269 = arith.index_cast %shift_right_arithmetic3A_250 : i32 to index
        %get3A_270 = arith.index_cast %select_n3A_266 : i32 to index
        %get3A_271 = tpu.vector_load %arg8[%get3A_268, %get3A_269, %get3A_270] {strides = array<i32>} : memref<8x5x128xf32, #tpu.memory_space<vmem>>, vector<16xf32>,
        %add3A_272 = arith.addf %gather3A_248, %get3A_271 : vector<16xf32>
        %gather3A_273 = tpu.vector_load_idx %arg9[%add3A_124, %broadcast_in_dim3A_48] : memref<640x8xf32, #tpu.memory_space<vmem>>[vector<16xi32>, vector<16xi32>], vector<16xf32>,
        %shift_right_arithmetic3A_274 = arith.constant 3 : i32
        %shift_right_arithmetic3A_275 = arith.shrsi %scan3A_110, %shift_right_arithmetic3A_274 : i32
        %jit3A_276 = arith.constant 128 : i32
        %eq3A_277 = arith.constant 0 : i32
        %eq3A_278 = arith.cmpi eq, %jit3A_276, %eq3A_277 : i32
        %jit3A_279 = arith.constant 1 : i32
        %select_n3A_280 = arith.select %eq3A_278, %jit3A_279, %jit3A_276 : i32
        %rem3A_281 = arith.remsi %mul3A_113, %select_n3A_280 : i32
        %ne3A_282 = arith.constant 0 : i32
        %ne3A_283 = arith.cmpi ne, %rem3A_281, %ne3A_282 : i32
        %lt3A_284 = arith.constant 0 : i32
        %lt3A_285 = arith.cmpi slt, %rem3A_281, %lt3A_284 : i32
        %lt3A_286 = arith.constant 0 : i32
        %lt3A_287 = arith.cmpi slt, %select_n3A_280, %lt3A_286 : i32
        %ne3A_288 = arith.xori %lt3A_285, %lt3A_287 : i1
        %and3A_289 = arith.andi %ne3A_288, %ne3A_283 : i1
        %add3A_290 = arith.addi %rem3A_281, %select_n3A_280 : i32
        %select_n3A_291 = arith.select %and3A_289, %add3A_290, %rem3A_281 : i32
        %get3A_292 = arith.constant 6 : i32
        %get3A_293 = arith.index_cast %get3A_292 : i32 to index
        %get3A_294 = arith.index_cast %shift_right_arithmetic3A_275 : i32 to index
        %get3A_295 = arith.index_cast %select_n3A_291 : i32 to index
        %get3A_296 = tpu.vector_load %arg8[%get3A_293, %get3A_294, %get3A_295] {strides = array<i32>} : memref<8x5x128xf32, #tpu.memory_space<vmem>>, vector<16xf32>,
        %add3A_297 = arith.addf %gather3A_273, %get3A_296 : vector<16xf32>
        %gather3A_298 = tpu.vector_load_idx %arg9[%add3A_124, %broadcast_in_dim3A_50] : memref<640x8xf32, #tpu.memory_space<vmem>>[vector<16xi32>, vector<16xi32>], vector<16xf32>,
        %shift_right_arithmetic3A_299 = arith.constant 3 : i32
        %shift_right_arithmetic3A_300 = arith.shrsi %scan3A_110, %shift_right_arithmetic3A_299 : i32
        %jit3A_301 = arith.constant 128 : i32
        %eq3A_302 = arith.constant 0 : i32
        %eq3A_303 = arith.cmpi eq, %jit3A_301, %eq3A_302 : i32
        %jit3A_304 = arith.constant 1 : i32
        %select_n3A_305 = arith.select %eq3A_303, %jit3A_304, %jit3A_301 : i32
        %rem3A_306 = arith.remsi %mul3A_113, %select_n3A_305 : i32
        %ne3A_307 = arith.constant 0 : i32
        %ne3A_308 = arith.cmpi ne, %rem3A_306, %ne3A_307 : i32
        %lt3A_309 = arith.constant 0 : i32
        %lt3A_310 = arith.cmpi slt, %rem3A_306, %lt3A_309 : i32
        %lt3A_311 = arith.constant 0 : i32
        %lt3A_312 = arith.cmpi slt, %select_n3A_305, %lt3A_311 : i32
        %ne3A_313 = arith.xori %lt3A_310, %lt3A_312 : i1
        %and3A_314 = arith.andi %ne3A_313, %ne3A_308 : i1
        %add3A_315 = arith.addi %rem3A_306, %select_n3A_305 : i32
        %select_n3A_316 = arith.select %and3A_314, %add3A_315, %rem3A_306 : i32
        %get3A_317 = arith.constant 7 : i32
        %get3A_318 = arith.index_cast %get3A_317 : i32 to index
        %get3A_319 = arith.index_cast %shift_right_arithmetic3A_300 : i32 to index
        %get3A_320 = arith.index_cast %select_n3A_316 : i32 to index
        %get3A_321 = tpu.vector_load %arg8[%get3A_318, %get3A_319, %get3A_320] {strides = array<i32>} : memref<8x5x128xf32, #tpu.memory_space<vmem>>, vector<16xf32>,
        %add3A_322 = arith.addf %gather3A_298, %get3A_321 : vector<16xf32>
        %masked_sort3A = arith.constant dense<true> : vector<16xi1>
        %masked_sort3A_323 = arith.constant -2147483648 : i32
        %masked_sort3A_324 = vector.broadcast %masked_sort3A_323 : i32 to vector<16xi32>
        %masked_sort3A_325 = arith.xori %get3A_114, %masked_sort3A_324 : vector<16xi32>
        %masked_sort3A_326, %masked_sort3A_327, %masked_sort3A_328 = tpu.sort %masked_sort3A_325, %get3A_114 masked %masked_sort3A : (vector<16xi32>, vector<16xi32>, vector<16xi1>) -> (vector<16xi1>, vector<16xi32>, vector<16xi32>)
        %masked_sort3A_329 = arith.xori %masked_sort3A_327, %masked_sort3A_324 : vector<16xi32>
        %broadcast_in_dim3A_330 = vector.shape_cast %max3A_35 : vector<16xi32> to vector<16x1xi32>
        %gather3A_331 = vector.shape_cast %broadcast_in_dim3A_330 : vector<16x1xi32> to vector<16xi32>
        %gather3A_332 = tpu.dynamic_gather %masked_sort3A_329[%gather3A_331] in [0] : vector<16xi32>, vector<16xi32> -> vector<16xi32>
        %eq3A_333 = arith.cmpi eq, %masked_sort3A_329, %gather3A_332 : vector<16xi32>
        %gt3A = arith.constant 0 : i32
        %gt3A_334 = vector.broadcast %gt3A : i32 to vector<16xi32>
        %gt3A_335 = arith.cmpi sgt, %iota3A, %gt3A_334 : vector<16xi32>
        %and3A_336 = arith.andi %eq3A_333, %gt3A_335 : vector<16xi1>
        %reduce_or3A = arith.constant 1.000000e+00 : f32
        %reduce_or3A_337 = arith.constant 0.000000e+00 : f32
        %reduce_or3A_338 = vector.broadcast %reduce_or3A : f32 to vector<16xf32>
        %reduce_or3A_339 = vector.broadcast %reduce_or3A_337 : f32 to vector<16xf32>
        %reduce_or3A_340 = arith.select %and3A_336, %reduce_or3A_338, %reduce_or3A_339 : vector<16xi1>, vector<16xf32>
        %reduce_or3A_341 = arith.constant true
        %reduce_or3A_342 = vector.broadcast %reduce_or3A_341 : i1 to vector<16xi1>
        %reduce_or3A_343 = tpu.scan <max>, %reduce_or3A_340 masked %reduce_or3A_342 : vector<16xf32>, vector<16xi1> -> vector<16xf32>
        %reduce_or3A_344 = vector.extract %reduce_or3A_343[15] : f32 from vector<16xf32>
        %reduce_or3A_345 = arith.constant 0.000000e+00 : f32
        %reduce_or3A_346 = arith.cmpf ogt, %reduce_or3A_344, %reduce_or3A_345 : f32
        %not3A = arith.constant true
        %not3A_347 = arith.xori %reduce_or3A_346, %not3A : i1
        %convert_element_type3A = arith.extui %not3A_347 : i1 to i32
        %cond3A = arith.constant 0 : i32
        %cond3A_348 = arith.cmpi ne, %convert_element_type3A, %cond3A : i32
        scf.if %cond3A_348 {
          %add3A_353 = arith.constant 0 : i32
          %add3A_354 = vector.broadcast %add3A_353 : i32 to vector<16xi32>
          %add3A_355 = arith.addi %mul3A_122, %add3A_354 : vector<16xi32>
          %gather3A_356 = tpu.vector_load_idx %arg12[%shift_right_logical3A_116, %add3A_355] : memref<625x128xf32, #tpu.memory_space<vmem>>[vector<16xi32>, vector<16xi32>], vector<16xf32>,
          %add3A_357 = arith.constant 0 : i32
          %add3A_358 = vector.broadcast %add3A_357 : i32 to vector<16xi32>
          %add3A_359 = arith.addi %mul3A_122, %add3A_358 : vector<16xi32>
          %max3A_360 = arith.maximumf %gather3A_356, %add3A_147 : vector<16xf32>
          tpu.vector_store_idx %arg12[%shift_right_logical3A_116, %add3A_359], %max3A_360 : memref<625x128xf32, #tpu.memory_space<vmem>>[vector<16xi32>, vector<16xi32>], vector<16xf32>,
          %add3A_361 = arith.constant 1 : i32
          %add3A_362 = vector.broadcast %add3A_361 : i32 to vector<16xi32>
          %add3A_363 = arith.addi %mul3A_122, %add3A_362 : vector<16xi32>
          %gather3A_364 = tpu.vector_load_idx %arg12[%shift_right_logical3A_116, %add3A_363] : memref<625x128xf32, #tpu.memory_space<vmem>>[vector<16xi32>, vector<16xi32>], vector<16xf32>,
          %add3A_365 = arith.constant 1 : i32
          %add3A_366 = vector.broadcast %add3A_365 : i32 to vector<16xi32>
          %add3A_367 = arith.addi %mul3A_122, %add3A_366 : vector<16xi32>
          %max3A_368 = arith.maximumf %gather3A_364, %add3A_172 : vector<16xf32>
          tpu.vector_store_idx %arg12[%shift_right_logical3A_116, %add3A_367], %max3A_368 : memref<625x128xf32, #tpu.memory_space<vmem>>[vector<16xi32>, vector<16xi32>], vector<16xf32>,
          %add3A_369 = arith.constant 2 : i32
          %add3A_370 = vector.broadcast %add3A_369 : i32 to vector<16xi32>
          %add3A_371 = arith.addi %mul3A_122, %add3A_370 : vector<16xi32>
          %gather3A_372 = tpu.vector_load_idx %arg12[%shift_right_logical3A_116, %add3A_371] : memref<625x128xf32, #tpu.memory_space<vmem>>[vector<16xi32>, vector<16xi32>], vector<16xf32>,
          %add3A_373 = arith.constant 2 : i32
          %add3A_374 = vector.broadcast %add3A_373 : i32 to vector<16xi32>
          %add3A_375 = arith.addi %mul3A_122, %add3A_374 : vector<16xi32>
          %max3A_376 = arith.maximumf %gather3A_372, %add3A_197 : vector<16xf32>
          tpu.vector_store_idx %arg12[%shift_right_logical3A_116, %add3A_375], %max3A_376 : memref<625x128xf32, #tpu.memory_space<vmem>>[vector<16xi32>, vector<16xi32>], vector<16xf32>,
          %add3A_377 = arith.constant 3 : i32
          %add3A_378 = vector.broadcast %add3A_377 : i32 to vector<16xi32>
          %add3A_379 = arith.addi %mul3A_122, %add3A_378 : vector<16xi32>
          %gather3A_380 = tpu.vector_load_idx %arg12[%shift_right_logical3A_116, %add3A_379] : memref<625x128xf32, #tpu.memory_space<vmem>>[vector<16xi32>, vector<16xi32>], vector<16xf32>,
          %add3A_381 = arith.constant 3 : i32
          %add3A_382 = vector.broadcast %add3A_381 : i32 to vector<16xi32>
          %add3A_383 = arith.addi %mul3A_122, %add3A_382 : vector<16xi32>
          %max3A_384 = arith.maximumf %gather3A_380, %add3A_222 : vector<16xf32>
          tpu.vector_store_idx %arg12[%shift_right_logical3A_116, %add3A_383], %max3A_384 : memref<625x128xf32, #tpu.memory_space<vmem>>[vector<16xi32>, vector<16xi32>], vector<16xf32>,
          %add3A_385 = arith.constant 4 : i32
          %add3A_386 = vector.broadcast %add3A_385 : i32 to vector<16xi32>
          %add3A_387 = arith.addi %mul3A_122, %add3A_386 : vector<16xi32>
          %gather3A_388 = tpu.vector_load_idx %arg12[%shift_right_logical3A_116, %add3A_387] : memref<625x128xf32, #tpu.memory_space<vmem>>[vector<16xi32>, vector<16xi32>], vector<16xf32>,
          %add3A_389 = arith.constant 4 : i32
          %add3A_390 = vector.broadcast %add3A_389 : i32 to vector<16xi32>
          %add3A_391 = arith.addi %mul3A_122, %add3A_390 : vector<16xi32>
          %max3A_392 = arith.maximumf %gather3A_388, %add3A_247 : vector<16xf32>
          tpu.vector_store_idx %arg12[%shift_right_logical3A_116, %add3A_391], %max3A_392 : memref<625x128xf32, #tpu.memory_space<vmem>>[vector<16xi32>, vector<16xi32>], vector<16xf32>,
          %add3A_393 = arith.constant 5 : i32
          %add3A_394 = vector.broadcast %add3A_393 : i32 to vector<16xi32>
          %add3A_395 = arith.addi %mul3A_122, %add3A_394 : vector<16xi32>
          %gather3A_396 = tpu.vector_load_idx %arg12[%shift_right_logical3A_116, %add3A_395] : memref<625x128xf32, #tpu.memory_space<vmem>>[vector<16xi32>, vector<16xi32>], vector<16xf32>,
          %add3A_397 = arith.constant 5 : i32
          %add3A_398 = vector.broadcast %add3A_397 : i32 to vector<16xi32>
          %add3A_399 = arith.addi %mul3A_122, %add3A_398 : vector<16xi32>
          %max3A_400 = arith.maximumf %gather3A_396, %add3A_272 : vector<16xf32>
          tpu.vector_store_idx %arg12[%shift_right_logical3A_116, %add3A_399], %max3A_400 : memref<625x128xf32, #tpu.memory_space<vmem>>[vector<16xi32>, vector<16xi32>], vector<16xf32>,
          %add3A_401 = arith.constant 6 : i32
          %add3A_402 = vector.broadcast %add3A_401 : i32 to vector<16xi32>
          %add3A_403 = arith.addi %mul3A_122, %add3A_402 : vector<16xi32>
          %gather3A_404 = tpu.vector_load_idx %arg12[%shift_right_logical3A_116, %add3A_403] : memref<625x128xf32, #tpu.memory_space<vmem>>[vector<16xi32>, vector<16xi32>], vector<16xf32>,
          %add3A_405 = arith.constant 6 : i32
          %add3A_406 = vector.broadcast %add3A_405 : i32 to vector<16xi32>
          %add3A_407 = arith.addi %mul3A_122, %add3A_406 : vector<16xi32>
          %max3A_408 = arith.maximumf %gather3A_404, %add3A_297 : vector<16xf32>
          tpu.vector_store_idx %arg12[%shift_right_logical3A_116, %add3A_407], %max3A_408 : memref<625x128xf32, #tpu.memory_space<vmem>>[vector<16xi32>, vector<16xi32>], vector<16xf32>,
          %add3A_409 = arith.constant 7 : i32
          %add3A_410 = vector.broadcast %add3A_409 : i32 to vector<16xi32>
          %add3A_411 = arith.addi %mul3A_122, %add3A_410 : vector<16xi32>
          %gather3A_412 = tpu.vector_load_idx %arg12[%shift_right_logical3A_116, %add3A_411] : memref<625x128xf32, #tpu.memory_space<vmem>>[vector<16xi32>, vector<16xi32>], vector<16xf32>,
          %add3A_413 = arith.constant 7 : i32
          %add3A_414 = vector.broadcast %add3A_413 : i32 to vector<16xi32>
          %add3A_415 = arith.addi %mul3A_122, %add3A_414 : vector<16xi32>
          %max3A_416 = arith.maximumf %gather3A_412, %add3A_322 : vector<16xf32>
          tpu.vector_store_idx %arg12[%shift_right_logical3A_116, %add3A_415], %max3A_416 : memref<625x128xf32, #tpu.memory_space<vmem>>[vector<16xi32>, vector<16xi32>], vector<16xf32>,
        } else {
        }
        %convert_element_type3A_349 = arith.extui %reduce_or3A_346 : i1 to i32
        %cond3A_350 = arith.constant 0 : i32
        %cond3A_351 = arith.cmpi ne, %convert_element_type3A_349, %cond3A_350 : i32
        scf.if %cond3A_351 {
          %broadcast_in_dim3A_353 = arith.constant true
          %broadcast_in_dim3A_354 = vector.broadcast %broadcast_in_dim3A_353 : i1 to vector<16xi1>
          %while3A = scf.while (%while3A_355 = %broadcast_in_dim3A_354) : (vector<16xi1>) -> vector<16xi1> {
            %reduce_or3A_356 = arith.constant 1.000000e+00 : f32
            %reduce_or3A_357 = arith.constant 0.000000e+00 : f32
            %reduce_or3A_358 = vector.broadcast %reduce_or3A_356 : f32 to vector<16xf32>
            %reduce_or3A_359 = vector.broadcast %reduce_or3A_357 : f32 to vector<16xf32>
            %reduce_or3A_360 = arith.select %while3A_355, %reduce_or3A_358, %reduce_or3A_359 : vector<16xi1>, vector<16xf32>
            %reduce_or3A_361 = arith.constant true
            %reduce_or3A_362 = vector.broadcast %reduce_or3A_361 : i1 to vector<16xi1>
            %reduce_or3A_363 = tpu.scan <max>, %reduce_or3A_360 masked %reduce_or3A_362 : vector<16xf32>, vector<16xi1> -> vector<16xf32>
            %reduce_or3A_364 = vector.extract %reduce_or3A_363[15] : f32 from vector<16xf32>
            %reduce_or3A_365 = arith.constant 0.000000e+00 : f32
            %reduce_or3A_366 = arith.cmpf ogt, %reduce_or3A_364, %reduce_or3A_365 : f32
            scf.condition(%reduce_or3A_366) %while3A_355 : vector<16xi1>
          } do {
          ^bb0(%while3A_355: vector<16xi1>):
            %broadcast_in_dim3A_356 = arith.constant false
            %broadcast_in_dim3A_357 = vector.broadcast %broadcast_in_dim3A_356 : i1 to vector<16xi1>
            %add3A_358 = arith.constant 0 : i32
            %add3A_359 = vector.broadcast %add3A_358 : i32 to vector<16xi32>
            %add3A_360 = arith.addi %mul3A_122, %add3A_359 : vector<16xi32>
            %gather3A_361 = tpu.vector_load_idx %arg12[%shift_right_logical3A_116, %add3A_360] : memref<625x128xf32, #tpu.memory_space<vmem>>[vector<16xi32>, vector<16xi32>], vector<16xf32>,
            %max3A_362 = arith.maximumf %gather3A_361, %add3A_147 : vector<16xf32>
            %add3A_363 = arith.constant 0 : i32
            %add3A_364 = vector.broadcast %add3A_363 : i32 to vector<16xi32>
            %add3A_365 = arith.addi %mul3A_122, %add3A_364 : vector<16xi32>
            tpu.vector_store_idx %arg12[%shift_right_logical3A_116, %add3A_365], %max3A_362 masked %while3A_355 : memref<625x128xf32, #tpu.memory_space<vmem>>[vector<16xi32>, vector<16xi32>], vector<16xf32>, vector<16xi1>
            %add3A_366 = arith.constant 0 : i32
            %add3A_367 = vector.broadcast %add3A_366 : i32 to vector<16xi32>
            %add3A_368 = arith.addi %mul3A_122, %add3A_367 : vector<16xi32>
            %gather3A_369 = tpu.vector_load_idx %arg12[%shift_right_logical3A_116, %add3A_368] : memref<625x128xf32, #tpu.memory_space<vmem>>[vector<16xi32>, vector<16xi32>], vector<16xf32>,
            %lt3A_370 = arith.cmpf olt, %gather3A_369, %max3A_362 : vector<16xf32>
            %or3A = arith.ori %broadcast_in_dim3A_357, %lt3A_370 : vector<16xi1>
            %add3A_371 = arith.constant 1 : i32
            %add3A_372 = vector.broadcast %add3A_371 : i32 to vector<16xi32>
            %add3A_373 = arith.addi %mul3A_122, %add3A_372 : vector<16xi32>
            %gather3A_374 = tpu.vector_load_idx %arg12[%shift_right_logical3A_116, %add3A_373] : memref<625x128xf32, #tpu.memory_space<vmem>>[vector<16xi32>, vector<16xi32>], vector<16xf32>,
            %max3A_375 = arith.maximumf %gather3A_374, %add3A_172 : vector<16xf32>
            %add3A_376 = arith.constant 1 : i32
            %add3A_377 = vector.broadcast %add3A_376 : i32 to vector<16xi32>
            %add3A_378 = arith.addi %mul3A_122, %add3A_377 : vector<16xi32>
            tpu.vector_store_idx %arg12[%shift_right_logical3A_116, %add3A_378], %max3A_375 masked %while3A_355 : memref<625x128xf32, #tpu.memory_space<vmem>>[vector<16xi32>, vector<16xi32>], vector<16xf32>, vector<16xi1>
            %add3A_379 = arith.constant 1 : i32
            %add3A_380 = vector.broadcast %add3A_379 : i32 to vector<16xi32>
            %add3A_381 = arith.addi %mul3A_122, %add3A_380 : vector<16xi32>
            %gather3A_382 = tpu.vector_load_idx %arg12[%shift_right_logical3A_116, %add3A_381] : memref<625x128xf32, #tpu.memory_space<vmem>>[vector<16xi32>, vector<16xi32>], vector<16xf32>,
            %lt3A_383 = arith.cmpf olt, %gather3A_382, %max3A_375 : vector<16xf32>
            %or3A_384 = arith.ori %or3A, %lt3A_383 : vector<16xi1>
            %add3A_385 = arith.constant 2 : i32
            %add3A_386 = vector.broadcast %add3A_385 : i32 to vector<16xi32>
            %add3A_387 = arith.addi %mul3A_122, %add3A_386 : vector<16xi32>
            %gather3A_388 = tpu.vector_load_idx %arg12[%shift_right_logical3A_116, %add3A_387] : memref<625x128xf32, #tpu.memory_space<vmem>>[vector<16xi32>, vector<16xi32>], vector<16xf32>,
            %max3A_389 = arith.maximumf %gather3A_388, %add3A_197 : vector<16xf32>
            %add3A_390 = arith.constant 2 : i32
            %add3A_391 = vector.broadcast %add3A_390 : i32 to vector<16xi32>
            %add3A_392 = arith.addi %mul3A_122, %add3A_391 : vector<16xi32>
            tpu.vector_store_idx %arg12[%shift_right_logical3A_116, %add3A_392], %max3A_389 masked %while3A_355 : memref<625x128xf32, #tpu.memory_space<vmem>>[vector<16xi32>, vector<16xi32>], vector<16xf32>, vector<16xi1>
            %add3A_393 = arith.constant 2 : i32
            %add3A_394 = vector.broadcast %add3A_393 : i32 to vector<16xi32>
            %add3A_395 = arith.addi %mul3A_122, %add3A_394 : vector<16xi32>
            %gather3A_396 = tpu.vector_load_idx %arg12[%shift_right_logical3A_116, %add3A_395] : memref<625x128xf32, #tpu.memory_space<vmem>>[vector<16xi32>, vector<16xi32>], vector<16xf32>,
            %lt3A_397 = arith.cmpf olt, %gather3A_396, %max3A_389 : vector<16xf32>
            %or3A_398 = arith.ori %or3A_384, %lt3A_397 : vector<16xi1>
            %add3A_399 = arith.constant 3 : i32
            %add3A_400 = vector.broadcast %add3A_399 : i32 to vector<16xi32>
            %add3A_401 = arith.addi %mul3A_122, %add3A_400 : vector<16xi32>
            %gather3A_402 = tpu.vector_load_idx %arg12[%shift_right_logical3A_116, %add3A_401] : memref<625x128xf32, #tpu.memory_space<vmem>>[vector<16xi32>, vector<16xi32>], vector<16xf32>,
            %max3A_403 = arith.maximumf %gather3A_402, %add3A_222 : vector<16xf32>
            %add3A_404 = arith.constant 3 : i32
            %add3A_405 = vector.broadcast %add3A_404 : i32 to vector<16xi32>
            %add3A_406 = arith.addi %mul3A_122, %add3A_405 : vector<16xi32>
            tpu.vector_store_idx %arg12[%shift_right_logical3A_116, %add3A_406], %max3A_403 masked %while3A_355 : memref<625x128xf32, #tpu.memory_space<vmem>>[vector<16xi32>, vector<16xi32>], vector<16xf32>, vector<16xi1>
            %add3A_407 = arith.constant 3 : i32
            %add3A_408 = vector.broadcast %add3A_407 : i32 to vector<16xi32>
            %add3A_409 = arith.addi %mul3A_122, %add3A_408 : vector<16xi32>
            %gather3A_410 = tpu.vector_load_idx %arg12[%shift_right_logical3A_116, %add3A_409] : memref<625x128xf32, #tpu.memory_space<vmem>>[vector<16xi32>, vector<16xi32>], vector<16xf32>,
            %lt3A_411 = arith.cmpf olt, %gather3A_410, %max3A_403 : vector<16xf32>
            %or3A_412 = arith.ori %or3A_398, %lt3A_411 : vector<16xi1>
            %add3A_413 = arith.constant 4 : i32
            %add3A_414 = vector.broadcast %add3A_413 : i32 to vector<16xi32>
            %add3A_415 = arith.addi %mul3A_122, %add3A_414 : vector<16xi32>
            %gather3A_416 = tpu.vector_load_idx %arg12[%shift_right_logical3A_116, %add3A_415] : memref<625x128xf32, #tpu.memory_space<vmem>>[vector<16xi32>, vector<16xi32>], vector<16xf32>,
            %max3A_417 = arith.maximumf %gather3A_416, %add3A_247 : vector<16xf32>
            %add3A_418 = arith.constant 4 : i32
            %add3A_419 = vector.broadcast %add3A_418 : i32 to vector<16xi32>
            %add3A_420 = arith.addi %mul3A_122, %add3A_419 : vector<16xi32>
            tpu.vector_store_idx %arg12[%shift_right_logical3A_116, %add3A_420], %max3A_417 masked %while3A_355 : memref<625x128xf32, #tpu.memory_space<vmem>>[vector<16xi32>, vector<16xi32>], vector<16xf32>, vector<16xi1>
            %add3A_421 = arith.constant 4 : i32
            %add3A_422 = vector.broadcast %add3A_421 : i32 to vector<16xi32>
            %add3A_423 = arith.addi %mul3A_122, %add3A_422 : vector<16xi32>
            %gather3A_424 = tpu.vector_load_idx %arg12[%shift_right_logical3A_116, %add3A_423] : memref<625x128xf32, #tpu.memory_space<vmem>>[vector<16xi32>, vector<16xi32>], vector<16xf32>,
            %lt3A_425 = arith.cmpf olt, %gather3A_424, %max3A_417 : vector<16xf32>
            %or3A_426 = arith.ori %or3A_412, %lt3A_425 : vector<16xi1>
            %add3A_427 = arith.constant 5 : i32
            %add3A_428 = vector.broadcast %add3A_427 : i32 to vector<16xi32>
            %add3A_429 = arith.addi %mul3A_122, %add3A_428 : vector<16xi32>
            %gather3A_430 = tpu.vector_load_idx %arg12[%shift_right_logical3A_116, %add3A_429] : memref<625x128xf32, #tpu.memory_space<vmem>>[vector<16xi32>, vector<16xi32>], vector<16xf32>,
            %max3A_431 = arith.maximumf %gather3A_430, %add3A_272 : vector<16xf32>
            %add3A_432 = arith.constant 5 : i32
            %add3A_433 = vector.broadcast %add3A_432 : i32 to vector<16xi32>
            %add3A_434 = arith.addi %mul3A_122, %add3A_433 : vector<16xi32>
            tpu.vector_store_idx %arg12[%shift_right_logical3A_116, %add3A_434], %max3A_431 masked %while3A_355 : memref<625x128xf32, #tpu.memory_space<vmem>>[vector<16xi32>, vector<16xi32>], vector<16xf32>, vector<16xi1>
            %add3A_435 = arith.constant 5 : i32
            %add3A_436 = vector.broadcast %add3A_435 : i32 to vector<16xi32>
            %add3A_437 = arith.addi %mul3A_122, %add3A_436 : vector<16xi32>
            %gather3A_438 = tpu.vector_load_idx %arg12[%shift_right_logical3A_116, %add3A_437] : memref<625x128xf32, #tpu.memory_space<vmem>>[vector<16xi32>, vector<16xi32>], vector<16xf32>,
            %lt3A_439 = arith.cmpf olt, %gather3A_438, %max3A_431 : vector<16xf32>
            %or3A_440 = arith.ori %or3A_426, %lt3A_439 : vector<16xi1>
            %add3A_441 = arith.constant 6 : i32
            %add3A_442 = vector.broadcast %add3A_441 : i32 to vector<16xi32>
            %add3A_443 = arith.addi %mul3A_122, %add3A_442 : vector<16xi32>
            %gather3A_444 = tpu.vector_load_idx %arg12[%shift_right_logical3A_116, %add3A_443] : memref<625x128xf32, #tpu.memory_space<vmem>>[vector<16xi32>, vector<16xi32>], vector<16xf32>,
            %max3A_445 = arith.maximumf %gather3A_444, %add3A_297 : vector<16xf32>
            %add3A_446 = arith.constant 6 : i32
            %add3A_447 = vector.broadcast %add3A_446 : i32 to vector<16xi32>
            %add3A_448 = arith.addi %mul3A_122, %add3A_447 : vector<16xi32>
            tpu.vector_store_idx %arg12[%shift_right_logical3A_116, %add3A_448], %max3A_445 masked %while3A_355 : memref<625x128xf32, #tpu.memory_space<vmem>>[vector<16xi32>, vector<16xi32>], vector<16xf32>, vector<16xi1>
            %add3A_449 = arith.constant 6 : i32
            %add3A_450 = vector.broadcast %add3A_449 : i32 to vector<16xi32>
            %add3A_451 = arith.addi %mul3A_122, %add3A_450 : vector<16xi32>
            %gather3A_452 = tpu.vector_load_idx %arg12[%shift_right_logical3A_116, %add3A_451] : memref<625x128xf32, #tpu.memory_space<vmem>>[vector<16xi32>, vector<16xi32>], vector<16xf32>,
            %lt3A_453 = arith.cmpf olt, %gather3A_452, %max3A_445 : vector<16xf32>
            %or3A_454 = arith.ori %or3A_440, %lt3A_453 : vector<16xi1>
            %add3A_455 = arith.constant 7 : i32
            %add3A_456 = vector.broadcast %add3A_455 : i32 to vector<16xi32>
            %add3A_457 = arith.addi %mul3A_122, %add3A_456 : vector<16xi32>
            %gather3A_458 = tpu.vector_load_idx %arg12[%shift_right_logical3A_116, %add3A_457] : memref<625x128xf32, #tpu.memory_space<vmem>>[vector<16xi32>, vector<16xi32>], vector<16xf32>,
            %max3A_459 = arith.maximumf %gather3A_458, %add3A_322 : vector<16xf32>
            %add3A_460 = arith.constant 7 : i32
            %add3A_461 = vector.broadcast %add3A_460 : i32 to vector<16xi32>
            %add3A_462 = arith.addi %mul3A_122, %add3A_461 : vector<16xi32>
            tpu.vector_store_idx %arg12[%shift_right_logical3A_116, %add3A_462], %max3A_459 masked %while3A_355 : memref<625x128xf32, #tpu.memory_space<vmem>>[vector<16xi32>, vector<16xi32>], vector<16xf32>, vector<16xi1>
            %add3A_463 = arith.constant 7 : i32
            %add3A_464 = vector.broadcast %add3A_463 : i32 to vector<16xi32>
            %add3A_465 = arith.addi %mul3A_122, %add3A_464 : vector<16xi32>
            %gather3A_466 = tpu.vector_load_idx %arg12[%shift_right_logical3A_116, %add3A_465] : memref<625x128xf32, #tpu.memory_space<vmem>>[vector<16xi32>, vector<16xi32>], vector<16xf32>,
            %lt3A_467 = arith.cmpf olt, %gather3A_466, %max3A_459 : vector<16xf32>
            %or3A_468 = arith.ori %or3A_454, %lt3A_467 : vector<16xi1>
            %and3A_469 = arith.andi %while3A_355, %or3A_468 : vector<16xi1>
            scf.yield %and3A_469 : vector<16xi1>
          }
        } else {
        }
        %scan3A_352 = arith.constant 0 : i32
        scf.yield %scan3A_352 : i32
      }
      %scan3A_108 = arith.constant 40 : i32
      %scan3A_109 = arith.constant 0 : i32
      scf.yield %scan3A_109 : i32
    }
    %scan3A_58 = arith.constant 125 : i32
    %run_scoped3A = arith.constant 0 : i32
    "tpu.region"() ({
      %run_scoped3A_69 = tpu.sem_alloc : memref<!tpu.dma_semaphore, #tpu.memory_space<semaphore_mem>>
      %dma_start3A = arith.constant 0 : i32
      %dma_start3A_70 = arith.constant 0 : i32
      %dma_start3A_71 = tpu.memref_slice %arg7[%run_scoped3A, %add3A_30, %select_n3A_7, %dma_start3A, %dma_start3A_70] : memref<2x4x8x625x128xf32, #tpu.memory_space<hbm>> -> memref<1x1x1x625x128xf32, #tpu.memory_space<hbm>>
      %dma_start3A_72 = tpu.memref_squeeze %dma_start3A_71 : memref<1x1x1x625x128xf32, #tpu.memory_space<hbm>> -> memref<625x128xf32, #tpu.memory_space<hbm>>
      %dma_start3A_73 = arith.constant 0 : i32
      %dma_start3A_74 = arith.constant 0 : i32
      %dma_start3A_75 = tpu.memref_slice %arg7[%run_scoped3A, %add3A_30, %select_n3A_7, %dma_start3A_73, %dma_start3A_74] : memref<2x4x8x625x128xf32, #tpu.memory_space<hbm>> -> memref<1x1x1x625x128xf32, #tpu.memory_space<hbm>>
      %dma_start3A_76 = tpu.memref_squeeze %dma_start3A_75 : memref<1x1x1x625x128xf32, #tpu.memory_space<hbm>> -> memref<625x128xf32, #tpu.memory_space<hbm>>
      tpu.enqueue_dma source(%arg12 : memref<625x128xf32, #tpu.memory_space<vmem>>) target(%dma_start3A_76 : memref<625x128xf32, #tpu.memory_space<hbm>>) target_semaphore(%run_scoped3A_69 : memref<!tpu.dma_semaphore, #tpu.memory_space<semaphore_mem>>)
      %dma_wait3A = arith.constant 0 : i32
      %dma_wait3A_77 = arith.constant 0 : i32
      %dma_wait3A_78 = tpu.memref_slice %arg7[%run_scoped3A, %add3A_30, %select_n3A_7, %dma_wait3A, %dma_wait3A_77] : memref<2x4x8x625x128xf32, #tpu.memory_space<hbm>> -> memref<1x1x1x625x128xf32, #tpu.memory_space<hbm>>
      %dma_wait3A_79 = tpu.memref_squeeze %dma_wait3A_78 : memref<1x1x1x625x128xf32, #tpu.memory_space<hbm>> -> memref<625x128xf32, #tpu.memory_space<hbm>>
      %dma_wait3A_80 = arith.constant 0 : i32
      %dma_wait3A_81 = arith.constant 0 : i32
      %dma_wait3A_82 = tpu.memref_slice %arg7[%run_scoped3A, %add3A_30, %select_n3A_7, %dma_wait3A_80, %dma_wait3A_81] : memref<2x4x8x625x128xf32, #tpu.memory_space<hbm>> -> memref<1x1x1x625x128xf32, #tpu.memory_space<hbm>>
      %dma_wait3A_83 = tpu.memref_squeeze %dma_wait3A_82 : memref<1x1x1x625x128xf32, #tpu.memory_space<hbm>> -> memref<625x128xf32, #tpu.memory_space<hbm>>
      tpu.wait_dma2 semaphore(%run_scoped3A_69 : memref<!tpu.dma_semaphore, #tpu.memory_space<semaphore_mem>>) src(%arg12 : memref<625x128xf32, #tpu.memory_space<vmem>>) dst(%dma_wait3A_83 : memref<625x128xf32, #tpu.memory_space<hbm>>)
      tpu.yield
    }) : () -> ()
    "tpu.region"() ({
      %run_scoped3A_69 = tpu.sem_alloc : memref<!tpu.dma_semaphore, #tpu.memory_space<semaphore_mem>>
      tpu.enqueue_dma source(%arg6 : memref<625x128xf32, #tpu.memory_space<hbm>>) target(%arg12 : memref<625x128xf32, #tpu.memory_space<vmem>>) target_semaphore(%run_scoped3A_69 : memref<!tpu.dma_semaphore, #tpu.memory_space<semaphore_mem>>)
      tpu.wait_dma2 semaphore(%run_scoped3A_69 : memref<!tpu.dma_semaphore, #tpu.memory_space<semaphore_mem>>) src(%arg6 : memref<625x128xf32, #tpu.memory_space<hbm>>) dst(%arg12 : memref<625x128xf32, #tpu.memory_space<vmem>>)
      tpu.yield
    }) : () -> ()
    %mul3A_59 = arith.constant 80000 : i32
    %mul3A_60 = arith.muli %add3A_30, %mul3A_59 : i32
    %scan3A_61 = arith.constant 0 : i32
    %scan3A_62 = arith.constant 0 : i32
    %scan3A_63 = arith.constant 125 : i32
    %scan3A_64 = arith.addi %scan3A_62, %scan3A_63 : i32
    %scan3A_65 = arith.constant 1 : i32
    %scan3A_66 = scf.for %scan3A_69 = %scan3A_62 to %scan3A_64 step %scan3A_65 iter_args(%scan3A_70 = %scan3A_61) -> (i32)  : i32 {
      %mul3A_71 = arith.constant 640 : i32
      %mul3A_72 = arith.muli %scan3A_69, %mul3A_71 : i32
      %add3A_73 = arith.addi %mul3A_60, %mul3A_72 : i32
      %run_scoped3A_74 = arith.constant 1 : i32
      "tpu.region"() ({
        %run_scoped3A_110 = tpu.sem_alloc : memref<!tpu.dma_semaphore, #tpu.memory_space<semaphore_mem>>
        %dma_start3A = tpu.memref_slice %arg4[%run_scoped3A_74, %add3A_73] : memref<2x320000xi32, #tpu.memory_space<hbm>> -> memref<1x640xi32, #tpu.memory_space<hbm>>
        %dma_start3A_111 = tpu.memref_squeeze %dma_start3A : memref<1x640xi32, #tpu.memory_space<hbm>> -> memref<640xi32, #tpu.memory_space<hbm>>
        %dma_start3A_112 = tpu.memref_slice %arg4[%run_scoped3A_74, %add3A_73] : memref<2x320000xi32, #tpu.memory_space<hbm>> -> memref<1x640xi32, #tpu.memory_space<hbm>>
        %dma_start3A_113 = tpu.memref_squeeze %dma_start3A_112 : memref<1x640xi32, #tpu.memory_space<hbm>> -> memref<640xi32, #tpu.memory_space<hbm>>
        tpu.enqueue_dma source(%dma_start3A_113 : memref<640xi32, #tpu.memory_space<hbm>>) target(%arg10 : memref<640xi32, #tpu.memory_space<vmem>>) target_semaphore(%run_scoped3A_110 : memref<!tpu.dma_semaphore, #tpu.memory_space<semaphore_mem>>)
        %dma_wait3A = tpu.memref_slice %arg4[%run_scoped3A_74, %add3A_73] : memref<2x320000xi32, #tpu.memory_space<hbm>> -> memref<1x640xi32, #tpu.memory_space<hbm>>
        %dma_wait3A_114 = tpu.memref_squeeze %dma_wait3A : memref<1x640xi32, #tpu.memory_space<hbm>> -> memref<640xi32, #tpu.memory_space<hbm>>
        %dma_wait3A_115 = tpu.memref_slice %arg4[%run_scoped3A_74, %add3A_73] : memref<2x320000xi32, #tpu.memory_space<hbm>> -> memref<1x640xi32, #tpu.memory_space<hbm>>
        %dma_wait3A_116 = tpu.memref_squeeze %dma_wait3A_115 : memref<1x640xi32, #tpu.memory_space<hbm>> -> memref<640xi32, #tpu.memory_space<hbm>>
        tpu.wait_dma2 semaphore(%run_scoped3A_110 : memref<!tpu.dma_semaphore, #tpu.memory_space<semaphore_mem>>) src(%dma_wait3A_116 : memref<640xi32, #tpu.memory_space<hbm>>) dst(%arg10 : memref<640xi32, #tpu.memory_space<vmem>>)
        tpu.yield
      }) : () -> ()
      %run_scoped3A_75 = arith.constant 1 : i32
      "tpu.region"() ({
        %run_scoped3A_110 = tpu.sem_alloc : memref<!tpu.dma_semaphore, #tpu.memory_space<semaphore_mem>>
        %dma_start3A = tpu.memref_slice %arg5[%run_scoped3A_75, %add3A_73] : memref<2x320000xi32, #tpu.memory_space<hbm>> -> memref<1x640xi32, #tpu.memory_space<hbm>>
        %dma_start3A_111 = tpu.memref_squeeze %dma_start3A : memref<1x640xi32, #tpu.memory_space<hbm>> -> memref<640xi32, #tpu.memory_space<hbm>>
        %dma_start3A_112 = tpu.memref_slice %arg5[%run_scoped3A_75, %add3A_73] : memref<2x320000xi32, #tpu.memory_space<hbm>> -> memref<1x640xi32, #tpu.memory_space<hbm>>
        %dma_start3A_113 = tpu.memref_squeeze %dma_start3A_112 : memref<1x640xi32, #tpu.memory_space<hbm>> -> memref<640xi32, #tpu.memory_space<hbm>>
        tpu.enqueue_dma source(%dma_start3A_113 : memref<640xi32, #tpu.memory_space<hbm>>) target(%arg11 : memref<640xi32, #tpu.memory_space<vmem>>) target_semaphore(%run_scoped3A_110 : memref<!tpu.dma_semaphore, #tpu.memory_space<semaphore_mem>>)
        %dma_wait3A = tpu.memref_slice %arg5[%run_scoped3A_75, %add3A_73] : memref<2x320000xi32, #tpu.memory_space<hbm>> -> memref<1x640xi32, #tpu.memory_space<hbm>>
        %dma_wait3A_114 = tpu.memref_squeeze %dma_wait3A : memref<1x640xi32, #tpu.memory_space<hbm>> -> memref<640xi32, #tpu.memory_space<hbm>>
        %dma_wait3A_115 = tpu.memref_slice %arg5[%run_scoped3A_75, %add3A_73] : memref<2x320000xi32, #tpu.memory_space<hbm>> -> memref<1x640xi32, #tpu.memory_space<hbm>>
        %dma_wait3A_116 = tpu.memref_squeeze %dma_wait3A_115 : memref<1x640xi32, #tpu.memory_space<hbm>> -> memref<640xi32, #tpu.memory_space<hbm>>
        tpu.wait_dma2 semaphore(%run_scoped3A_110 : memref<!tpu.dma_semaphore, #tpu.memory_space<semaphore_mem>>) src(%dma_wait3A_116 : memref<640xi32, #tpu.memory_space<hbm>>) dst(%arg11 : memref<640xi32, #tpu.memory_space<vmem>>)
        tpu.yield
      }) : () -> ()
      %jit3A_76 = arith.constant 128 : i32
      %div3A_77 = arith.divsi %add3A_73, %jit3A_76 : i32
      %sign3A_78 = arith.constant 0 : i32
      %sign3A_79 = arith.cmpi sgt, %add3A_73, %sign3A_78 : i32
      %sign3A_80 = arith.extui %sign3A_79 : i1 to i32
      %sign3A_81 = arith.constant 0 : i32
      %sign3A_82 = arith.cmpi slt, %add3A_73, %sign3A_81 : i32
      %sign3A_83 = arith.extui %sign3A_82 : i1 to i32
      %sign3A_84 = arith.subi %sign3A_80, %sign3A_83 : i32
      %sign3A_85 = arith.constant 0 : i32
      %sign3A_86 = arith.cmpi sgt, %jit3A_76, %sign3A_85 : i32
      %sign3A_87 = arith.extui %sign3A_86 : i1 to i32
      %sign3A_88 = arith.constant 0 : i32
      %sign3A_89 = arith.cmpi slt, %jit3A_76, %sign3A_88 : i32
      %sign3A_90 = arith.extui %sign3A_89 : i1 to i32
      %sign3A_91 = arith.subi %sign3A_87, %sign3A_90 : i32
      %ne3A_92 = arith.cmpi ne, %sign3A_84, %sign3A_91 : i32
      %rem3A_93 = arith.remsi %add3A_73, %jit3A_76 : i32
      %ne3A_94 = arith.constant 0 : i32
      %ne3A_95 = arith.cmpi ne, %rem3A_93, %ne3A_94 : i32
      %and3A_96 = arith.andi %ne3A_92, %ne3A_95 : i1
      %sub3A_97 = arith.constant 1 : i32
      %sub3A_98 = arith.subi %div3A_77, %sub3A_97 : i32
      %select_n3A_99 = arith.select %and3A_96, %sub3A_98, %div3A_77 : i32
      %run_scoped3A_100 = arith.constant 1 : i32
      "tpu.region"() ({
        %run_scoped3A_110 = tpu.sem_alloc : memref<!tpu.dma_semaphore, #tpu.memory_space<semaphore_mem>>
        %dma_start3A = arith.constant 0 : i32
        %dma_start3A_111 = arith.constant 0 : i32
        %dma_start3A_112 = tpu.memref_slice %arg2[%run_scoped3A_100, %select_n3A_7, %dma_start3A, %select_n3A_99, %dma_start3A_111] : memref<2x8x8x2500x128xf32, #tpu.memory_space<hbm>> -> memref<1x1x8x5x128xf32, #tpu.memory_space<hbm>>
        %dma_start3A_113 = tpu.memref_squeeze %dma_start3A_112 : memref<1x1x8x5x128xf32, #tpu.memory_space<hbm>> -> memref<8x5x128xf32, #tpu.memory_space<hbm>>
        %dma_start3A_114 = arith.constant 0 : i32
        %dma_start3A_115 = arith.constant 0 : i32
        %dma_start3A_116 = tpu.memref_slice %arg2[%run_scoped3A_100, %select_n3A_7, %dma_start3A_114, %select_n3A_99, %dma_start3A_115] : memref<2x8x8x2500x128xf32, #tpu.memory_space<hbm>> -> memref<1x1x8x5x128xf32, #tpu.memory_space<hbm>>
        %dma_start3A_117 = tpu.memref_squeeze %dma_start3A_116 : memref<1x1x8x5x128xf32, #tpu.memory_space<hbm>> -> memref<8x5x128xf32, #tpu.memory_space<hbm>>
        tpu.enqueue_dma source(%dma_start3A_117 : memref<8x5x128xf32, #tpu.memory_space<hbm>>) target(%arg8 : memref<8x5x128xf32, #tpu.memory_space<vmem>>) target_semaphore(%run_scoped3A_110 : memref<!tpu.dma_semaphore, #tpu.memory_space<semaphore_mem>>)
        %dma_wait3A = arith.constant 0 : i32
        %dma_wait3A_118 = arith.constant 0 : i32
        %dma_wait3A_119 = tpu.memref_slice %arg2[%run_scoped3A_100, %select_n3A_7, %dma_wait3A, %select_n3A_99, %dma_wait3A_118] : memref<2x8x8x2500x128xf32, #tpu.memory_space<hbm>> -> memref<1x1x8x5x128xf32, #tpu.memory_space<hbm>>
        %dma_wait3A_120 = tpu.memref_squeeze %dma_wait3A_119 : memref<1x1x8x5x128xf32, #tpu.memory_space<hbm>> -> memref<8x5x128xf32, #tpu.memory_space<hbm>>
        %dma_wait3A_121 = arith.constant 0 : i32
        %dma_wait3A_122 = arith.constant 0 : i32
        %dma_wait3A_123 = tpu.memref_slice %arg2[%run_scoped3A_100, %select_n3A_7, %dma_wait3A_121, %select_n3A_99, %dma_wait3A_122] : memref<2x8x8x2500x128xf32, #tpu.memory_space<hbm>> -> memref<1x1x8x5x128xf32, #tpu.memory_space<hbm>>
        %dma_wait3A_124 = tpu.memref_squeeze %dma_wait3A_123 : memref<1x1x8x5x128xf32, #tpu.memory_space<hbm>> -> memref<8x5x128xf32, #tpu.memory_space<hbm>>
        tpu.wait_dma2 semaphore(%run_scoped3A_110 : memref<!tpu.dma_semaphore, #tpu.memory_space<semaphore_mem>>) src(%dma_wait3A_124 : memref<8x5x128xf32, #tpu.memory_space<hbm>>) dst(%arg8 : memref<8x5x128xf32, #tpu.memory_space<vmem>>)
        tpu.yield
      }) : () -> ()
      %run_scoped3A_101 = arith.constant 1 : i32
      "tpu.region"() ({
        %run_scoped3A_110 = tpu.sem_alloc : memref<!tpu.dma_semaphore, #tpu.memory_space<semaphore_mem>>
        %dma_start3A = arith.constant 0 : i32
        %dma_start3A_111 = arith.constant 0 : i32
        %dma_start3A_112 = tpu.memref_slice %arg3[%run_scoped3A_101, %select_n3A_7, %dma_start3A, %dma_start3A_111] : memref<2x8x10000x8xf32, #tpu.memory_space<hbm>> -> memref<1x1x10000x8xf32, #tpu.memory_space<hbm>>
        %dma_start3A_113 = tpu.memref_squeeze %dma_start3A_112 : memref<1x1x10000x8xf32, #tpu.memory_space<hbm>> -> memref<10000x8xf32, #tpu.memory_space<hbm>>
        %dma_start3A_114 = arith.constant 0 : i32
        %dma_start3A_115 = arith.constant 0 : i32
        %dma_start3A_116 = tpu.memref_slice %dma_start3A_113[%dma_start3A_114, %dma_start3A_115] : memref<10000x8xf32, #tpu.memory_space<hbm>> -> memref<10000x8xf32, #tpu.memory_space<hbm>>
        tpu.enqueue_indirect_dma source(%dma_start3A_116 : memref<10000x8xf32, #tpu.memory_space<hbm>>) target(%arg9 : memref<640x8xf32, #tpu.memory_space<vmem>>) offsets(%arg10 : memref<640xi32, #tpu.memory_space<vmem>>) semaphore(%run_scoped3A_110 : memref<!tpu.dma_semaphore, #tpu.memory_space<semaphore_mem>>)
        %dma_wait3A = arith.constant 0 : i32
        %dma_wait3A_117 = arith.constant 0 : i32
        %dma_wait3A_118 = tpu.memref_slice %arg3[%run_scoped3A_101, %select_n3A_7, %dma_wait3A, %dma_wait3A_117] : memref<2x8x10000x8xf32, #tpu.memory_space<hbm>> -> memref<1x1x10000x8xf32, #tpu.memory_space<hbm>>
        %dma_wait3A_119 = tpu.memref_squeeze %dma_wait3A_118 : memref<1x1x10000x8xf32, #tpu.memory_space<hbm>> -> memref<10000x8xf32, #tpu.memory_space<hbm>>
        %dma_wait3A_120 = arith.constant 0 : i32
        %dma_wait3A_121 = arith.constant 0 : i32
        %dma_wait3A_122 = tpu.memref_slice %dma_wait3A_119[%dma_wait3A_120, %dma_wait3A_121] : memref<10000x8xf32, #tpu.memory_space<hbm>> -> memref<10000x8xf32, #tpu.memory_space<hbm>>
        tpu.wait_indirect_dma semaphore(%run_scoped3A_110 : memref<!tpu.dma_semaphore, #tpu.memory_space<semaphore_mem>>) src(%dma_wait3A_122 : memref<10000x8xf32, #tpu.memory_space<hbm>>) dst(%arg9 : memref<640x8xf32, #tpu.memory_space<vmem>>)
        tpu.yield
      }) : () -> ()
      %scan3A_102 = arith.constant 0 : i32
      %scan3A_103 = arith.constant 0 : i32
      %scan3A_104 = arith.constant 40 : i32
      %scan3A_105 = arith.addi %scan3A_103, %scan3A_104 : i32
      %scan3A_106 = arith.constant 1 : i32
      %scan3A_107 = scf.for %scan3A_110 = %scan3A_103 to %scan3A_105 step %scan3A_106 iter_args(%scan3A_111 = %scan3A_102) -> (i32)  : i32 {
        %mul3A_112 = arith.constant 16 : i32
        %mul3A_113 = arith.muli %scan3A_110, %mul3A_112 : i32
        %get3A = arith.index_cast %mul3A_113 : i32 to index
        %get3A_114 = tpu.vector_load %arg11[%get3A] {strides = array<i32>} : memref<640xi32, #tpu.memory_space<vmem>>, vector<16xi32>,
        %shift_right_logical3A = arith.constant 4 : i32
        %shift_right_logical3A_115 = vector.broadcast %shift_right_logical3A : i32 to vector<16xi32>
        %shift_right_logical3A_116 = arith.shrui %get3A_114, %shift_right_logical3A_115 : vector<16xi32>
        %and3A_117 = arith.constant 15 : i32
        %and3A_118 = vector.broadcast %and3A_117 : i32 to vector<16xi32>
        %and3A_119 = arith.andi %get3A_114, %and3A_118 : vector<16xi32>
        %mul3A_120 = arith.constant 8 : i32
        %mul3A_121 = vector.broadcast %mul3A_120 : i32 to vector<16xi32>
        %mul3A_122 = arith.muli %and3A_119, %mul3A_121 : vector<16xi32>
        %add3A_123 = vector.broadcast %mul3A_113 : i32 to vector<16xi32>
        %add3A_124 = arith.addi %iota3A, %add3A_123 : vector<16xi32>
        %gather3A = tpu.vector_load_idx %arg9[%add3A_124, %broadcast_in_dim3A_36] : memref<640x8xf32, #tpu.memory_space<vmem>>[vector<16xi32>, vector<16xi32>], vector<16xf32>,
        %shift_right_arithmetic3A = arith.constant 3 : i32
        %shift_right_arithmetic3A_125 = arith.shrsi %scan3A_110, %shift_right_arithmetic3A : i32
        %jit3A_126 = arith.constant 128 : i32
        %eq3A_127 = arith.constant 0 : i32
        %eq3A_128 = arith.cmpi eq, %jit3A_126, %eq3A_127 : i32
        %jit3A_129 = arith.constant 1 : i32
        %select_n3A_130 = arith.select %eq3A_128, %jit3A_129, %jit3A_126 : i32
        %rem3A_131 = arith.remsi %mul3A_113, %select_n3A_130 : i32
        %ne3A_132 = arith.constant 0 : i32
        %ne3A_133 = arith.cmpi ne, %rem3A_131, %ne3A_132 : i32
        %lt3A_134 = arith.constant 0 : i32
        %lt3A_135 = arith.cmpi slt, %rem3A_131, %lt3A_134 : i32
        %lt3A_136 = arith.constant 0 : i32
        %lt3A_137 = arith.cmpi slt, %select_n3A_130, %lt3A_136 : i32
        %ne3A_138 = arith.xori %lt3A_135, %lt3A_137 : i1
        %and3A_139 = arith.andi %ne3A_138, %ne3A_133 : i1
        %add3A_140 = arith.addi %rem3A_131, %select_n3A_130 : i32
        %select_n3A_141 = arith.select %and3A_139, %add3A_140, %rem3A_131 : i32
        %get3A_142 = arith.constant 0 : i32
        %get3A_143 = arith.index_cast %get3A_142 : i32 to index
        %get3A_144 = arith.index_cast %shift_right_arithmetic3A_125 : i32 to index
        %get3A_145 = arith.index_cast %select_n3A_141 : i32 to index
        %get3A_146 = tpu.vector_load %arg8[%get3A_143, %get3A_144, %get3A_145] {strides = array<i32>} : memref<8x5x128xf32, #tpu.memory_space<vmem>>, vector<16xf32>,
        %add3A_147 = arith.addf %gather3A, %get3A_146 : vector<16xf32>
        %gather3A_148 = tpu.vector_load_idx %arg9[%add3A_124, %broadcast_in_dim3A_38] : memref<640x8xf32, #tpu.memory_space<vmem>>[vector<16xi32>, vector<16xi32>], vector<16xf32>,
        %shift_right_arithmetic3A_149 = arith.constant 3 : i32
        %shift_right_arithmetic3A_150 = arith.shrsi %scan3A_110, %shift_right_arithmetic3A_149 : i32
        %jit3A_151 = arith.constant 128 : i32
        %eq3A_152 = arith.constant 0 : i32
        %eq3A_153 = arith.cmpi eq, %jit3A_151, %eq3A_152 : i32
        %jit3A_154 = arith.constant 1 : i32
        %select_n3A_155 = arith.select %eq3A_153, %jit3A_154, %jit3A_151 : i32
        %rem3A_156 = arith.remsi %mul3A_113, %select_n3A_155 : i32
        %ne3A_157 = arith.constant 0 : i32
        %ne3A_158 = arith.cmpi ne, %rem3A_156, %ne3A_157 : i32
        %lt3A_159 = arith.constant 0 : i32
        %lt3A_160 = arith.cmpi slt, %rem3A_156, %lt3A_159 : i32
        %lt3A_161 = arith.constant 0 : i32
        %lt3A_162 = arith.cmpi slt, %select_n3A_155, %lt3A_161 : i32
        %ne3A_163 = arith.xori %lt3A_160, %lt3A_162 : i1
        %and3A_164 = arith.andi %ne3A_163, %ne3A_158 : i1
        %add3A_165 = arith.addi %rem3A_156, %select_n3A_155 : i32
        %select_n3A_166 = arith.select %and3A_164, %add3A_165, %rem3A_156 : i32
        %get3A_167 = arith.constant 1 : i32
        %get3A_168 = arith.index_cast %get3A_167 : i32 to index
        %get3A_169 = arith.index_cast %shift_right_arithmetic3A_150 : i32 to index
        %get3A_170 = arith.index_cast %select_n3A_166 : i32 to index
        %get3A_171 = tpu.vector_load %arg8[%get3A_168, %get3A_169, %get3A_170] {strides = array<i32>} : memref<8x5x128xf32, #tpu.memory_space<vmem>>, vector<16xf32>,
        %add3A_172 = arith.addf %gather3A_148, %get3A_171 : vector<16xf32>
        %gather3A_173 = tpu.vector_load_idx %arg9[%add3A_124, %broadcast_in_dim3A_40] : memref<640x8xf32, #tpu.memory_space<vmem>>[vector<16xi32>, vector<16xi32>], vector<16xf32>,
        %shift_right_arithmetic3A_174 = arith.constant 3 : i32
        %shift_right_arithmetic3A_175 = arith.shrsi %scan3A_110, %shift_right_arithmetic3A_174 : i32
        %jit3A_176 = arith.constant 128 : i32
        %eq3A_177 = arith.constant 0 : i32
        %eq3A_178 = arith.cmpi eq, %jit3A_176, %eq3A_177 : i32
        %jit3A_179 = arith.constant 1 : i32
        %select_n3A_180 = arith.select %eq3A_178, %jit3A_179, %jit3A_176 : i32
        %rem3A_181 = arith.remsi %mul3A_113, %select_n3A_180 : i32
        %ne3A_182 = arith.constant 0 : i32
        %ne3A_183 = arith.cmpi ne, %rem3A_181, %ne3A_182 : i32
        %lt3A_184 = arith.constant 0 : i32
        %lt3A_185 = arith.cmpi slt, %rem3A_181, %lt3A_184 : i32
        %lt3A_186 = arith.constant 0 : i32
        %lt3A_187 = arith.cmpi slt, %select_n3A_180, %lt3A_186 : i32
        %ne3A_188 = arith.xori %lt3A_185, %lt3A_187 : i1
        %and3A_189 = arith.andi %ne3A_188, %ne3A_183 : i1
        %add3A_190 = arith.addi %rem3A_181, %select_n3A_180 : i32
        %select_n3A_191 = arith.select %and3A_189, %add3A_190, %rem3A_181 : i32
        %get3A_192 = arith.constant 2 : i32
        %get3A_193 = arith.index_cast %get3A_192 : i32 to index
        %get3A_194 = arith.index_cast %shift_right_arithmetic3A_175 : i32 to index
        %get3A_195 = arith.index_cast %select_n3A_191 : i32 to index
        %get3A_196 = tpu.vector_load %arg8[%get3A_193, %get3A_194, %get3A_195] {strides = array<i32>} : memref<8x5x128xf32, #tpu.memory_space<vmem>>, vector<16xf32>,
        %add3A_197 = arith.addf %gather3A_173, %get3A_196 : vector<16xf32>
        %gather3A_198 = tpu.vector_load_idx %arg9[%add3A_124, %broadcast_in_dim3A_42] : memref<640x8xf32, #tpu.memory_space<vmem>>[vector<16xi32>, vector<16xi32>], vector<16xf32>,
        %shift_right_arithmetic3A_199 = arith.constant 3 : i32
        %shift_right_arithmetic3A_200 = arith.shrsi %scan3A_110, %shift_right_arithmetic3A_199 : i32
        %jit3A_201 = arith.constant 128 : i32
        %eq3A_202 = arith.constant 0 : i32
        %eq3A_203 = arith.cmpi eq, %jit3A_201, %eq3A_202 : i32
        %jit3A_204 = arith.constant 1 : i32
        %select_n3A_205 = arith.select %eq3A_203, %jit3A_204, %jit3A_201 : i32
        %rem3A_206 = arith.remsi %mul3A_113, %select_n3A_205 : i32
        %ne3A_207 = arith.constant 0 : i32
        %ne3A_208 = arith.cmpi ne, %rem3A_206, %ne3A_207 : i32
        %lt3A_209 = arith.constant 0 : i32
        %lt3A_210 = arith.cmpi slt, %rem3A_206, %lt3A_209 : i32
        %lt3A_211 = arith.constant 0 : i32
        %lt3A_212 = arith.cmpi slt, %select_n3A_205, %lt3A_211 : i32
        %ne3A_213 = arith.xori %lt3A_210, %lt3A_212 : i1
        %and3A_214 = arith.andi %ne3A_213, %ne3A_208 : i1
        %add3A_215 = arith.addi %rem3A_206, %select_n3A_205 : i32
        %select_n3A_216 = arith.select %and3A_214, %add3A_215, %rem3A_206 : i32
        %get3A_217 = arith.constant 3 : i32
        %get3A_218 = arith.index_cast %get3A_217 : i32 to index
        %get3A_219 = arith.index_cast %shift_right_arithmetic3A_200 : i32 to index
        %get3A_220 = arith.index_cast %select_n3A_216 : i32 to index
        %get3A_221 = tpu.vector_load %arg8[%get3A_218, %get3A_219, %get3A_220] {strides = array<i32>} : memref<8x5x128xf32, #tpu.memory_space<vmem>>, vector<16xf32>,
        %add3A_222 = arith.addf %gather3A_198, %get3A_221 : vector<16xf32>
        %gather3A_223 = tpu.vector_load_idx %arg9[%add3A_124, %broadcast_in_dim3A_44] : memref<640x8xf32, #tpu.memory_space<vmem>>[vector<16xi32>, vector<16xi32>], vector<16xf32>,
        %shift_right_arithmetic3A_224 = arith.constant 3 : i32
        %shift_right_arithmetic3A_225 = arith.shrsi %scan3A_110, %shift_right_arithmetic3A_224 : i32
        %jit3A_226 = arith.constant 128 : i32
        %eq3A_227 = arith.constant 0 : i32
        %eq3A_228 = arith.cmpi eq, %jit3A_226, %eq3A_227 : i32
        %jit3A_229 = arith.constant 1 : i32
        %select_n3A_230 = arith.select %eq3A_228, %jit3A_229, %jit3A_226 : i32
        %rem3A_231 = arith.remsi %mul3A_113, %select_n3A_230 : i32
        %ne3A_232 = arith.constant 0 : i32
        %ne3A_233 = arith.cmpi ne, %rem3A_231, %ne3A_232 : i32
        %lt3A_234 = arith.constant 0 : i32
        %lt3A_235 = arith.cmpi slt, %rem3A_231, %lt3A_234 : i32
        %lt3A_236 = arith.constant 0 : i32
        %lt3A_237 = arith.cmpi slt, %select_n3A_230, %lt3A_236 : i32
        %ne3A_238 = arith.xori %lt3A_235, %lt3A_237 : i1
        %and3A_239 = arith.andi %ne3A_238, %ne3A_233 : i1
        %add3A_240 = arith.addi %rem3A_231, %select_n3A_230 : i32
        %select_n3A_241 = arith.select %and3A_239, %add3A_240, %rem3A_231 : i32
        %get3A_242 = arith.constant 4 : i32
        %get3A_243 = arith.index_cast %get3A_242 : i32 to index
        %get3A_244 = arith.index_cast %shift_right_arithmetic3A_225 : i32 to index
        %get3A_245 = arith.index_cast %select_n3A_241 : i32 to index
        %get3A_246 = tpu.vector_load %arg8[%get3A_243, %get3A_244, %get3A_245] {strides = array<i32>} : memref<8x5x128xf32, #tpu.memory_space<vmem>>, vector<16xf32>,
        %add3A_247 = arith.addf %gather3A_223, %get3A_246 : vector<16xf32>
        %gather3A_248 = tpu.vector_load_idx %arg9[%add3A_124, %broadcast_in_dim3A_46] : memref<640x8xf32, #tpu.memory_space<vmem>>[vector<16xi32>, vector<16xi32>], vector<16xf32>,
        %shift_right_arithmetic3A_249 = arith.constant 3 : i32
        %shift_right_arithmetic3A_250 = arith.shrsi %scan3A_110, %shift_right_arithmetic3A_249 : i32
        %jit3A_251 = arith.constant 128 : i32
        %eq3A_252 = arith.constant 0 : i32
        %eq3A_253 = arith.cmpi eq, %jit3A_251, %eq3A_252 : i32
        %jit3A_254 = arith.constant 1 : i32
        %select_n3A_255 = arith.select %eq3A_253, %jit3A_254, %jit3A_251 : i32
        %rem3A_256 = arith.remsi %mul3A_113, %select_n3A_255 : i32
        %ne3A_257 = arith.constant 0 : i32
        %ne3A_258 = arith.cmpi ne, %rem3A_256, %ne3A_257 : i32
        %lt3A_259 = arith.constant 0 : i32
        %lt3A_260 = arith.cmpi slt, %rem3A_256, %lt3A_259 : i32
        %lt3A_261 = arith.constant 0 : i32
        %lt3A_262 = arith.cmpi slt, %select_n3A_255, %lt3A_261 : i32
        %ne3A_263 = arith.xori %lt3A_260, %lt3A_262 : i1
        %and3A_264 = arith.andi %ne3A_263, %ne3A_258 : i1
        %add3A_265 = arith.addi %rem3A_256, %select_n3A_255 : i32
        %select_n3A_266 = arith.select %and3A_264, %add3A_265, %rem3A_256 : i32
        %get3A_267 = arith.constant 5 : i32
        %get3A_268 = arith.index_cast %get3A_267 : i32 to index
        %get3A_269 = arith.index_cast %shift_right_arithmetic3A_250 : i32 to index
        %get3A_270 = arith.index_cast %select_n3A_266 : i32 to index
        %get3A_271 = tpu.vector_load %arg8[%get3A_268, %get3A_269, %get3A_270] {strides = array<i32>} : memref<8x5x128xf32, #tpu.memory_space<vmem>>, vector<16xf32>,
        %add3A_272 = arith.addf %gather3A_248, %get3A_271 : vector<16xf32>
        %gather3A_273 = tpu.vector_load_idx %arg9[%add3A_124, %broadcast_in_dim3A_48] : memref<640x8xf32, #tpu.memory_space<vmem>>[vector<16xi32>, vector<16xi32>], vector<16xf32>,
        %shift_right_arithmetic3A_274 = arith.constant 3 : i32
        %shift_right_arithmetic3A_275 = arith.shrsi %scan3A_110, %shift_right_arithmetic3A_274 : i32
        %jit3A_276 = arith.constant 128 : i32
        %eq3A_277 = arith.constant 0 : i32
        %eq3A_278 = arith.cmpi eq, %jit3A_276, %eq3A_277 : i32
        %jit3A_279 = arith.constant 1 : i32
        %select_n3A_280 = arith.select %eq3A_278, %jit3A_279, %jit3A_276 : i32
        %rem3A_281 = arith.remsi %mul3A_113, %select_n3A_280 : i32
        %ne3A_282 = arith.constant 0 : i32
        %ne3A_283 = arith.cmpi ne, %rem3A_281, %ne3A_282 : i32
        %lt3A_284 = arith.constant 0 : i32
        %lt3A_285 = arith.cmpi slt, %rem3A_281, %lt3A_284 : i32
        %lt3A_286 = arith.constant 0 : i32
        %lt3A_287 = arith.cmpi slt, %select_n3A_280, %lt3A_286 : i32
        %ne3A_288 = arith.xori %lt3A_285, %lt3A_287 : i1
        %and3A_289 = arith.andi %ne3A_288, %ne3A_283 : i1
        %add3A_290 = arith.addi %rem3A_281, %select_n3A_280 : i32
        %select_n3A_291 = arith.select %and3A_289, %add3A_290, %rem3A_281 : i32
        %get3A_292 = arith.constant 6 : i32
        %get3A_293 = arith.index_cast %get3A_292 : i32 to index
        %get3A_294 = arith.index_cast %shift_right_arithmetic3A_275 : i32 to index
        %get3A_295 = arith.index_cast %select_n3A_291 : i32 to index
        %get3A_296 = tpu.vector_load %arg8[%get3A_293, %get3A_294, %get3A_295] {strides = array<i32>} : memref<8x5x128xf32, #tpu.memory_space<vmem>>, vector<16xf32>,
        %add3A_297 = arith.addf %gather3A_273, %get3A_296 : vector<16xf32>
        %gather3A_298 = tpu.vector_load_idx %arg9[%add3A_124, %broadcast_in_dim3A_50] : memref<640x8xf32, #tpu.memory_space<vmem>>[vector<16xi32>, vector<16xi32>], vector<16xf32>,
        %shift_right_arithmetic3A_299 = arith.constant 3 : i32
        %shift_right_arithmetic3A_300 = arith.shrsi %scan3A_110, %shift_right_arithmetic3A_299 : i32
        %jit3A_301 = arith.constant 128 : i32
        %eq3A_302 = arith.constant 0 : i32
        %eq3A_303 = arith.cmpi eq, %jit3A_301, %eq3A_302 : i32
        %jit3A_304 = arith.constant 1 : i32
        %select_n3A_305 = arith.select %eq3A_303, %jit3A_304, %jit3A_301 : i32
        %rem3A_306 = arith.remsi %mul3A_113, %select_n3A_305 : i32
        %ne3A_307 = arith.constant 0 : i32
        %ne3A_308 = arith.cmpi ne, %rem3A_306, %ne3A_307 : i32
        %lt3A_309 = arith.constant 0 : i32
        %lt3A_310 = arith.cmpi slt, %rem3A_306, %lt3A_309 : i32
        %lt3A_311 = arith.constant 0 : i32
        %lt3A_312 = arith.cmpi slt, %select_n3A_305, %lt3A_311 : i32
        %ne3A_313 = arith.xori %lt3A_310, %lt3A_312 : i1
        %and3A_314 = arith.andi %ne3A_313, %ne3A_308 : i1
        %add3A_315 = arith.addi %rem3A_306, %select_n3A_305 : i32
        %select_n3A_316 = arith.select %and3A_314, %add3A_315, %rem3A_306 : i32
        %get3A_317 = arith.constant 7 : i32
        %get3A_318 = arith.index_cast %get3A_317 : i32 to index
        %get3A_319 = arith.index_cast %shift_right_arithmetic3A_300 : i32 to index
        %get3A_320 = arith.index_cast %select_n3A_316 : i32 to index
        %get3A_321 = tpu.vector_load %arg8[%get3A_318, %get3A_319, %get3A_320] {strides = array<i32>} : memref<8x5x128xf32, #tpu.memory_space<vmem>>, vector<16xf32>,
        %add3A_322 = arith.addf %gather3A_298, %get3A_321 : vector<16xf32>
        %masked_sort3A = arith.constant dense<true> : vector<16xi1>
        %masked_sort3A_323 = arith.constant -2147483648 : i32
        %masked_sort3A_324 = vector.broadcast %masked_sort3A_323 : i32 to vector<16xi32>
        %masked_sort3A_325 = arith.xori %get3A_114, %masked_sort3A_324 : vector<16xi32>
        %masked_sort3A_326, %masked_sort3A_327, %masked_sort3A_328 = tpu.sort %masked_sort3A_325, %get3A_114 masked %masked_sort3A : (vector<16xi32>, vector<16xi32>, vector<16xi1>) -> (vector<16xi1>, vector<16xi32>, vector<16xi32>)
        %masked_sort3A_329 = arith.xori %masked_sort3A_327, %masked_sort3A_324 : vector<16xi32>
        %broadcast_in_dim3A_330 = vector.shape_cast %max3A_35 : vector<16xi32> to vector<16x1xi32>
        %gather3A_331 = vector.shape_cast %broadcast_in_dim3A_330 : vector<16x1xi32> to vector<16xi32>
        %gather3A_332 = tpu.dynamic_gather %masked_sort3A_329[%gather3A_331] in [0] : vector<16xi32>, vector<16xi32> -> vector<16xi32>
        %eq3A_333 = arith.cmpi eq, %masked_sort3A_329, %gather3A_332 : vector<16xi32>
        %gt3A = arith.constant 0 : i32
        %gt3A_334 = vector.broadcast %gt3A : i32 to vector<16xi32>
        %gt3A_335 = arith.cmpi sgt, %iota3A, %gt3A_334 : vector<16xi32>
        %and3A_336 = arith.andi %eq3A_333, %gt3A_335 : vector<16xi1>
        %reduce_or3A = arith.constant 1.000000e+00 : f32
        %reduce_or3A_337 = arith.constant 0.000000e+00 : f32
        %reduce_or3A_338 = vector.broadcast %reduce_or3A : f32 to vector<16xf32>
        %reduce_or3A_339 = vector.broadcast %reduce_or3A_337 : f32 to vector<16xf32>
        %reduce_or3A_340 = arith.select %and3A_336, %reduce_or3A_338, %reduce_or3A_339 : vector<16xi1>, vector<16xf32>
        %reduce_or3A_341 = arith.constant true
        %reduce_or3A_342 = vector.broadcast %reduce_or3A_341 : i1 to vector<16xi1>
        %reduce_or3A_343 = tpu.scan <max>, %reduce_or3A_340 masked %reduce_or3A_342 : vector<16xf32>, vector<16xi1> -> vector<16xf32>
        %reduce_or3A_344 = vector.extract %reduce_or3A_343[15] : f32 from vector<16xf32>
        %reduce_or3A_345 = arith.constant 0.000000e+00 : f32
        %reduce_or3A_346 = arith.cmpf ogt, %reduce_or3A_344, %reduce_or3A_345 : f32
        %not3A = arith.constant true
        %not3A_347 = arith.xori %reduce_or3A_346, %not3A : i1
        %convert_element_type3A = arith.extui %not3A_347 : i1 to i32
        %cond3A = arith.constant 0 : i32
        %cond3A_348 = arith.cmpi ne, %convert_element_type3A, %cond3A : i32
        scf.if %cond3A_348 {
          %add3A_353 = arith.constant 0 : i32
          %add3A_354 = vector.broadcast %add3A_353 : i32 to vector<16xi32>
          %add3A_355 = arith.addi %mul3A_122, %add3A_354 : vector<16xi32>
          %gather3A_356 = tpu.vector_load_idx %arg12[%shift_right_logical3A_116, %add3A_355] : memref<625x128xf32, #tpu.memory_space<vmem>>[vector<16xi32>, vector<16xi32>], vector<16xf32>,
          %add3A_357 = arith.constant 0 : i32
          %add3A_358 = vector.broadcast %add3A_357 : i32 to vector<16xi32>
          %add3A_359 = arith.addi %mul3A_122, %add3A_358 : vector<16xi32>
          %max3A_360 = arith.maximumf %gather3A_356, %add3A_147 : vector<16xf32>
          tpu.vector_store_idx %arg12[%shift_right_logical3A_116, %add3A_359], %max3A_360 : memref<625x128xf32, #tpu.memory_space<vmem>>[vector<16xi32>, vector<16xi32>], vector<16xf32>,
          %add3A_361 = arith.constant 1 : i32
          %add3A_362 = vector.broadcast %add3A_361 : i32 to vector<16xi32>
          %add3A_363 = arith.addi %mul3A_122, %add3A_362 : vector<16xi32>
          %gather3A_364 = tpu.vector_load_idx %arg12[%shift_right_logical3A_116, %add3A_363] : memref<625x128xf32, #tpu.memory_space<vmem>>[vector<16xi32>, vector<16xi32>], vector<16xf32>,
          %add3A_365 = arith.constant 1 : i32
          %add3A_366 = vector.broadcast %add3A_365 : i32 to vector<16xi32>
          %add3A_367 = arith.addi %mul3A_122, %add3A_366 : vector<16xi32>
          %max3A_368 = arith.maximumf %gather3A_364, %add3A_172 : vector<16xf32>
          tpu.vector_store_idx %arg12[%shift_right_logical3A_116, %add3A_367], %max3A_368 : memref<625x128xf32, #tpu.memory_space<vmem>>[vector<16xi32>, vector<16xi32>], vector<16xf32>,
          %add3A_369 = arith.constant 2 : i32
          %add3A_370 = vector.broadcast %add3A_369 : i32 to vector<16xi32>
          %add3A_371 = arith.addi %mul3A_122, %add3A_370 : vector<16xi32>
          %gather3A_372 = tpu.vector_load_idx %arg12[%shift_right_logical3A_116, %add3A_371] : memref<625x128xf32, #tpu.memory_space<vmem>>[vector<16xi32>, vector<16xi32>], vector<16xf32>,
          %add3A_373 = arith.constant 2 : i32
          %add3A_374 = vector.broadcast %add3A_373 : i32 to vector<16xi32>
          %add3A_375 = arith.addi %mul3A_122, %add3A_374 : vector<16xi32>
          %max3A_376 = arith.maximumf %gather3A_372, %add3A_197 : vector<16xf32>
          tpu.vector_store_idx %arg12[%shift_right_logical3A_116, %add3A_375], %max3A_376 : memref<625x128xf32, #tpu.memory_space<vmem>>[vector<16xi32>, vector<16xi32>], vector<16xf32>,
          %add3A_377 = arith.constant 3 : i32
          %add3A_378 = vector.broadcast %add3A_377 : i32 to vector<16xi32>
          %add3A_379 = arith.addi %mul3A_122, %add3A_378 : vector<16xi32>
          %gather3A_380 = tpu.vector_load_idx %arg12[%shift_right_logical3A_116, %add3A_379] : memref<625x128xf32, #tpu.memory_space<vmem>>[vector<16xi32>, vector<16xi32>], vector<16xf32>,
          %add3A_381 = arith.constant 3 : i32
          %add3A_382 = vector.broadcast %add3A_381 : i32 to vector<16xi32>
          %add3A_383 = arith.addi %mul3A_122, %add3A_382 : vector<16xi32>
          %max3A_384 = arith.maximumf %gather3A_380, %add3A_222 : vector<16xf32>
          tpu.vector_store_idx %arg12[%shift_right_logical3A_116, %add3A_383], %max3A_384 : memref<625x128xf32, #tpu.memory_space<vmem>>[vector<16xi32>, vector<16xi32>], vector<16xf32>,
          %add3A_385 = arith.constant 4 : i32
          %add3A_386 = vector.broadcast %add3A_385 : i32 to vector<16xi32>
          %add3A_387 = arith.addi %mul3A_122, %add3A_386 : vector<16xi32>
          %gather3A_388 = tpu.vector_load_idx %arg12[%shift_right_logical3A_116, %add3A_387] : memref<625x128xf32, #tpu.memory_space<vmem>>[vector<16xi32>, vector<16xi32>], vector<16xf32>,
          %add3A_389 = arith.constant 4 : i32
          %add3A_390 = vector.broadcast %add3A_389 : i32 to vector<16xi32>
          %add3A_391 = arith.addi %mul3A_122, %add3A_390 : vector<16xi32>
          %max3A_392 = arith.maximumf %gather3A_388, %add3A_247 : vector<16xf32>
          tpu.vector_store_idx %arg12[%shift_right_logical3A_116, %add3A_391], %max3A_392 : memref<625x128xf32, #tpu.memory_space<vmem>>[vector<16xi32>, vector<16xi32>], vector<16xf32>,
          %add3A_393 = arith.constant 5 : i32
          %add3A_394 = vector.broadcast %add3A_393 : i32 to vector<16xi32>
          %add3A_395 = arith.addi %mul3A_122, %add3A_394 : vector<16xi32>
          %gather3A_396 = tpu.vector_load_idx %arg12[%shift_right_logical3A_116, %add3A_395] : memref<625x128xf32, #tpu.memory_space<vmem>>[vector<16xi32>, vector<16xi32>], vector<16xf32>,
          %add3A_397 = arith.constant 5 : i32
          %add3A_398 = vector.broadcast %add3A_397 : i32 to vector<16xi32>
          %add3A_399 = arith.addi %mul3A_122, %add3A_398 : vector<16xi32>
          %max3A_400 = arith.maximumf %gather3A_396, %add3A_272 : vector<16xf32>
          tpu.vector_store_idx %arg12[%shift_right_logical3A_116, %add3A_399], %max3A_400 : memref<625x128xf32, #tpu.memory_space<vmem>>[vector<16xi32>, vector<16xi32>], vector<16xf32>,
          %add3A_401 = arith.constant 6 : i32
          %add3A_402 = vector.broadcast %add3A_401 : i32 to vector<16xi32>
          %add3A_403 = arith.addi %mul3A_122, %add3A_402 : vector<16xi32>
          %gather3A_404 = tpu.vector_load_idx %arg12[%shift_right_logical3A_116, %add3A_403] : memref<625x128xf32, #tpu.memory_space<vmem>>[vector<16xi32>, vector<16xi32>], vector<16xf32>,
          %add3A_405 = arith.constant 6 : i32
          %add3A_406 = vector.broadcast %add3A_405 : i32 to vector<16xi32>
          %add3A_407 = arith.addi %mul3A_122, %add3A_406 : vector<16xi32>
          %max3A_408 = arith.maximumf %gather3A_404, %add3A_297 : vector<16xf32>
          tpu.vector_store_idx %arg12[%shift_right_logical3A_116, %add3A_407], %max3A_408 : memref<625x128xf32, #tpu.memory_space<vmem>>[vector<16xi32>, vector<16xi32>], vector<16xf32>,
          %add3A_409 = arith.constant 7 : i32
          %add3A_410 = vector.broadcast %add3A_409 : i32 to vector<16xi32>
          %add3A_411 = arith.addi %mul3A_122, %add3A_410 : vector<16xi32>
          %gather3A_412 = tpu.vector_load_idx %arg12[%shift_right_logical3A_116, %add3A_411] : memref<625x128xf32, #tpu.memory_space<vmem>>[vector<16xi32>, vector<16xi32>], vector<16xf32>,
          %add3A_413 = arith.constant 7 : i32
          %add3A_414 = vector.broadcast %add3A_413 : i32 to vector<16xi32>
          %add3A_415 = arith.addi %mul3A_122, %add3A_414 : vector<16xi32>
          %max3A_416 = arith.maximumf %gather3A_412, %add3A_322 : vector<16xf32>
          tpu.vector_store_idx %arg12[%shift_right_logical3A_116, %add3A_415], %max3A_416 : memref<625x128xf32, #tpu.memory_space<vmem>>[vector<16xi32>, vector<16xi32>], vector<16xf32>,
        } else {
        }
        %convert_element_type3A_349 = arith.extui %reduce_or3A_346 : i1 to i32
        %cond3A_350 = arith.constant 0 : i32
        %cond3A_351 = arith.cmpi ne, %convert_element_type3A_349, %cond3A_350 : i32
        scf.if %cond3A_351 {
          %broadcast_in_dim3A_353 = arith.constant true
          %broadcast_in_dim3A_354 = vector.broadcast %broadcast_in_dim3A_353 : i1 to vector<16xi1>
          %while3A = scf.while (%while3A_355 = %broadcast_in_dim3A_354) : (vector<16xi1>) -> vector<16xi1> {
            %reduce_or3A_356 = arith.constant 1.000000e+00 : f32
            %reduce_or3A_357 = arith.constant 0.000000e+00 : f32
            %reduce_or3A_358 = vector.broadcast %reduce_or3A_356 : f32 to vector<16xf32>
            %reduce_or3A_359 = vector.broadcast %reduce_or3A_357 : f32 to vector<16xf32>
            %reduce_or3A_360 = arith.select %while3A_355, %reduce_or3A_358, %reduce_or3A_359 : vector<16xi1>, vector<16xf32>
            %reduce_or3A_361 = arith.constant true
            %reduce_or3A_362 = vector.broadcast %reduce_or3A_361 : i1 to vector<16xi1>
            %reduce_or3A_363 = tpu.scan <max>, %reduce_or3A_360 masked %reduce_or3A_362 : vector<16xf32>, vector<16xi1> -> vector<16xf32>
            %reduce_or3A_364 = vector.extract %reduce_or3A_363[15] : f32 from vector<16xf32>
            %reduce_or3A_365 = arith.constant 0.000000e+00 : f32
            %reduce_or3A_366 = arith.cmpf ogt, %reduce_or3A_364, %reduce_or3A_365 : f32
            scf.condition(%reduce_or3A_366) %while3A_355 : vector<16xi1>
          } do {
          ^bb0(%while3A_355: vector<16xi1>):
            %broadcast_in_dim3A_356 = arith.constant false
            %broadcast_in_dim3A_357 = vector.broadcast %broadcast_in_dim3A_356 : i1 to vector<16xi1>
            %add3A_358 = arith.constant 0 : i32
            %add3A_359 = vector.broadcast %add3A_358 : i32 to vector<16xi32>
            %add3A_360 = arith.addi %mul3A_122, %add3A_359 : vector<16xi32>
            %gather3A_361 = tpu.vector_load_idx %arg12[%shift_right_logical3A_116, %add3A_360] : memref<625x128xf32, #tpu.memory_space<vmem>>[vector<16xi32>, vector<16xi32>], vector<16xf32>,
            %max3A_362 = arith.maximumf %gather3A_361, %add3A_147 : vector<16xf32>
            %add3A_363 = arith.constant 0 : i32
            %add3A_364 = vector.broadcast %add3A_363 : i32 to vector<16xi32>
            %add3A_365 = arith.addi %mul3A_122, %add3A_364 : vector<16xi32>
            tpu.vector_store_idx %arg12[%shift_right_logical3A_116, %add3A_365], %max3A_362 masked %while3A_355 : memref<625x128xf32, #tpu.memory_space<vmem>>[vector<16xi32>, vector<16xi32>], vector<16xf32>, vector<16xi1>
            %add3A_366 = arith.constant 0 : i32
            %add3A_367 = vector.broadcast %add3A_366 : i32 to vector<16xi32>
            %add3A_368 = arith.addi %mul3A_122, %add3A_367 : vector<16xi32>
            %gather3A_369 = tpu.vector_load_idx %arg12[%shift_right_logical3A_116, %add3A_368] : memref<625x128xf32, #tpu.memory_space<vmem>>[vector<16xi32>, vector<16xi32>], vector<16xf32>,
            %lt3A_370 = arith.cmpf olt, %gather3A_369, %max3A_362 : vector<16xf32>
            %or3A = arith.ori %broadcast_in_dim3A_357, %lt3A_370 : vector<16xi1>
            %add3A_371 = arith.constant 1 : i32
            %add3A_372 = vector.broadcast %add3A_371 : i32 to vector<16xi32>
            %add3A_373 = arith.addi %mul3A_122, %add3A_372 : vector<16xi32>
            %gather3A_374 = tpu.vector_load_idx %arg12[%shift_right_logical3A_116, %add3A_373] : memref<625x128xf32, #tpu.memory_space<vmem>>[vector<16xi32>, vector<16xi32>], vector<16xf32>,
            %max3A_375 = arith.maximumf %gather3A_374, %add3A_172 : vector<16xf32>
            %add3A_376 = arith.constant 1 : i32
            %add3A_377 = vector.broadcast %add3A_376 : i32 to vector<16xi32>
            %add3A_378 = arith.addi %mul3A_122, %add3A_377 : vector<16xi32>
            tpu.vector_store_idx %arg12[%shift_right_logical3A_116, %add3A_378], %max3A_375 masked %while3A_355 : memref<625x128xf32, #tpu.memory_space<vmem>>[vector<16xi32>, vector<16xi32>], vector<16xf32>, vector<16xi1>
            %add3A_379 = arith.constant 1 : i32
            %add3A_380 = vector.broadcast %add3A_379 : i32 to vector<16xi32>
            %add3A_381 = arith.addi %mul3A_122, %add3A_380 : vector<16xi32>
            %gather3A_382 = tpu.vector_load_idx %arg12[%shift_right_logical3A_116, %add3A_381] : memref<625x128xf32, #tpu.memory_space<vmem>>[vector<16xi32>, vector<16xi32>], vector<16xf32>,
            %lt3A_383 = arith.cmpf olt, %gather3A_382, %max3A_375 : vector<16xf32>
            %or3A_384 = arith.ori %or3A, %lt3A_383 : vector<16xi1>
            %add3A_385 = arith.constant 2 : i32
            %add3A_386 = vector.broadcast %add3A_385 : i32 to vector<16xi32>
            %add3A_387 = arith.addi %mul3A_122, %add3A_386 : vector<16xi32>
            %gather3A_388 = tpu.vector_load_idx %arg12[%shift_right_logical3A_116, %add3A_387] : memref<625x128xf32, #tpu.memory_space<vmem>>[vector<16xi32>, vector<16xi32>], vector<16xf32>,
            %max3A_389 = arith.maximumf %gather3A_388, %add3A_197 : vector<16xf32>
            %add3A_390 = arith.constant 2 : i32
            %add3A_391 = vector.broadcast %add3A_390 : i32 to vector<16xi32>
            %add3A_392 = arith.addi %mul3A_122, %add3A_391 : vector<16xi32>
            tpu.vector_store_idx %arg12[%shift_right_logical3A_116, %add3A_392], %max3A_389 masked %while3A_355 : memref<625x128xf32, #tpu.memory_space<vmem>>[vector<16xi32>, vector<16xi32>], vector<16xf32>, vector<16xi1>
            %add3A_393 = arith.constant 2 : i32
            %add3A_394 = vector.broadcast %add3A_393 : i32 to vector<16xi32>
            %add3A_395 = arith.addi %mul3A_122, %add3A_394 : vector<16xi32>
            %gather3A_396 = tpu.vector_load_idx %arg12[%shift_right_logical3A_116, %add3A_395] : memref<625x128xf32, #tpu.memory_space<vmem>>[vector<16xi32>, vector<16xi32>], vector<16xf32>,
            %lt3A_397 = arith.cmpf olt, %gather3A_396, %max3A_389 : vector<16xf32>
            %or3A_398 = arith.ori %or3A_384, %lt3A_397 : vector<16xi1>
            %add3A_399 = arith.constant 3 : i32
            %add3A_400 = vector.broadcast %add3A_399 : i32 to vector<16xi32>
            %add3A_401 = arith.addi %mul3A_122, %add3A_400 : vector<16xi32>
            %gather3A_402 = tpu.vector_load_idx %arg12[%shift_right_logical3A_116, %add3A_401] : memref<625x128xf32, #tpu.memory_space<vmem>>[vector<16xi32>, vector<16xi32>], vector<16xf32>,
            %max3A_403 = arith.maximumf %gather3A_402, %add3A_222 : vector<16xf32>
            %add3A_404 = arith.constant 3 : i32
            %add3A_405 = vector.broadcast %add3A_404 : i32 to vector<16xi32>
            %add3A_406 = arith.addi %mul3A_122, %add3A_405 : vector<16xi32>
            tpu.vector_store_idx %arg12[%shift_right_logical3A_116, %add3A_406], %max3A_403 masked %while3A_355 : memref<625x128xf32, #tpu.memory_space<vmem>>[vector<16xi32>, vector<16xi32>], vector<16xf32>, vector<16xi1>
            %add3A_407 = arith.constant 3 : i32
            %add3A_408 = vector.broadcast %add3A_407 : i32 to vector<16xi32>
            %add3A_409 = arith.addi %mul3A_122, %add3A_408 : vector<16xi32>
            %gather3A_410 = tpu.vector_load_idx %arg12[%shift_right_logical3A_116, %add3A_409] : memref<625x128xf32, #tpu.memory_space<vmem>>[vector<16xi32>, vector<16xi32>], vector<16xf32>,
            %lt3A_411 = arith.cmpf olt, %gather3A_410, %max3A_403 : vector<16xf32>
            %or3A_412 = arith.ori %or3A_398, %lt3A_411 : vector<16xi1>
            %add3A_413 = arith.constant 4 : i32
            %add3A_414 = vector.broadcast %add3A_413 : i32 to vector<16xi32>
            %add3A_415 = arith.addi %mul3A_122, %add3A_414 : vector<16xi32>
            %gather3A_416 = tpu.vector_load_idx %arg12[%shift_right_logical3A_116, %add3A_415] : memref<625x128xf32, #tpu.memory_space<vmem>>[vector<16xi32>, vector<16xi32>], vector<16xf32>,
            %max3A_417 = arith.maximumf %gather3A_416, %add3A_247 : vector<16xf32>
            %add3A_418 = arith.constant 4 : i32
            %add3A_419 = vector.broadcast %add3A_418 : i32 to vector<16xi32>
            %add3A_420 = arith.addi %mul3A_122, %add3A_419 : vector<16xi32>
            tpu.vector_store_idx %arg12[%shift_right_logical3A_116, %add3A_420], %max3A_417 masked %while3A_355 : memref<625x128xf32, #tpu.memory_space<vmem>>[vector<16xi32>, vector<16xi32>], vector<16xf32>, vector<16xi1>
            %add3A_421 = arith.constant 4 : i32
            %add3A_422 = vector.broadcast %add3A_421 : i32 to vector<16xi32>
            %add3A_423 = arith.addi %mul3A_122, %add3A_422 : vector<16xi32>
            %gather3A_424 = tpu.vector_load_idx %arg12[%shift_right_logical3A_116, %add3A_423] : memref<625x128xf32, #tpu.memory_space<vmem>>[vector<16xi32>, vector<16xi32>], vector<16xf32>,
            %lt3A_425 = arith.cmpf olt, %gather3A_424, %max3A_417 : vector<16xf32>
            %or3A_426 = arith.ori %or3A_412, %lt3A_425 : vector<16xi1>
            %add3A_427 = arith.constant 5 : i32
            %add3A_428 = vector.broadcast %add3A_427 : i32 to vector<16xi32>
            %add3A_429 = arith.addi %mul3A_122, %add3A_428 : vector<16xi32>
            %gather3A_430 = tpu.vector_load_idx %arg12[%shift_right_logical3A_116, %add3A_429] : memref<625x128xf32, #tpu.memory_space<vmem>>[vector<16xi32>, vector<16xi32>], vector<16xf32>,
            %max3A_431 = arith.maximumf %gather3A_430, %add3A_272 : vector<16xf32>
            %add3A_432 = arith.constant 5 : i32
            %add3A_433 = vector.broadcast %add3A_432 : i32 to vector<16xi32>
            %add3A_434 = arith.addi %mul3A_122, %add3A_433 : vector<16xi32>
            tpu.vector_store_idx %arg12[%shift_right_logical3A_116, %add3A_434], %max3A_431 masked %while3A_355 : memref<625x128xf32, #tpu.memory_space<vmem>>[vector<16xi32>, vector<16xi32>], vector<16xf32>, vector<16xi1>
            %add3A_435 = arith.constant 5 : i32
            %add3A_436 = vector.broadcast %add3A_435 : i32 to vector<16xi32>
            %add3A_437 = arith.addi %mul3A_122, %add3A_436 : vector<16xi32>
            %gather3A_438 = tpu.vector_load_idx %arg12[%shift_right_logical3A_116, %add3A_437] : memref<625x128xf32, #tpu.memory_space<vmem>>[vector<16xi32>, vector<16xi32>], vector<16xf32>,
            %lt3A_439 = arith.cmpf olt, %gather3A_438, %max3A_431 : vector<16xf32>
            %or3A_440 = arith.ori %or3A_426, %lt3A_439 : vector<16xi1>
            %add3A_441 = arith.constant 6 : i32
            %add3A_442 = vector.broadcast %add3A_441 : i32 to vector<16xi32>
            %add3A_443 = arith.addi %mul3A_122, %add3A_442 : vector<16xi32>
            %gather3A_444 = tpu.vector_load_idx %arg12[%shift_right_logical3A_116, %add3A_443] : memref<625x128xf32, #tpu.memory_space<vmem>>[vector<16xi32>, vector<16xi32>], vector<16xf32>,
            %max3A_445 = arith.maximumf %gather3A_444, %add3A_297 : vector<16xf32>
            %add3A_446 = arith.constant 6 : i32
            %add3A_447 = vector.broadcast %add3A_446 : i32 to vector<16xi32>
            %add3A_448 = arith.addi %mul3A_122, %add3A_447 : vector<16xi32>
            tpu.vector_store_idx %arg12[%shift_right_logical3A_116, %add3A_448], %max3A_445 masked %while3A_355 : memref<625x128xf32, #tpu.memory_space<vmem>>[vector<16xi32>, vector<16xi32>], vector<16xf32>, vector<16xi1>
            %add3A_449 = arith.constant 6 : i32
            %add3A_450 = vector.broadcast %add3A_449 : i32 to vector<16xi32>
            %add3A_451 = arith.addi %mul3A_122, %add3A_450 : vector<16xi32>
            %gather3A_452 = tpu.vector_load_idx %arg12[%shift_right_logical3A_116, %add3A_451] : memref<625x128xf32, #tpu.memory_space<vmem>>[vector<16xi32>, vector<16xi32>], vector<16xf32>,
            %lt3A_453 = arith.cmpf olt, %gather3A_452, %max3A_445 : vector<16xf32>
            %or3A_454 = arith.ori %or3A_440, %lt3A_453 : vector<16xi1>
            %add3A_455 = arith.constant 7 : i32
            %add3A_456 = vector.broadcast %add3A_455 : i32 to vector<16xi32>
            %add3A_457 = arith.addi %mul3A_122, %add3A_456 : vector<16xi32>
            %gather3A_458 = tpu.vector_load_idx %arg12[%shift_right_logical3A_116, %add3A_457] : memref<625x128xf32, #tpu.memory_space<vmem>>[vector<16xi32>, vector<16xi32>], vector<16xf32>,
            %max3A_459 = arith.maximumf %gather3A_458, %add3A_322 : vector<16xf32>
            %add3A_460 = arith.constant 7 : i32
            %add3A_461 = vector.broadcast %add3A_460 : i32 to vector<16xi32>
            %add3A_462 = arith.addi %mul3A_122, %add3A_461 : vector<16xi32>
            tpu.vector_store_idx %arg12[%shift_right_logical3A_116, %add3A_462], %max3A_459 masked %while3A_355 : memref<625x128xf32, #tpu.memory_space<vmem>>[vector<16xi32>, vector<16xi32>], vector<16xf32>, vector<16xi1>
            %add3A_463 = arith.constant 7 : i32
            %add3A_464 = vector.broadcast %add3A_463 : i32 to vector<16xi32>
            %add3A_465 = arith.addi %mul3A_122, %add3A_464 : vector<16xi32>
            %gather3A_466 = tpu.vector_load_idx %arg12[%shift_right_logical3A_116, %add3A_465] : memref<625x128xf32, #tpu.memory_space<vmem>>[vector<16xi32>, vector<16xi32>], vector<16xf32>,
            %lt3A_467 = arith.cmpf olt, %gather3A_466, %max3A_459 : vector<16xf32>
            %or3A_468 = arith.ori %or3A_454, %lt3A_467 : vector<16xi1>
            %and3A_469 = arith.andi %while3A_355, %or3A_468 : vector<16xi1>
            scf.yield %and3A_469 : vector<16xi1>
          }
        } else {
        }
        %scan3A_352 = arith.constant 0 : i32
        scf.yield %scan3A_352 : i32
      }
      %scan3A_108 = arith.constant 40 : i32
      %scan3A_109 = arith.constant 0 : i32
      scf.yield %scan3A_109 : i32
    }
    %scan3A_67 = arith.constant 125 : i32
    %run_scoped3A_68 = arith.constant 1 : i32
    "tpu.region"() ({
      %run_scoped3A_69 = tpu.sem_alloc : memref<!tpu.dma_semaphore, #tpu.memory_space<semaphore_mem>>
      %dma_start3A = arith.constant 0 : i32
      %dma_start3A_70 = arith.constant 0 : i32
      %dma_start3A_71 = tpu.memref_slice %arg7[%run_scoped3A_68, %add3A_30, %select_n3A_7, %dma_start3A, %dma_start3A_70] : memref<2x4x8x625x128xf32, #tpu.memory_space<hbm>> -> memref<1x1x1x625x128xf32, #tpu.memory_space<hbm>>
      %dma_start3A_72 = tpu.memref_squeeze %dma_start3A_71 : memref<1x1x1x625x128xf32, #tpu.memory_space<hbm>> -> memref<625x128xf32, #tpu.memory_space<hbm>>
      %dma_start3A_73 = arith.constant 0 : i32
      %dma_start3A_74 = arith.constant 0 : i32
      %dma_start3A_75 = tpu.memref_slice %arg7[%run_scoped3A_68, %add3A_30, %select_n3A_7, %dma_start3A_73, %dma_start3A_74] : memref<2x4x8x625x128xf32, #tpu.memory_space<hbm>> -> memref<1x1x1x625x128xf32, #tpu.memory_space<hbm>>
      %dma_start3A_76 = tpu.memref_squeeze %dma_start3A_75 : memref<1x1x1x625x128xf32, #tpu.memory_space<hbm>> -> memref<625x128xf32, #tpu.memory_space<hbm>>
      tpu.enqueue_dma source(%arg12 : memref<625x128xf32, #tpu.memory_space<vmem>>) target(%dma_start3A_76 : memref<625x128xf32, #tpu.memory_space<hbm>>) target_semaphore(%run_scoped3A_69 : memref<!tpu.dma_semaphore, #tpu.memory_space<semaphore_mem>>)
      %dma_wait3A = arith.constant 0 : i32
      %dma_wait3A_77 = arith.constant 0 : i32
      %dma_wait3A_78 = tpu.memref_slice %arg7[%run_scoped3A_68, %add3A_30, %select_n3A_7, %dma_wait3A, %dma_wait3A_77] : memref<2x4x8x625x128xf32, #tpu.memory_space<hbm>> -> memref<1x1x1x625x128xf32, #tpu.memory_space<hbm>>
      %dma_wait3A_79 = tpu.memref_squeeze %dma_wait3A_78 : memref<1x1x1x625x128xf32, #tpu.memory_space<hbm>> -> memref<625x128xf32, #tpu.memory_space<hbm>>
      %dma_wait3A_80 = arith.constant 0 : i32
      %dma_wait3A_81 = arith.constant 0 : i32
      %dma_wait3A_82 = tpu.memref_slice %arg7[%run_scoped3A_68, %add3A_30, %select_n3A_7, %dma_wait3A_80, %dma_wait3A_81] : memref<2x4x8x625x128xf32, #tpu.memory_space<hbm>> -> memref<1x1x1x625x128xf32, #tpu.memory_space<hbm>>
      %dma_wait3A_83 = tpu.memref_squeeze %dma_wait3A_82 : memref<1x1x1x625x128xf32, #tpu.memory_space<hbm>> -> memref<625x128xf32, #tpu.memory_space<hbm>>
      tpu.wait_dma2 semaphore(%run_scoped3A_69 : memref<!tpu.dma_semaphore, #tpu.memory_space<semaphore_mem>>) src(%arg12 : memref<625x128xf32, #tpu.memory_space<vmem>>) dst(%dma_wait3A_83 : memref<625x128xf32, #tpu.memory_space<hbm>>)
      tpu.yield
    }) : () -> ()
    return
  }
}

#map = affine_map<(d0, d1) -> (0, 0, 0)>
#map1 = affine_map<(d0, d1) -> (0)>
module attributes {stable_mosaic.version = 14 : i64} {
  func.func @_scg_body(%arg0: i32, %arg1: i32, %arg2: memref<2x10000x128xf32, #tpu.memory_space<hbm>>, %arg3: memref<2x10000x128xf32, #tpu.memory_space<hbm>>, %arg4: memref<640000xi32, #tpu.memory_space<hbm>>, %arg5: memref<640000xi32, #tpu.memory_space<hbm>>, %arg6: memref<2x320000x128xf32, #tpu.memory_space<hbm>>, %arg7: memref<2x320000x128xf32, #tpu.memory_space<hbm>>, %arg8: memref<400x128xf32, #tpu.memory_space<vmem>>, %arg9: memref<400x128xf32, #tpu.memory_space<vmem>>, %arg10: memref<400xi32, #tpu.memory_space<vmem>>, %arg11: memref<400xi32, #tpu.memory_space<vmem>>) attributes {dimension_semantics = [#tpu.dimension_semantics<core_parallel>, #tpu.dimension_semantics<subcore_parallel>], iteration_bounds = array<i64: 2, 16>, scalar_prefetch = 0 : i64, scratch_operands = 4 : i64, tpu.core_type = #tpu.core_type<sc_vector_subcore>, window_params = [{transform_indices = #map}, {transform_indices = #map}, {transform_indices = #map1}, {transform_indices = #map1}, {transform_indices = #map}, {transform_indices = #map}]} {
    %mul3A = arith.constant 20000 : i32
    %mul3A_0 = arith.muli %arg1, %mul3A : i32
    %scan3A = arith.constant 0 : i32
    %scan3A_1 = arith.constant 0 : i32
    %scan3A_2 = arith.constant 50 : i32
    %scan3A_3 = arith.addi %scan3A_1, %scan3A_2 : i32
    %scan3A_4 = arith.constant 1 : i32
    %scan3A_5 = scf.for %scan3A_7 = %scan3A_1 to %scan3A_3 step %scan3A_4 iter_args(%scan3A_8 = %scan3A) -> (i32)  : i32 {
      %mul3A_9 = arith.constant 400 : i32
      %mul3A_10 = arith.muli %scan3A_7, %mul3A_9 : i32
      %add3A = arith.addi %mul3A_0, %mul3A_10 : i32
      %mul3A_11 = arith.constant 320000 : i32
      %mul3A_12 = arith.muli %arg0, %mul3A_11 : i32
      %add3A_13 = arith.addi %mul3A_12, %add3A : i32
      "tpu.region"() ({
        %run_scoped3A = tpu.sem_alloc : memref<!tpu.dma_semaphore, #tpu.memory_space<semaphore_mem>>
        %dma_start3A = tpu.memref_slice %arg4[%add3A_13] : memref<640000xi32, #tpu.memory_space<hbm>> -> memref<400xi32, #tpu.memory_space<hbm>>
        %dma_start3A_18 = tpu.memref_slice %arg4[%add3A_13] : memref<640000xi32, #tpu.memory_space<hbm>> -> memref<400xi32, #tpu.memory_space<hbm>>
        tpu.enqueue_dma source(%dma_start3A_18 : memref<400xi32, #tpu.memory_space<hbm>>) target(%arg10 : memref<400xi32, #tpu.memory_space<vmem>>) target_semaphore(%run_scoped3A : memref<!tpu.dma_semaphore, #tpu.memory_space<semaphore_mem>>)
        %dma_wait3A = tpu.memref_slice %arg4[%add3A_13] : memref<640000xi32, #tpu.memory_space<hbm>> -> memref<400xi32, #tpu.memory_space<hbm>>
        %dma_wait3A_19 = tpu.memref_slice %arg4[%add3A_13] : memref<640000xi32, #tpu.memory_space<hbm>> -> memref<400xi32, #tpu.memory_space<hbm>>
        tpu.wait_dma2 semaphore(%run_scoped3A : memref<!tpu.dma_semaphore, #tpu.memory_space<semaphore_mem>>) src(%dma_wait3A_19 : memref<400xi32, #tpu.memory_space<hbm>>) dst(%arg10 : memref<400xi32, #tpu.memory_space<vmem>>)
        tpu.yield
      }) : () -> ()
      %mul3A_14 = arith.constant 320000 : i32
      %mul3A_15 = arith.muli %arg0, %mul3A_14 : i32
      %add3A_16 = arith.addi %mul3A_15, %add3A : i32
      "tpu.region"() ({
        %run_scoped3A = tpu.sem_alloc : memref<!tpu.dma_semaphore, #tpu.memory_space<semaphore_mem>>
        %dma_start3A = tpu.memref_slice %arg5[%add3A_16] : memref<640000xi32, #tpu.memory_space<hbm>> -> memref<400xi32, #tpu.memory_space<hbm>>
        %dma_start3A_18 = tpu.memref_slice %arg5[%add3A_16] : memref<640000xi32, #tpu.memory_space<hbm>> -> memref<400xi32, #tpu.memory_space<hbm>>
        tpu.enqueue_dma source(%dma_start3A_18 : memref<400xi32, #tpu.memory_space<hbm>>) target(%arg11 : memref<400xi32, #tpu.memory_space<vmem>>) target_semaphore(%run_scoped3A : memref<!tpu.dma_semaphore, #tpu.memory_space<semaphore_mem>>)
        %dma_wait3A = tpu.memref_slice %arg5[%add3A_16] : memref<640000xi32, #tpu.memory_space<hbm>> -> memref<400xi32, #tpu.memory_space<hbm>>
        %dma_wait3A_19 = tpu.memref_slice %arg5[%add3A_16] : memref<640000xi32, #tpu.memory_space<hbm>> -> memref<400xi32, #tpu.memory_space<hbm>>
        tpu.wait_dma2 semaphore(%run_scoped3A : memref<!tpu.dma_semaphore, #tpu.memory_space<semaphore_mem>>) src(%dma_wait3A_19 : memref<400xi32, #tpu.memory_space<hbm>>) dst(%arg11 : memref<400xi32, #tpu.memory_space<vmem>>)
        tpu.yield
      }) : () -> ()
      "tpu.region"() ({
        %run_scoped3A = tpu.sem_alloc : memref<!tpu.dma_semaphore, #tpu.memory_space<semaphore_mem>>
        %dma_start3A = arith.constant 0 : i32
        %dma_start3A_18 = arith.constant 0 : i32
        %dma_start3A_19 = tpu.memref_slice %arg2[%arg0, %dma_start3A, %dma_start3A_18] : memref<2x10000x128xf32, #tpu.memory_space<hbm>> -> memref<1x10000x128xf32, #tpu.memory_space<hbm>>
        %dma_start3A_20 = tpu.memref_squeeze %dma_start3A_19 : memref<1x10000x128xf32, #tpu.memory_space<hbm>> -> memref<10000x128xf32, #tpu.memory_space<hbm>>
        %dma_start3A_21 = arith.constant 0 : i32
        %dma_start3A_22 = arith.constant 0 : i32
        %dma_start3A_23 = tpu.memref_slice %dma_start3A_20[%dma_start3A_21, %dma_start3A_22] : memref<10000x128xf32, #tpu.memory_space<hbm>> -> memref<10000x128xf32, #tpu.memory_space<hbm>>
        tpu.enqueue_indirect_dma source(%dma_start3A_23 : memref<10000x128xf32, #tpu.memory_space<hbm>>) target(%arg8 : memref<400x128xf32, #tpu.memory_space<vmem>>) offsets(%arg10 : memref<400xi32, #tpu.memory_space<vmem>>) semaphore(%run_scoped3A : memref<!tpu.dma_semaphore, #tpu.memory_space<semaphore_mem>>)
        %dma_wait3A = arith.constant 0 : i32
        %dma_wait3A_24 = arith.constant 0 : i32
        %dma_wait3A_25 = tpu.memref_slice %arg2[%arg0, %dma_wait3A, %dma_wait3A_24] : memref<2x10000x128xf32, #tpu.memory_space<hbm>> -> memref<1x10000x128xf32, #tpu.memory_space<hbm>>
        %dma_wait3A_26 = tpu.memref_squeeze %dma_wait3A_25 : memref<1x10000x128xf32, #tpu.memory_space<hbm>> -> memref<10000x128xf32, #tpu.memory_space<hbm>>
        %dma_wait3A_27 = arith.constant 0 : i32
        %dma_wait3A_28 = arith.constant 0 : i32
        %dma_wait3A_29 = tpu.memref_slice %dma_wait3A_26[%dma_wait3A_27, %dma_wait3A_28] : memref<10000x128xf32, #tpu.memory_space<hbm>> -> memref<10000x128xf32, #tpu.memory_space<hbm>>
        tpu.wait_indirect_dma semaphore(%run_scoped3A : memref<!tpu.dma_semaphore, #tpu.memory_space<semaphore_mem>>) src(%dma_wait3A_29 : memref<10000x128xf32, #tpu.memory_space<hbm>>) dst(%arg8 : memref<400x128xf32, #tpu.memory_space<vmem>>)
        tpu.yield
      }) : () -> ()
      "tpu.region"() ({
        %run_scoped3A = tpu.sem_alloc : memref<!tpu.dma_semaphore, #tpu.memory_space<semaphore_mem>>
        %dma_start3A = arith.constant 0 : i32
        %dma_start3A_18 = arith.constant 0 : i32
        %dma_start3A_19 = tpu.memref_slice %arg3[%arg0, %dma_start3A, %dma_start3A_18] : memref<2x10000x128xf32, #tpu.memory_space<hbm>> -> memref<1x10000x128xf32, #tpu.memory_space<hbm>>
        %dma_start3A_20 = tpu.memref_squeeze %dma_start3A_19 : memref<1x10000x128xf32, #tpu.memory_space<hbm>> -> memref<10000x128xf32, #tpu.memory_space<hbm>>
        %dma_start3A_21 = arith.constant 0 : i32
        %dma_start3A_22 = arith.constant 0 : i32
        %dma_start3A_23 = tpu.memref_slice %dma_start3A_20[%dma_start3A_21, %dma_start3A_22] : memref<10000x128xf32, #tpu.memory_space<hbm>> -> memref<10000x128xf32, #tpu.memory_space<hbm>>
        tpu.enqueue_indirect_dma source(%dma_start3A_23 : memref<10000x128xf32, #tpu.memory_space<hbm>>) target(%arg9 : memref<400x128xf32, #tpu.memory_space<vmem>>) offsets(%arg11 : memref<400xi32, #tpu.memory_space<vmem>>) semaphore(%run_scoped3A : memref<!tpu.dma_semaphore, #tpu.memory_space<semaphore_mem>>)
        %dma_wait3A = arith.constant 0 : i32
        %dma_wait3A_24 = arith.constant 0 : i32
        %dma_wait3A_25 = tpu.memref_slice %arg3[%arg0, %dma_wait3A, %dma_wait3A_24] : memref<2x10000x128xf32, #tpu.memory_space<hbm>> -> memref<1x10000x128xf32, #tpu.memory_space<hbm>>
        %dma_wait3A_26 = tpu.memref_squeeze %dma_wait3A_25 : memref<1x10000x128xf32, #tpu.memory_space<hbm>> -> memref<10000x128xf32, #tpu.memory_space<hbm>>
        %dma_wait3A_27 = arith.constant 0 : i32
        %dma_wait3A_28 = arith.constant 0 : i32
        %dma_wait3A_29 = tpu.memref_slice %dma_wait3A_26[%dma_wait3A_27, %dma_wait3A_28] : memref<10000x128xf32, #tpu.memory_space<hbm>> -> memref<10000x128xf32, #tpu.memory_space<hbm>>
        tpu.wait_indirect_dma semaphore(%run_scoped3A : memref<!tpu.dma_semaphore, #tpu.memory_space<semaphore_mem>>) src(%dma_wait3A_29 : memref<10000x128xf32, #tpu.memory_space<hbm>>) dst(%arg9 : memref<400x128xf32, #tpu.memory_space<vmem>>)
        tpu.yield
      }) : () -> ()
      "tpu.region"() ({
        %run_scoped3A = tpu.sem_alloc : memref<!tpu.dma_semaphore, #tpu.memory_space<semaphore_mem>>
        %dma_start3A = arith.constant 0 : i32
        %dma_start3A_18 = tpu.memref_slice %arg6[%arg0, %add3A, %dma_start3A] : memref<2x320000x128xf32, #tpu.memory_space<hbm>> -> memref<1x400x128xf32, #tpu.memory_space<hbm>>
        %dma_start3A_19 = tpu.memref_squeeze %dma_start3A_18 : memref<1x400x128xf32, #tpu.memory_space<hbm>> -> memref<400x128xf32, #tpu.memory_space<hbm>>
        %dma_start3A_20 = arith.constant 0 : i32
        %dma_start3A_21 = tpu.memref_slice %arg6[%arg0, %add3A, %dma_start3A_20] : memref<2x320000x128xf32, #tpu.memory_space<hbm>> -> memref<1x400x128xf32, #tpu.memory_space<hbm>>
        %dma_start3A_22 = tpu.memref_squeeze %dma_start3A_21 : memref<1x400x128xf32, #tpu.memory_space<hbm>> -> memref<400x128xf32, #tpu.memory_space<hbm>>
        tpu.enqueue_dma source(%arg8 : memref<400x128xf32, #tpu.memory_space<vmem>>) target(%dma_start3A_22 : memref<400x128xf32, #tpu.memory_space<hbm>>) target_semaphore(%run_scoped3A : memref<!tpu.dma_semaphore, #tpu.memory_space<semaphore_mem>>)
        %dma_wait3A = arith.constant 0 : i32
        %dma_wait3A_23 = tpu.memref_slice %arg6[%arg0, %add3A, %dma_wait3A] : memref<2x320000x128xf32, #tpu.memory_space<hbm>> -> memref<1x400x128xf32, #tpu.memory_space<hbm>>
        %dma_wait3A_24 = tpu.memref_squeeze %dma_wait3A_23 : memref<1x400x128xf32, #tpu.memory_space<hbm>> -> memref<400x128xf32, #tpu.memory_space<hbm>>
        %dma_wait3A_25 = arith.constant 0 : i32
        %dma_wait3A_26 = tpu.memref_slice %arg6[%arg0, %add3A, %dma_wait3A_25] : memref<2x320000x128xf32, #tpu.memory_space<hbm>> -> memref<1x400x128xf32, #tpu.memory_space<hbm>>
        %dma_wait3A_27 = tpu.memref_squeeze %dma_wait3A_26 : memref<1x400x128xf32, #tpu.memory_space<hbm>> -> memref<400x128xf32, #tpu.memory_space<hbm>>
        tpu.wait_dma2 semaphore(%run_scoped3A : memref<!tpu.dma_semaphore, #tpu.memory_space<semaphore_mem>>) src(%arg8 : memref<400x128xf32, #tpu.memory_space<vmem>>) dst(%dma_wait3A_27 : memref<400x128xf32, #tpu.memory_space<hbm>>)
        tpu.yield
      }) : () -> ()
      "tpu.region"() ({
        %run_scoped3A = tpu.sem_alloc : memref<!tpu.dma_semaphore, #tpu.memory_space<semaphore_mem>>
        %dma_start3A = arith.constant 0 : i32
        %dma_start3A_18 = tpu.memref_slice %arg7[%arg0, %add3A, %dma_start3A] : memref<2x320000x128xf32, #tpu.memory_space<hbm>> -> memref<1x400x128xf32, #tpu.memory_space<hbm>>
        %dma_start3A_19 = tpu.memref_squeeze %dma_start3A_18 : memref<1x400x128xf32, #tpu.memory_space<hbm>> -> memref<400x128xf32, #tpu.memory_space<hbm>>
        %dma_start3A_20 = arith.constant 0 : i32
        %dma_start3A_21 = tpu.memref_slice %arg7[%arg0, %add3A, %dma_start3A_20] : memref<2x320000x128xf32, #tpu.memory_space<hbm>> -> memref<1x400x128xf32, #tpu.memory_space<hbm>>
        %dma_start3A_22 = tpu.memref_squeeze %dma_start3A_21 : memref<1x400x128xf32, #tpu.memory_space<hbm>> -> memref<400x128xf32, #tpu.memory_space<hbm>>
        tpu.enqueue_dma source(%arg9 : memref<400x128xf32, #tpu.memory_space<vmem>>) target(%dma_start3A_22 : memref<400x128xf32, #tpu.memory_space<hbm>>) target_semaphore(%run_scoped3A : memref<!tpu.dma_semaphore, #tpu.memory_space<semaphore_mem>>)
        %dma_wait3A = arith.constant 0 : i32
        %dma_wait3A_23 = tpu.memref_slice %arg7[%arg0, %add3A, %dma_wait3A] : memref<2x320000x128xf32, #tpu.memory_space<hbm>> -> memref<1x400x128xf32, #tpu.memory_space<hbm>>
        %dma_wait3A_24 = tpu.memref_squeeze %dma_wait3A_23 : memref<1x400x128xf32, #tpu.memory_space<hbm>> -> memref<400x128xf32, #tpu.memory_space<hbm>>
        %dma_wait3A_25 = arith.constant 0 : i32
        %dma_wait3A_26 = tpu.memref_slice %arg7[%arg0, %add3A, %dma_wait3A_25] : memref<2x320000x128xf32, #tpu.memory_space<hbm>> -> memref<1x400x128xf32, #tpu.memory_space<hbm>>
        %dma_wait3A_27 = tpu.memref_squeeze %dma_wait3A_26 : memref<1x400x128xf32, #tpu.memory_space<hbm>> -> memref<400x128xf32, #tpu.memory_space<hbm>>
        tpu.wait_dma2 semaphore(%run_scoped3A : memref<!tpu.dma_semaphore, #tpu.memory_space<semaphore_mem>>) src(%arg9 : memref<400x128xf32, #tpu.memory_space<vmem>>) dst(%dma_wait3A_27 : memref<400x128xf32, #tpu.memory_space<hbm>>)
        tpu.yield
      }) : () -> ()
      %scan3A_17 = arith.constant 0 : i32
      scf.yield %scan3A_17 : i32
    }
    %scan3A_6 = arith.constant 50 : i32
    return
  }
}

module attributes {stable_mosaic.version = 14 : i64} {
  func.func @_conv_bn_prelu_kernel(%arg0: i32, %arg1: i32, %arg2: memref<1x5000x64xf32, #tpu.memory_space<vmem>>, %arg3: memref<1x5000x128xf32, #tpu.memory_space<vmem>>, %arg4: memref<1x5000x128xf32, #tpu.memory_space<vmem>>, %arg5: memref<128x64xf32, #tpu.memory_space<vmem>>, %arg6: memref<1x128xf32, #tpu.memory_space<vmem>>, %arg7: memref<2x128xf32, #tpu.memory_space<smem>>, %arg8: memref<2x128xf32, #tpu.memory_space<smem>>, %arg9: memref<1xf32, #tpu.memory_space<smem>>, %arg10: memref<1x5000x128xf32, #tpu.memory_space<vmem>>) attributes {dimension_semantics = [#tpu.dimension_semantics<arbitrary>, #tpu.dimension_semantics<arbitrary>], iteration_bounds = array<i64: 2, 64>, scalar_prefetch = 0 : i64, scratch_operands = 0 : i64, tpu.core_type = #tpu.core_type<tc>, window_params = [{transform_indices = @transform_0, window_bounds = array<i64: 1, 5000, 64>}, {transform_indices = @transform_1, window_bounds = array<i64: 1, 5000, 128>}, {transform_indices = @transform_2, window_bounds = array<i64: 1, 5000, 128>}, {pipeline_mode = #tpu.pipeline_mode<synchronous>, transform_indices = @transform_3, window_bounds = array<i64: 128, 64>}, {pipeline_mode = #tpu.pipeline_mode<synchronous>, transform_indices = @transform_4, window_bounds = array<i64: 1, 128>}, {transform_indices = @transform_5, window_bounds = array<i64: 2, 128>}, {transform_indices = @transform_6, window_bounds = array<i64: 2, 128>}, {transform_indices = @transform_7, window_bounds = array<i64: 1>}, {transform_indices = @transform_8, window_bounds = array<i64: 1, 5000, 128>}]} {
    %get3A = arith.constant 0 : index
    %get3A_0 = arith.constant 0 : index
    %get3A_1 = arith.constant 0 : index
    %get3A_2 = vector.load %arg2[%get3A, %get3A_0, %get3A_1] : memref<1x5000x64xf32, #tpu.memory_space<vmem>>, vector<1x5000x64xf32>
    %get3A_3 = vector.shape_cast %get3A_2 : vector<1x5000x64xf32> to vector<5000x64xf32>
    %get3A_4 = arith.constant 0 : index
    %get3A_5 = arith.constant 0 : index
    %get3A_6 = vector.load %arg5[%get3A_4, %get3A_5] : memref<128x64xf32, #tpu.memory_space<vmem>>, vector<128x64xf32>
    %dot_general3A = arith.constant dense<0.000000e+00> : vector<5000x128xf32>
    %dot_general3A_7 = tpu.matmul %get3A_3, %get3A_6, %dot_general3A {dimension_numbers = #tpu.dot_dimension_numbers<[1], [1], [0], [0], [0, 0, 1, 0], [], []>, transpose_lhs_hint = false} : vector<5000x64xf32>, vector<128x64xf32>, vector<5000x128xf32> -> vector<5000x128xf32>
    %get3A_8 = arith.constant 0 : index
    %get3A_9 = arith.constant 0 : index
    %get3A_10 = vector.load %arg6[%get3A_8, %get3A_9] : memref<1x128xf32, #tpu.memory_space<vmem>>, vector<1x128xf32>
    %add3A = vector.broadcast %get3A_10 : vector<1x128xf32> to vector<5000x128xf32>
    %add3A_11 = arith.addf %dot_general3A_7, %add3A : vector<5000x128xf32>
    %get3A_12 = arith.constant 0 : index
    %get3A_13 = arith.constant 0 : index
    %get3A_14 = arith.constant 0 : index
    %get3A_15 = vector.load %arg3[%get3A_12, %get3A_13, %get3A_14] : memref<1x5000x128xf32, #tpu.memory_space<vmem>>, vector<1x5000x128xf32>
    %get3A_16 = vector.shape_cast %get3A_15 : vector<1x5000x128xf32> to vector<5000x128xf32>
    %add3A_17 = arith.addf %add3A_11, %get3A_16 : vector<5000x128xf32>
    %get3A_18 = arith.constant 0 : index
    %get3A_19 = arith.constant 0 : index
    %get3A_20 = arith.constant 0 : index
    %get3A_21 = vector.load %arg4[%get3A_18, %get3A_19, %get3A_20] : memref<1x5000x128xf32, #tpu.memory_space<vmem>>, vector<1x5000x128xf32>
    %get3A_22 = vector.shape_cast %get3A_21 : vector<1x5000x128xf32> to vector<5000x128xf32>
    %add3A_23 = arith.addf %add3A_17, %get3A_22 : vector<5000x128xf32>
    %get3A_24 = arith.constant 0 : index
    %get3A_25 = memref.load %arg9[%get3A_24] : memref<1xf32, #tpu.memory_space<smem>>
    %slice3A = vector.extract_strided_slice %add3A_23 {offsets = [0, 0], sizes = [2500, 128], strides = [1, 1]} : vector<5000x128xf32> to vector<2500x128xf32>
    %reduce_sum3A = vector.shape_cast %slice3A : vector<2500x128xf32> to vector<1x2500x128xf32>
    %reduce_sum3A_26 = arith.constant dense<0.000000e+00> : vector<1xf32>
    %reduce_sum3A_27 = vector.multi_reduction <add>, %reduce_sum3A, %reduce_sum3A_26 [1, 2] : vector<1x2500x128xf32> to vector<1xf32>
    %reduce_sum3A_28 = vector.shape_cast %reduce_sum3A_27 : vector<1xf32> to vector<1x1x1xf32>
    %reduce_sum3A_29 = vector.extract %reduce_sum3A_28[0, 0, 0] : f32 from vector<1x1x1xf32>
    %div3A = arith.constant 3.200000e+05 : f32
    %div3A_30 = arith.divf %reduce_sum3A_29, %div3A : f32
    %mul3A = arith.mulf %slice3A, %slice3A : vector<2500x128xf32>
    %reduce_sum3A_31 = vector.shape_cast %mul3A : vector<2500x128xf32> to vector<1x2500x128xf32>
    %reduce_sum3A_32 = arith.constant dense<0.000000e+00> : vector<1xf32>
    %reduce_sum3A_33 = vector.multi_reduction <add>, %reduce_sum3A_31, %reduce_sum3A_32 [1, 2] : vector<1x2500x128xf32> to vector<1xf32>
    %reduce_sum3A_34 = vector.shape_cast %reduce_sum3A_33 : vector<1xf32> to vector<1x1x1xf32>
    %reduce_sum3A_35 = vector.extract %reduce_sum3A_34[0, 0, 0] : f32 from vector<1x1x1xf32>
    %div3A_36 = arith.constant 3.200000e+05 : f32
    %div3A_37 = arith.divf %reduce_sum3A_35, %div3A_36 : f32
    %mul3A_38 = arith.mulf %div3A_30, %div3A_30 : f32
    %sub3A = arith.subf %div3A_37, %mul3A_38 : f32
    %mul3A_39 = arith.constant 2 : i32
    %mul3A_40 = arith.muli %mul3A_39, %arg1 : i32
    %add3A_41 = arith.constant 0 : i32
    %add3A_42 = arith.addi %mul3A_40, %add3A_41 : i32
    %get3A_43 = arith.index_cast %arg0 : i32 to index
    %get3A_44 = arith.index_cast %add3A_42 : i32 to index
    %get3A_45 = memref.load %arg7[%get3A_43, %get3A_44] : memref<2x128xf32, #tpu.memory_space<smem>>
    %mul3A_46 = arith.constant 2 : i32
    %mul3A_47 = arith.muli %mul3A_46, %arg1 : i32
    %add3A_48 = arith.constant 0 : i32
    %add3A_49 = arith.addi %mul3A_47, %add3A_48 : i32
    %get3A_50 = arith.index_cast %arg0 : i32 to index
    %get3A_51 = arith.index_cast %add3A_49 : i32 to index
    %get3A_52 = memref.load %arg8[%get3A_50, %get3A_51] : memref<2x128xf32, #tpu.memory_space<smem>>
    %sub3A_53 = vector.broadcast %div3A_30 : f32 to vector<2500x128xf32>
    %sub3A_54 = arith.subf %slice3A, %sub3A_53 : vector<2500x128xf32>
    %mul3A_55 = vector.broadcast %get3A_45 : f32 to vector<2500x128xf32>
    %mul3A_56 = arith.mulf %mul3A_55, %sub3A_54 : vector<2500x128xf32>
    %add3A_57 = arith.constant 9.99999974E-6 : f32
    %add3A_58 = arith.addf %sub3A, %add3A_57 : f32
    %rsqrt3A = math.rsqrt %add3A_58 : f32
    %mul3A_59 = vector.broadcast %rsqrt3A : f32 to vector<2500x128xf32>
    %mul3A_60 = arith.mulf %mul3A_56, %mul3A_59 : vector<2500x128xf32>
    %add3A_61 = vector.broadcast %get3A_52 : f32 to vector<2500x128xf32>
    %add3A_62 = arith.addf %mul3A_60, %add3A_61 : vector<2500x128xf32>
    %ge3A = arith.constant 0.000000e+00 : f32
    %ge3A_63 = vector.broadcast %ge3A : f32 to vector<2500x128xf32>
    %ge3A_64 = arith.cmpf oge, %add3A_62, %ge3A_63 : vector<2500x128xf32>
    %mul3A_65 = vector.broadcast %get3A_25 : f32 to vector<2500x128xf32>
    %mul3A_66 = arith.mulf %mul3A_65, %add3A_62 : vector<2500x128xf32>
    %select_n3A = arith.select %ge3A_64, %add3A_62, %mul3A_66 : vector<2500x128xi1>, vector<2500x128xf32>
    %swap3A = arith.constant 0 : index
    %swap3A_67 = arith.constant 0 : index
    %swap3A_68 = arith.constant 0 : index
    %swap3A_69 = vector.load %arg10[%swap3A, %swap3A_67, %swap3A_68] : memref<1x5000x128xf32, #tpu.memory_space<vmem>>, vector<1x2500x128xf32>
    %swap3A_70 = vector.shape_cast %swap3A_69 : vector<1x2500x128xf32> to vector<2500x128xf32>
    %swap3A_71 = vector.shape_cast %select_n3A : vector<2500x128xf32> to vector<1x2500x128xf32>
    tpu.vector_store %arg10[%swap3A, %swap3A_67, %swap3A_68], %swap3A_71 {strides = array<i32>} : memref<1x5000x128xf32, #tpu.memory_space<vmem>>, vector<1x2500x128xf32>,
    %slice3A_72 = vector.extract_strided_slice %add3A_23 {offsets = [2500, 0], sizes = [2500, 128], strides = [1, 1]} : vector<5000x128xf32> to vector<2500x128xf32>
    %reduce_sum3A_73 = vector.shape_cast %slice3A_72 : vector<2500x128xf32> to vector<1x2500x128xf32>
    %reduce_sum3A_74 = arith.constant dense<0.000000e+00> : vector<1xf32>
    %reduce_sum3A_75 = vector.multi_reduction <add>, %reduce_sum3A_73, %reduce_sum3A_74 [1, 2] : vector<1x2500x128xf32> to vector<1xf32>
    %reduce_sum3A_76 = vector.shape_cast %reduce_sum3A_75 : vector<1xf32> to vector<1x1x1xf32>
    %reduce_sum3A_77 = vector.extract %reduce_sum3A_76[0, 0, 0] : f32 from vector<1x1x1xf32>
    %div3A_78 = arith.constant 3.200000e+05 : f32
    %div3A_79 = arith.divf %reduce_sum3A_77, %div3A_78 : f32
    %mul3A_80 = arith.mulf %slice3A_72, %slice3A_72 : vector<2500x128xf32>
    %reduce_sum3A_81 = vector.shape_cast %mul3A_80 : vector<2500x128xf32> to vector<1x2500x128xf32>
    %reduce_sum3A_82 = arith.constant dense<0.000000e+00> : vector<1xf32>
    %reduce_sum3A_83 = vector.multi_reduction <add>, %reduce_sum3A_81, %reduce_sum3A_82 [1, 2] : vector<1x2500x128xf32> to vector<1xf32>
    %reduce_sum3A_84 = vector.shape_cast %reduce_sum3A_83 : vector<1xf32> to vector<1x1x1xf32>
    %reduce_sum3A_85 = vector.extract %reduce_sum3A_84[0, 0, 0] : f32 from vector<1x1x1xf32>
    %div3A_86 = arith.constant 3.200000e+05 : f32
    %div3A_87 = arith.divf %reduce_sum3A_85, %div3A_86 : f32
    %mul3A_88 = arith.mulf %div3A_79, %div3A_79 : f32
    %sub3A_89 = arith.subf %div3A_87, %mul3A_88 : f32
    %mul3A_90 = arith.constant 2 : i32
    %mul3A_91 = arith.muli %mul3A_90, %arg1 : i32
    %add3A_92 = arith.constant 1 : i32
    %add3A_93 = arith.addi %mul3A_91, %add3A_92 : i32
    %get3A_94 = arith.index_cast %arg0 : i32 to index
    %get3A_95 = arith.index_cast %add3A_93 : i32 to index
    %get3A_96 = memref.load %arg7[%get3A_94, %get3A_95] : memref<2x128xf32, #tpu.memory_space<smem>>
    %mul3A_97 = arith.constant 2 : i32
    %mul3A_98 = arith.muli %mul3A_97, %arg1 : i32
    %add3A_99 = arith.constant 1 : i32
    %add3A_100 = arith.addi %mul3A_98, %add3A_99 : i32
    %get3A_101 = arith.index_cast %arg0 : i32 to index
    %get3A_102 = arith.index_cast %add3A_100 : i32 to index
    %get3A_103 = memref.load %arg8[%get3A_101, %get3A_102] : memref<2x128xf32, #tpu.memory_space<smem>>
    %sub3A_104 = vector.broadcast %div3A_79 : f32 to vector<2500x128xf32>
    %sub3A_105 = arith.subf %slice3A_72, %sub3A_104 : vector<2500x128xf32>
    %mul3A_106 = vector.broadcast %get3A_96 : f32 to vector<2500x128xf32>
    %mul3A_107 = arith.mulf %mul3A_106, %sub3A_105 : vector<2500x128xf32>
    %add3A_108 = arith.constant 9.99999974E-6 : f32
    %add3A_109 = arith.addf %sub3A_89, %add3A_108 : f32
    %rsqrt3A_110 = math.rsqrt %add3A_109 : f32
    %mul3A_111 = vector.broadcast %rsqrt3A_110 : f32 to vector<2500x128xf32>
    %mul3A_112 = arith.mulf %mul3A_107, %mul3A_111 : vector<2500x128xf32>
    %add3A_113 = vector.broadcast %get3A_103 : f32 to vector<2500x128xf32>
    %add3A_114 = arith.addf %mul3A_112, %add3A_113 : vector<2500x128xf32>
    %ge3A_115 = arith.constant 0.000000e+00 : f32
    %ge3A_116 = vector.broadcast %ge3A_115 : f32 to vector<2500x128xf32>
    %ge3A_117 = arith.cmpf oge, %add3A_114, %ge3A_116 : vector<2500x128xf32>
    %mul3A_118 = vector.broadcast %get3A_25 : f32 to vector<2500x128xf32>
    %mul3A_119 = arith.mulf %mul3A_118, %add3A_114 : vector<2500x128xf32>
    %select_n3A_120 = arith.select %ge3A_117, %add3A_114, %mul3A_119 : vector<2500x128xi1>, vector<2500x128xf32>
    %swap3A_121 = arith.constant 0 : index
    %swap3A_122 = arith.constant 2500 : index
    %swap3A_123 = arith.constant 0 : index
    %swap3A_124 = vector.load %arg10[%swap3A_121, %swap3A_122, %swap3A_123] : memref<1x5000x128xf32, #tpu.memory_space<vmem>>, vector<1x2500x128xf32>
    %swap3A_125 = vector.shape_cast %swap3A_124 : vector<1x2500x128xf32> to vector<2500x128xf32>
    %swap3A_126 = vector.shape_cast %select_n3A_120 : vector<2500x128xf32> to vector<1x2500x128xf32>
    tpu.vector_store %arg10[%swap3A_121, %swap3A_122, %swap3A_123], %swap3A_126 {strides = array<i32>} : memref<1x5000x128xf32, #tpu.memory_space<vmem>>, vector<1x2500x128xf32>,
    return
  }
  func.func @transform_0(%arg0: i32, %arg1: i32) -> (i32, i32, i32) {
    %c0_i32 = arith.constant 0 : i32
    %c0_i32_0 = arith.constant 0 : i32
    return %arg0, %arg1, %c0_i32 : i32, i32, i32
  }
  func.func @transform_1(%arg0: i32, %arg1: i32) -> (i32, i32, i32) {
    %c0_i32 = arith.constant 0 : i32
    %c0_i32_0 = arith.constant 0 : i32
    return %arg0, %arg1, %c0_i32 : i32, i32, i32
  }
  func.func @transform_2(%arg0: i32, %arg1: i32) -> (i32, i32, i32) {
    %c0_i32 = arith.constant 0 : i32
    %c0_i32_0 = arith.constant 0 : i32
    return %arg0, %arg1, %c0_i32 : i32, i32, i32
  }
  func.func @transform_3(%arg0: i32, %arg1: i32) -> (i32, i32) {
    %c0_i32 = arith.constant 0 : i32
    %c0_i32_0 = arith.constant 0 : i32
    %c0_i32_1 = arith.constant 0 : i32
    return %c0_i32, %c0_i32_0 : i32, i32
  }
  func.func @transform_4(%arg0: i32, %arg1: i32) -> (i32, i32) {
    %c0_i32 = arith.constant 0 : i32
    %c0_i32_0 = arith.constant 0 : i32
    %c0_i32_1 = arith.constant 0 : i32
    return %c0_i32, %c0_i32_0 : i32, i32
  }
  func.func @transform_5(%arg0: i32, %arg1: i32) -> (i32, i32) {
    %c0_i32 = arith.constant 0 : i32
    %c0_i32_0 = arith.constant 0 : i32
    %c0_i32_1 = arith.constant 0 : i32
    return %c0_i32, %c0_i32_0 : i32, i32
  }
  func.func @transform_6(%arg0: i32, %arg1: i32) -> (i32, i32) {
    %c0_i32 = arith.constant 0 : i32
    %c0_i32_0 = arith.constant 0 : i32
    %c0_i32_1 = arith.constant 0 : i32
    return %c0_i32, %c0_i32_0 : i32, i32
  }
  func.func @transform_7(%arg0: i32, %arg1: i32) -> i32 {
    %c0_i32 = arith.constant 0 : i32
    %c0_i32_0 = arith.constant 0 : i32
    return %c0_i32 : i32
  }
  func.func @transform_8(%arg0: i32, %arg1: i32) -> (i32, i32, i32) {
    %c0_i32 = arith.constant 0 : i32
    %c0_i32_0 = arith.constant 0 : i32
    return %arg0, %arg1, %c0_i32 : i32, i32, i32
  }
}

</mosaic_0001>

<sc_bundles>
// kernel: kernel.12.cloned.1.call-start
scs
__scs_entry_jumppad:
0x0: {  	(pc) =	sbr.rel $0x88, $3  }
0x1: {  	(tag) =	ssettag $0x0;
	lr =	simm.s32 $0x1  }
0x2: {  	[smem:$0x3F95] =	sst lr;
	_ =	strace $0xD0000000  }
0x3: {  	_ = 	snop  }
0x4: {  	_ = 	snop  }
0x5: {  	_ = 	snop  }
0x6: {  	_ = 	snop  }
0x7: {  	_ = 	snop  }
__scs_overlays_trampoline_lowered:
0x8: {  	[smem:$0x3FA4] =	sst s0  }
0x9: {  	[smem:$0x3FA5] =	sst s1  }
0xa: {  	[smem:$0x3FA6] =	sst s2  }
0xb: {  	[smem:$0x3FA7] =	sst s3  }
0xc: {  	[smem:$0x3FA8] =	sst s4  }
0xd: {  	[smem:$0x3FA9] =	sst s5  }
0xe: {  	[smem:$0x3FAA] =	sst s6  }
0xf: {  	[smem:$0x3FAB] =	sst s7  }
0x10: {  	[smem:$0x3FAC] =	sst s8  }
0x11: {  	[smem:$0x3FAD] =	sst s9;
	s0 =	simm.s32 @!p0 $0x0  }
0x12: {  	s1 =	sld [smem:$0x3F93];
	s0 =	simm.s32 @p0 $0x1  }
0x13: {  	[smem:$0x3FAE] =	sst s0;
	s0 =	simm.s32 @!p1 $0x0  }
0x14: {  	s2 =	sld [smem:$0x3F92];
	s0 =	simm.s32 @p1 $0x1  }
0x15: {  	[smem:$0x3FAF] =	sst s0;
	s0 =	simm.s32 @!p2 $0x0  }
0x16: {  	s3 =	sld [smem:$0x3FDB];
	s0 =	simm.s32 @p2 $0x1  }
0x17: {  	s4 =	simm.s32 $0x1BF5;
	[smem:$0x3FB1] =	sst s0  }
0x18: {  	s0 =	sld [smem:$0x3F94];
	_ =	swait.ge [sflag:s4], $0x0  }
0x19: {  	s7 =	sld [smem:$0x3F95]  }
0x1a: {  	s8 =	sadd.s32 $0xFFFFE003, lr  }
0x1b: {  	s9 =	sadd.s32 $0xFFFFFEF7, lr;
	s5 =	simm.s32 $0xFFFFFFFF;
	p2 =	slt.u32 s8, $0xFFFFF086  }
0x1c: {  	p1 =	slt.u32 s9, $0xF7A;
	s5 =	simm.s32 @!p2 $0x0  }
0x1d: {  	s5 =	simm.s32 @p1 $0x1;
	p0 =	seq.s32 s7, s2  }
0x1e: {  	s7 =	smul.u32 @!p0 $0xF7A, s2;
	p2 =	seq.s32 @!p0 s5, $0x0  }
0x1f: {  	s9 =	smul.u32 $0xF7A, s1;
	s8 =	simm.s32 @!p0 $0x1BF5;
	p2 =	por !p2, p0  }
0x20: {  	[sflag:s8] =	ssyncset.s32 @!p0 $0xFFFFF086;
	s6 =	sadd.s32 @!p0 s3, s7;
	s7 =	simm.s32 @!p0 $0x108  }
0x21: {  	s3 =	sadd.s32 s3, s9;
	s6 =	sadd.s32 @!p0 $0x88, s6;
	s7 =	simm.s32 @p2 $0x1082  }
0x22: {  	[simem:s7], [sflag:s8] =	dma.local @!p0 [hbm:s6], $0xF7A  }
0x23: {  	s9 =	sor.u32 $0xD0000000, s2;
	s6 =	simm.s32 $0x108;
	_ =	swait.ge @!p0 [sflag:s8], $0x0  }
0x24: {  	s3 =	sadd.s32 $0x88, s3;
	s6 =	simm.s32 @!p1 $0x1082;
	[sflag:s4] =	ssyncset.s32 $0xFFFFF086  }
0x25: {  	[simem:s6], [sflag:s4] =	dma.local [hbm:s3], $0xF7A  }
0x26: {  	[smem:$0x3F95] =	sst s1;
	(tag) =	ssettag s2;
	_ =	strace s9  }
0x27: {  	s1 =	sld [smem:$0x3FA5]  }
0x28: {  	s2 =	sld [smem:$0x3FA6]  }
0x29: {  	s4 =	sld [smem:$0x3FA8]  }
0x2a: {  	p0 =	seq.s32 s5, $0x0;
	s5 =	sld [smem:$0x3FA9]  }
0x2b: {  	s6 =	sld [smem:$0x3FAA]  }
0x2c: {  	s7 =	sld [smem:$0x3FAB]  }
0x2d: {  	s3 =	simm.s32 $0x108;
	s8 =	sld [smem:$0x3FAC]  }
0x2e: {  	s3 =	simm.s32 @!p0 $0x1082;
	s9 =	sld [smem:$0x3FAD]  }
0x2f: {  	lr =	sadd.s32 s0, s3;
	s0 =	sld [smem:$0x3FA4]  }
0x30: {  	s3 =	sld [smem:$0x3FA7]  }
0x31: {  	[smem:$0x3FB0] =	sst s10  }
0x32: {  	s10 =	sld [smem:$0x3FAE];
	_ =	sdelay $0x3  }
0x33: {  	p0 =	seq.s32 s10, $0x1;
	s10 =	sld [smem:$0x3FB0];
	_ =	sdelay $0x3  }
0x34: {  	[smem:$0x3FB0] =	sst s10  }
0x35: {  	s10 =	sld [smem:$0x3FAF];
	_ =	sdelay $0x3  }
0x36: {  	p1 =	seq.s32 s10, $0x1;
	s10 =	sld [smem:$0x3FB0];
	_ =	sdelay $0x3  }
0x37: {  	[smem:$0x3FB0] =	sst s10  }
0x38: {  	s10 =	sld [smem:$0x3FB1]  }
0x39: {  	_ = 	snop;
	(pc) =	sbr.ind lr, $3  }
0x3a: {  	_ = 	snop  }
0x3b: {  	_ = 	snop  }
0x3c: {  	p2 =	seq.s32 s10, $0x1;
	s10 =	sld [smem:$0x3FB0]  }
0x3d: {  	_ =	shalt  }
0x3e: {  	_ =	shalt  }
0x3f: {  	_ =	shalt  }
0x40: {  	_ =	shalt  }
0x41: {  	_ =	shalt  }
0x42: {  	_ =	shalt  }
0x43: {  	_ =	shalt  }
0x44: {  	_ =	shalt  }
0x45: {  	_ =	shalt  }
0x46: {  	_ =	shalt  }
0x47: {  	_ =	shalt  }
0x48: {  	_ =	shalt  }
0x49: {  	_ =	shalt  }
0x4a: {  	_ =	shalt  }
0x4b: {  	_ =	shalt  }
0x4c: {  	_ =	shalt  }
0x4d: {  	_ =	shalt  }
0x4e: {  	_ =	shalt  }
0x4f: {  	_ =	shalt  }
0x50: {  	_ =	shalt  }
0x51: {  	_ =	shalt  }
0x52: {  	_ =	shalt  }
0x53: {  	_ =	shalt  }
0x54: {  	_ =	shalt  }
0x55: {  	_ =	shalt  }
0x56: {  	_ =	shalt  }
0x57: {  	_ =	shalt  }
0x58: {  	_ =	shalt  }
0x59: {  	_ =	shalt  }
0x5a: {  	_ =	shalt  }
0x5b: {  	_ =	shalt  }
0x5c: {  	_ =	shalt  }
0x5d: {  	_ =	shalt  }
0x5e: {  	_ =	shalt  }
0x5f: {  	_ =	shalt  }
0x60: {  	_ =	shalt  }
0x61: {  	_ =	shalt  }
0x62: {  	_ =	shalt  }
0x63: {  	_ =	shalt  }
0x64: {  	_ =	shalt  }
0x65: {  	_ =	shalt  }
0x66: {  	_ =	shalt  }
0x67: {  	_ =	shalt  }
0x68: {  	_ =	shalt  }
0x69: {  	_ =	shalt  }
0x6a: {  	_ =	shalt  }
0x6b: {  	_ =	shalt  }
0x6c: {  	_ =	shalt  }
0x6d: {  	_ =	shalt  }
0x6e: {  	_ =	shalt  }
0x6f: {  	_ =	shalt  }
0x70: {  	_ =	shalt  }
0x71: {  	_ =	shalt  }
0x72: {  	_ =	shalt  }
0x73: {  	_ =	shalt  }
0x74: {  	_ =	shalt  }
0x75: {  	_ =	shalt  }
0x76: {  	_ =	shalt  }
0x77: {  	_ =	shalt  }
0x78: {  	_ =	shalt  }
0x79: {  	_ =	shalt  }
0x7a: {  	_ =	shalt  }
0x7b: {  	_ =	shalt  }
0x7c: {  	_ =	shalt  }
0x7d: {  	_ =	shalt  }
0x7e: {  	_ =	shalt  }
0x7f: {  	_ =	shalt  }
0x80: {  	_ =	shalt  }
0x81: {  	_ =	shalt  }
0x82: {  	_ =	shalt  }
0x83: {  	_ =	shalt  }
0x84: {  	_ =	shalt  }
0x85: {  	_ =	shalt  }
0x86: {  	_ =	shalt  }
0x87: {  	_ =	shalt  }
.Lfunc_end0:
.L_simem_size_0:
called_computation.3_lowered:
.L_overlay_start_0:
0x88: {  	s2 =	sld [smem:$0x3FD9]  }
0x89: {  	s3 =	sld [smem:$0x3FFE];
	_ =	sdelay $0x1  }
0x8a: {  	s1 =	srdreg.scid  }
0x8b: {  	s0 =	sand.u32 $0x1, s1  }
0x8c: {  	s17 =	sshll.u32 s0, $0xA;
	s2 =	sadd.s32 s3, s2  }
0x8d: {  	s2 =	sadd.s32 s2, s17  }
0x8e: {  	[smem:$0x3FBC] =	sst s2  }
0x8f: {  	_ = 	snop  }
0x90: {  	s2 =	sld [smem:$0x3FD0];
	(tm) =	ssettm $0x1  }
0x91: {  	s18 =	sld [smem:$0x3FFB];
	_ =	sdelay $0x3  }
0x92: {  	_ =	strace s18  }
0x93: {  	s3 =	sld [smem:$0x3FFC];
	_ =	sdelay $0x3  }
0x94: {  	_ =	strace s3  }
0x95: {  	s3 =	sld [smem:$0x3FFD];
	_ =	sdelay $0x3  }
0x96: {  	_ =	strace s3  }
0x97: {  	_ =	strace $0x8FFFFFFF  }
0x98: {  	s19 =	sld [smem:$0x3FDB];
	_ =	sdelay $0x1  }
0x99: {  	s4 =	simm.s32 $_scs_section_size  }
0x9a: {  	s5 =	simm.s32 $_size__tile_overlayer_lowered;
	s6 =	simm.s32 $_tile_overlayer_lowered  }
0x9b: {  	s22 =	simm.s32 $0x1BFF;
	s21 =	sshll.u32 s6, $0x1;
	s3 =	sadd.s32 s4, s19  }
0x9c: {  	s7 =	simm.s32 $0x0;
	s20 =	sshll.u32 s5, $0x1;
	s5 =	sadd.s32 s21, s3  }
0x9d: {  	[timem:s7], [sflag:s22] =	dma.local [hbm:s5], s20  }
0x9e: {  	_ =	swait.ge [sflag:s22], s20  }
0x9f: {  	s4 =	ssub.s32 $0x0, s20;
	[sflag:s22] =	ssyncset.done $0x0  }
0xa0: {  	[sflag:s22] =	ssyncadd.s32 s4;
	_ =	sdelay $0x1  }
0xa1: {  	s23 =	simm.s32 $0x1B8B  }
0xa2: {  	_ =	swait.ge [sflag:s23], $0x1  }
0xa3: {  	[sflag:s23] =	ssyncset.done $0x0  }
0xa4: {  	s25 =	simm.s32 $0x1B8E;
	s24 =	sld [smem:$0x3FFE];
	[sflag:s23] =	ssyncadd.s32 $0xFFFFFFFF  }
0xa5: {  	s26 =	simm.s32 $execute0_lowered;
	[smem:$0x3FD2] =	sst s25  }
0xa6: {  	s5 =	sshll.u32 s26, $0x1;
	_ =	strace $0x8000004F;
	[dreg:$0x1] =	wrdreg $0xFFFFFFFF  }
0xa7: {  	s28 =	simm.s32 $_size_execute0_lowered;
	s3 =	sadd.s32 s3, s5;
	[dreg:$0x0] =	wrdreg $0x0  }
0xa8: {  	s5 =	sshll.u32 s28, $0x1;
	[dreg:$0x2] =	wrdreg s3  }
0xa9: {  	[dreg:$0x3] =	wrdreg s5  }
0xaa: {  	[dreg:$0x4] =	wrdreg $0xC0  }
0xab: {  	_ =	task [dreg:s7], $0x5FFFF  }
0xac: {  	[dreg:$0x1] =	wrdreg $0xFFFFFFFF  }
0xad: {  	[dreg:$0x0] =	wrdreg $0x60  }
0xae: {  	[dreg:$0x2] =	wrdreg s24  }
0xaf: {  	[dreg:$0x3] =	wrdreg s2  }
0xb0: {  	[dreg:$0x4] =	wrdreg $0x9  }
0xb1: {  	_ =	task.clear_ibuf [dreg:s7], $0x5FFFF;
	_ =	strace $0x9000004F  }
0xb2: {  	s29 =	simm.s32 $0x9;
	_ =	strace $0x80000051  }
0xb3: {  	_ =	swait.ge [sflag:s29], $0x1  }
0xb4: {  	[sflag:s29] =	ssyncadd.s32 $0xFFFFFFFF  }
0xb5: {  	_ =	strace $0x90000051  }
0xb6: {  	_ =	sfence  }
0xb7: {  	s30 =	sld [smem:$0x0];
	_ =	sdelay $0x2  }
0xb8: {  	s31 =	sshll.u32 s1, $0xD;
	s1 =	sshrl.u32 s1, $0x2  }
0xb9: {  	s3 =	sand.u32 $0x4000, s31;
	s1 =	sadd.s32 s1, s30  }
0xba: {  	s0 =	sor.u32 s3, s0;
	s1 =	sshll.u32 s1, $0x11  }
0xbb: {  	s0 =	sor.u32 s1, s0  }
0xbc: {  	s0 =	sadd.s32 $0x8F2B, s0  }
0xbd: {  	[sflag:s0] =	ssyncadd.remote.s32 $0x1  }
0xbe: {  	_ =	sfence.sel $0xFFFF  }
0xbf: {  	[dreg:$0x0] =	wrdreg $0xFFFFFFFF;
	(pc) =	sbr.abs _section_cstart, $3  }
0xc0: {  	[dreg:$0x1] =	wrdreg $0xFFFFFFFF  }
0xc1: {  	_ =	task.clear_ibuf [dreg:s7], $0x2FFFF;
	_ =	strace $0x9FFFFFFF  }
0xc2: {  	(tm) =	ssettm $0x7FFFFFFF  }
0xc3: {  	_ =	shalt  }
tec
execute0_lowered:
.L_overlay_start_1:
0x0: {  	(tag) =	ssettag $0x1  }
0x1: {  	s5 =	rddreg [dreg:$0x0]  }
0x2: {  	s0 =	srdreg.scid;
	s7 =	rddreg [dreg:$0x1]  }
0x3: {  	s1 =	rddreg [dreg:$0x2];
	s3 =	sand.u32 $0x1, s0  }
0x4: {  	s0 =	stileid.u32;
	s4 =	smul.u32 $0x27100, s3  }
0x5: {  	s2 =	simm.s32 $0x0;
	s12 =	simm.s32 $0x19200;
	s6 =	smul.u32 $0x4E20, s0  }
0x6: {  	s13 =	simm.s32 $0x190;
	s14 =	simm.s32 $0xC800;
	s8 =	smul.u32 $0x4E200, s3  }
0x7: {  	s15 =	simm.s32 $0x0;
	[smem:$0x7FF] =	sst s2;
	s9 =	smul.u32 $0x2710000, s3  }
0x8: {  	s10 =	smul.u32 $0x271000, s0;
	_ =	strace $0x80000050;
	s3 =	ssub.s32 $0x2, s3  }
0x9: {  	s31 =	sshrl.u32 s3, $0x1;
	s11 =	sadd.s32 s4, s5;
	s6 =	sadd.s32 s6, s8  }
0xa: {  	s28 =	sadd.s32 s10, s9;
	s8 =	ssub.s32 s3, s31;
	s4 =	sadd.s32 s7, s4  }
0xb: {  	s10 =	simm.s32 $0x19000;
	s6 =	sshrl.u32 s6, $0x3;
	s30 =	sshrl.u32 s28, $0x3  }
0xc: {  	s3 =	sadd.s32 $0xED1A00, s11;
	s29 =	sadd.s32 s6, s5;
	s6 =	sadd.s32 s30, s5  }
0xd: {  	s7 =	smax.u32 s8, $0x1;
	s5 =	sadd.s32 $0x18E3C00, s6;
	s6 =	sadd.s32 $0xF1FC00, s6  }
0xe: {  	s11 =	simm.s32 $0x1;
	s8 =	sadd.s32 $0xEBD600, s29;
	s9 =	sadd.s32 $0x4E5C00, s29  }
.LBB2_1:
0xf: {  	s16 =	sadd.s32 $0x0, s9  }
0x10: {  	[tilespmem:s10], [sflag:$0x1] =	stream.linear.gather [hbm4b:s16+s2], $0x190, $0x38;
	[tilespmem:$0x19400] =	vst v63  }
0x11: {  	_ =	swait.ge [sflag:s11], $0x190  }
0x12: {  	[sflag:s11] =	ssyncset.done $0x0  }
0x13: {  	s31 =	sadd.s32 $0x0, s8;
	[sflag:s11] =	ssyncadd.s32 $0xFFFFFE70  }
0x14: {  	[tilespmem:s12], [sflag:$0x1] =	stream.linear.gather [hbm4b:s31+s2], $0x190, $0x38;
	[tilespmem:$0x19400] =	vst v63  }
0x15: {  	_ =	swait.ge [sflag:s11], $0x190  }
0x16: {  	[sflag:s11] =	ssyncset.done $0x0  }
0x17: {  	[sflag:s11] =	ssyncadd.s32 $0xFFFFFE70  }
0x18: {  	[tilespmem:s2], [sflag:$0x1] =	stream.indirect.gather [hbm4b:s3+s13], $0x80, s10, s13, $0xb8;
	[tilespmem:$0x19400] =	vst v63  }
0x19: {  	_ =	swait.ge [sflag:s11], $0xC800  }
0x1a: {  	[sflag:s11] =	ssyncset.done $0x0  }
0x1b: {  	[sflag:s11] =	ssyncadd.s32 $0xFFFF3800  }
0x1c: {  	[tilespmem:s14], [sflag:$0x1] =	stream.indirect.gather [hbm4b:s4+s13], $0x80, s12, s13, $0xb8;
	[tilespmem:$0x19400] =	vst v63  }
0x1d: {  	_ =	swait.ge [sflag:s11], $0xC800  }
0x1e: {  	[sflag:s11] =	ssyncset.done $0x0  }
0x1f: {  	[sflag:s11] =	ssyncadd.s32 $0xFFFF3800  }
0x20: {  	[hbm4b:s6+s2] =	stream.linear.scatter [tilespmem:s2], [sflag:$0x1], $0xC800, $0x38;
	[tilespmem:$0x19400] =	vst v63  }
0x21: {  	_ =	swait.ge [sflag:s11], $0xC800  }
0x22: {  	[sflag:s11] =	ssyncset.done $0x0  }
0x23: {  	[sflag:s11] =	ssyncadd.s32 $0xFFFF3800  }
0x24: {  	[hbm4b:s5+s2] =	stream.linear.scatter [tilespmem:s14], [sflag:$0x1], $0xC800, $0x38;
	[tilespmem:$0x19400] =	vst v63  }
0x25: {  	s18 =	simm.s32 $0x32;
	s19 =	simm.s32 $0x64;
	_ =	swait.ge [sflag:s11], $0xC800  }
0x26: {  	s17 =	sadd.s32 $0x1900, s6;
	s16 =	sadd.s32 $0x1900, s5;
	[sflag:s11] =	ssyncset.done $0x0  }
.LBB2_2:
0x27: {  	s20 =	sadd.s32 s18, s9  }
0x28: {  	[sflag:s11] =	ssyncadd.s32 $0xFFFF3800;
	s21 =	smov.u32 s19;
	s22 =	sadd.s32 $0x32, s19  }
0x29: {  	[tilespmem:s10], [sflag:$0x1] =	stream.linear.gather [hbm4b:s20+s2], $0x190, $0x38;
	[tilespmem:$0x19400] =	vst v63  }
0x2a: {  	p0 =	sne.s32 s19, $0x992;
	_ =	swait.ge [sflag:s11], $0x190  }
0x2b: {  	[sflag:s11] =	ssyncset.done $0x0  }
0x2c: {  	s19 =	sadd.s32 s18, s8;
	s18 =	smov.u32 s21;
	[sflag:s11] =	ssyncadd.s32 $0xFFFFFE70  }
0x2d: {  	[tilespmem:s12], [sflag:$0x1] =	stream.linear.gather [hbm4b:s19+s2], $0x190, $0x38;
	[tilespmem:$0x19400] =	vst v63  }
0x2e: {  	_ =	swait.ge [sflag:s11], $0x190  }
0x2f: {  	[sflag:s11] =	ssyncset.done $0x0  }
0x30: {  	[sflag:s11] =	ssyncadd.s32 $0xFFFFFE70  }
0x31: {  	[tilespmem:s2], [sflag:$0x1] =	stream.indirect.gather [hbm4b:s3+s13], $0x80, s10, s13, $0xb8;
	[tilespmem:$0x19400] =	vst v63  }
0x32: {  	_ =	swait.ge [sflag:s11], $0xC800  }
0x33: {  	[sflag:s11] =	ssyncset.done $0x0  }
0x34: {  	[sflag:s11] =	ssyncadd.s32 $0xFFFF3800  }
0x35: {  	[tilespmem:s14], [sflag:$0x1] =	stream.indirect.gather [hbm4b:s4+s13], $0x80, s12, s13, $0xb8;
	[tilespmem:$0x19400] =	vst v63  }
0x36: {  	_ =	swait.ge [sflag:s11], $0xC800  }
0x37: {  	[sflag:s11] =	ssyncset.done $0x0  }
0x38: {  	[sflag:s11] =	ssyncadd.s32 $0xFFFF3800  }
0x39: {  	[hbm4b:s17+s2] =	stream.linear.scatter [tilespmem:s2], [sflag:$0x1], $0xC800, $0x38;
	[tilespmem:$0x19400] =	vst v63  }
0x3a: {  	_ =	swait.ge [sflag:s11], $0xC800  }
.Ltmp0:
0x3b: {  	[sflag:s11] =	ssyncset.done $0x0;
	(pc) =	sbr.rel @p0 .LBB2_2-.Ltmp0, $4  }
0x3c: {  	[sflag:s11] =	ssyncadd.s32 $0xFFFF3800  }
0x3d: {  	[hbm4b:s16+s2] =	stream.linear.scatter [tilespmem:s14], [sflag:$0x1], $0xC800, $0x38;
	[tilespmem:$0x19400] =	vst v63  }
0x3e: {  	s19 =	smov.u32 s22;
	_ =	swait.ge [sflag:s11], $0xC800  }
0x3f: {  	s17 =	sadd.s32 $0x1900, s17;
	s16 =	sadd.s32 $0x1900, s16;
	[sflag:s11] =	ssyncset.done $0x0  }
0x40: {  	s19 =	sadd.s32 s18, s9;
	[sflag:s11] =	ssyncadd.s32 $0xFFFF3800  }
0x41: {  	[tilespmem:s10], [sflag:$0x1] =	stream.linear.gather [hbm4b:s19+s2], $0x190, $0x38;
	[tilespmem:$0x19400] =	vst v63  }
0x42: {  	_ =	swait.ge [sflag:s11], $0x190  }
0x43: {  	[sflag:s11] =	ssyncset.done $0x0  }
0x44: {  	s31 =	sadd.s32 s18, s8;
	[sflag:s11] =	ssyncadd.s32 $0xFFFFFE70  }
0x45: {  	[tilespmem:s12], [sflag:$0x1] =	stream.linear.gather [hbm4b:s31+s2], $0x190, $0x38;
	[tilespmem:$0x19400] =	vst v63  }
0x46: {  	_ =	swait.ge [sflag:s11], $0x190  }
0x47: {  	[sflag:s11] =	ssyncset.done $0x0  }
0x48: {  	[sflag:s11] =	ssyncadd.s32 $0xFFFFFE70  }
0x49: {  	[tilespmem:s2], [sflag:$0x1] =	stream.indirect.gather [hbm4b:s3+s13], $0x80, s10, s13, $0xb8;
	[tilespmem:$0x19400] =	vst v63  }
0x4a: {  	_ =	swait.ge [sflag:s11], $0xC800  }
0x4b: {  	[sflag:s11] =	ssyncset.done $0x0  }
0x4c: {  	[sflag:s11] =	ssyncadd.s32 $0xFFFF3800  }
0x4d: {  	[tilespmem:s14], [sflag:$0x1] =	stream.indirect.gather [hbm4b:s4+s13], $0x80, s12, s13, $0xb8;
	[tilespmem:$0x19400] =	vst v63  }
0x4e: {  	_ =	swait.ge [sflag:s11], $0xC800  }
0x4f: {  	[sflag:s11] =	ssyncset.done $0x0  }
0x50: {  	[sflag:s11] =	ssyncadd.s32 $0xFFFF3800  }
0x51: {  	[hbm4b:s17+s2] =	stream.linear.scatter [tilespmem:s2], [sflag:$0x1], $0xC800, $0x38;
	[tilespmem:$0x19400] =	vst v63  }
0x52: {  	s15 =	sadd.s32 $0x1, s15;
	_ =	swait.ge [sflag:s11], $0xC800  }
0x53: {  	p0 =	sne.s32 s15, s7;
	[sflag:s11] =	ssyncset.done $0x0  }
.Ltmp1:
0x54: {  	[sflag:s11] =	ssyncadd.s32 $0xFFFF3800;
	(pc) =	sbr.rel @p0 .LBB2_1-.Ltmp1, $4  }
0x55: {  	[hbm4b:s16+s2] =	stream.linear.scatter [tilespmem:s14], [sflag:$0x1], $0xC800, $0x38;
	[tilespmem:$0x19400] =	vst v63  }
0x56: {  	_ =	swait.ge [sflag:s11], $0xC800  }
0x57: {  	[sflag:s11] =	ssyncset.done $0x0  }
0x58: {  	[sflag:s11] =	ssyncadd.s32 $0xFFFF3800  }
0x59: {  	_ =	sfence.sel $0x180000  }
0x5a: {  	[bflag:$0x0] =	sbarrier.arrive $0xFFFF  }
0x5b: {  	p0 =	sne.s32 s0, $0x0;
	_ =	strace $0x90000050  }
0x5c: {  	s0 =	sadd.s32 @!p0 $0x100000, s1;
	[bflag:$0x2] =	sbarrier.arrive $0xFFFF  }
0x5d: {  	[sflag:s0] =	ssyncadd.tile.s32 @!p0 $0x1;
	_ =	shalt  }
.Lfunc_end2:
_tile_overlayer_lowered:
.L_overlay_start_2:
0x5e: {  	(tag) =	ssettag $0x2  }
0x5f: {  	s0 =	rddreg [dreg:$0x0];
	s2 =	stileid.u32  }
0x60: {  	s1 =	rddreg [dreg:$0x1];
	p0 =	sne.s32 s2, $0x0  }
0x61: {  	s3 =	rddreg [dreg:$0x2];
	[bflag:$0x3] =	sbarrier.arrive $0xFFFF;
	s2 =	simm.s32 @!p0 $0x1C01  }
0x62: {  	[timem:s3], [sflag:s2] =	dma.local @!p0 [hbm:s0], s1  }
0x63: {  	s0 =	simm.s32 @!p0 $0x1  }
0x64: {  	_ =	swait.ge @!p0 [sflag:s0], s1  }
0x65: {  	s1 =	ssub.s32 @!p0 $0x0, s1;
	[sflag:s0] =	ssyncset.done @!p0 $0x0  }
0x66: {  	[sflag:s0] =	ssyncadd.s32 @!p0 s1  }
0x67: {  	[bflag:$0x3] =	sbarrier.arrive $0xFFFF  }
0x68: {  	_ =	shalt  }

// kernel: kernel.6.cloned.1.call-start
scs
__scs_entry_jumppad:
0x0: {  	(pc) =	sbr.rel $0x88, $3  }
0x1: {  	(tag) =	ssettag $0x0;
	lr =	simm.s32 $0x1  }
0x2: {  	[smem:$0x3F95] =	sst lr;
	_ =	strace $0xD0000000  }
0x3: {  	_ = 	snop  }
0x4: {  	_ = 	snop  }
0x5: {  	_ = 	snop  }
0x6: {  	_ = 	snop  }
0x7: {  	_ = 	snop  }
__scs_overlays_trampoline_lowered:
0x8: {  	[smem:$0x3FA4] =	sst s0  }
0x9: {  	[smem:$0x3FA5] =	sst s1  }
0xa: {  	[smem:$0x3FA6] =	sst s2  }
0xb: {  	[smem:$0x3FA7] =	sst s3  }
0xc: {  	[smem:$0x3FA8] =	sst s4  }
0xd: {  	[smem:$0x3FA9] =	sst s5  }
0xe: {  	[smem:$0x3FAA] =	sst s6  }
0xf: {  	[smem:$0x3FAB] =	sst s7  }
0x10: {  	[smem:$0x3FAC] =	sst s8  }
0x11: {  	[smem:$0x3FAD] =	sst s9;
	s0 =	simm.s32 @!p0 $0x0  }
0x12: {  	s1 =	sld [smem:$0x3F93];
	s0 =	simm.s32 @p0 $0x1  }
0x13: {  	[smem:$0x3FAE] =	sst s0;
	s0 =	simm.s32 @!p1 $0x0  }
0x14: {  	s2 =	sld [smem:$0x3F92];
	s0 =	simm.s32 @p1 $0x1  }
0x15: {  	[smem:$0x3FAF] =	sst s0;
	s0 =	simm.s32 @!p2 $0x0  }
0x16: {  	s3 =	sld [smem:$0x3FDB];
	s0 =	simm.s32 @p2 $0x1  }
0x17: {  	s4 =	simm.s32 $0x1BF5;
	[smem:$0x3FB1] =	sst s0  }
0x18: {  	s0 =	sld [smem:$0x3F94];
	_ =	swait.ge [sflag:s4], $0x0  }
0x19: {  	s7 =	sld [smem:$0x3F95]  }
0x1a: {  	s8 =	sadd.s32 $0xFFFFE003, lr  }
0x1b: {  	s9 =	sadd.s32 $0xFFFFFEF7, lr;
	s5 =	simm.s32 $0xFFFFFFFF;
	p2 =	slt.u32 s8, $0xFFFFF086  }
0x1c: {  	p1 =	slt.u32 s9, $0xF7A;
	s5 =	simm.s32 @!p2 $0x0  }
0x1d: {  	s5 =	simm.s32 @p1 $0x1;
	p0 =	seq.s32 s7, s2  }
0x1e: {  	s7 =	smul.u32 @!p0 $0xF7A, s2;
	p2 =	seq.s32 @!p0 s5, $0x0  }
0x1f: {  	s9 =	smul.u32 $0xF7A, s1;
	s8 =	simm.s32 @!p0 $0x1BF5;
	p2 =	por !p2, p0  }
0x20: {  	[sflag:s8] =	ssyncset.s32 @!p0 $0xFFFFF086;
	s6 =	sadd.s32 @!p0 s3, s7;
	s7 =	simm.s32 @!p0 $0x108  }
0x21: {  	s3 =	sadd.s32 s3, s9;
	s6 =	sadd.s32 @!p0 $0x88, s6;
	s7 =	simm.s32 @p2 $0x1082  }
0x22: {  	[simem:s7], [sflag:s8] =	dma.local @!p0 [hbm:s6], $0xF7A  }
0x23: {  	s9 =	sor.u32 $0xD0000000, s2;
	s6 =	simm.s32 $0x108;
	_ =	swait.ge @!p0 [sflag:s8], $0x0  }
0x24: {  	s3 =	sadd.s32 $0x88, s3;
	s6 =	simm.s32 @!p1 $0x1082;
	[sflag:s4] =	ssyncset.s32 $0xFFFFF086  }
0x25: {  	[simem:s6], [sflag:s4] =	dma.local [hbm:s3], $0xF7A  }
0x26: {  	[smem:$0x3F95] =	sst s1;
	(tag) =	ssettag s2;
	_ =	strace s9  }
0x27: {  	s1 =	sld [smem:$0x3FA5]  }
0x28: {  	s2 =	sld [smem:$0x3FA6]  }
0x29: {  	s4 =	sld [smem:$0x3FA8]  }
0x2a: {  	p0 =	seq.s32 s5, $0x0;
	s5 =	sld [smem:$0x3FA9]  }
0x2b: {  	s6 =	sld [smem:$0x3FAA]  }
0x2c: {  	s7 =	sld [smem:$0x3FAB]  }
0x2d: {  	s3 =	simm.s32 $0x108;
	s8 =	sld [smem:$0x3FAC]  }
0x2e: {  	s3 =	simm.s32 @!p0 $0x1082;
	s9 =	sld [smem:$0x3FAD]  }
0x2f: {  	lr =	sadd.s32 s0, s3;
	s0 =	sld [smem:$0x3FA4]  }
0x30: {  	s3 =	sld [smem:$0x3FA7]  }
0x31: {  	[smem:$0x3FB0] =	sst s10  }
0x32: {  	s10 =	sld [smem:$0x3FAE];
	_ =	sdelay $0x3  }
0x33: {  	p0 =	seq.s32 s10, $0x1;
	s10 =	sld [smem:$0x3FB0];
	_ =	sdelay $0x3  }
0x34: {  	[smem:$0x3FB0] =	sst s10  }
0x35: {  	s10 =	sld [smem:$0x3FAF];
	_ =	sdelay $0x3  }
0x36: {  	p1 =	seq.s32 s10, $0x1;
	s10 =	sld [smem:$0x3FB0];
	_ =	sdelay $0x3  }
0x37: {  	[smem:$0x3FB0] =	sst s10  }
0x38: {  	s10 =	sld [smem:$0x3FB1]  }
0x39: {  	_ = 	snop;
	(pc) =	sbr.ind lr, $3  }
0x3a: {  	_ = 	snop  }
0x3b: {  	_ = 	snop  }
0x3c: {  	p2 =	seq.s32 s10, $0x1;
	s10 =	sld [smem:$0x3FB0]  }
0x3d: {  	_ =	shalt  }
0x3e: {  	_ =	shalt  }
0x3f: {  	_ =	shalt  }
0x40: {  	_ =	shalt  }
0x41: {  	_ =	shalt  }
0x42: {  	_ =	shalt  }
0x43: {  	_ =	shalt  }
0x44: {  	_ =	shalt  }
0x45: {  	_ =	shalt  }
0x46: {  	_ =	shalt  }
0x47: {  	_ =	shalt  }
0x48: {  	_ =	shalt  }
0x49: {  	_ =	shalt  }
0x4a: {  	_ =	shalt  }
0x4b: {  	_ =	shalt  }
0x4c: {  	_ =	shalt  }
0x4d: {  	_ =	shalt  }
0x4e: {  	_ =	shalt  }
0x4f: {  	_ =	shalt  }
0x50: {  	_ =	shalt  }
0x51: {  	_ =	shalt  }
0x52: {  	_ =	shalt  }
0x53: {  	_ =	shalt  }
0x54: {  	_ =	shalt  }
0x55: {  	_ =	shalt  }
0x56: {  	_ =	shalt  }
0x57: {  	_ =	shalt  }
0x58: {  	_ =	shalt  }
0x59: {  	_ =	shalt  }
0x5a: {  	_ =	shalt  }
0x5b: {  	_ =	shalt  }
0x5c: {  	_ =	shalt  }
0x5d: {  	_ =	shalt  }
0x5e: {  	_ =	shalt  }
0x5f: {  	_ =	shalt  }
0x60: {  	_ =	shalt  }
0x61: {  	_ =	shalt  }
0x62: {  	_ =	shalt  }
0x63: {  	_ =	shalt  }
0x64: {  	_ =	shalt  }
0x65: {  	_ =	shalt  }
0x66: {  	_ =	shalt  }
0x67: {  	_ =	shalt  }
0x68: {  	_ =	shalt  }
0x69: {  	_ =	shalt  }
0x6a: {  	_ =	shalt  }
0x6b: {  	_ =	shalt  }
0x6c: {  	_ =	shalt  }
0x6d: {  	_ =	shalt  }
0x6e: {  	_ =	shalt  }
0x6f: {  	_ =	shalt  }
0x70: {  	_ =	shalt  }
0x71: {  	_ =	shalt  }
0x72: {  	_ =	shalt  }
0x73: {  	_ =	shalt  }
0x74: {  	_ =	shalt  }
0x75: {  	_ =	shalt  }
0x76: {  	_ =	shalt  }
0x77: {  	_ =	shalt  }
0x78: {  	_ =	shalt  }
0x79: {  	_ =	shalt  }
0x7a: {  	_ =	shalt  }
0x7b: {  	_ =	shalt  }
0x7c: {  	_ =	shalt  }
0x7d: {  	_ =	shalt  }
0x7e: {  	_ =	shalt  }
0x7f: {  	_ =	shalt  }
0x80: {  	_ =	shalt  }
0x81: {  	_ =	shalt  }
0x82: {  	_ =	shalt  }
0x83: {  	_ =	shalt  }
0x84: {  	_ =	shalt  }
0x85: {  	_ =	shalt  }
0x86: {  	_ =	shalt  }
0x87: {  	_ =	shalt  }
.Lfunc_end0:
.L_simem_size_0:
called_computation.1_lowered:
.L_overlay_start_0:
0x88: {  	s2 =	sld [smem:$0x3FD9]  }
0x89: {  	s3 =	sld [smem:$0x3FFE];
	_ =	sdelay $0x1  }
0x8a: {  	s1 =	srdreg.scid  }
0x8b: {  	s0 =	sand.u32 $0x1, s1  }
0x8c: {  	s17 =	sshll.u32 s0, $0xA;
	s2 =	sadd.s32 s3, s2  }
0x8d: {  	s2 =	sadd.s32 s2, s17  }
0x8e: {  	[smem:$0x3FBC] =	sst s2  }
0x8f: {  	_ = 	snop  }
0x90: {  	(tm) =	ssettm $0x1  }
0x91: {  	s18 =	sld [smem:$0x3FFB];
	_ =	sdelay $0x3  }
0x92: {  	_ =	strace s18  }
0x93: {  	s2 =	sld [smem:$0x3FFC];
	_ =	sdelay $0x3  }
0x94: {  	_ =	strace s2  }
0x95: {  	s2 =	sld [smem:$0x3FFD];
	_ =	sdelay $0x3  }
0x96: {  	_ =	strace s2  }
0x97: {  	_ =	strace $0x8FFFFFFF  }
0x98: {  	s19 =	sld [smem:$0x3FDB];
	_ =	sdelay $0x1  }
0x99: {  	s20 =	simm.s32 $_scs_section_size  }
0x9a: {  	s4 =	simm.s32 $_size__tile_overlayer_lowered;
	s5 =	simm.s32 $_tile_overlayer_lowered  }
0x9b: {  	s6 =	simm.s32 $0x1BFF;
	s21 =	sshll.u32 s5, $0x1;
	s3 =	sadd.s32 s20, s19  }
0x9c: {  	s22 =	simm.s32 $0x0;
	s4 =	sshll.u32 s4, $0x1;
	s5 =	sadd.s32 s21, s3  }
0x9d: {  	[timem:s22], [sflag:s6] =	dma.local [hbm:s5], s4  }
0x9e: {  	_ =	swait.ge [sflag:s6], s4  }
0x9f: {  	s4 =	ssub.s32 $0x0, s4;
	[sflag:s6] =	ssyncset.done $0x0  }
0xa0: {  	[sflag:s6] =	ssyncadd.s32 s4;
	_ =	sdelay $0x1  }
0xa1: {  	s23 =	simm.s32 $0x1B8B  }
0xa2: {  	_ =	swait.ge [sflag:s23], $0x1  }
0xa3: {  	[sflag:s23] =	ssyncset.done $0x0  }
0xa4: {  	[sflag:s23] =	ssyncadd.s32 $0xFFFFFFFF  }
0xa5: {  	s4 =	sld [smem:$0x0]  }
0xa6: {  	s5 =	sand.u32 $0xFFFFFFFE, s1  }
0xa7: {  	p0 =	sne.s32 s1, s5  }
0xa8: {  	s5 =	sshll.u32 @p0 s5, $0xE  }
0xa9: {  	s5 =	sadd.s32 @p0 $0x11B8D, s5;
	s6 =	sshll.u32 @p0 s4, $0x11  }
0xaa: {  	s5 =	sor.u32 @p0 s6, s5  }
0xab: {  	[sflag:s5] =	ssyncadd.remote.s32 @p0 $0x1;
	_ =	sdelay $0x1  }
0xac: {  	s5 =	simm.s32 @p0 $0x1B8D  }
0xad: {  	_ =	swait.eq @p0 [sflag:s5], $0x1  }
0xae: {  	[sflag:s5] =	ssyncadd.s32 @p0 $0xFFFFFFFF  }
0xaf: {  	s6 =	sshll.u32 @!p0 s1, $0xE  }
0xb0: {  	s6 =	sor.u32 @!p0 $0x4000, s6;
	s5 =	simm.s32 @!p0 $0x1B8D  }
0xb1: {  	s4 =	sshll.u32 @!p0 s4, $0x11;
	s6 =	sadd.s32 @!p0 $0x11B8D, s6;
	_ =	swait.eq @!p0 [sflag:s5], $0x1  }
0xb2: {  	s4 =	sor.u32 @!p0 s4, s6;
	[sflag:s5] =	ssyncadd.s32 @!p0 $0xFFFFFFFF  }
0xb3: {  	s25 =	simm.s32 $0x1B8E;
	s24 =	sld [smem:$0x3FFE];
	[sflag:s4] =	ssyncadd.remote.s32 @!p0 $0x1  }
0xb4: {  	s26 =	simm.s32 $execute0_lowered;
	[smem:$0x3FD2] =	sst s25  }
0xb5: {  	s5 =	sshll.u32 s26, $0x1;
	_ =	strace $0x80000049;
	[dreg:$0x1] =	wrdreg $0xFFFFFFFF  }
0xb6: {  	s28 =	simm.s32 $_size_execute0_lowered;
	s3 =	sadd.s32 s3, s5;
	[dreg:$0x0] =	wrdreg $0x0  }
0xb7: {  	s5 =	sshll.u32 s28, $0x1;
	[dreg:$0x2] =	wrdreg s3  }
0xb8: {  	[dreg:$0x3] =	wrdreg s5  }
0xb9: {  	[dreg:$0x4] =	wrdreg $0xC0  }
0xba: {  	_ =	task [dreg:s22], $0x5FFFF  }
0xbb: {  	[dreg:$0x1] =	wrdreg $0xFFFFFFFF  }
0xbc: {  	[dreg:$0x0] =	wrdreg $0x60  }
0xbd: {  	[dreg:$0x2] =	wrdreg s24  }
0xbe: {  	[dreg:$0x3] =	wrdreg $0x101D00  }
0xbf: {  	[dreg:$0x4] =	wrdreg $0x19E100  }
0xc0: {  	[dreg:$0x5] =	wrdreg $0xA  }
0xc1: {  	_ =	task.clear_ibuf [dreg:s22], $0x6FFFF;
	_ =	strace $0x90000049  }
0xc2: {  	s29 =	simm.s32 $0xA;
	_ =	strace $0x8000004B  }
0xc3: {  	_ =	swait.ge [sflag:s29], $0x1  }
0xc4: {  	[sflag:s29] =	ssyncadd.s32 $0xFFFFFFFF  }
0xc5: {  	_ =	strace $0x9000004B  }
0xc6: {  	_ =	sfence  }
0xc7: {  	s30 =	sld [smem:$0x0];
	_ =	sdelay $0x2  }
0xc8: {  	s31 =	sshll.u32 s1, $0xD;
	s1 =	sshrl.u32 s1, $0x2  }
0xc9: {  	s4 =	sand.u32 $0x4000, s31;
	s1 =	sadd.s32 s1, s30  }
0xca: {  	s0 =	sor.u32 s4, s0;
	s1 =	sshll.u32 s1, $0x11  }
0xcb: {  	s0 =	sor.u32 s1, s0  }
0xcc: {  	s0 =	sadd.s32 $0x8F2B, s0  }
0xcd: {  	[sflag:s0] =	ssyncadd.remote.s32 $0x1  }
0xce: {  	_ =	sfence.sel $0xFFFF  }
0xcf: {  	[dreg:$0x0] =	wrdreg $0xFFFFFFFF;
	(pc) =	sbr.abs _section_cstart, $3  }
0xd0: {  	[dreg:$0x1] =	wrdreg $0xFFFFFFFF  }
0xd1: {  	_ =	task.clear_ibuf [dreg:s22], $0x2FFFF;
	_ =	strace $0x9FFFFFFF  }
0xd2: {  	(tm) =	ssettm $0x7FFFFFFF  }
0xd3: {  	_ =	shalt  }
tec
execute0_lowered:
.L_overlay_start_1:
0x0: {  	(tag) =	ssettag $0x1  }
0x1: {  	s8 =	rddreg [dreg:$0x0]  }
0x2: {  	s1 =	rddreg [dreg:$0x1]  }
0x3: {  	s2 =	rddreg [dreg:$0x2]  }
0x4: {  	s3 =	simm.s32 $0x0;
	s0 =	srdreg.scid;
	s6 =	stileid.u32  }
0x5: {  	[smem:$0x7FF] =	sst s3;
	s4 =	sadd.s32 $0x13B3000, s8;
	s5 =	sand.u32 $0x1, s0  }
0x6: {  	s29 =	smul.u32 $0x4E20, s6;
	s19 =	sadd.s32 $0x13B3800, s8;
	s31 =	sadd.s32 $0xED1000, s8  }
0x7: {  	s7 =	smul.u32 $0x138800, s6;
	_ =	strace $0x8000004A;
	[dreg:$0x1f] =	wrdreg s5  }
0x8: {  	s20 =	sadd.s32 $0x13B3200, s8;
	[dreg:$0x4] =	wrdreg s4;
	s28 =	smul.u32 $0x4E200, s5  }
0x9: {  	s26 =	sadd.s32 $0xEBD600, s8;
	[dreg:$0x5] =	wrdreg s19;
	s30 =	smul.u32 $0x1388000, s5  }
0xa: {  	[dreg:$0x6] =	wrdreg s20;
	s24 =	sadd.s32 $0x3E8, s29;
	s9 =	sadd.s32 $0x7D0, s29  }
0xb: {  	s12 =	sadd.s32 $0xBB8, s29;
	s17 =	sadd.s32 $0xFA0, s29;
	s21 =	sadd.s32 s29, s28  }
0xc: {  	s23 =	sadd.s32 s7, s30;
	s0 =	sadd.s32 s28, s24;
	s7 =	sshll.u32 s24, $0x6  }
0xd: {  	s10 =	sadd.s32 s28, s9;
	s14 =	sadd.s32 s28, s12;
	s16 =	sshll.u32 s12, $0x6  }
0xe: {  	s19 =	sadd.s32 s28, s17;
	s12 =	sadd.s32 $0x1B58, s29;
	s22 =	sshrl.u32 s21, $0x3  }
0xf: {  	s25 =	sshrl.u32 s23, $0x3;
	s5 =	sshrl.u32 s0, $0x3;
	s7 =	sadd.s32 s30, s7  }
0x10: {  	s11 =	sshrl.u32 s10, $0x3;
	s15 =	sshrl.u32 s14, $0x3;
	s23 =	sadd.s32 $0x1388, s29  }
0x11: {  	s0 =	sadd.s32 $0x1770, s29;
	s14 =	sadd.s32 s28, s12;
	s4 =	sadd.s32 s26, s22  }
0x12: {  	s5 =	sadd.s32 s26, s5;
	s8 =	sshrl.u32 s7, $0x3;
	s7 =	sshll.u32 s17, $0x6  }
0x13: {  	s24 =	sadd.s32 s28, s23;
	[dreg:$0x7] =	wrdreg s4;
	s4 =	sadd.s32 s31, s25  }
0x14: {  	[dreg:$0x9] =	wrdreg s5;
	s5 =	sshll.u32 s9, $0x6;
	s21 =	sadd.s32 s30, s7  }
0x15: {  	s25 =	sshrl.u32 s24, $0x3;
	s9 =	sadd.s32 s28, s0;
	s7 =	sshll.u32 s12, $0x6  }
0x16: {  	s12 =	sadd.s32 $0x2AF8, s29;
	[dreg:$0x8] =	wrdreg s4;
	s4 =	sadd.s32 s31, s8  }
0x17: {  	s5 =	sadd.s32 s30, s5;
	s22 =	sshrl.u32 s21, $0x3;
	s10 =	sshrl.u32 s9, $0x3  }
0x18: {  	s21 =	sadd.s32 $0x2328, s29;
	[dreg:$0xa] =	wrdreg s4;
	s4 =	sadd.s32 s26, s11  }
0x19: {  	s5 =	sshrl.u32 s5, $0x3;
	s11 =	sshll.u32 s0, $0x6;
	s0 =	sadd.s32 $0x2710, s29  }
0x1a: {  	[dreg:$0xb] =	wrdreg s4;
	s13 =	sadd.s32 s31, s5;
	s4 =	sadd.s32 s26, s15  }
0x1b: {  	s5 =	sadd.s32 s30, s16;
	s16 =	sadd.s32 s30, s7;
	[dreg:$0xc] =	wrdreg s13  }
0x1c: {  	s7 =	sshll.u32 s0, $0x6;
	[dreg:$0xd] =	wrdreg s4;
	s18 =	sshrl.u32 s5, $0x3  }
0x1d: {  	s5 =	sshrl.u32 s19, $0x3;
	s17 =	sshrl.u32 s16, $0x3;
	s4 =	sadd.s32 s31, s18  }
0x1e: {  	s20 =	sadd.s32 s26, s5;
	s5 =	sshll.u32 s23, $0x6;
	[dreg:$0xe] =	wrdreg s4  }
0x1f: {  	s18 =	sadd.s32 $0x1F40, s29;
	s23 =	sadd.s32 s28, s21;
	[dreg:$0xf] =	wrdreg s20  }
0x20: {  	s4 =	sadd.s32 s31, s22;
	s5 =	sadd.s32 s30, s5;
	s19 =	sadd.s32 s28, s18  }
0x21: {  	s24 =	sshrl.u32 s23, $0x3;
	[dreg:$0x10] =	wrdreg s4;
	s4 =	sadd.s32 s26, s25  }
0x22: {  	s5 =	sshrl.u32 s5, $0x3;
	s20 =	sshrl.u32 s19, $0x3;
	s25 =	sshll.u32 s21, $0x6  }
0x23: {  	[dreg:$0x11] =	wrdreg s4;
	s8 =	sadd.s32 s31, s5;
	s4 =	sadd.s32 s26, s10  }
0x24: {  	s5 =	sadd.s32 s30, s11;
	s10 =	sadd.s32 s30, s7;
	[dreg:$0x12] =	wrdreg s8  }
0x25: {  	[dreg:$0x13] =	wrdreg s4;
	s13 =	sshrl.u32 s5, $0x3;
	s5 =	sshrl.u32 s14, $0x3  }
0x26: {  	s8 =	sadd.s32 s28, s0;
	s11 =	sshrl.u32 s10, $0x3;
	s4 =	sadd.s32 s31, s13  }
0x27: {  	s15 =	sadd.s32 s26, s5;
	s5 =	sshll.u32 s18, $0x6;
	[dreg:$0x14] =	wrdreg s4  }
0x28: {  	s13 =	sadd.s32 s28, s12;
	[dreg:$0x15] =	wrdreg s15;
	s4 =	sadd.s32 s31, s17  }
0x29: {  	s5 =	sadd.s32 s30, s5;
	s14 =	sshrl.u32 s13, $0x3;
	s15 =	rddreg [dreg:$0x4]  }
0x2a: {  	[dreg:$0x16] =	wrdreg s4;
	s4 =	sadd.s32 s26, s20;
	s5 =	sshrl.u32 s5, $0x3  }
0x2b: {  	[dreg:$0x17] =	wrdreg s4;
	s22 =	sadd.s32 s31, s5;
	s5 =	sadd.s32 s30, s25  }
0x2c: {  	s4 =	sadd.s32 s26, s24;
	[dreg:$0x18] =	wrdreg s22;
	s5 =	sshrl.u32 s5, $0x3  }
0x2d: {  	[dreg:$0x19] =	wrdreg s4;
	s4 =	sadd.s32 s31, s5;
	s5 =	sshrl.u32 s8, $0x3  }
0x2e: {  	[dreg:$0x1a] =	wrdreg s4;
	s9 =	sadd.s32 s26, s5;
	s5 =	sshll.u32 s12, $0x6  }
0x2f: {  	s4 =	sadd.s32 s31, s11;
	[dreg:$0x1b] =	wrdreg s9;
	s5 =	sadd.s32 s30, s5  }
0x30: {  	[dreg:$0x1c] =	wrdreg s4;
	s4 =	sadd.s32 s26, s14;
	s5 =	sshrl.u32 s5, $0x3  }
0x31: {  	[dreg:$0x1d] =	wrdreg s4;
	s4 =	simm.s32 $0xFDE8;
	s16 =	sadd.s32 s31, s5  }
0x32: {  	[tilespmem:s4], [sflag:$0x1] =	stream.linear.gather [hbm4b:s15+s3], $0x3E8, $0x38;
	[tilespmem:$0x1A088] =	vst v63  }
0x33: {  	s5 =	simm.s32 $0x1;
	[dreg:$0x1e] =	wrdreg s16  }
0x34: {  	p0 =	sne.s32 s6, $0x0;
	_ =	swait.ge [sflag:s5], $0x3E8  }
0x35: {  	s6 =	simm.s32 @!p0 $0x1;
	s7 =	sshrl.u32 @!p0 s1, $0x3;
	[sflag:s5] =	ssyncset.done $0x0  }
0x36: {  	s8 =	simm.s32 @!p0 $0x1C01;
	s9 =	rddreg [dreg:$0x5];
	[sflag:s5] =	ssyncadd.s32 $0xFFFFFC18  }
0x37: {  	[spmem:s7], [sflag:s8] =	dma.local @!p0 [hbm:s9], $0x13880  }
0x38: {  	_ =	swait.ge @!p0 [sflag:s6], $0x13880  }
0x39: {  	[sflag:s6] =	ssyncset.done @!p0 $0x0  }
0x3a: {  	s9 =	sshrl.u32 @!p0 s2, $0x3;
	s10 =	rddreg [dreg:$0x6];
	[sflag:s6] =	ssyncadd.s32 @!p0 $0xFFFEC780  }
0x3b: {  	[spmem:s9], [sflag:s8] =	dma.local @!p0 [hbm:s10], $0x4E2  }
0x3c: {  	_ =	swait.ge @!p0 [sflag:s6], $0x4E2  }
0x3d: {  	[sflag:s6] =	ssyncset.done @!p0 $0x0  }
0x3e: {  	[sflag:s6] =	ssyncadd.s32 @!p0 $0xFFFFFB1E  }
0x3f: {  	[bflag:$0x0] =	sbarrier.arrive $0xFFFF  }
0x40: {  	s10 =	simm.s32 $0xFA00;
	s11 =	rddreg [dreg:$0x7]  }
0x41: {  	[tilespmem:s10], [sflag:$0x1] =	stream.linear.gather [hbm4b:s11+s3], $0x3E8, $0x38;
	[tilespmem:$0x1A088] =	vst v63  }
0x42: {  	_ =	swait.ge [sflag:s5], $0x3E8  }
0x43: {  	[sflag:s5] =	ssyncset.done $0x0  }
0x44: {  	s17 =	rddreg [dreg:$0x8];
	[sflag:s5] =	ssyncadd.s32 $0xFFFFFC18  }
0x45: {  	[tilespmem:s3], [sflag:$0x1] =	stream.linear.gather [hbm4b:s17+s3], $0xFA00, $0x38;
	[tilespmem:$0x1A088] =	vst v63  }
0x46: {  	_ =	swait.ge [sflag:s5], $0xFA00  }
0x47: {  	[sflag:s5] =	ssyncset.done $0x0  }
0x48: {  	s11 =	simm.s32 $0x3E8;
	[sflag:s5] =	ssyncadd.s32 $0xFFFF0600  }
0x49: {  	[spmem:s1] =	stream.indirect.scatter.add.f32 [tilespmem:s3], [sflag:$0x1], $0x40, s10, s11, $0xb8;
	[tilespmem:$0x1A088] =	vst v63  }
0x4a: {  	_ =	swait.ge [sflag:s5], $0xFA00  }
0x4b: {  	[sflag:s5] =	ssyncset.done $0x0  }
0x4c: {  	[sflag:s5] =	ssyncadd.s32 $0xFFFF0600  }
0x4d: {  	[spmem:s2] =	stream.indirect.scatter.add.f32 [tilespmem:s4], [sflag:$0x1], $0x1, s10, s11, $0xb8;
	[tilespmem:$0x1A088] =	vst v63  }
0x4e: {  	_ =	swait.ge [sflag:s5], $0x3E8  }
0x4f: {  	[sflag:s5] =	ssyncset.done $0x0  }
0x50: {  	s12 =	rddreg [dreg:$0x9];
	[sflag:s5] =	ssyncadd.s32 $0xFFFFFC18  }
0x51: {  	[tilespmem:s10], [sflag:$0x1] =	stream.linear.gather [hbm4b:s12+s3], $0x3E8, $0x38;
	[tilespmem:$0x1A088] =	vst v63  }
0x52: {  	_ =	swait.ge [sflag:s5], $0x3E8  }
0x53: {  	[sflag:s5] =	ssyncset.done $0x0  }
0x54: {  	s18 =	rddreg [dreg:$0xa];
	[sflag:s5] =	ssyncadd.s32 $0xFFFFFC18  }
0x55: {  	[tilespmem:s3], [sflag:$0x1] =	stream.linear.gather [hbm4b:s18+s3], $0xFA00, $0x38;
	[tilespmem:$0x1A088] =	vst v63  }
0x56: {  	_ =	swait.ge [sflag:s5], $0xFA00  }
0x57: {  	[sflag:s5] =	ssyncset.done $0x0  }
0x58: {  	[sflag:s5] =	ssyncadd.s32 $0xFFFF0600  }
0x59: {  	[spmem:s1] =	stream.indirect.scatter.add.f32 [tilespmem:s3], [sflag:$0x1], $0x40, s10, s11, $0xb8;
	[tilespmem:$0x1A088] =	vst v63  }
0x5a: {  	_ =	swait.ge [sflag:s5], $0xFA00  }
0x5b: {  	[sflag:s5] =	ssyncset.done $0x0  }
0x5c: {  	[sflag:s5] =	ssyncadd.s32 $0xFFFF0600  }
0x5d: {  	[spmem:s2] =	stream.indirect.scatter.add.f32 [tilespmem:s4], [sflag:$0x1], $0x1, s10, s11, $0xb8;
	[tilespmem:$0x1A088] =	vst v63  }
0x5e: {  	_ =	swait.ge [sflag:s5], $0x3E8  }
0x5f: {  	[sflag:s5] =	ssyncset.done $0x0  }
0x60: {  	s19 =	rddreg [dreg:$0xb];
	[sflag:s5] =	ssyncadd.s32 $0xFFFFFC18  }
0x61: {  	[tilespmem:s10], [sflag:$0x1] =	stream.linear.gather [hbm4b:s19+s3], $0x3E8, $0x38;
	[tilespmem:$0x1A088] =	vst v63  }
0x62: {  	_ =	swait.ge [sflag:s5], $0x3E8  }
0x63: {  	[sflag:s5] =	ssyncset.done $0x0  }
0x64: {  	s20 =	rddreg [dreg:$0xc];
	[sflag:s5] =	ssyncadd.s32 $0xFFFFFC18  }
0x65: {  	[tilespmem:s3], [sflag:$0x1] =	stream.linear.gather [hbm4b:s20+s3], $0xFA00, $0x38;
	[tilespmem:$0x1A088] =	vst v63  }
0x66: {  	_ =	swait.ge [sflag:s5], $0xFA00  }
0x67: {  	[sflag:s5] =	ssyncset.done $0x0  }
0x68: {  	[sflag:s5] =	ssyncadd.s32 $0xFFFF0600  }
0x69: {  	[spmem:s1] =	stream.indirect.scatter.add.f32 [tilespmem:s3], [sflag:$0x1], $0x40, s10, s11, $0xb8;
	[tilespmem:$0x1A088] =	vst v63  }
0x6a: {  	_ =	swait.ge [sflag:s5], $0xFA00  }
0x6b: {  	[sflag:s5] =	ssyncset.done $0x0  }
0x6c: {  	[sflag:s5] =	ssyncadd.s32 $0xFFFF0600  }
0x6d: {  	[spmem:s2] =	stream.indirect.scatter.add.f32 [tilespmem:s4], [sflag:$0x1], $0x1, s10, s11, $0xb8;
	[tilespmem:$0x1A088] =	vst v63  }
0x6e: {  	_ =	swait.ge [sflag:s5], $0x3E8  }
0x6f: {  	[sflag:s5] =	ssyncset.done $0x0  }
0x70: {  	s21 =	rddreg [dreg:$0xd];
	[sflag:s5] =	ssyncadd.s32 $0xFFFFFC18  }
0x71: {  	[tilespmem:s10], [sflag:$0x1] =	stream.linear.gather [hbm4b:s21+s3], $0x3E8, $0x38;
	[tilespmem:$0x1A088] =	vst v63  }
0x72: {  	_ =	swait.ge [sflag:s5], $0x3E8  }
0x73: {  	[sflag:s5] =	ssyncset.done $0x0  }
0x74: {  	s22 =	rddreg [dreg:$0xe];
	[sflag:s5] =	ssyncadd.s32 $0xFFFFFC18  }
0x75: {  	[tilespmem:s3], [sflag:$0x1] =	stream.linear.gather [hbm4b:s22+s3], $0xFA00, $0x38;
	[tilespmem:$0x1A088] =	vst v63  }
0x76: {  	_ =	swait.ge [sflag:s5], $0xFA00  }
0x77: {  	[sflag:s5] =	ssyncset.done $0x0  }
0x78: {  	[sflag:s5] =	ssyncadd.s32 $0xFFFF0600  }
0x79: {  	[spmem:s1] =	stream.indirect.scatter.add.f32 [tilespmem:s3], [sflag:$0x1], $0x40, s10, s11, $0xb8;
	[tilespmem:$0x1A088] =	vst v63  }
0x7a: {  	_ =	swait.ge [sflag:s5], $0xFA00  }
0x7b: {  	[sflag:s5] =	ssyncset.done $0x0  }
0x7c: {  	[sflag:s5] =	ssyncadd.s32 $0xFFFF0600  }
0x7d: {  	[spmem:s2] =	stream.indirect.scatter.add.f32 [tilespmem:s4], [sflag:$0x1], $0x1, s10, s11, $0xb8;
	[tilespmem:$0x1A088] =	vst v63  }
0x7e: {  	_ =	swait.ge [sflag:s5], $0x3E8  }
0x7f: {  	[sflag:s5] =	ssyncset.done $0x0  }
0x80: {  	s23 =	rddreg [dreg:$0xf];
	[sflag:s5] =	ssyncadd.s32 $0xFFFFFC18  }
0x81: {  	[tilespmem:s10], [sflag:$0x1] =	stream.linear.gather [hbm4b:s23+s3], $0x3E8, $0x38;
	[tilespmem:$0x1A088] =	vst v63  }
0x82: {  	_ =	swait.ge [sflag:s5], $0x3E8  }
0x83: {  	[sflag:s5] =	ssyncset.done $0x0  }
0x84: {  	s24 =	rddreg [dreg:$0x10];
	[sflag:s5] =	ssyncadd.s32 $0xFFFFFC18  }
0x85: {  	[tilespmem:s3], [sflag:$0x1] =	stream.linear.gather [hbm4b:s24+s3], $0xFA00, $0x38;
	[tilespmem:$0x1A088] =	vst v63  }
0x86: {  	_ =	swait.ge [sflag:s5], $0xFA00  }
0x87: {  	[sflag:s5] =	ssyncset.done $0x0  }
0x88: {  	[sflag:s5] =	ssyncadd.s32 $0xFFFF0600  }
0x89: {  	[spmem:s1] =	stream.indirect.scatter.add.f32 [tilespmem:s3], [sflag:$0x1], $0x40, s10, s11, $0xb8;
	[tilespmem:$0x1A088] =	vst v63  }
0x8a: {  	_ =	swait.ge [sflag:s5], $0xFA00  }
0x8b: {  	[sflag:s5] =	ssyncset.done $0x0  }
0x8c: {  	[sflag:s5] =	ssyncadd.s32 $0xFFFF0600  }
0x8d: {  	[spmem:s2] =	stream.indirect.scatter.add.f32 [tilespmem:s4], [sflag:$0x1], $0x1, s10, s11, $0xb8;
	[tilespmem:$0x1A088] =	vst v63  }
0x8e: {  	_ =	swait.ge [sflag:s5], $0x3E8  }
0x8f: {  	[sflag:s5] =	ssyncset.done $0x0  }
0x90: {  	s25 =	rddreg [dreg:$0x11];
	[sflag:s5] =	ssyncadd.s32 $0xFFFFFC18  }
0x91: {  	[tilespmem:s10], [sflag:$0x1] =	stream.linear.gather [hbm4b:s25+s3], $0x3E8, $0x38;
	[tilespmem:$0x1A088] =	vst v63  }
0x92: {  	_ =	swait.ge [sflag:s5], $0x3E8  }
0x93: {  	[sflag:s5] =	ssyncset.done $0x0  }
0x94: {  	s0 =	rddreg [dreg:$0x12];
	[sflag:s5] =	ssyncadd.s32 $0xFFFFFC18  }
0x95: {  	[tilespmem:s3], [sflag:$0x1] =	stream.linear.gather [hbm4b:s0+s3], $0xFA00, $0x38;
	[tilespmem:$0x1A088] =	vst v63  }
0x96: {  	_ =	swait.ge [sflag:s5], $0xFA00  }
0x97: {  	[sflag:s5] =	ssyncset.done $0x0  }
0x98: {  	[sflag:s5] =	ssyncadd.s32 $0xFFFF0600  }
0x99: {  	[spmem:s1] =	stream.indirect.scatter.add.f32 [tilespmem:s3], [sflag:$0x1], $0x40, s10, s11, $0xb8;
	[tilespmem:$0x1A088] =	vst v63  }
0x9a: {  	_ =	swait.ge [sflag:s5], $0xFA00  }
0x9b: {  	[sflag:s5] =	ssyncset.done $0x0  }
0x9c: {  	[sflag:s5] =	ssyncadd.s32 $0xFFFF0600  }
0x9d: {  	[spmem:s2] =	stream.indirect.scatter.add.f32 [tilespmem:s4], [sflag:$0x1], $0x1, s10, s11, $0xb8;
	[tilespmem:$0x1A088] =	vst v63  }
0x9e: {  	_ =	swait.ge [sflag:s5], $0x3E8  }
0x9f: {  	[sflag:s5] =	ssyncset.done $0x0  }
0xa0: {  	s13 =	rddreg [dreg:$0x13];
	[sflag:s5] =	ssyncadd.s32 $0xFFFFFC18  }
0xa1: {  	[tilespmem:s10], [sflag:$0x1] =	stream.linear.gather [hbm4b:s13+s3], $0x3E8, $0x38;
	[tilespmem:$0x1A088] =	vst v63  }
0xa2: {  	_ =	swait.ge [sflag:s5], $0x3E8  }
0xa3: {  	[sflag:s5] =	ssyncset.done $0x0  }
0xa4: {  	s14 =	rddreg [dreg:$0x14];
	[sflag:s5] =	ssyncadd.s32 $0xFFFFFC18  }
0xa5: {  	[tilespmem:s3], [sflag:$0x1] =	stream.linear.gather [hbm4b:s14+s3], $0xFA00, $0x38;
	[tilespmem:$0x1A088] =	vst v63  }
0xa6: {  	_ =	swait.ge [sflag:s5], $0xFA00  }
0xa7: {  	[sflag:s5] =	ssyncset.done $0x0  }
0xa8: {  	[sflag:s5] =	ssyncadd.s32 $0xFFFF0600  }
0xa9: {  	[spmem:s1] =	stream.indirect.scatter.add.f32 [tilespmem:s3], [sflag:$0x1], $0x40, s10, s11, $0xb8;
	[tilespmem:$0x1A088] =	vst v63  }
0xaa: {  	_ =	swait.ge [sflag:s5], $0xFA00  }
0xab: {  	[sflag:s5] =	ssyncset.done $0x0  }
0xac: {  	[sflag:s5] =	ssyncadd.s32 $0xFFFF0600  }
0xad: {  	[spmem:s2] =	stream.indirect.scatter.add.f32 [tilespmem:s4], [sflag:$0x1], $0x1, s10, s11, $0xb8;
	[tilespmem:$0x1A088] =	vst v63  }
0xae: {  	_ =	swait.ge [sflag:s5], $0x3E8  }
0xaf: {  	[sflag:s5] =	ssyncset.done $0x0  }
0xb0: {  	s15 =	rddreg [dreg:$0x15];
	[sflag:s5] =	ssyncadd.s32 $0xFFFFFC18  }
0xb1: {  	[tilespmem:s10], [sflag:$0x1] =	stream.linear.gather [hbm4b:s15+s3], $0x3E8, $0x38;
	[tilespmem:$0x1A088] =	vst v63  }
0xb2: {  	_ =	swait.ge [sflag:s5], $0x3E8  }
0xb3: {  	[sflag:s5] =	ssyncset.done $0x0  }
0xb4: {  	s16 =	rddreg [dreg:$0x16];
	[sflag:s5] =	ssyncadd.s32 $0xFFFFFC18  }
0xb5: {  	[tilespmem:s3], [sflag:$0x1] =	stream.linear.gather [hbm4b:s16+s3], $0xFA00, $0x38;
	[tilespmem:$0x1A088] =	vst v63  }
0xb6: {  	_ =	swait.ge [sflag:s5], $0xFA00  }
0xb7: {  	[sflag:s5] =	ssyncset.done $0x0  }
0xb8: {  	[sflag:s5] =	ssyncadd.s32 $0xFFFF0600  }
0xb9: {  	[spmem:s1] =	stream.indirect.scatter.add.f32 [tilespmem:s3], [sflag:$0x1], $0x40, s10, s11, $0xb8;
	[tilespmem:$0x1A088] =	vst v63  }
0xba: {  	_ =	swait.ge [sflag:s5], $0xFA00  }
0xbb: {  	[sflag:s5] =	ssyncset.done $0x0  }
0xbc: {  	[sflag:s5] =	ssyncadd.s32 $0xFFFF0600  }
0xbd: {  	[spmem:s2] =	stream.indirect.scatter.add.f32 [tilespmem:s4], [sflag:$0x1], $0x1, s10, s11, $0xb8;
	[tilespmem:$0x1A088] =	vst v63  }
0xbe: {  	_ =	swait.ge [sflag:s5], $0x3E8  }
0xbf: {  	[sflag:s5] =	ssyncset.done $0x0  }
0xc0: {  	s17 =	rddreg [dreg:$0x17];
	[sflag:s5] =	ssyncadd.s32 $0xFFFFFC18  }
0xc1: {  	[tilespmem:s10], [sflag:$0x1] =	stream.linear.gather [hbm4b:s17+s3], $0x3E8, $0x38;
	[tilespmem:$0x1A088] =	vst v63  }
0xc2: {  	_ =	swait.ge [sflag:s5], $0x3E8  }
0xc3: {  	[sflag:s5] =	ssyncset.done $0x0  }
0xc4: {  	s18 =	rddreg [dreg:$0x18];
	[sflag:s5] =	ssyncadd.s32 $0xFFFFFC18  }
0xc5: {  	[tilespmem:s3], [sflag:$0x1] =	stream.linear.gather [hbm4b:s18+s3], $0xFA00, $0x38;
	[tilespmem:$0x1A088] =	vst v63  }
0xc6: {  	_ =	swait.ge [sflag:s5], $0xFA00  }
0xc7: {  	[sflag:s5] =	ssyncset.done $0x0  }
0xc8: {  	[sflag:s5] =	ssyncadd.s32 $0xFFFF0600  }
0xc9: {  	[spmem:s1] =	stream.indirect.scatter.add.f32 [tilespmem:s3], [sflag:$0x1], $0x40, s10, s11, $0xb8;
	[tilespmem:$0x1A088] =	vst v63  }
0xca: {  	_ =	swait.ge [sflag:s5], $0xFA00  }
0xcb: {  	[sflag:s5] =	ssyncset.done $0x0  }
0xcc: {  	[sflag:s5] =	ssyncadd.s32 $0xFFFF0600  }
0xcd: {  	[spmem:s2] =	stream.indirect.scatter.add.f32 [tilespmem:s4], [sflag:$0x1], $0x1, s10, s11, $0xb8;
	[tilespmem:$0x1A088] =	vst v63  }
0xce: {  	_ =	swait.ge [sflag:s5], $0x3E8  }
0xcf: {  	[sflag:s5] =	ssyncset.done $0x0  }
0xd0: {  	s19 =	rddreg [dreg:$0x19];
	[sflag:s5] =	ssyncadd.s32 $0xFFFFFC18  }
0xd1: {  	[tilespmem:s10], [sflag:$0x1] =	stream.linear.gather [hbm4b:s19+s3], $0x3E8, $0x38;
	[tilespmem:$0x1A088] =	vst v63  }
0xd2: {  	_ =	swait.ge [sflag:s5], $0x3E8  }
0xd3: {  	[sflag:s5] =	ssyncset.done $0x0  }
0xd4: {  	s20 =	rddreg [dreg:$0x1a];
	[sflag:s5] =	ssyncadd.s32 $0xFFFFFC18  }
0xd5: {  	[tilespmem:s3], [sflag:$0x1] =	stream.linear.gather [hbm4b:s20+s3], $0xFA00, $0x38;
	[tilespmem:$0x1A088] =	vst v63  }
0xd6: {  	_ =	swait.ge [sflag:s5], $0xFA00  }
0xd7: {  	[sflag:s5] =	ssyncset.done $0x0  }
0xd8: {  	[sflag:s5] =	ssyncadd.s32 $0xFFFF0600  }
0xd9: {  	[spmem:s1] =	stream.indirect.scatter.add.f32 [tilespmem:s3], [sflag:$0x1], $0x40, s10, s11, $0xb8;
	[tilespmem:$0x1A088] =	vst v63  }
0xda: {  	_ =	swait.ge [sflag:s5], $0xFA00  }
0xdb: {  	[sflag:s5] =	ssyncset.done $0x0  }
0xdc: {  	[sflag:s5] =	ssyncadd.s32 $0xFFFF0600  }
0xdd: {  	[spmem:s2] =	stream.indirect.scatter.add.f32 [tilespmem:s4], [sflag:$0x1], $0x1, s10, s11, $0xb8;
	[tilespmem:$0x1A088] =	vst v63  }
0xde: {  	_ =	swait.ge [sflag:s5], $0x3E8  }
0xdf: {  	[sflag:s5] =	ssyncset.done $0x0  }
0xe0: {  	s21 =	rddreg [dreg:$0x1b];
	[sflag:s5] =	ssyncadd.s32 $0xFFFFFC18  }
0xe1: {  	[tilespmem:s10], [sflag:$0x1] =	stream.linear.gather [hbm4b:s21+s3], $0x3E8, $0x38;
	[tilespmem:$0x1A088] =	vst v63  }
0xe2: {  	_ =	swait.ge [sflag:s5], $0x3E8  }
0xe3: {  	[sflag:s5] =	ssyncset.done $0x0  }
0xe4: {  	s22 =	rddreg [dreg:$0x1c];
	[sflag:s5] =	ssyncadd.s32 $0xFFFFFC18  }
0xe5: {  	[tilespmem:s3], [sflag:$0x1] =	stream.linear.gather [hbm4b:s22+s3], $0xFA00, $0x38;
	[tilespmem:$0x1A088] =	vst v63  }
0xe6: {  	_ =	swait.ge [sflag:s5], $0xFA00  }
0xe7: {  	[sflag:s5] =	ssyncset.done $0x0  }
0xe8: {  	[sflag:s5] =	ssyncadd.s32 $0xFFFF0600  }
0xe9: {  	[spmem:s1] =	stream.indirect.scatter.add.f32 [tilespmem:s3], [sflag:$0x1], $0x40, s10, s11, $0xb8;
	[tilespmem:$0x1A088] =	vst v63  }
0xea: {  	_ =	swait.ge [sflag:s5], $0xFA00  }
0xeb: {  	[sflag:s5] =	ssyncset.done $0x0  }
0xec: {  	[sflag:s5] =	ssyncadd.s32 $0xFFFF0600  }
0xed: {  	[spmem:s2] =	stream.indirect.scatter.add.f32 [tilespmem:s4], [sflag:$0x1], $0x1, s10, s11, $0xb8;
	[tilespmem:$0x1A088] =	vst v63  }
0xee: {  	_ =	swait.ge [sflag:s5], $0x3E8  }
0xef: {  	[sflag:s5] =	ssyncset.done $0x0  }
0xf0: {  	s23 =	rddreg [dreg:$0x1d];
	[sflag:s5] =	ssyncadd.s32 $0xFFFFFC18  }
0xf1: {  	[tilespmem:s10], [sflag:$0x1] =	stream.linear.gather [hbm4b:s23+s3], $0x3E8, $0x38;
	[tilespmem:$0x1A088] =	vst v63  }
0xf2: {  	_ =	swait.ge [sflag:s5], $0x3E8  }
0xf3: {  	[sflag:s5] =	ssyncset.done $0x0  }
0xf4: {  	s24 =	rddreg [dreg:$0x1e];
	[sflag:s5] =	ssyncadd.s32 $0xFFFFFC18  }
0xf5: {  	[tilespmem:s3], [sflag:$0x1] =	stream.linear.gather [hbm4b:s24+s3], $0xFA00, $0x38;
	[tilespmem:$0x1A088] =	vst v63  }
0xf6: {  	_ =	swait.ge [sflag:s5], $0xFA00  }
0xf7: {  	[sflag:s5] =	ssyncset.done $0x0  }
0xf8: {  	[sflag:s5] =	ssyncadd.s32 $0xFFFF0600  }
0xf9: {  	[spmem:s1] =	stream.indirect.scatter.add.f32 [tilespmem:s3], [sflag:$0x1], $0x40, s10, s11, $0xb8;
	[tilespmem:$0x1A088] =	vst v63  }
0xfa: {  	_ =	swait.ge [sflag:s5], $0xFA00  }
0xfb: {  	[sflag:s5] =	ssyncset.done $0x0  }
0xfc: {  	s13 =	sadd.s32 $0x2EE0, s29;
	[sflag:s5] =	ssyncadd.s32 $0xFFFF0600  }
0xfd: {  	[spmem:s2] =	stream.indirect.scatter.add.f32 [tilespmem:s4], [sflag:$0x1], $0x1, s10, s11, $0xb8;
	[tilespmem:$0x1A088] =	vst v63  }
0xfe: {  	s25 =	sadd.s32 s28, s13;
	_ =	swait.ge [sflag:s5], $0x3E8  }
0xff: {  	s12 =	sshrl.u32 s25, $0x3;
	[sflag:s5] =	ssyncset.done $0x0  }
0x100: {  	s13 =	sshll.u32 s13, $0x6;
	s12 =	sadd.s32 s26, s12;
	[sflag:s5] =	ssyncadd.s32 $0xFFFFFC18  }
0x101: {  	[tilespmem:s10], [sflag:$0x1] =	stream.linear.gather [hbm4b:s12+s3], $0x3E8, $0x38;
	[tilespmem:$0x1A088] =	vst v63  }
0x102: {  	s13 =	sadd.s32 s30, s13;
	_ =	swait.ge [sflag:s5], $0x3E8  }
0x103: {  	s13 =	sshrl.u32 s13, $0x3;
	[sflag:s5] =	ssyncset.done $0x0  }
0x104: {  	s13 =	sadd.s32 s31, s13;
	[sflag:s5] =	ssyncadd.s32 $0xFFFFFC18  }
0x105: {  	[tilespmem:s3], [sflag:$0x1] =	stream.linear.gather [hbm4b:s13+s3], $0xFA00, $0x38;
	[tilespmem:$0x1A088] =	vst v63  }
0x106: {  	_ =	swait.ge [sflag:s5], $0xFA00  }
0x107: {  	[sflag:s5] =	ssyncset.done $0x0  }
0x108: {  	[sflag:s5] =	ssyncadd.s32 $0xFFFF0600  }
0x109: {  	[spmem:s1] =	stream.indirect.scatter.add.f32 [tilespmem:s3], [sflag:$0x1], $0x40, s10, s11, $0xb8;
	[tilespmem:$0x1A088] =	vst v63  }
0x10a: {  	_ =	swait.ge [sflag:s5], $0xFA00  }
0x10b: {  	[sflag:s5] =	ssyncset.done $0x0  }
0x10c: {  	s15 =	sadd.s32 $0x32C8, s29;
	[sflag:s5] =	ssyncadd.s32 $0xFFFF0600  }
0x10d: {  	[spmem:s2] =	stream.indirect.scatter.add.f32 [tilespmem:s4], [sflag:$0x1], $0x1, s10, s11, $0xb8;
	[tilespmem:$0x1A088] =	vst v63  }
0x10e: {  	s14 =	sadd.s32 s28, s15;
	_ =	swait.ge [sflag:s5], $0x3E8  }
0x10f: {  	s14 =	sshrl.u32 s14, $0x3;
	[sflag:s5] =	ssyncset.done $0x0  }
0x110: {  	s15 =	sshll.u32 s15, $0x6;
	s14 =	sadd.s32 s26, s14;
	[sflag:s5] =	ssyncadd.s32 $0xFFFFFC18  }
0x111: {  	[tilespmem:s10], [sflag:$0x1] =	stream.linear.gather [hbm4b:s14+s3], $0x3E8, $0x38;
	[tilespmem:$0x1A088] =	vst v63  }
0x112: {  	s15 =	sadd.s32 s30, s15;
	_ =	swait.ge [sflag:s5], $0x3E8  }
0x113: {  	s15 =	sshrl.u32 s15, $0x3;
	[sflag:s5] =	ssyncset.done $0x0  }
0x114: {  	s15 =	sadd.s32 s31, s15;
	[sflag:s5] =	ssyncadd.s32 $0xFFFFFC18  }
0x115: {  	[tilespmem:s3], [sflag:$0x1] =	stream.linear.gather [hbm4b:s15+s3], $0xFA00, $0x38;
	[tilespmem:$0x1A088] =	vst v63  }
0x116: {  	_ =	swait.ge [sflag:s5], $0xFA00  }
0x117: {  	[sflag:s5] =	ssyncset.done $0x0  }
0x118: {  	[sflag:s5] =	ssyncadd.s32 $0xFFFF0600  }
0x119: {  	[spmem:s1] =	stream.indirect.scatter.add.f32 [tilespmem:s3], [sflag:$0x1], $0x40, s10, s11, $0xb8;
	[tilespmem:$0x1A088] =	vst v63  }
0x11a: {  	_ =	swait.ge [sflag:s5], $0xFA00  }
0x11b: {  	[sflag:s5] =	ssyncset.done $0x0  }
0x11c: {  	s17 =	sadd.s32 $0x36B0, s29;
	[sflag:s5] =	ssyncadd.s32 $0xFFFF0600  }
0x11d: {  	[spmem:s2] =	stream.indirect.scatter.add.f32 [tilespmem:s4], [sflag:$0x1], $0x1, s10, s11, $0xb8;
	[tilespmem:$0x1A088] =	vst v63  }
0x11e: {  	s16 =	sadd.s32 s28, s17;
	_ =	swait.ge [sflag:s5], $0x3E8  }
0x11f: {  	s16 =	sshrl.u32 s16, $0x3;
	[sflag:s5] =	ssyncset.done $0x0  }
0x120: {  	s17 =	sshll.u32 s17, $0x6;
	s16 =	sadd.s32 s26, s16;
	[sflag:s5] =	ssyncadd.s32 $0xFFFFFC18  }
0x121: {  	[tilespmem:s10], [sflag:$0x1] =	stream.linear.gather [hbm4b:s16+s3], $0x3E8, $0x38;
	[tilespmem:$0x1A088] =	vst v63  }
0x122: {  	s17 =	sadd.s32 s30, s17;
	_ =	swait.ge [sflag:s5], $0x3E8  }
0x123: {  	s17 =	sshrl.u32 s17, $0x3;
	[sflag:s5] =	ssyncset.done $0x0  }
0x124: {  	s17 =	sadd.s32 s31, s17;
	[sflag:s5] =	ssyncadd.s32 $0xFFFFFC18  }
0x125: {  	[tilespmem:s3], [sflag:$0x1] =	stream.linear.gather [hbm4b:s17+s3], $0xFA00, $0x38;
	[tilespmem:$0x1A088] =	vst v63  }
0x126: {  	_ =	swait.ge [sflag:s5], $0xFA00  }
0x127: {  	[sflag:s5] =	ssyncset.done $0x0  }
0x128: {  	[sflag:s5] =	ssyncadd.s32 $0xFFFF0600  }
0x129: {  	[spmem:s1] =	stream.indirect.scatter.add.f32 [tilespmem:s3], [sflag:$0x1], $0x40, s10, s11, $0xb8;
	[tilespmem:$0x1A088] =	vst v63  }
0x12a: {  	_ =	swait.ge [sflag:s5], $0xFA00  }
0x12b: {  	[sflag:s5] =	ssyncset.done $0x0  }
0x12c: {  	s19 =	sadd.s32 $0x3A98, s29;
	[sflag:s5] =	ssyncadd.s32 $0xFFFF0600  }
0x12d: {  	[spmem:s2] =	stream.indirect.scatter.add.f32 [tilespmem:s4], [sflag:$0x1], $0x1, s10, s11, $0xb8;
	[tilespmem:$0x1A088] =	vst v63  }
0x12e: {  	s18 =	sadd.s32 s28, s19;
	_ =	swait.ge [sflag:s5], $0x3E8  }
0x12f: {  	s18 =	sshrl.u32 s18, $0x3;
	[sflag:s5] =	ssyncset.done $0x0  }
0x130: {  	s19 =	sshll.u32 s19, $0x6;
	s18 =	sadd.s32 s26, s18;
	[sflag:s5] =	ssyncadd.s32 $0xFFFFFC18  }
0x131: {  	[tilespmem:s10], [sflag:$0x1] =	stream.linear.gather [hbm4b:s18+s3], $0x3E8, $0x38;
	[tilespmem:$0x1A088] =	vst v63  }
0x132: {  	s19 =	sadd.s32 s30, s19;
	_ =	swait.ge [sflag:s5], $0x3E8  }
0x133: {  	s19 =	sshrl.u32 s19, $0x3;
	[sflag:s5] =	ssyncset.done $0x0  }
0x134: {  	s19 =	sadd.s32 s31, s19;
	[sflag:s5] =	ssyncadd.s32 $0xFFFFFC18  }
0x135: {  	[tilespmem:s3], [sflag:$0x1] =	stream.linear.gather [hbm4b:s19+s3], $0xFA00, $0x38;
	[tilespmem:$0x1A088] =	vst v63  }
0x136: {  	_ =	swait.ge [sflag:s5], $0xFA00  }
0x137: {  	[sflag:s5] =	ssyncset.done $0x0  }
0x138: {  	[sflag:s5] =	ssyncadd.s32 $0xFFFF0600  }
0x139: {  	[spmem:s1] =	stream.indirect.scatter.add.f32 [tilespmem:s3], [sflag:$0x1], $0x40, s10, s11, $0xb8;
	[tilespmem:$0x1A088] =	vst v63  }
0x13a: {  	_ =	swait.ge [sflag:s5], $0xFA00  }
0x13b: {  	[sflag:s5] =	ssyncset.done $0x0  }
0x13c: {  	s21 =	sadd.s32 $0x3E80, s29;
	[sflag:s5] =	ssyncadd.s32 $0xFFFF0600  }
0x13d: {  	[spmem:s2] =	stream.indirect.scatter.add.f32 [tilespmem:s4], [sflag:$0x1], $0x1, s10, s11, $0xb8;
	[tilespmem:$0x1A088] =	vst v63  }
0x13e: {  	s20 =	sadd.s32 s28, s21;
	_ =	swait.ge [sflag:s5], $0x3E8  }
0x13f: {  	s20 =	sshrl.u32 s20, $0x3;
	[sflag:s5] =	ssyncset.done $0x0  }
0x140: {  	s21 =	sshll.u32 s21, $0x6;
	s20 =	sadd.s32 s26, s20;
	[sflag:s5] =	ssyncadd.s32 $0xFFFFFC18  }
0x141: {  	[tilespmem:s10], [sflag:$0x1] =	stream.linear.gather [hbm4b:s20+s3], $0x3E8, $0x38;
	[tilespmem:$0x1A088] =	vst v63  }
0x142: {  	s21 =	sadd.s32 s30, s21;
	_ =	swait.ge [sflag:s5], $0x3E8  }
0x143: {  	s21 =	sshrl.u32 s21, $0x3;
	[sflag:s5] =	ssyncset.done $0x0  }
0x144: {  	s21 =	sadd.s32 s31, s21;
	[sflag:s5] =	ssyncadd.s32 $0xFFFFFC18  }
0x145: {  	[tilespmem:s3], [sflag:$0x1] =	stream.linear.gather [hbm4b:s21+s3], $0xFA00, $0x38;
	[tilespmem:$0x1A088] =	vst v63  }
0x146: {  	_ =	swait.ge [sflag:s5], $0xFA00  }
0x147: {  	[sflag:s5] =	ssyncset.done $0x0  }
0x148: {  	[sflag:s5] =	ssyncadd.s32 $0xFFFF0600  }
0x149: {  	[spmem:s1] =	stream.indirect.scatter.add.f32 [tilespmem:s3], [sflag:$0x1], $0x40, s10, s11, $0xb8;
	[tilespmem:$0x1A088] =	vst v63  }
0x14a: {  	_ =	swait.ge [sflag:s5], $0xFA00  }
0x14b: {  	[sflag:s5] =	ssyncset.done $0x0  }
0x14c: {  	s23 =	sadd.s32 $0x4268, s29;
	[sflag:s5] =	ssyncadd.s32 $0xFFFF0600  }
0x14d: {  	[spmem:s2] =	stream.indirect.scatter.add.f32 [tilespmem:s4], [sflag:$0x1], $0x1, s10, s11, $0xb8;
	[tilespmem:$0x1A088] =	vst v63  }
0x14e: {  	s22 =	sadd.s32 s28, s23;
	_ =	swait.ge [sflag:s5], $0x3E8  }
0x14f: {  	s22 =	sshrl.u32 s22, $0x3;
	[sflag:s5] =	ssyncset.done $0x0  }
0x150: {  	s23 =	sshll.u32 s23, $0x6;
	s22 =	sadd.s32 s26, s22;
	[sflag:s5] =	ssyncadd.s32 $0xFFFFFC18  }
0x151: {  	[tilespmem:s10], [sflag:$0x1] =	stream.linear.gather [hbm4b:s22+s3], $0x3E8, $0x38;
	[tilespmem:$0x1A088] =	vst v63  }
0x152: {  	s23 =	sadd.s32 s30, s23;
	_ =	swait.ge [sflag:s5], $0x3E8  }
0x153: {  	s23 =	sshrl.u32 s23, $0x3;
	[sflag:s5] =	ssyncset.done $0x0  }
0x154: {  	s23 =	sadd.s32 s31, s23;
	[sflag:s5] =	ssyncadd.s32 $0xFFFFFC18  }
0x155: {  	[tilespmem:s3], [sflag:$0x1] =	stream.linear.gather [hbm4b:s23+s3], $0xFA00, $0x38;
	[tilespmem:$0x1A088] =	vst v63  }
0x156: {  	_ =	swait.ge [sflag:s5], $0xFA00  }
0x157: {  	[sflag:s5] =	ssyncset.done $0x0  }
0x158: {  	[sflag:s5] =	ssyncadd.s32 $0xFFFF0600  }
0x159: {  	[spmem:s1] =	stream.indirect.scatter.add.f32 [tilespmem:s3], [sflag:$0x1], $0x40, s10, s11, $0xb8;
	[tilespmem:$0x1A088] =	vst v63  }
0x15a: {  	_ =	swait.ge [sflag:s5], $0xFA00  }
0x15b: {  	[sflag:s5] =	ssyncset.done $0x0  }
0x15c: {  	s25 =	sadd.s32 $0x4650, s29;
	[sflag:s5] =	ssyncadd.s32 $0xFFFF0600  }
0x15d: {  	[spmem:s2] =	stream.indirect.scatter.add.f32 [tilespmem:s4], [sflag:$0x1], $0x1, s10, s11, $0xb8;
	[tilespmem:$0x1A088] =	vst v63  }
0x15e: {  	s24 =	sadd.s32 s28, s25;
	_ =	swait.ge [sflag:s5], $0x3E8  }
0x15f: {  	s24 =	sshrl.u32 s24, $0x3;
	[sflag:s5] =	ssyncset.done $0x0  }
0x160: {  	s25 =	sshll.u32 s25, $0x6;
	s24 =	sadd.s32 s26, s24;
	[sflag:s5] =	ssyncadd.s32 $0xFFFFFC18  }
0x161: {  	[tilespmem:s10], [sflag:$0x1] =	stream.linear.gather [hbm4b:s24+s3], $0x3E8, $0x38;
	[tilespmem:$0x1A088] =	vst v63  }
0x162: {  	s25 =	sadd.s32 s30, s25;
	_ =	swait.ge [sflag:s5], $0x3E8  }
0x163: {  	s25 =	sshrl.u32 s25, $0x3;
	[sflag:s5] =	ssyncset.done $0x0  }
0x164: {  	s25 =	sadd.s32 s31, s25;
	[sflag:s5] =	ssyncadd.s32 $0xFFFFFC18  }
0x165: {  	[tilespmem:s3], [sflag:$0x1] =	stream.linear.gather [hbm4b:s25+s3], $0xFA00, $0x38;
	[tilespmem:$0x1A088] =	vst v63  }
0x166: {  	_ =	swait.ge [sflag:s5], $0xFA00  }
0x167: {  	[sflag:s5] =	ssyncset.done $0x0  }
0x168: {  	[sflag:s5] =	ssyncadd.s32 $0xFFFF0600  }
0x169: {  	[spmem:s1] =	stream.indirect.scatter.add.f32 [tilespmem:s3], [sflag:$0x1], $0x40, s10, s11, $0xb8;
	[tilespmem:$0x1A088] =	vst v63  }
0x16a: {  	_ =	swait.ge [sflag:s5], $0xFA00  }
0x16b: {  	[sflag:s5] =	ssyncset.done $0x0  }
0x16c: {  	s0 =	sadd.s32 $0x4A38, s29;
	[sflag:s5] =	ssyncadd.s32 $0xFFFF0600  }
0x16d: {  	[spmem:s2] =	stream.indirect.scatter.add.f32 [tilespmem:s4], [sflag:$0x1], $0x1, s10, s11, $0xb8;
	[tilespmem:$0x1A088] =	vst v63  }
0x16e: {  	s28 =	sadd.s32 s28, s0;
	_ =	swait.ge [sflag:s5], $0x3E8  }
0x16f: {  	s28 =	sshrl.u32 s28, $0x3;
	[sflag:s5] =	ssyncset.done $0x0  }
0x170: {  	s0 =	sshll.u32 s0, $0x6;
	s26 =	sadd.s32 s26, s28;
	[sflag:s5] =	ssyncadd.s32 $0xFFFFFC18  }
0x171: {  	[tilespmem:s10], [sflag:$0x1] =	stream.linear.gather [hbm4b:s26+s3], $0x3E8, $0x38;
	[tilespmem:$0x1A088] =	vst v63  }
0x172: {  	s0 =	sadd.s32 s30, s0;
	_ =	swait.ge [sflag:s5], $0x3E8  }
0x173: {  	s0 =	sshrl.u32 s0, $0x3;
	[sflag:s5] =	ssyncset.done $0x0  }
0x174: {  	s28 =	sadd.s32 s31, s0;
	[sflag:s5] =	ssyncadd.s32 $0xFFFFFC18  }
0x175: {  	[tilespmem:s3], [sflag:$0x1] =	stream.linear.gather [hbm4b:s28+s3], $0xFA00, $0x38;
	[tilespmem:$0x1A088] =	vst v63  }
0x176: {  	_ =	swait.ge [sflag:s5], $0xFA00  }
0x177: {  	[sflag:s5] =	ssyncset.done $0x0  }
0x178: {  	[sflag:s5] =	ssyncadd.s32 $0xFFFF0600  }
0x179: {  	[spmem:s1] =	stream.indirect.scatter.add.f32 [tilespmem:s3], [sflag:$0x1], $0x40, s10, s11, $0xb8;
	[tilespmem:$0x1A088] =	vst v63  }
0x17a: {  	_ =	swait.ge [sflag:s5], $0xFA00  }
0x17b: {  	[sflag:s5] =	ssyncset.done $0x0  }
0x17c: {  	[sflag:s5] =	ssyncadd.s32 $0xFFFF0600  }
0x17d: {  	[spmem:s2] =	stream.indirect.scatter.add.f32 [tilespmem:s4], [sflag:$0x1], $0x1, s10, s11, $0xb8;
	[tilespmem:$0x1A088] =	vst v63  }
0x17e: {  	_ =	swait.ge [sflag:s5], $0x3E8  }
0x17f: {  	s30 =	rddreg [dreg:$0x1f]  }
0x180: {  	[sflag:s5] =	ssyncset.done $0x0;
	s0 =	smul.u32 $0x13880, s30  }
0x181: {  	s29 =	rddreg [dreg:$0x0]  }
0x182: {  	[sflag:s5] =	ssyncadd.s32 $0xFFFFFC18;
	s0 =	sadd.s32 s0, s29  }
0x183: {  	[bflag:$0x0] =	sbarrier.arrive $0xFFFF;
	s29 =	sadd.s32 $0x13C7C00, s0;
	s0 =	ssub.s32 $0x2, s30  }
0x184: {  	[hbm:s29], [sflag:s8] =	dma.local @!p0 [spmem:s7], $0x13880  }
0x185: {  	s31 =	sshrl.u32 s0, $0x1  }
0x186: {  	s30 =	smul.u32 $0x4E2, s30;
	s0 =	ssub.s32 s0, s31;
	_ =	swait.ge @!p0 [sflag:s6], $0x13880  }
0x187: {  	s31 =	rddreg [dreg:$0x0];
	s0 =	smax.u32 s0, $0x1  }
0x188: {  	s30 =	sadd.s32 s30, s31;
	s31 =	sadd.s32 $0xFFFFFFFF, s0  }
0x189: {  	p1 =	sne.s32 s31, $0x0  }
.Ltmp0:
0x18a: {  	_ = 	snop;
	(pc) =	sbr.rel @!p1 .LBB2_2-.Ltmp0, $4  }
0x18b: {  	[sflag:s6] =	ssyncset.done @!p0 $0x0  }
0x18c: {  	[sflag:s6] =	ssyncadd.s32 @!p0 $0xFFFEC780;
	s30 =	sadd.s32 $0x13C7200, s30  }
0x18d: {  	[hbm:s30], [sflag:s8] =	dma.local @!p0 [spmem:s9], $0x4E2  }
0x18e: {  	_ =	swait.ge @!p0 [sflag:s6], $0x4E2  }
.LBB2_1:
0x18f: {  	[sflag:s6] =	ssyncset.done @!p0 $0x0  }
0x190: {  	s0 =	rddreg [dreg:$0x4];
	[sflag:s6] =	ssyncadd.s32 @!p0 $0xFFFFFB1E  }
0x191: {  	[tilespmem:s4], [sflag:$0x1] =	stream.linear.gather [hbm4b:s0+s3], $0x3E8, $0x38;
	[tilespmem:$0x1A088] =	vst v63  }
0x192: {  	_ =	swait.ge [sflag:s5], $0x3E8  }
0x193: {  	[sflag:s5] =	ssyncset.done $0x0  }
0x194: {  	s0 =	rddreg [dreg:$0x5];
	[sflag:s5] =	ssyncadd.s32 $0xFFFFFC18  }
0x195: {  	[spmem:s7], [sflag:s8] =	dma.local @!p0 [hbm:s0], $0x13880  }
0x196: {  	_ =	swait.ge @!p0 [sflag:s6], $0x13880  }
0x197: {  	[sflag:s6] =	ssyncset.done @!p0 $0x0  }
0x198: {  	s0 =	rddreg [dreg:$0x6];
	[sflag:s6] =	ssyncadd.s32 @!p0 $0xFFFEC780  }
0x199: {  	[spmem:s9], [sflag:s8] =	dma.local @!p0 [hbm:s0], $0x4E2  }
0x19a: {  	_ =	swait.ge @!p0 [sflag:s6], $0x4E2  }
0x19b: {  	[sflag:s6] =	ssyncset.done @!p0 $0x0  }
0x19c: {  	[sflag:s6] =	ssyncadd.s32 @!p0 $0xFFFFFB1E  }
0x19d: {  	[bflag:$0x0] =	sbarrier.arrive $0xFFFF  }
0x19e: {  	s0 =	rddreg [dreg:$0x7]  }
0x19f: {  	[tilespmem:s10], [sflag:$0x1] =	stream.linear.gather [hbm4b:s0+s3], $0x3E8, $0x38;
	[tilespmem:$0x1A088] =	vst v63  }
0x1a0: {  	_ =	swait.ge [sflag:s5], $0x3E8  }
0x1a1: {  	[sflag:s5] =	ssyncset.done $0x0  }
0x1a2: {  	s0 =	rddreg [dreg:$0x8];
	[sflag:s5] =	ssyncadd.s32 $0xFFFFFC18  }
0x1a3: {  	[tilespmem:s3], [sflag:$0x1] =	stream.linear.gather [hbm4b:s0+s3], $0xFA00, $0x38;
	[tilespmem:$0x1A088] =	vst v63  }
0x1a4: {  	_ =	swait.ge [sflag:s5], $0xFA00  }
0x1a5: {  	[sflag:s5] =	ssyncset.done $0x0  }
0x1a6: {  	[sflag:s5] =	ssyncadd.s32 $0xFFFF0600  }
0x1a7: {  	[spmem:s1] =	stream.indirect.scatter.add.f32 [tilespmem:s3], [sflag:$0x1], $0x40, s10, s11, $0xb8;
	[tilespmem:$0x1A088] =	vst v63  }
0x1a8: {  	_ =	swait.ge [sflag:s5], $0xFA00  }
0x1a9: {  	[sflag:s5] =	ssyncset.done $0x0  }
0x1aa: {  	[sflag:s5] =	ssyncadd.s32 $0xFFFF0600  }
0x1ab: {  	[spmem:s2] =	stream.indirect.scatter.add.f32 [tilespmem:s4], [sflag:$0x1], $0x1, s10, s11, $0xb8;
	[tilespmem:$0x1A088] =	vst v63  }
0x1ac: {  	_ =	swait.ge [sflag:s5], $0x3E8  }
0x1ad: {  	[sflag:s5] =	ssyncset.done $0x0  }
0x1ae: {  	s0 =	rddreg [dreg:$0x9];
	[sflag:s5] =	ssyncadd.s32 $0xFFFFFC18  }
0x1af: {  	[tilespmem:s10], [sflag:$0x1] =	stream.linear.gather [hbm4b:s0+s3], $0x3E8, $0x38;
	[tilespmem:$0x1A088] =	vst v63  }
0x1b0: {  	_ =	swait.ge [sflag:s5], $0x3E8  }
0x1b1: {  	[sflag:s5] =	ssyncset.done $0x0  }
0x1b2: {  	s0 =	rddreg [dreg:$0xa];
	[sflag:s5] =	ssyncadd.s32 $0xFFFFFC18  }
0x1b3: {  	[tilespmem:s3], [sflag:$0x1] =	stream.linear.gather [hbm4b:s0+s3], $0xFA00, $0x38;
	[tilespmem:$0x1A088] =	vst v63  }
0x1b4: {  	_ =	swait.ge [sflag:s5], $0xFA00  }
0x1b5: {  	[sflag:s5] =	ssyncset.done $0x0  }
0x1b6: {  	[sflag:s5] =	ssyncadd.s32 $0xFFFF0600  }
0x1b7: {  	[spmem:s1] =	stream.indirect.scatter.add.f32 [tilespmem:s3], [sflag:$0x1], $0x40, s10, s11, $0xb8;
	[tilespmem:$0x1A088] =	vst v63  }
0x1b8: {  	_ =	swait.ge [sflag:s5], $0xFA00  }
0x1b9: {  	[sflag:s5] =	ssyncset.done $0x0  }
0x1ba: {  	[sflag:s5] =	ssyncadd.s32 $0xFFFF0600  }
0x1bb: {  	[spmem:s2] =	stream.indirect.scatter.add.f32 [tilespmem:s4], [sflag:$0x1], $0x1, s10, s11, $0xb8;
	[tilespmem:$0x1A088] =	vst v63  }
0x1bc: {  	_ =	swait.ge [sflag:s5], $0x3E8  }
0x1bd: {  	[sflag:s5] =	ssyncset.done $0x0  }
0x1be: {  	s0 =	rddreg [dreg:$0xb];
	[sflag:s5] =	ssyncadd.s32 $0xFFFFFC18  }
0x1bf: {  	[tilespmem:s10], [sflag:$0x1] =	stream.linear.gather [hbm4b:s0+s3], $0x3E8, $0x38;
	[tilespmem:$0x1A088] =	vst v63  }
0x1c0: {  	_ =	swait.ge [sflag:s5], $0x3E8  }
0x1c1: {  	[sflag:s5] =	ssyncset.done $0x0  }
0x1c2: {  	s0 =	rddreg [dreg:$0xc];
	[sflag:s5] =	ssyncadd.s32 $0xFFFFFC18  }
0x1c3: {  	[tilespmem:s3], [sflag:$0x1] =	stream.linear.gather [hbm4b:s0+s3], $0xFA00, $0x38;
	[tilespmem:$0x1A088] =	vst v63  }
0x1c4: {  	_ =	swait.ge [sflag:s5], $0xFA00  }
0x1c5: {  	[sflag:s5] =	ssyncset.done $0x0  }
0x1c6: {  	[sflag:s5] =	ssyncadd.s32 $0xFFFF0600  }
0x1c7: {  	[spmem:s1] =	stream.indirect.scatter.add.f32 [tilespmem:s3], [sflag:$0x1], $0x40, s10, s11, $0xb8;
	[tilespmem:$0x1A088] =	vst v63  }
0x1c8: {  	_ =	swait.ge [sflag:s5], $0xFA00  }
0x1c9: {  	[sflag:s5] =	ssyncset.done $0x0  }
0x1ca: {  	[sflag:s5] =	ssyncadd.s32 $0xFFFF0600  }
0x1cb: {  	[spmem:s2] =	stream.indirect.scatter.add.f32 [tilespmem:s4], [sflag:$0x1], $0x1, s10, s11, $0xb8;
	[tilespmem:$0x1A088] =	vst v63  }
0x1cc: {  	_ =	swait.ge [sflag:s5], $0x3E8  }
0x1cd: {  	[sflag:s5] =	ssyncset.done $0x0  }
0x1ce: {  	s0 =	rddreg [dreg:$0xd];
	[sflag:s5] =	ssyncadd.s32 $0xFFFFFC18  }
0x1cf: {  	[tilespmem:s10], [sflag:$0x1] =	stream.linear.gather [hbm4b:s0+s3], $0x3E8, $0x38;
	[tilespmem:$0x1A088] =	vst v63  }
0x1d0: {  	_ =	swait.ge [sflag:s5], $0x3E8  }
0x1d1: {  	[sflag:s5] =	ssyncset.done $0x0  }
0x1d2: {  	s0 =	rddreg [dreg:$0xe];
	[sflag:s5] =	ssyncadd.s32 $0xFFFFFC18  }
0x1d3: {  	[tilespmem:s3], [sflag:$0x1] =	stream.linear.gather [hbm4b:s0+s3], $0xFA00, $0x38;
	[tilespmem:$0x1A088] =	vst v63  }
0x1d4: {  	_ =	swait.ge [sflag:s5], $0xFA00  }
0x1d5: {  	[sflag:s5] =	ssyncset.done $0x0  }
0x1d6: {  	[sflag:s5] =	ssyncadd.s32 $0xFFFF0600  }
0x1d7: {  	[spmem:s1] =	stream.indirect.scatter.add.f32 [tilespmem:s3], [sflag:$0x1], $0x40, s10, s11, $0xb8;
	[tilespmem:$0x1A088] =	vst v63  }
0x1d8: {  	_ =	swait.ge [sflag:s5], $0xFA00  }
0x1d9: {  	[sflag:s5] =	ssyncset.done $0x0  }
0x1da: {  	[sflag:s5] =	ssyncadd.s32 $0xFFFF0600  }
0x1db: {  	[spmem:s2] =	stream.indirect.scatter.add.f32 [tilespmem:s4], [sflag:$0x1], $0x1, s10, s11, $0xb8;
	[tilespmem:$0x1A088] =	vst v63  }
0x1dc: {  	_ =	swait.ge [sflag:s5], $0x3E8  }
0x1dd: {  	[sflag:s5] =	ssyncset.done $0x0  }
0x1de: {  	s0 =	rddreg [dreg:$0xf];
	[sflag:s5] =	ssyncadd.s32 $0xFFFFFC18  }
0x1df: {  	[tilespmem:s10], [sflag:$0x1] =	stream.linear.gather [hbm4b:s0+s3], $0x3E8, $0x38;
	[tilespmem:$0x1A088] =	vst v63  }
0x1e0: {  	_ =	swait.ge [sflag:s5], $0x3E8  }
0x1e1: {  	[sflag:s5] =	ssyncset.done $0x0  }
0x1e2: {  	s0 =	rddreg [dreg:$0x10];
	[sflag:s5] =	ssyncadd.s32 $0xFFFFFC18  }
0x1e3: {  	[tilespmem:s3], [sflag:$0x1] =	stream.linear.gather [hbm4b:s0+s3], $0xFA00, $0x38;
	[tilespmem:$0x1A088] =	vst v63  }
0x1e4: {  	_ =	swait.ge [sflag:s5], $0xFA00  }
0x1e5: {  	[sflag:s5] =	ssyncset.done $0x0  }
0x1e6: {  	[sflag:s5] =	ssyncadd.s32 $0xFFFF0600  }
0x1e7: {  	[spmem:s1] =	stream.indirect.scatter.add.f32 [tilespmem:s3], [sflag:$0x1], $0x40, s10, s11, $0xb8;
	[tilespmem:$0x1A088] =	vst v63  }
0x1e8: {  	_ =	swait.ge [sflag:s5], $0xFA00  }
0x1e9: {  	[sflag:s5] =	ssyncset.done $0x0  }
0x1ea: {  	[sflag:s5] =	ssyncadd.s32 $0xFFFF0600  }
0x1eb: {  	[spmem:s2] =	stream.indirect.scatter.add.f32 [tilespmem:s4], [sflag:$0x1], $0x1, s10, s11, $0xb8;
	[tilespmem:$0x1A088] =	vst v63  }
0x1ec: {  	_ =	swait.ge [sflag:s5], $0x3E8  }
0x1ed: {  	[sflag:s5] =	ssyncset.done $0x0  }
0x1ee: {  	s0 =	rddreg [dreg:$0x11];
	[sflag:s5] =	ssyncadd.s32 $0xFFFFFC18  }
0x1ef: {  	[tilespmem:s10], [sflag:$0x1] =	stream.linear.gather [hbm4b:s0+s3], $0x3E8, $0x38;
	[tilespmem:$0x1A088] =	vst v63  }
0x1f0: {  	_ =	swait.ge [sflag:s5], $0x3E8  }
0x1f1: {  	[sflag:s5] =	ssyncset.done $0x0  }
0x1f2: {  	s0 =	rddreg [dreg:$0x12];
	[sflag:s5] =	ssyncadd.s32 $0xFFFFFC18  }
0x1f3: {  	[tilespmem:s3], [sflag:$0x1] =	stream.linear.gather [hbm4b:s0+s3], $0xFA00, $0x38;
	[tilespmem:$0x1A088] =	vst v63  }
0x1f4: {  	_ =	swait.ge [sflag:s5], $0xFA00  }
0x1f5: {  	[sflag:s5] =	ssyncset.done $0x0  }
0x1f6: {  	[sflag:s5] =	ssyncadd.s32 $0xFFFF0600  }
0x1f7: {  	[spmem:s1] =	stream.indirect.scatter.add.f32 [tilespmem:s3], [sflag:$0x1], $0x40, s10, s11, $0xb8;
	[tilespmem:$0x1A088] =	vst v63  }
0x1f8: {  	_ =	swait.ge [sflag:s5], $0xFA00  }
0x1f9: {  	[sflag:s5] =	ssyncset.done $0x0  }
0x1fa: {  	[sflag:s5] =	ssyncadd.s32 $0xFFFF0600  }
0x1fb: {  	[spmem:s2] =	stream.indirect.scatter.add.f32 [tilespmem:s4], [sflag:$0x1], $0x1, s10, s11, $0xb8;
	[tilespmem:$0x1A088] =	vst v63  }
0x1fc: {  	_ =	swait.ge [sflag:s5], $0x3E8  }
0x1fd: {  	[sflag:s5] =	ssyncset.done $0x0  }
0x1fe: {  	s0 =	rddreg [dreg:$0x13];
	[sflag:s5] =	ssyncadd.s32 $0xFFFFFC18  }
0x1ff: {  	[tilespmem:s10], [sflag:$0x1] =	stream.linear.gather [hbm4b:s0+s3], $0x3E8, $0x38;
	[tilespmem:$0x1A088] =	vst v63  }
0x200: {  	_ =	swait.ge [sflag:s5], $0x3E8  }
0x201: {  	[sflag:s5] =	ssyncset.done $0x0  }
0x202: {  	s0 =	rddreg [dreg:$0x14];
	[sflag:s5] =	ssyncadd.s32 $0xFFFFFC18  }
0x203: {  	[tilespmem:s3], [sflag:$0x1] =	stream.linear.gather [hbm4b:s0+s3], $0xFA00, $0x38;
	[tilespmem:$0x1A088] =	vst v63  }
0x204: {  	_ =	swait.ge [sflag:s5], $0xFA00  }
0x205: {  	[sflag:s5] =	ssyncset.done $0x0  }
0x206: {  	[sflag:s5] =	ssyncadd.s32 $0xFFFF0600  }
0x207: {  	[spmem:s1] =	stream.indirect.scatter.add.f32 [tilespmem:s3], [sflag:$0x1], $0x40, s10, s11, $0xb8;
	[tilespmem:$0x1A088] =	vst v63  }
0x208: {  	_ =	swait.ge [sflag:s5], $0xFA00  }
0x209: {  	[sflag:s5] =	ssyncset.done $0x0  }
0x20a: {  	[sflag:s5] =	ssyncadd.s32 $0xFFFF0600  }
0x20b: {  	[spmem:s2] =	stream.indirect.scatter.add.f32 [tilespmem:s4], [sflag:$0x1], $0x1, s10, s11, $0xb8;
	[tilespmem:$0x1A088] =	vst v63  }
0x20c: {  	_ =	swait.ge [sflag:s5], $0x3E8  }
0x20d: {  	[sflag:s5] =	ssyncset.done $0x0  }
0x20e: {  	s0 =	rddreg [dreg:$0x15];
	[sflag:s5] =	ssyncadd.s32 $0xFFFFFC18  }
0x20f: {  	[tilespmem:s10], [sflag:$0x1] =	stream.linear.gather [hbm4b:s0+s3], $0x3E8, $0x38;
	[tilespmem:$0x1A088] =	vst v63  }
0x210: {  	_ =	swait.ge [sflag:s5], $0x3E8  }
0x211: {  	[sflag:s5] =	ssyncset.done $0x0  }
0x212: {  	s0 =	rddreg [dreg:$0x16];
	[sflag:s5] =	ssyncadd.s32 $0xFFFFFC18  }
0x213: {  	[tilespmem:s3], [sflag:$0x1] =	stream.linear.gather [hbm4b:s0+s3], $0xFA00, $0x38;
	[tilespmem:$0x1A088] =	vst v63  }
0x214: {  	_ =	swait.ge [sflag:s5], $0xFA00  }
0x215: {  	[sflag:s5] =	ssyncset.done $0x0  }
0x216: {  	[sflag:s5] =	ssyncadd.s32 $0xFFFF0600  }
0x217: {  	[spmem:s1] =	stream.indirect.scatter.add.f32 [tilespmem:s3], [sflag:$0x1], $0x40, s10, s11, $0xb8;
	[tilespmem:$0x1A088] =	vst v63  }
0x218: {  	_ =	swait.ge [sflag:s5], $0xFA00  }
0x219: {  	[sflag:s5] =	ssyncset.done $0x0  }
0x21a: {  	[sflag:s5] =	ssyncadd.s32 $0xFFFF0600  }
0x21b: {  	[spmem:s2] =	stream.indirect.scatter.add.f32 [tilespmem:s4], [sflag:$0x1], $0x1, s10, s11, $0xb8;
	[tilespmem:$0x1A088] =	vst v63  }
0x21c: {  	_ =	swait.ge [sflag:s5], $0x3E8  }
0x21d: {  	[sflag:s5] =	ssyncset.done $0x0  }
0x21e: {  	s0 =	rddreg [dreg:$0x17];
	[sflag:s5] =	ssyncadd.s32 $0xFFFFFC18  }
0x21f: {  	[tilespmem:s10], [sflag:$0x1] =	stream.linear.gather [hbm4b:s0+s3], $0x3E8, $0x38;
	[tilespmem:$0x1A088] =	vst v63  }
0x220: {  	_ =	swait.ge [sflag:s5], $0x3E8  }
0x221: {  	[sflag:s5] =	ssyncset.done $0x0  }
0x222: {  	s0 =	rddreg [dreg:$0x18];
	[sflag:s5] =	ssyncadd.s32 $0xFFFFFC18  }
0x223: {  	[tilespmem:s3], [sflag:$0x1] =	stream.linear.gather [hbm4b:s0+s3], $0xFA00, $0x38;
	[tilespmem:$0x1A088] =	vst v63  }
0x224: {  	_ =	swait.ge [sflag:s5], $0xFA00  }
0x225: {  	[sflag:s5] =	ssyncset.done $0x0  }
0x226: {  	[sflag:s5] =	ssyncadd.s32 $0xFFFF0600  }
0x227: {  	[spmem:s1] =	stream.indirect.scatter.add.f32 [tilespmem:s3], [sflag:$0x1], $0x40, s10, s11, $0xb8;
	[tilespmem:$0x1A088] =	vst v63  }
0x228: {  	_ =	swait.ge [sflag:s5], $0xFA00  }
0x229: {  	[sflag:s5] =	ssyncset.done $0x0  }
0x22a: {  	[sflag:s5] =	ssyncadd.s32 $0xFFFF0600  }
0x22b: {  	[spmem:s2] =	stream.indirect.scatter.add.f32 [tilespmem:s4], [sflag:$0x1], $0x1, s10, s11, $0xb8;
	[tilespmem:$0x1A088] =	vst v63  }
0x22c: {  	_ =	swait.ge [sflag:s5], $0x3E8  }
0x22d: {  	[sflag:s5] =	ssyncset.done $0x0  }
0x22e: {  	s0 =	rddreg [dreg:$0x19];
	[sflag:s5] =	ssyncadd.s32 $0xFFFFFC18  }
0x22f: {  	[tilespmem:s10], [sflag:$0x1] =	stream.linear.gather [hbm4b:s0+s3], $0x3E8, $0x38;
	[tilespmem:$0x1A088] =	vst v63  }
0x230: {  	_ =	swait.ge [sflag:s5], $0x3E8  }
0x231: {  	[sflag:s5] =	ssyncset.done $0x0  }
0x232: {  	s0 =	rddreg [dreg:$0x1a];
	[sflag:s5] =	ssyncadd.s32 $0xFFFFFC18  }
0x233: {  	[tilespmem:s3], [sflag:$0x1] =	stream.linear.gather [hbm4b:s0+s3], $0xFA00, $0x38;
	[tilespmem:$0x1A088] =	vst v63  }
0x234: {  	_ =	swait.ge [sflag:s5], $0xFA00  }
0x235: {  	[sflag:s5] =	ssyncset.done $0x0  }
0x236: {  	[sflag:s5] =	ssyncadd.s32 $0xFFFF0600  }
0x237: {  	[spmem:s1] =	stream.indirect.scatter.add.f32 [tilespmem:s3], [sflag:$0x1], $0x40, s10, s11, $0xb8;
	[tilespmem:$0x1A088] =	vst v63  }
0x238: {  	_ =	swait.ge [sflag:s5], $0xFA00  }
0x239: {  	[sflag:s5] =	ssyncset.done $0x0  }
0x23a: {  	[sflag:s5] =	ssyncadd.s32 $0xFFFF0600  }
0x23b: {  	[spmem:s2] =	stream.indirect.scatter.add.f32 [tilespmem:s4], [sflag:$0x1], $0x1, s10, s11, $0xb8;
	[tilespmem:$0x1A088] =	vst v63  }
0x23c: {  	_ =	swait.ge [sflag:s5], $0x3E8  }
0x23d: {  	[sflag:s5] =	ssyncset.done $0x0  }
0x23e: {  	s0 =	rddreg [dreg:$0x1b];
	[sflag:s5] =	ssyncadd.s32 $0xFFFFFC18  }
0x23f: {  	[tilespmem:s10], [sflag:$0x1] =	stream.linear.gather [hbm4b:s0+s3], $0x3E8, $0x38;
	[tilespmem:$0x1A088] =	vst v63  }
0x240: {  	_ =	swait.ge [sflag:s5], $0x3E8  }
0x241: {  	[sflag:s5] =	ssyncset.done $0x0  }
0x242: {  	s0 =	rddreg [dreg:$0x1c];
	[sflag:s5] =	ssyncadd.s32 $0xFFFFFC18  }
0x243: {  	[tilespmem:s3], [sflag:$0x1] =	stream.linear.gather [hbm4b:s0+s3], $0xFA00, $0x38;
	[tilespmem:$0x1A088] =	vst v63  }
0x244: {  	_ =	swait.ge [sflag:s5], $0xFA00  }
0x245: {  	[sflag:s5] =	ssyncset.done $0x0  }
0x246: {  	[sflag:s5] =	ssyncadd.s32 $0xFFFF0600  }
0x247: {  	[spmem:s1] =	stream.indirect.scatter.add.f32 [tilespmem:s3], [sflag:$0x1], $0x40, s10, s11, $0xb8;
	[tilespmem:$0x1A088] =	vst v63  }
0x248: {  	_ =	swait.ge [sflag:s5], $0xFA00  }
0x249: {  	[sflag:s5] =	ssyncset.done $0x0  }
0x24a: {  	[sflag:s5] =	ssyncadd.s32 $0xFFFF0600  }
0x24b: {  	[spmem:s2] =	stream.indirect.scatter.add.f32 [tilespmem:s4], [sflag:$0x1], $0x1, s10, s11, $0xb8;
	[tilespmem:$0x1A088] =	vst v63  }
0x24c: {  	_ =	swait.ge [sflag:s5], $0x3E8  }
0x24d: {  	[sflag:s5] =	ssyncset.done $0x0  }
0x24e: {  	s0 =	rddreg [dreg:$0x1d];
	[sflag:s5] =	ssyncadd.s32 $0xFFFFFC18  }
0x24f: {  	[tilespmem:s10], [sflag:$0x1] =	stream.linear.gather [hbm4b:s0+s3], $0x3E8, $0x38;
	[tilespmem:$0x1A088] =	vst v63  }
0x250: {  	_ =	swait.ge [sflag:s5], $0x3E8  }
0x251: {  	[sflag:s5] =	ssyncset.done $0x0  }
0x252: {  	s0 =	rddreg [dreg:$0x1e];
	[sflag:s5] =	ssyncadd.s32 $0xFFFFFC18  }
0x253: {  	[tilespmem:s3], [sflag:$0x1] =	stream.linear.gather [hbm4b:s0+s3], $0xFA00, $0x38;
	[tilespmem:$0x1A088] =	vst v63  }
0x254: {  	_ =	swait.ge [sflag:s5], $0xFA00  }
0x255: {  	[sflag:s5] =	ssyncset.done $0x0  }
0x256: {  	[sflag:s5] =	ssyncadd.s32 $0xFFFF0600  }
0x257: {  	[spmem:s1] =	stream.indirect.scatter.add.f32 [tilespmem:s3], [sflag:$0x1], $0x40, s10, s11, $0xb8;
	[tilespmem:$0x1A088] =	vst v63  }
0x258: {  	_ =	swait.ge [sflag:s5], $0xFA00  }
0x259: {  	[sflag:s5] =	ssyncset.done $0x0  }
0x25a: {  	[sflag:s5] =	ssyncadd.s32 $0xFFFF0600  }
0x25b: {  	[spmem:s2] =	stream.indirect.scatter.add.f32 [tilespmem:s4], [sflag:$0x1], $0x1, s10, s11, $0xb8;
	[tilespmem:$0x1A088] =	vst v63  }
0x25c: {  	_ =	swait.ge [sflag:s5], $0x3E8  }
0x25d: {  	[sflag:s5] =	ssyncset.done $0x0  }
0x25e: {  	[sflag:s5] =	ssyncadd.s32 $0xFFFFFC18  }
0x25f: {  	[tilespmem:s10], [sflag:$0x1] =	stream.linear.gather [hbm4b:s12+s3], $0x3E8, $0x38;
	[tilespmem:$0x1A088] =	vst v63  }
0x260: {  	_ =	swait.ge [sflag:s5], $0x3E8  }
0x261: {  	[sflag:s5] =	ssyncset.done $0x0  }
0x262: {  	[sflag:s5] =	ssyncadd.s32 $0xFFFFFC18  }
0x263: {  	[tilespmem:s3], [sflag:$0x1] =	stream.linear.gather [hbm4b:s13+s3], $0xFA00, $0x38;
	[tilespmem:$0x1A088] =	vst v63  }
0x264: {  	_ =	swait.ge [sflag:s5], $0xFA00  }
0x265: {  	[sflag:s5] =	ssyncset.done $0x0  }
0x266: {  	[sflag:s5] =	ssyncadd.s32 $0xFFFF0600  }
0x267: {  	[spmem:s1] =	stream.indirect.scatter.add.f32 [tilespmem:s3], [sflag:$0x1], $0x40, s10, s11, $0xb8;
	[tilespmem:$0x1A088] =	vst v63  }
0x268: {  	_ =	swait.ge [sflag:s5], $0xFA00  }
0x269: {  	[sflag:s5] =	ssyncset.done $0x0  }
0x26a: {  	[sflag:s5] =	ssyncadd.s32 $0xFFFF0600  }
0x26b: {  	[spmem:s2] =	stream.indirect.scatter.add.f32 [tilespmem:s4], [sflag:$0x1], $0x1, s10, s11, $0xb8;
	[tilespmem:$0x1A088] =	vst v63  }
0x26c: {  	_ =	swait.ge [sflag:s5], $0x3E8  }
0x26d: {  	[sflag:s5] =	ssyncset.done $0x0  }
0x26e: {  	[sflag:s5] =	ssyncadd.s32 $0xFFFFFC18  }
0x26f: {  	[tilespmem:s10], [sflag:$0x1] =	stream.linear.gather [hbm4b:s14+s3], $0x3E8, $0x38;
	[tilespmem:$0x1A088] =	vst v63  }
0x270: {  	_ =	swait.ge [sflag:s5], $0x3E8  }
0x271: {  	[sflag:s5] =	ssyncset.done $0x0  }
0x272: {  	[sflag:s5] =	ssyncadd.s32 $0xFFFFFC18  }
0x273: {  	[tilespmem:s3], [sflag:$0x1] =	stream.linear.gather [hbm4b:s15+s3], $0xFA00, $0x38;
	[tilespmem:$0x1A088] =	vst v63  }
0x274: {  	_ =	swait.ge [sflag:s5], $0xFA00  }
0x275: {  	[sflag:s5] =	ssyncset.done $0x0  }
0x276: {  	[sflag:s5] =	ssyncadd.s32 $0xFFFF0600  }
0x277: {  	[spmem:s1] =	stream.indirect.scatter.add.f32 [tilespmem:s3], [sflag:$0x1], $0x40, s10, s11, $0xb8;
	[tilespmem:$0x1A088] =	vst v63  }
0x278: {  	_ =	swait.ge [sflag:s5], $0xFA00  }
0x279: {  	[sflag:s5] =	ssyncset.done $0x0  }
0x27a: {  	[sflag:s5] =	ssyncadd.s32 $0xFFFF0600  }
0x27b: {  	[spmem:s2] =	stream.indirect.scatter.add.f32 [tilespmem:s4], [sflag:$0x1], $0x1, s10, s11, $0xb8;
	[tilespmem:$0x1A088] =	vst v63  }
0x27c: {  	_ =	swait.ge [sflag:s5], $0x3E8  }
0x27d: {  	[sflag:s5] =	ssyncset.done $0x0  }
0x27e: {  	[sflag:s5] =	ssyncadd.s32 $0xFFFFFC18  }
0x27f: {  	[tilespmem:s10], [sflag:$0x1] =	stream.linear.gather [hbm4b:s16+s3], $0x3E8, $0x38;
	[tilespmem:$0x1A088] =	vst v63  }
0x280: {  	_ =	swait.ge [sflag:s5], $0x3E8  }
0x281: {  	[sflag:s5] =	ssyncset.done $0x0  }
0x282: {  	[sflag:s5] =	ssyncadd.s32 $0xFFFFFC18  }
0x283: {  	[tilespmem:s3], [sflag:$0x1] =	stream.linear.gather [hbm4b:s17+s3], $0xFA00, $0x38;
	[tilespmem:$0x1A088] =	vst v63  }
0x284: {  	_ =	swait.ge [sflag:s5], $0xFA00  }
0x285: {  	[sflag:s5] =	ssyncset.done $0x0  }
0x286: {  	[sflag:s5] =	ssyncadd.s32 $0xFFFF0600  }
0x287: {  	[spmem:s1] =	stream.indirect.scatter.add.f32 [tilespmem:s3], [sflag:$0x1], $0x40, s10, s11, $0xb8;
	[tilespmem:$0x1A088] =	vst v63  }
0x288: {  	_ =	swait.ge [sflag:s5], $0xFA00  }
0x289: {  	[sflag:s5] =	ssyncset.done $0x0  }
0x28a: {  	[sflag:s5] =	ssyncadd.s32 $0xFFFF0600  }
0x28b: {  	[spmem:s2] =	stream.indirect.scatter.add.f32 [tilespmem:s4], [sflag:$0x1], $0x1, s10, s11, $0xb8;
	[tilespmem:$0x1A088] =	vst v63  }
0x28c: {  	_ =	swait.ge [sflag:s5], $0x3E8  }
0x28d: {  	[sflag:s5] =	ssyncset.done $0x0  }
0x28e: {  	[sflag:s5] =	ssyncadd.s32 $0xFFFFFC18  }
0x28f: {  	[tilespmem:s10], [sflag:$0x1] =	stream.linear.gather [hbm4b:s18+s3], $0x3E8, $0x38;
	[tilespmem:$0x1A088] =	vst v63  }
0x290: {  	_ =	swait.ge [sflag:s5], $0x3E8  }
0x291: {  	[sflag:s5] =	ssyncset.done $0x0  }
0x292: {  	[sflag:s5] =	ssyncadd.s32 $0xFFFFFC18  }
0x293: {  	[tilespmem:s3], [sflag:$0x1] =	stream.linear.gather [hbm4b:s19+s3], $0xFA00, $0x38;
	[tilespmem:$0x1A088] =	vst v63  }
0x294: {  	_ =	swait.ge [sflag:s5], $0xFA00  }
0x295: {  	[sflag:s5] =	ssyncset.done $0x0  }
0x296: {  	[sflag:s5] =	ssyncadd.s32 $0xFFFF0600  }
0x297: {  	[spmem:s1] =	stream.indirect.scatter.add.f32 [tilespmem:s3], [sflag:$0x1], $0x40, s10, s11, $0xb8;
	[tilespmem:$0x1A088] =	vst v63  }
0x298: {  	_ =	swait.ge [sflag:s5], $0xFA00  }
0x299: {  	[sflag:s5] =	ssyncset.done $0x0  }
0x29a: {  	[sflag:s5] =	ssyncadd.s32 $0xFFFF0600  }
0x29b: {  	[spmem:s2] =	stream.indirect.scatter.add.f32 [tilespmem:s4], [sflag:$0x1], $0x1, s10, s11, $0xb8;
	[tilespmem:$0x1A088] =	vst v63  }
0x29c: {  	_ =	swait.ge [sflag:s5], $0x3E8  }
0x29d: {  	[sflag:s5] =	ssyncset.done $0x0  }
0x29e: {  	[sflag:s5] =	ssyncadd.s32 $0xFFFFFC18  }
0x29f: {  	[tilespmem:s10], [sflag:$0x1] =	stream.linear.gather [hbm4b:s20+s3], $0x3E8, $0x38;
	[tilespmem:$0x1A088] =	vst v63  }
0x2a0: {  	_ =	swait.ge [sflag:s5], $0x3E8  }
0x2a1: {  	[sflag:s5] =	ssyncset.done $0x0  }
0x2a2: {  	[sflag:s5] =	ssyncadd.s32 $0xFFFFFC18  }
0x2a3: {  	[tilespmem:s3], [sflag:$0x1] =	stream.linear.gather [hbm4b:s21+s3], $0xFA00, $0x38;
	[tilespmem:$0x1A088] =	vst v63  }
0x2a4: {  	_ =	swait.ge [sflag:s5], $0xFA00  }
0x2a5: {  	[sflag:s5] =	ssyncset.done $0x0  }
0x2a6: {  	[sflag:s5] =	ssyncadd.s32 $0xFFFF0600  }
0x2a7: {  	[spmem:s1] =	stream.indirect.scatter.add.f32 [tilespmem:s3], [sflag:$0x1], $0x40, s10, s11, $0xb8;
	[tilespmem:$0x1A088] =	vst v63  }
0x2a8: {  	_ =	swait.ge [sflag:s5], $0xFA00  }
0x2a9: {  	[sflag:s5] =	ssyncset.done $0x0  }
0x2aa: {  	[sflag:s5] =	ssyncadd.s32 $0xFFFF0600  }
0x2ab: {  	[spmem:s2] =	stream.indirect.scatter.add.f32 [tilespmem:s4], [sflag:$0x1], $0x1, s10, s11, $0xb8;
	[tilespmem:$0x1A088] =	vst v63  }
0x2ac: {  	_ =	swait.ge [sflag:s5], $0x3E8  }
0x2ad: {  	[sflag:s5] =	ssyncset.done $0x0  }
0x2ae: {  	[sflag:s5] =	ssyncadd.s32 $0xFFFFFC18  }
0x2af: {  	[tilespmem:s10], [sflag:$0x1] =	stream.linear.gather [hbm4b:s22+s3], $0x3E8, $0x38;
	[tilespmem:$0x1A088] =	vst v63  }
0x2b0: {  	_ =	swait.ge [sflag:s5], $0x3E8  }
0x2b1: {  	[sflag:s5] =	ssyncset.done $0x0  }
0x2b2: {  	[sflag:s5] =	ssyncadd.s32 $0xFFFFFC18  }
0x2b3: {  	[tilespmem:s3], [sflag:$0x1] =	stream.linear.gather [hbm4b:s23+s3], $0xFA00, $0x38;
	[tilespmem:$0x1A088] =	vst v63  }
0x2b4: {  	_ =	swait.ge [sflag:s5], $0xFA00  }
0x2b5: {  	[sflag:s5] =	ssyncset.done $0x0  }
0x2b6: {  	[sflag:s5] =	ssyncadd.s32 $0xFFFF0600  }
0x2b7: {  	[spmem:s1] =	stream.indirect.scatter.add.f32 [tilespmem:s3], [sflag:$0x1], $0x40, s10, s11, $0xb8;
	[tilespmem:$0x1A088] =	vst v63  }
0x2b8: {  	_ =	swait.ge [sflag:s5], $0xFA00  }
0x2b9: {  	[sflag:s5] =	ssyncset.done $0x0  }
0x2ba: {  	[sflag:s5] =	ssyncadd.s32 $0xFFFF0600  }
0x2bb: {  	[spmem:s2] =	stream.indirect.scatter.add.f32 [tilespmem:s4], [sflag:$0x1], $0x1, s10, s11, $0xb8;
	[tilespmem:$0x1A088] =	vst v63  }
0x2bc: {  	_ =	swait.ge [sflag:s5], $0x3E8  }
0x2bd: {  	[sflag:s5] =	ssyncset.done $0x0  }
0x2be: {  	[sflag:s5] =	ssyncadd.s32 $0xFFFFFC18  }
0x2bf: {  	[tilespmem:s10], [sflag:$0x1] =	stream.linear.gather [hbm4b:s24+s3], $0x3E8, $0x38;
	[tilespmem:$0x1A088] =	vst v63  }
0x2c0: {  	_ =	swait.ge [sflag:s5], $0x3E8  }
0x2c1: {  	[sflag:s5] =	ssyncset.done $0x0  }
0x2c2: {  	[sflag:s5] =	ssyncadd.s32 $0xFFFFFC18  }
0x2c3: {  	[tilespmem:s3], [sflag:$0x1] =	stream.linear.gather [hbm4b:s25+s3], $0xFA00, $0x38;
	[tilespmem:$0x1A088] =	vst v63  }
0x2c4: {  	_ =	swait.ge [sflag:s5], $0xFA00  }
0x2c5: {  	[sflag:s5] =	ssyncset.done $0x0  }
0x2c6: {  	[sflag:s5] =	ssyncadd.s32 $0xFFFF0600  }
0x2c7: {  	[spmem:s1] =	stream.indirect.scatter.add.f32 [tilespmem:s3], [sflag:$0x1], $0x40, s10, s11, $0xb8;
	[tilespmem:$0x1A088] =	vst v63  }
0x2c8: {  	_ =	swait.ge [sflag:s5], $0xFA00  }
0x2c9: {  	[sflag:s5] =	ssyncset.done $0x0  }
0x2ca: {  	[sflag:s5] =	ssyncadd.s32 $0xFFFF0600  }
0x2cb: {  	[spmem:s2] =	stream.indirect.scatter.add.f32 [tilespmem:s4], [sflag:$0x1], $0x1, s10, s11, $0xb8;
	[tilespmem:$0x1A088] =	vst v63  }
0x2cc: {  	_ =	swait.ge [sflag:s5], $0x3E8  }
0x2cd: {  	[sflag:s5] =	ssyncset.done $0x0  }
0x2ce: {  	[sflag:s5] =	ssyncadd.s32 $0xFFFFFC18  }
0x2cf: {  	[tilespmem:s10], [sflag:$0x1] =	stream.linear.gather [hbm4b:s26+s3], $0x3E8, $0x38;
	[tilespmem:$0x1A088] =	vst v63  }
0x2d0: {  	_ =	swait.ge [sflag:s5], $0x3E8  }
0x2d1: {  	[sflag:s5] =	ssyncset.done $0x0  }
0x2d2: {  	[sflag:s5] =	ssyncadd.s32 $0xFFFFFC18  }
0x2d3: {  	[tilespmem:s3], [sflag:$0x1] =	stream.linear.gather [hbm4b:s28+s3], $0xFA00, $0x38;
	[tilespmem:$0x1A088] =	vst v63  }
0x2d4: {  	_ =	swait.ge [sflag:s5], $0xFA00  }
0x2d5: {  	[sflag:s5] =	ssyncset.done $0x0  }
0x2d6: {  	[sflag:s5] =	ssyncadd.s32 $0xFFFF0600  }
0x2d7: {  	[spmem:s1] =	stream.indirect.scatter.add.f32 [tilespmem:s3], [sflag:$0x1], $0x40, s10, s11, $0xb8;
	[tilespmem:$0x1A088] =	vst v63  }
0x2d8: {  	_ =	swait.ge [sflag:s5], $0xFA00  }
0x2d9: {  	[sflag:s5] =	ssyncset.done $0x0  }
0x2da: {  	[sflag:s5] =	ssyncadd.s32 $0xFFFF0600  }
0x2db: {  	[spmem:s2] =	stream.indirect.scatter.add.f32 [tilespmem:s4], [sflag:$0x1], $0x1, s10, s11, $0xb8;
	[tilespmem:$0x1A088] =	vst v63  }
0x2dc: {  	_ =	swait.ge [sflag:s5], $0x3E8  }
0x2dd: {  	[sflag:s5] =	ssyncset.done $0x0  }
0x2de: {  	s31 =	sadd.s32 $0xFFFFFFFF, s31;
	[sflag:s5] =	ssyncadd.s32 $0xFFFFFC18  }
0x2df: {  	p1 =	sne.s32 s31, $0x0;
	[bflag:$0x0] =	sbarrier.arrive $0xFFFF  }
0x2e0: {  	[hbm:s29], [sflag:s8] =	dma.local @!p0 [spmem:s7], $0x13880  }
.Ltmp1:
0x2e1: {  	_ =	swait.ge @!p0 [sflag:s6], $0x13880;
	(pc) =	sbr.rel @p1 .LBB2_1-.Ltmp1, $4  }
0x2e2: {  	[sflag:s6] =	ssyncset.done @!p0 $0x0  }
0x2e3: {  	[sflag:s6] =	ssyncadd.s32 @!p0 $0xFFFEC780  }
0x2e4: {  	[hbm:s30], [sflag:s8] =	dma.local @!p0 [spmem:s9], $0x4E2  }
0x2e5: {  	_ =	swait.ge @!p0 [sflag:s6], $0x4E2  }
.LBB2_2:
0x2e6: {  	[sflag:s6] =	ssyncset.done @!p0 $0x0  }
0x2e7: {  	[sflag:s6] =	ssyncadd.s32 @!p0 $0xFFFFFB1E  }
0x2e8: {  	_ =	sfence.sel $0x180000  }
0x2e9: {  	[bflag:$0x0] =	sbarrier.arrive $0xFFFF  }
0x2ea: {  	_ =	strace $0x9000004A  }
0x2eb: {  	[bflag:$0x2] =	sbarrier.arrive $0xFFFF  }
0x2ec: {  	s0 =	rddreg [dreg:$0x3]  }
0x2ed: {  	s0 =	sadd.s32 @!p0 $0x100000, s0  }
0x2ee: {  	[sflag:s0] =	ssyncadd.tile.s32 @!p0 $0x1;
	_ =	shalt  }
.Lfunc_end2:
_tile_overlayer_lowered:
.L_overlay_start_2:
0x2ef: {  	(tag) =	ssettag $0x2  }
0x2f0: {  	s0 =	rddreg [dreg:$0x0];
	s2 =	stileid.u32  }
0x2f1: {  	s1 =	rddreg [dreg:$0x1];
	p0 =	sne.s32 s2, $0x0  }
0x2f2: {  	s3 =	rddreg [dreg:$0x2];
	[bflag:$0x3] =	sbarrier.arrive $0xFFFF;
	s2 =	simm.s32 @!p0 $0x1C01  }
0x2f3: {  	[timem:s3], [sflag:s2] =	dma.local @!p0 [hbm:s0], s1  }
0x2f4: {  	s0 =	simm.s32 @!p0 $0x1  }
0x2f5: {  	_ =	swait.ge @!p0 [sflag:s0], s1  }
0x2f6: {  	s1 =	ssub.s32 @!p0 $0x0, s1;
	[sflag:s0] =	ssyncset.done @!p0 $0x0  }
0x2f7: {  	[sflag:s0] =	ssyncadd.s32 @!p0 s1  }
0x2f8: {  	[bflag:$0x3] =	sbarrier.arrive $0xFFFF  }
0x2f9: {  	_ =	shalt  }

// kernel: kernel.9.cloned.1.call-start
scs
__scs_entry_jumppad:
0x0: {  	(pc) =	sbr.rel $0x88, $3  }
0x1: {  	(tag) =	ssettag $0x0;
	lr =	simm.s32 $0x1  }
0x2: {  	[smem:$0x3F95] =	sst lr;
	_ =	strace $0xD0000000  }
0x3: {  	_ = 	snop  }
0x4: {  	_ = 	snop  }
0x5: {  	_ = 	snop  }
0x6: {  	_ = 	snop  }
0x7: {  	_ = 	snop  }
__scs_overlays_trampoline_lowered:
0x8: {  	[smem:$0x3FA4] =	sst s0  }
0x9: {  	[smem:$0x3FA5] =	sst s1  }
0xa: {  	[smem:$0x3FA6] =	sst s2  }
0xb: {  	[smem:$0x3FA7] =	sst s3  }
0xc: {  	[smem:$0x3FA8] =	sst s4  }
0xd: {  	[smem:$0x3FA9] =	sst s5  }
0xe: {  	[smem:$0x3FAA] =	sst s6  }
0xf: {  	[smem:$0x3FAB] =	sst s7  }
0x10: {  	[smem:$0x3FAC] =	sst s8  }
0x11: {  	[smem:$0x3FAD] =	sst s9;
	s0 =	simm.s32 @!p0 $0x0  }
0x12: {  	s1 =	sld [smem:$0x3F93];
	s0 =	simm.s32 @p0 $0x1  }
0x13: {  	[smem:$0x3FAE] =	sst s0;
	s0 =	simm.s32 @!p1 $0x0  }
0x14: {  	s2 =	sld [smem:$0x3F92];
	s0 =	simm.s32 @p1 $0x1  }
0x15: {  	[smem:$0x3FAF] =	sst s0;
	s0 =	simm.s32 @!p2 $0x0  }
0x16: {  	s3 =	sld [smem:$0x3FDB];
	s0 =	simm.s32 @p2 $0x1  }
0x17: {  	s4 =	simm.s32 $0x1BF5;
	[smem:$0x3FB1] =	sst s0  }
0x18: {  	s0 =	sld [smem:$0x3F94];
	_ =	swait.ge [sflag:s4], $0x0  }
0x19: {  	s7 =	sld [smem:$0x3F95]  }
0x1a: {  	s8 =	sadd.s32 $0xFFFFE003, lr  }
0x1b: {  	s9 =	sadd.s32 $0xFFFFFEF7, lr;
	s5 =	simm.s32 $0xFFFFFFFF;
	p2 =	slt.u32 s8, $0xFFFFF086  }
0x1c: {  	p1 =	slt.u32 s9, $0xF7A;
	s5 =	simm.s32 @!p2 $0x0  }
0x1d: {  	s5 =	simm.s32 @p1 $0x1;
	p0 =	seq.s32 s7, s2  }
0x1e: {  	s7 =	smul.u32 @!p0 $0xF7A, s2;
	p2 =	seq.s32 @!p0 s5, $0x0  }
0x1f: {  	s9 =	smul.u32 $0xF7A, s1;
	s8 =	simm.s32 @!p0 $0x1BF5;
	p2 =	por !p2, p0  }
0x20: {  	[sflag:s8] =	ssyncset.s32 @!p0 $0xFFFFF086;
	s6 =	sadd.s32 @!p0 s3, s7;
	s7 =	simm.s32 @!p0 $0x108  }
0x21: {  	s3 =	sadd.s32 s3, s9;
	s6 =	sadd.s32 @!p0 $0x88, s6;
	s7 =	simm.s32 @p2 $0x1082  }
0x22: {  	[simem:s7], [sflag:s8] =	dma.local @!p0 [hbm:s6], $0xF7A  }
0x23: {  	s9 =	sor.u32 $0xD0000000, s2;
	s6 =	simm.s32 $0x108;
	_ =	swait.ge @!p0 [sflag:s8], $0x0  }
0x24: {  	s3 =	sadd.s32 $0x88, s3;
	s6 =	simm.s32 @!p1 $0x1082;
	[sflag:s4] =	ssyncset.s32 $0xFFFFF086  }
0x25: {  	[simem:s6], [sflag:s4] =	dma.local [hbm:s3], $0xF7A  }
0x26: {  	[smem:$0x3F95] =	sst s1;
	(tag) =	ssettag s2;
	_ =	strace s9  }
0x27: {  	s1 =	sld [smem:$0x3FA5]  }
0x28: {  	s2 =	sld [smem:$0x3FA6]  }
0x29: {  	s4 =	sld [smem:$0x3FA8]  }
0x2a: {  	p0 =	seq.s32 s5, $0x0;
	s5 =	sld [smem:$0x3FA9]  }
0x2b: {  	s6 =	sld [smem:$0x3FAA]  }
0x2c: {  	s7 =	sld [smem:$0x3FAB]  }
0x2d: {  	s3 =	simm.s32 $0x108;
	s8 =	sld [smem:$0x3FAC]  }
0x2e: {  	s3 =	simm.s32 @!p0 $0x1082;
	s9 =	sld [smem:$0x3FAD]  }
0x2f: {  	lr =	sadd.s32 s0, s3;
	s0 =	sld [smem:$0x3FA4]  }
0x30: {  	s3 =	sld [smem:$0x3FA7]  }
0x31: {  	[smem:$0x3FB0] =	sst s10  }
0x32: {  	s10 =	sld [smem:$0x3FAE];
	_ =	sdelay $0x3  }
0x33: {  	p0 =	seq.s32 s10, $0x1;
	s10 =	sld [smem:$0x3FB0];
	_ =	sdelay $0x3  }
0x34: {  	[smem:$0x3FB0] =	sst s10  }
0x35: {  	s10 =	sld [smem:$0x3FAF];
	_ =	sdelay $0x3  }
0x36: {  	p1 =	seq.s32 s10, $0x1;
	s10 =	sld [smem:$0x3FB0];
	_ =	sdelay $0x3  }
0x37: {  	[smem:$0x3FB0] =	sst s10  }
0x38: {  	s10 =	sld [smem:$0x3FB1]  }
0x39: {  	_ = 	snop;
	(pc) =	sbr.ind lr, $3  }
0x3a: {  	_ = 	snop  }
0x3b: {  	_ = 	snop  }
0x3c: {  	p2 =	seq.s32 s10, $0x1;
	s10 =	sld [smem:$0x3FB0]  }
0x3d: {  	_ =	shalt  }
0x3e: {  	_ =	shalt  }
0x3f: {  	_ =	shalt  }
0x40: {  	_ =	shalt  }
0x41: {  	_ =	shalt  }
0x42: {  	_ =	shalt  }
0x43: {  	_ =	shalt  }
0x44: {  	_ =	shalt  }
0x45: {  	_ =	shalt  }
0x46: {  	_ =	shalt  }
0x47: {  	_ =	shalt  }
0x48: {  	_ =	shalt  }
0x49: {  	_ =	shalt  }
0x4a: {  	_ =	shalt  }
0x4b: {  	_ =	shalt  }
0x4c: {  	_ =	shalt  }
0x4d: {  	_ =	shalt  }
0x4e: {  	_ =	shalt  }
0x4f: {  	_ =	shalt  }
0x50: {  	_ =	shalt  }
0x51: {  	_ =	shalt  }
0x52: {  	_ =	shalt  }
0x53: {  	_ =	shalt  }
0x54: {  	_ =	shalt  }
0x55: {  	_ =	shalt  }
0x56: {  	_ =	shalt  }
0x57: {  	_ =	shalt  }
0x58: {  	_ =	shalt  }
0x59: {  	_ =	shalt  }
0x5a: {  	_ =	shalt  }
0x5b: {  	_ =	shalt  }
0x5c: {  	_ =	shalt  }
0x5d: {  	_ =	shalt  }
0x5e: {  	_ =	shalt  }
0x5f: {  	_ =	shalt  }
0x60: {  	_ =	shalt  }
0x61: {  	_ =	shalt  }
0x62: {  	_ =	shalt  }
0x63: {  	_ =	shalt  }
0x64: {  	_ =	shalt  }
0x65: {  	_ =	shalt  }
0x66: {  	_ =	shalt  }
0x67: {  	_ =	shalt  }
0x68: {  	_ =	shalt  }
0x69: {  	_ =	shalt  }
0x6a: {  	_ =	shalt  }
0x6b: {  	_ =	shalt  }
0x6c: {  	_ =	shalt  }
0x6d: {  	_ =	shalt  }
0x6e: {  	_ =	shalt  }
0x6f: {  	_ =	shalt  }
0x70: {  	_ =	shalt  }
0x71: {  	_ =	shalt  }
0x72: {  	_ =	shalt  }
0x73: {  	_ =	shalt  }
0x74: {  	_ =	shalt  }
0x75: {  	_ =	shalt  }
0x76: {  	_ =	shalt  }
0x77: {  	_ =	shalt  }
0x78: {  	_ =	shalt  }
0x79: {  	_ =	shalt  }
0x7a: {  	_ =	shalt  }
0x7b: {  	_ =	shalt  }
0x7c: {  	_ =	shalt  }
0x7d: {  	_ =	shalt  }
0x7e: {  	_ =	shalt  }
0x7f: {  	_ =	shalt  }
0x80: {  	_ =	shalt  }
0x81: {  	_ =	shalt  }
0x82: {  	_ =	shalt  }
0x83: {  	_ =	shalt  }
0x84: {  	_ =	shalt  }
0x85: {  	_ =	shalt  }
0x86: {  	_ =	shalt  }
0x87: {  	_ =	shalt  }
.Lfunc_end0:
.L_simem_size_0:
called_computation.2_lowered:
.L_overlay_start_0:
0x88: {  	s2 =	sld [smem:$0x3FD9]  }
0x89: {  	s3 =	sld [smem:$0x3FFE];
	_ =	sdelay $0x1  }
0x8a: {  	s1 =	srdreg.scid  }
0x8b: {  	s0 =	sand.u32 $0x1, s1  }
0x8c: {  	s17 =	sshll.u32 s0, $0xA;
	s2 =	sadd.s32 s3, s2  }
0x8d: {  	s2 =	sadd.s32 s2, s17  }
0x8e: {  	[smem:$0x3FBC] =	sst s2  }
0x8f: {  	_ = 	snop  }
0x90: {  	s2 =	sld [smem:$0x3FD0];
	(tm) =	ssettm $0x1  }
0x91: {  	s18 =	sld [smem:$0x3FFB];
	_ =	sdelay $0x3  }
0x92: {  	_ =	strace s18  }
0x93: {  	s3 =	sld [smem:$0x3FFC];
	_ =	sdelay $0x3  }
0x94: {  	_ =	strace s3  }
0x95: {  	s3 =	sld [smem:$0x3FFD];
	_ =	sdelay $0x3  }
0x96: {  	_ =	strace s3  }
0x97: {  	_ =	strace $0x8FFFFFFF  }
0x98: {  	s19 =	sld [smem:$0x3FDB];
	_ =	sdelay $0x1  }
0x99: {  	s4 =	simm.s32 $_scs_section_size  }
0x9a: {  	s5 =	simm.s32 $_size__tile_overlayer_lowered;
	s6 =	simm.s32 $_tile_overlayer_lowered  }
0x9b: {  	s22 =	simm.s32 $0x1BFF;
	s21 =	sshll.u32 s6, $0x1;
	s3 =	sadd.s32 s4, s19  }
0x9c: {  	s7 =	simm.s32 $0x0;
	s20 =	sshll.u32 s5, $0x1;
	s5 =	sadd.s32 s21, s3  }
0x9d: {  	[timem:s7], [sflag:s22] =	dma.local [hbm:s5], s20  }
0x9e: {  	_ =	swait.ge [sflag:s22], s20  }
0x9f: {  	s4 =	ssub.s32 $0x0, s20;
	[sflag:s22] =	ssyncset.done $0x0  }
0xa0: {  	[sflag:s22] =	ssyncadd.s32 s4;
	_ =	sdelay $0x1  }
0xa1: {  	s23 =	simm.s32 $0x1B8B  }
0xa2: {  	_ =	swait.ge [sflag:s23], $0x1  }
0xa3: {  	[sflag:s23] =	ssyncset.done $0x0  }
0xa4: {  	s25 =	simm.s32 $0x1B8E;
	s24 =	sld [smem:$0x3FFE];
	[sflag:s23] =	ssyncadd.s32 $0xFFFFFFFF  }
0xa5: {  	s26 =	simm.s32 $execute0_lowered;
	[smem:$0x3FD2] =	sst s25  }
0xa6: {  	s5 =	sshll.u32 s26, $0x1;
	_ =	strace $0x8000004C;
	[dreg:$0x1] =	wrdreg $0xFFFFFFFF  }
0xa7: {  	s28 =	simm.s32 $_size_execute0_lowered;
	s3 =	sadd.s32 s3, s5;
	[dreg:$0x0] =	wrdreg $0x0  }
0xa8: {  	s5 =	sshll.u32 s28, $0x1;
	[dreg:$0x2] =	wrdreg s3  }
0xa9: {  	[dreg:$0x3] =	wrdreg s5  }
0xaa: {  	[dreg:$0x4] =	wrdreg $0xC0  }
0xab: {  	_ =	task [dreg:s7], $0x5FFFF  }
0xac: {  	[dreg:$0x1] =	wrdreg $0xFFFFFFFF  }
0xad: {  	[dreg:$0x0] =	wrdreg $0x60  }
0xae: {  	[dreg:$0x2] =	wrdreg s24  }
0xaf: {  	[dreg:$0x3] =	wrdreg s2  }
0xb0: {  	[dreg:$0x4] =	wrdreg $0x9  }
0xb1: {  	_ =	task.clear_ibuf [dreg:s7], $0x5FFFF;
	_ =	strace $0x9000004C  }
0xb2: {  	s29 =	simm.s32 $0x9;
	_ =	strace $0x8000004E  }
0xb3: {  	_ =	swait.ge [sflag:s29], $0x1  }
0xb4: {  	[sflag:s29] =	ssyncadd.s32 $0xFFFFFFFF  }
0xb5: {  	_ =	strace $0x9000004E  }
0xb6: {  	_ =	sfence  }
0xb7: {  	s30 =	sld [smem:$0x0];
	_ =	sdelay $0x2  }
0xb8: {  	s31 =	sshll.u32 s1, $0xD;
	s1 =	sshrl.u32 s1, $0x2  }
0xb9: {  	s3 =	sand.u32 $0x4000, s31;
	s1 =	sadd.s32 s1, s30  }
0xba: {  	s0 =	sor.u32 s3, s0;
	s1 =	sshll.u32 s1, $0x11  }
0xbb: {  	s0 =	sor.u32 s1, s0  }
0xbc: {  	s0 =	sadd.s32 $0x8F2B, s0  }
0xbd: {  	[sflag:s0] =	ssyncadd.remote.s32 $0x1  }
0xbe: {  	_ =	sfence.sel $0xFFFF  }
0xbf: {  	[dreg:$0x0] =	wrdreg $0xFFFFFFFF;
	(pc) =	sbr.abs _section_cstart, $3  }
0xc0: {  	[dreg:$0x1] =	wrdreg $0xFFFFFFFF  }
0xc1: {  	_ =	task.clear_ibuf [dreg:s7], $0x2FFFF;
	_ =	strace $0x9FFFFFFF  }
0xc2: {  	(tm) =	ssettm $0x7FFFFFFF  }
0xc3: {  	_ =	shalt  }
tec
execute0_lowered:
.L_overlay_start_1:
0x0: {  	(tag) =	ssettag $0x1  }
0x1: {  	s6 =	rddreg [dreg:$0x0]  }
0x2: {  	s10 =	rddreg [dreg:$0x1];
	s1 =	simm.s32 $0x0  }
0x3: {  	[smem:$0x7FF] =	sst s1  }
0x4: {  	s0 =	rddreg [dreg:$0x2];
	v2 =	vimm.f32 $1.000000000e+00;
	_ =	strace $0x8000004D  }
0x5: {  	(xrf0) =	vmax.scan.msk.f32 $0xffff, v2;
	_ =	sdelay $0x5  }
0x6: {  	v0, _, _ =	vpop (xrf0)  }
0x7: {  	(v2sf) =	vpush v0, $0xF;
	_ =	sdelay $0x2  }
0x8: {  	s4 =	srdreg.scid;
	s2 =	stileid.u32  }
0x9: {  	s16 =	simm.s32 $0x1;
	s17 =	simm.s32 $0x2800;
	s18 =	simm.s32 $0x2A80  }
0xa: {  	s19 =	simm.s32 $0x280;
	s20 =	simm.s32 $0x4E200;
	s21 =	simm.s32 $0x1400  }
0xb: {  	s3 =	sadd.s32 $0x3C00, s6;
	s5 =	sand.u32 $0x1, s4;
	s8 =	sand.u32 $0x7, s2  }
0xc: {  	s7 =	sshrl.u32 s2, $0x3;
	s12 =	sadd.s32 $0xF20800, s6;
	s9 =	smul.u32 $0x2710, s8  }
0xd: {  	s4 =	sshll.u32 s5, $0x1;
	s11 =	ssub.s32 $0x2, s5;
	s15 =	smul.u32 $0x13880, s8  }
0xe: {  	s5 =	sadd.s32 $0xEBD600, s6;
	s8 =	smul.u32 $0x271000, s8;
	s7 =	sor.u32 s7, s4  }
0xf: {  	s4 =	sadd.s32 $0x4E5C00, s6;
	s14 =	sshrl.u32 s11, $0x1;
	s13 =	smul.u32 $0x9C400, s7;
	v0 =	vimm.s32 $0xEDCBA987  }
0x10: {  	v1 =	vimm.s32 $0x65432100;
	s6 =	sadd.s32 $0xF47A00, s6;
	s14 =	ssub.s32 s11, s14;
	s7 =	smul.u32 $0x13880, s7;
	v0 =	vunpack.c.l.s4.s8 v0  }
.Ltmp0:
0x11: {  	v1 =	vunpack.c.l.s4.s8 v1;
	s9 =	sadd.s32 s12, s9;
	s31 =	sshrl.u32 s15, $0x3;
	(pc) =	sbr.rel .LBB2_1-.Ltmp0, $4  }
0x12: {  	s12 =	sadd.s32 s12, s31;
	s14 =	smax.u32 s14, $0x1;
	s30 =	sadd.s32 s15, s13;
	v0 =	vunpack.c.0.s8.s32 v0  }
0x13: {  	v3 =	vlaneseq.u32;
	vm0 =	vcmask $0x300;
	v1 =	vunpack.c.0.s8.s32 v1;
	s12 =	sadd.s32 $0x13880, s12;
	s15 =	simm.s32 $0x2D00;
	s11 =	sshrl.u32 s30, $0x3  }
0x14: {  	v2 =	vsel vm0, $0x0, v2;
	vm0 =	vmmov $0xffff;
	s10 =	sadd.s32 s10, s11;
	s11 =	sadd.s32 $0x1388000, s8;
	v4 =	vand.u32 $0xF, v0;
	s22 =	spop (v2sf)  }
0x15: {  	s13 =	sadd.s32 $0x4E200, s10;
	v0 =	vmul.u32 $0x8, v3;
	v3 =	vimm.f32 $0.0e+00;
	v1 =	vcombine.low v1, v4;
	p0 =	sgt.f32 s22, $0.0e+00;
	s22 =	simm.s32 $0x0  }
.LBB2_19:
0x16: {  	s22 =	sadd.s32 $0x1, s22  }
0x17: {  	p1 =	sne.s32 s22, s14  }
.Ltmp1:
0x18: {  	_ = 	snop;
	(pc) =	sbr.rel @!p1 .LBB2_20-.Ltmp1, $4  }
0x19: {  	[hbm4b:s13+s1] =	stream.linear.scatter [tilespmem:s15], [sflag:$0x1], $0x13880, $0x38;
	[tilespmem:$0x16580] =	vst v63  }
0x1a: {  	_ =	swait.ge [sflag:s16], $0x13880  }
0x1b: {  	[sflag:s16] =	ssyncset.done $0x0  }
0x1c: {  	[sflag:s16] =	ssyncadd.s32 $0xFFFEC780  }
.LBB2_1:
.Ltmp2:
0x1d: {  	(pc) =	sbr.rel .LBB2_2-.Ltmp2, $4  }
0x1e: {  	[tilespmem:s15], [sflag:$0x1] =	stream.linear.gather [hbm4b:s6+s1], $0x13880, $0x38;
	[tilespmem:$0x16580] =	vst v63  }
0x1f: {  	_ =	swait.ge [sflag:s16], $0x13880  }
0x20: {  	[sflag:s16] =	ssyncset.done $0x0  }
0x21: {  	s23 =	simm.s32 $0x0;
	[sflag:s16] =	ssyncadd.s32 $0xFFFEC780  }
.LBB2_9:
0x22: {  	s23 =	sadd.s32 $0x1, s23  }
0x23: {  	p1 =	sne.s32 s23, $0x7D  }
.Ltmp3:
0x24: {  	_ = 	snop;
	(pc) =	sbr.rel @!p1 .LBB2_10-.Ltmp3, $1  }
0x25: {  	_ =	sdelay $0x3  }
.LBB2_2:
0x26: {  	s24 =	smul.u32 $0x280, s23;
	_ =	sdelay $0x1  }
0x27: {  	s25 =	sadd.s32 s7, s24  }
0x28: {  	s26 =	sshrl.u32 s25, $0x3  }
0x29: {  	s24 =	simm.s32 $0x0;
	s28 =	sadd.s32 s4, s26  }
0x2a: {  	[tilespmem:s17], [sflag:$0x1] =	stream.linear.gather [hbm4b:s28+s24], $0x280, $0x38;
	[tilespmem:$0x16580] =	vst v63  }
0x2b: {  	_ =	swait.ge [sflag:s16], $0x280  }
0x2c: {  	[sflag:s16] =	ssyncset.done $0x0  }
0x2d: {  	s26 =	sadd.s32 s5, s26;
	[sflag:s16] =	ssyncadd.s32 $0xFFFFFD80  }
0x2e: {  	[tilespmem:s18], [sflag:$0x1] =	stream.linear.gather [hbm4b:s26+s24], $0x280, $0x38;
	[tilespmem:$0x16580] =	vst v63  }
0x2f: {  	s25 =	sadd.s32 s8, s25;
	_ =	swait.ge [sflag:s16], $0x280  }
0x30: {  	s25 =	sshrl.u32 s25, $0x3;
	[sflag:s16] =	ssyncset.done $0x0  }
0x31: {  	s25 =	sadd.s32 s3, s25;
	[sflag:s16] =	ssyncadd.s32 $0xFFFFFD80  }
0x32: {  	[tilespmem:s24], [sflag:$0x1] =	stream.strided.gather [hbm4b:s25+s19], $0x1400, s20, s19, $0x38;
	[tilespmem:$0x16580] =	vst v63  }
0x33: {  	_ =	swait.ge [sflag:s16], $0x1400  }
0x34: {  	[sflag:s16] =	ssyncset.done $0x0  }
.Ltmp4:
0x35: {  	[sflag:s16] =	ssyncadd.s32 $0xFFFFEC00;
	(pc) =	sbr.rel .LBB2_3-.Ltmp4, $4  }
0x36: {  	[tilespmem:s21], [sflag:$0x1] =	stream.indirect.gather [hbm4b:s9+s19], $0x8, s17, s19, $0xb8;
	[tilespmem:$0x16580] =	vst v63  }
0x37: {  	_ =	swait.ge [sflag:s16], $0x1400  }
0x38: {  	[sflag:s16] =	ssyncset.done $0x0  }
0x39: {  	[sflag:s16] =	ssyncadd.s32 $0xFFFFEC00  }
.LBB2_7:
0x3a: {  	v12 =	vshll.u32 v12, $0x7  }
0x3b: {  	v12 =	vor.u32 v13, v12;
	_ =	sdelay $0x4  }
0x3c: {  	v13 =	vld.idx.msk [tilespmem:v12+s15+$0x0], $0xffff;
	_ =	sdelay $0x1  }
0x3d: {  	v14 =	vor.u32 $0x1, v12;
	_ =	sdelay $0x2  }
0x3e: {  	v11 =	vmax.f32 v13, v11  }
0x3f: {  	[tilespmem:v12+s15+$0x0] =	vst.idx.msk $0xffff, v11  }
0x40: {  	v11 =	vld.idx.msk [tilespmem:v14+s15+$0x0], $0xffff;
	_ =	sdelay $0x1  }
0x41: {  	v58 =	vor.u32 $0x2, v12;
	_ =	sdelay $0x2  }
0x42: {  	v10 =	vmax.f32 v11, v10  }
0x43: {  	[tilespmem:v14+s15+$0x0] =	vst.idx.msk $0xffff, v10  }
0x44: {  	v10 =	vld.idx.msk [tilespmem:v58+s15+$0x0], $0xffff;
	_ =	sdelay $0x1  }
0x45: {  	v59 =	vor.u32 $0x3, v12;
	_ =	sdelay $0x2  }
0x46: {  	v9 =	vmax.f32 v10, v9  }
0x47: {  	[tilespmem:v58+s15+$0x0] =	vst.idx.msk $0xffff, v9  }
0x48: {  	v9 =	vld.idx.msk [tilespmem:v59+s15+$0x0], $0xffff;
	_ =	sdelay $0x1  }
0x49: {  	v60 =	vor.u32 $0x4, v12;
	_ =	sdelay $0x2  }
0x4a: {  	v8 =	vmax.f32 v9, v8  }
0x4b: {  	[tilespmem:v59+s15+$0x0] =	vst.idx.msk $0xffff, v8  }
0x4c: {  	v8 =	vld.idx.msk [tilespmem:v60+s15+$0x0], $0xffff;
	_ =	sdelay $0x1  }
0x4d: {  	v61 =	vor.u32 $0x5, v12;
	_ =	sdelay $0x2  }
0x4e: {  	v7 =	vmax.f32 v8, v7  }
0x4f: {  	[tilespmem:v60+s15+$0x0] =	vst.idx.msk $0xffff, v7  }
0x50: {  	v7 =	vld.idx.msk [tilespmem:v61+s15+$0x0], $0xffff;
	_ =	sdelay $0x1  }
0x51: {  	v62 =	vor.u32 $0x6, v12;
	_ =	sdelay $0x2  }
0x52: {  	v5 =	vmax.f32 v7, v5  }
0x53: {  	[tilespmem:v61+s15+$0x0] =	vst.idx.msk $0xffff, v5  }
0x54: {  	v5 =	vld.idx.msk [tilespmem:v62+s15+$0x0], $0xffff;
	_ =	sdelay $0x1  }
0x55: {  	v63 =	vor.u32 $0x7, v12;
	_ =	sdelay $0x2  }
0x56: {  	v5 =	vmax.f32 v5, v6  }
0x57: {  	[tilespmem:v62+s15+$0x0] =	vst.idx.msk $0xffff, v5  }
0x58: {  	v5 =	vld.idx.msk [tilespmem:v63+s15+$0x0], $0xffff;
	_ =	sdelay $0x4  }
0x59: {  	v4 =	vmax.f32 v5, v4  }
0x5a: {  	[tilespmem:v63+s15+$0x0] =	vst.idx.msk $0xffff, v4  }
.LBB2_8:
0x5b: {  	s24 =	sadd.s32 $0x1, s24  }
0x5c: {  	p1 =	sne.s32 s24, $0x28  }
.Ltmp5:
0x5d: {  	_ = 	snop;
	(pc) =	sbr.rel @!p1 .LBB2_9-.Ltmp5, $1  }
0x5e: {  	_ =	sdelay $0x3  }
.LBB2_3:
0x5f: {  	s25 =	sshll.u32 s24, $0x4  }
0x60: {  	v4 =	vld [tilespmem:s25+$0x2A80];
	_ =	sdelay $0x4  }
0x61: {  	v5 =	vxor.u32 $0x80000000, v4  }
0x62: {  	(xrf1) =	vsort.ascd.msk.u32 $0xffff, v5, v4;
	_ =	sdelay $0xd  }
0x63: {  	v5, _, _ =	vpop (xrf1)  }
0x64: {  	v5 =	vxor.u32 $0x80000000, v5  }
0x65: {  	v6 =	vperm.xlane v5, v1;
	_ =	sdelay $0x1  }
0x66: {  	vm1 =	veq.s32 v5, v6  }
0x67: {  	v6 =	vnsel vm1, $0x0, v2  }
0x68: {  	(xrf0) =	vmax.scan.msk.f32 $0xffff, v6;
	_ =	sdelay $0x5  }
0x69: {  	v11, _, _ =	vpop (xrf0)  }
0x6a: {  	v7 =	vmov s25;
	s25 =	sand.u32 $0x3F0, s25;
	(v2sf) =	vpush v11, $0xF  }
0x6b: {  	v9 =	vld [tilespmem:s25+$0x0]  }
0x6c: {  	v12 =	vld [tilespmem:s25+$0x280];
	v5 =	vshll.u32 v7, $0x3  }
0x6d: {  	v13 =	vld [tilespmem:s25+$0x500];
	v5 =	vor.u32 v0, v5  }
0x6e: {  	v16 =	vld [tilespmem:s25+$0x780];
	v10 =	vor.u32 $0x3, v5  }
0x6f: {  	v18 =	vld [tilespmem:s25+$0xA00]  }
0x70: {  	v19 =	vld [tilespmem:s25+$0xC80];
	v6 =	vor.u32 $0x1, v5  }
0x71: {  	v21 =	vld [tilespmem:s25+$0xF00];
	v7 =	vor.u32 $0x2, v5  }
0x72: {  	v23 =	vld [tilespmem:s25+$0x1180];
	v14 =	vor.u32 $0x5, v5  }
0x73: {  	v15 =	vld.idx.msk [tilespmem:v10+s21+$0x0], $0xffff;
	v10 =	vor.u32 $0x6, v5  }
0x74: {  	v8 =	vld.idx.msk [tilespmem:v5+s21+$0x0], $0xffff;
	v11 =	vor.u32 $0x4, v5  }
0x75: {  	v6 =	vld.idx.msk [tilespmem:v6+s21+$0x0], $0xffff;
	v5 =	vor.u32 $0x7, v5  }
0x76: {  	v7 =	vld.idx.msk [tilespmem:v7+s21+$0x0], $0xffff  }
0x77: {  	v14 =	vld.idx.msk [tilespmem:v14+s21+$0x0], $0xffff  }
0x78: {  	v20 =	vld.idx.msk [tilespmem:v10+s21+$0x0], $0xffff  }
0x79: {  	v17 =	vld.idx.msk [tilespmem:v11+s21+$0x0], $0xffff;
	s31 =	spop (v2sf)  }
0x7a: {  	v22 =	vld.idx.msk [tilespmem:v5+s21+$0x0], $0xffff;
	p1 =	sgt.f32 s31, $0.0e+00  }
.Ltmp6:
0x7b: {  	_ = 	snop;
	(pc) =	sbr.rel @!p1 .LBB2_7-.Ltmp6, $4  }
0x7c: {  	v10 =	vadd.f32 v12, v6;
	v11 =	vadd.f32 v9, v8  }
0x7d: {  	v12 =	vshrl.u32 v4, $0x4;
	v9 =	vadd.f32 v13, v7;
	v8 =	vadd.f32 v16, v15  }
0x7e: {  	v4 =	vshll.u32 v4, $0x3;
	v5 =	vadd.f32 v19, v14;
	v6 =	vadd.f32 v21, v20  }
0x7f: {  	v13 =	vand.u32 $0x78, v4;
	v7 =	vadd.f32 v18, v17;
	v4 =	vadd.f32 v23, v22  }
.Ltmp7:
0x80: {  	(pc) =	sbr.rel @!p0 .LBB2_8-.Ltmp7, $1  }
0x81: {  	_ =	sdelay $0x3  }
0x82: {  	v12 =	vshll.u32 v12, $0x7  }
0x83: {  	v12 =	vor.u32 v13, v12;
	_ =	sdelay $0x1  }
0x84: {  	vm1 =	vmmov vm0;
	v13 =	vor.u32 $0x1, v12  }
0x85: {  	v14 =	vor.u32 $0x2, v12;
	v15 =	vor.u32 $0x3, v12;
	v16 =	vor.u32 $0x4, v12  }
0x86: {  	v17 =	vor.u32 $0x5, v12;
	v18 =	vor.u32 $0x6, v12;
	v19 =	vor.u32 $0x7, v12  }
.LBB2_6:
0x87: {  	v20 =	vld.idx.msk [tilespmem:v12+s15+$0x0], $0xffff;
	_ =	sdelay $0x4  }
0x88: {  	v20 =	vmax.f32 v20, v11  }
0x89: {  	[tilespmem:v12+s15+$0x0] =	vst.idx.msk vm1, v20  }
0x8a: {  	v21 =	vld.idx.msk [tilespmem:v13+s15+$0x0], $0xffff;
	_ =	sdelay $0x4  }
0x8b: {  	v21 =	vmax.f32 v21, v10  }
0x8c: {  	v22 =	vld.idx.msk [tilespmem:v12+s15+$0x0], $0xffff;
	[tilespmem:v13+s15+$0x0] =	vst.idx.msk vm1, v21  }
0x8d: {  	v23 =	vld.idx.msk [tilespmem:v14+s15+$0x0], $0xffff;
	_ =	sdelay $0x4  }
0x8e: {  	v23 =	vmax.f32 v23, v9  }
0x8f: {  	v24 =	vld.idx.msk [tilespmem:v13+s15+$0x0], $0xffff;
	[tilespmem:v14+s15+$0x0] =	vst.idx.msk vm1, v23  }
0x90: {  	v25 =	vld.idx.msk [tilespmem:v15+s15+$0x0], $0xffff;
	_ =	sdelay $0x4  }
0x91: {  	v25 =	vmax.f32 v25, v8  }
0x92: {  	v26 =	vld.idx.msk [tilespmem:v14+s15+$0x0], $0xffff;
	[tilespmem:v15+s15+$0x0] =	vst.idx.msk vm1, v25  }
0x93: {  	v27 =	vld.idx.msk [tilespmem:v16+s15+$0x0], $0xffff;
	_ =	sdelay $0x4  }
0x94: {  	v27 =	vmax.f32 v27, v7  }
0x95: {  	v28 =	vld.idx.msk [tilespmem:v15+s15+$0x0], $0xffff;
	[tilespmem:v16+s15+$0x0] =	vst.idx.msk vm1, v27  }
0x96: {  	v29 =	vld.idx.msk [tilespmem:v17+s15+$0x0], $0xffff;
	_ =	sdelay $0x4  }
0x97: {  	v29 =	vmax.f32 v29, v5  }
0x98: {  	v30 =	vld.idx.msk [tilespmem:v16+s15+$0x0], $0xffff;
	[tilespmem:v17+s15+$0x0] =	vst.idx.msk vm1, v29  }
0x99: {  	v31 =	vld.idx.msk [tilespmem:v18+s15+$0x0], $0xffff;
	_ =	sdelay $0x4  }
0x9a: {  	v31 =	vmax.f32 v31, v6  }
0x9b: {  	v32 =	vld.idx.msk [tilespmem:v17+s15+$0x0], $0xffff;
	[tilespmem:v18+s15+$0x0] =	vst.idx.msk vm1, v31  }
0x9c: {  	v33 =	vld.idx.msk [tilespmem:v19+s15+$0x0], $0xffff;
	_ =	sdelay $0x4  }
0x9d: {  	v33 =	vmax.f32 v33, v4  }
0x9e: {  	vm2 =	vlt.f32 v22, v20;
	vm3 =	vlt.f32 v24, v21;
	v34 =	vld.idx.msk [tilespmem:v18+s15+$0x0], $0xffff;
	[tilespmem:v19+s15+$0x0] =	vst.idx.msk vm1, v33  }
0x9f: {  	vm2 =	vmor vm2, vm3;
	vm3 =	vlt.f32 v26, v23;
	v20 =	vld.idx.msk [tilespmem:v19+s15+$0x0], $0xffff  }
0xa0: {  	vm2 =	vmor vm2, vm3;
	vm3 =	vlt.f32 v28, v25  }
0xa1: {  	vm2 =	vmor vm2, vm3;
	vm3 =	vlt.f32 v30, v27  }
0xa2: {  	vm2 =	vmor vm2, vm3;
	vm3 =	vlt.f32 v32, v29  }
0xa3: {  	vm2 =	vmor vm2, vm3;
	vm3 =	vlt.f32 v34, v31  }
0xa4: {  	vm2 =	vmor vm2, vm3;
	vm3 =	vlt.f32 v20, v33  }
0xa5: {  	vm2 =	vmor vm2, vm3  }
0xa6: {  	vm1 =	vmand vm1, vm2  }
0xa7: {  	v20 =	vsel vm1, $0x3F800000, v3  }
0xa8: {  	(xrf0) =	vmax.scan.msk.f32 $0xffff, v20;
	_ =	sdelay $0x5  }
0xa9: {  	v20, _, _ =	vpop (xrf0)  }
0xaa: {  	(v2sf) =	vpush v20, $0xF;
	_ =	sdelay $0xe  }
0xab: {  	s25 =	spop (v2sf)  }
0xac: {  	p1 =	sgt.f32 s25, $0.0e+00  }
.Ltmp8:
0xad: {  	_ = 	snop;
	(pc) =	sbr.rel @p1 .LBB2_6-.Ltmp8, $1  }
0xae: {  	_ =	sdelay $0x3  }
.Ltmp9:
0xaf: {  	_ = 	snop;
	(pc) =	sbr.rel .LBB2_8-.Ltmp9, $1  }
0xb0: {  	_ =	sdelay $0x3  }
.LBB2_10:
0xb1: {  	s23 =	simm.s32 $0x0  }
0xb2: {  	[hbm4b:s10+s23] =	stream.linear.scatter [tilespmem:s15], [sflag:$0x1], $0x13880, $0x38;
	[tilespmem:$0x16580] =	vst v63  }
0xb3: {  	_ =	swait.ge [sflag:s16], $0x13880  }
0xb4: {  	[sflag:s16] =	ssyncset.done $0x0  }
.Ltmp10:
0xb5: {  	[sflag:s16] =	ssyncadd.s32 $0xFFFEC780;
	(pc) =	sbr.rel .LBB2_11-.Ltmp10, $4  }
0xb6: {  	[tilespmem:s15], [sflag:$0x1] =	stream.linear.gather [hbm4b:s6+s23], $0x13880, $0x38;
	[tilespmem:$0x16580] =	vst v63  }
0xb7: {  	_ =	swait.ge [sflag:s16], $0x13880  }
0xb8: {  	[sflag:s16] =	ssyncset.done $0x0  }
0xb9: {  	s24 =	simm.s32 $0x0;
	[sflag:s16] =	ssyncadd.s32 $0xFFFEC780  }
.LBB2_18:
0xba: {  	s24 =	sadd.s32 $0x1, s24  }
0xbb: {  	p1 =	sne.s32 s24, $0x7D  }
.Ltmp11:
0xbc: {  	_ = 	snop;
	(pc) =	sbr.rel @!p1 .LBB2_19-.Ltmp11, $1  }
0xbd: {  	_ =	sdelay $0x3  }
.LBB2_11:
0xbe: {  	s25 =	smul.u32 $0x280, s24;
	_ =	sdelay $0x1  }
0xbf: {  	s25 =	sadd.s32 s7, s25  }
0xc0: {  	s26 =	sshrl.u32 s25, $0x3  }
0xc1: {  	s26 =	sadd.s32 $0x9C40, s26  }
0xc2: {  	s28 =	sadd.s32 s4, s26  }
0xc3: {  	[tilespmem:s17], [sflag:$0x1] =	stream.linear.gather [hbm4b:s28+s23], $0x280, $0x38;
	[tilespmem:$0x16580] =	vst v63  }
0xc4: {  	_ =	swait.ge [sflag:s16], $0x280  }
0xc5: {  	[sflag:s16] =	ssyncset.done $0x0  }
0xc6: {  	s26 =	sadd.s32 s5, s26;
	[sflag:s16] =	ssyncadd.s32 $0xFFFFFD80  }
0xc7: {  	[tilespmem:s18], [sflag:$0x1] =	stream.linear.gather [hbm4b:s26+s23], $0x280, $0x38;
	[tilespmem:$0x16580] =	vst v63  }
0xc8: {  	s25 =	sadd.s32 s25, s11;
	_ =	swait.ge [sflag:s16], $0x280  }
0xc9: {  	s25 =	sshrl.u32 s25, $0x3;
	[sflag:s16] =	ssyncset.done $0x0  }
0xca: {  	s25 =	sadd.s32 s3, s25;
	[sflag:s16] =	ssyncadd.s32 $0xFFFFFD80  }
0xcb: {  	[tilespmem:s23], [sflag:$0x1] =	stream.strided.gather [hbm4b:s25+s19], $0x1400, s20, s19, $0x38;
	[tilespmem:$0x16580] =	vst v63  }
0xcc: {  	_ =	swait.ge [sflag:s16], $0x1400  }
0xcd: {  	[sflag:s16] =	ssyncset.done $0x0  }
.Ltmp12:
0xce: {  	[sflag:s16] =	ssyncadd.s32 $0xFFFFEC00;
	(pc) =	sbr.rel .LBB2_12-.Ltmp12, $4  }
0xcf: {  	[tilespmem:s21], [sflag:$0x1] =	stream.indirect.gather [hbm4b:s12+s19], $0x8, s17, s19, $0xb8;
	[tilespmem:$0x16580] =	vst v63  }
0xd0: {  	_ =	swait.ge [sflag:s16], $0x1400  }
0xd1: {  	[sflag:s16] =	ssyncset.done $0x0  }
0xd2: {  	s25 =	simm.s32 $0x0;
	[sflag:s16] =	ssyncadd.s32 $0xFFFFEC00  }
.LBB2_16:
0xd3: {  	v12 =	vshll.u32 v12, $0x7  }
0xd4: {  	v12 =	vor.u32 v13, v12;
	_ =	sdelay $0x4  }
0xd5: {  	v13 =	vld.idx.msk [tilespmem:v12+s15+$0x0], $0xffff;
	_ =	sdelay $0x1  }
0xd6: {  	v14 =	vor.u32 $0x1, v12;
	_ =	sdelay $0x2  }
0xd7: {  	v11 =	vmax.f32 v13, v11  }
0xd8: {  	[tilespmem:v12+s15+$0x0] =	vst.idx.msk $0xffff, v11  }
0xd9: {  	v11 =	vld.idx.msk [tilespmem:v14+s15+$0x0], $0xffff;
	_ =	sdelay $0x1  }
0xda: {  	v58 =	vor.u32 $0x2, v12;
	_ =	sdelay $0x2  }
0xdb: {  	v10 =	vmax.f32 v11, v10  }
0xdc: {  	[tilespmem:v14+s15+$0x0] =	vst.idx.msk $0xffff, v10  }
0xdd: {  	v10 =	vld.idx.msk [tilespmem:v58+s15+$0x0], $0xffff;
	_ =	sdelay $0x1  }
0xde: {  	v59 =	vor.u32 $0x3, v12;
	_ =	sdelay $0x2  }
0xdf: {  	v9 =	vmax.f32 v10, v9  }
0xe0: {  	[tilespmem:v58+s15+$0x0] =	vst.idx.msk $0xffff, v9  }
0xe1: {  	v9 =	vld.idx.msk [tilespmem:v59+s15+$0x0], $0xffff;
	_ =	sdelay $0x1  }
0xe2: {  	v60 =	vor.u32 $0x4, v12;
	_ =	sdelay $0x2  }
0xe3: {  	v8 =	vmax.f32 v9, v8  }
0xe4: {  	[tilespmem:v59+s15+$0x0] =	vst.idx.msk $0xffff, v8  }
0xe5: {  	v8 =	vld.idx.msk [tilespmem:v60+s15+$0x0], $0xffff;
	_ =	sdelay $0x1  }
0xe6: {  	v61 =	vor.u32 $0x5, v12;
	_ =	sdelay $0x2  }
0xe7: {  	v7 =	vmax.f32 v8, v7  }
0xe8: {  	[tilespmem:v60+s15+$0x0] =	vst.idx.msk $0xffff, v7  }
0xe9: {  	v7 =	vld.idx.msk [tilespmem:v61+s15+$0x0], $0xffff;
	_ =	sdelay $0x1  }
0xea: {  	v62 =	vor.u32 $0x6, v12;
	_ =	sdelay $0x2  }
0xeb: {  	v5 =	vmax.f32 v7, v5  }
0xec: {  	[tilespmem:v61+s15+$0x0] =	vst.idx.msk $0xffff, v5  }
0xed: {  	v5 =	vld.idx.msk [tilespmem:v62+s15+$0x0], $0xffff;
	_ =	sdelay $0x1  }
0xee: {  	v63 =	vor.u32 $0x7, v12;
	_ =	sdelay $0x2  }
0xef: {  	v5 =	vmax.f32 v5, v6  }
0xf0: {  	[tilespmem:v62+s15+$0x0] =	vst.idx.msk $0xffff, v5  }
0xf1: {  	v5 =	vld.idx.msk [tilespmem:v63+s15+$0x0], $0xffff;
	_ =	sdelay $0x4  }
0xf2: {  	v4 =	vmax.f32 v5, v4  }
0xf3: {  	[tilespmem:v63+s15+$0x0] =	vst.idx.msk $0xffff, v4  }
.LBB2_17:
0xf4: {  	s25 =	sadd.s32 $0x1, s25  }
0xf5: {  	p1 =	sne.s32 s25, $0x28  }
.Ltmp13:
0xf6: {  	_ = 	snop;
	(pc) =	sbr.rel @!p1 .LBB2_18-.Ltmp13, $1  }
0xf7: {  	_ =	sdelay $0x3  }
.LBB2_12:
0xf8: {  	s26 =	sshll.u32 s25, $0x4  }
0xf9: {  	v4 =	vld [tilespmem:s26+$0x2A80];
	_ =	sdelay $0x4  }
0xfa: {  	v5 =	vxor.u32 $0x80000000, v4  }
0xfb: {  	(xrf1) =	vsort.ascd.msk.u32 $0xffff, v5, v4;
	_ =	sdelay $0xd  }
0xfc: {  	v5, _, _ =	vpop (xrf1)  }
0xfd: {  	v5 =	vxor.u32 $0x80000000, v5  }
0xfe: {  	v6 =	vperm.xlane v5, v1;
	_ =	sdelay $0x1  }
0xff: {  	vm1 =	veq.s32 v5, v6  }
0x100: {  	v6 =	vnsel vm1, $0x0, v2  }
0x101: {  	(xrf0) =	vmax.scan.msk.f32 $0xffff, v6;
	_ =	sdelay $0x5  }
0x102: {  	v11, _, _ =	vpop (xrf0)  }
0x103: {  	v7 =	vmov s26;
	s26 =	sand.u32 $0x3F0, s26;
	(v2sf) =	vpush v11, $0xF  }
0x104: {  	v9 =	vld [tilespmem:s26+$0x0]  }
0x105: {  	v12 =	vld [tilespmem:s26+$0x280];
	v5 =	vshll.u32 v7, $0x3  }
0x106: {  	v13 =	vld [tilespmem:s26+$0x500];
	v5 =	vor.u32 v0, v5  }
0x107: {  	v16 =	vld [tilespmem:s26+$0x780];
	v10 =	vor.u32 $0x3, v5  }
0x108: {  	v18 =	vld [tilespmem:s26+$0xA00]  }
0x109: {  	v19 =	vld [tilespmem:s26+$0xC80];
	v6 =	vor.u32 $0x1, v5  }
0x10a: {  	v21 =	vld [tilespmem:s26+$0xF00];
	v7 =	vor.u32 $0x2, v5  }
0x10b: {  	v23 =	vld [tilespmem:s26+$0x1180];
	v14 =	vor.u32 $0x5, v5  }
0x10c: {  	v15 =	vld.idx.msk [tilespmem:v10+s21+$0x0], $0xffff;
	v10 =	vor.u32 $0x6, v5  }
0x10d: {  	v8 =	vld.idx.msk [tilespmem:v5+s21+$0x0], $0xffff;
	v11 =	vor.u32 $0x4, v5  }
0x10e: {  	v6 =	vld.idx.msk [tilespmem:v6+s21+$0x0], $0xffff;
	v5 =	vor.u32 $0x7, v5  }
0x10f: {  	v7 =	vld.idx.msk [tilespmem:v7+s21+$0x0], $0xffff  }
0x110: {  	v14 =	vld.idx.msk [tilespmem:v14+s21+$0x0], $0xffff  }
0x111: {  	v20 =	vld.idx.msk [tilespmem:v10+s21+$0x0], $0xffff  }
0x112: {  	v17 =	vld.idx.msk [tilespmem:v11+s21+$0x0], $0xffff;
	s31 =	spop (v2sf)  }
0x113: {  	v22 =	vld.idx.msk [tilespmem:v5+s21+$0x0], $0xffff;
	p1 =	sgt.f32 s31, $0.0e+00  }
.Ltmp14:
0x114: {  	_ = 	snop;
	(pc) =	sbr.rel @!p1 .LBB2_16-.Ltmp14, $4  }
0x115: {  	v10 =	vadd.f32 v12, v6;
	v11 =	vadd.f32 v9, v8  }
0x116: {  	v12 =	vshrl.u32 v4, $0x4;
	v9 =	vadd.f32 v13, v7;
	v8 =	vadd.f32 v16, v15  }
0x117: {  	v4 =	vshll.u32 v4, $0x3;
	v5 =	vadd.f32 v19, v14;
	v6 =	vadd.f32 v21, v20  }
0x118: {  	v13 =	vand.u32 $0x78, v4;
	v7 =	vadd.f32 v18, v17;
	v4 =	vadd.f32 v23, v22  }
.Ltmp15:
0x119: {  	(pc) =	sbr.rel @!p0 .LBB2_17-.Ltmp15, $1  }
0x11a: {  	_ =	sdelay $0x3  }
0x11b: {  	v12 =	vshll.u32 v12, $0x7  }
0x11c: {  	v12 =	vor.u32 v13, v12;
	_ =	sdelay $0x1  }
0x11d: {  	vm1 =	vmmov vm0;
	v13 =	vor.u32 $0x1, v12  }
0x11e: {  	v14 =	vor.u32 $0x2, v12;
	v15 =	vor.u32 $0x3, v12;
	v16 =	vor.u32 $0x4, v12  }
0x11f: {  	v17 =	vor.u32 $0x5, v12;
	v18 =	vor.u32 $0x6, v12;
	v19 =	vor.u32 $0x7, v12  }
.LBB2_15:
0x120: {  	v20 =	vld.idx.msk [tilespmem:v12+s15+$0x0], $0xffff;
	_ =	sdelay $0x4  }
0x121: {  	v20 =	vmax.f32 v20, v11  }
0x122: {  	[tilespmem:v12+s15+$0x0] =	vst.idx.msk vm1, v20  }
0x123: {  	v21 =	vld.idx.msk [tilespmem:v13+s15+$0x0], $0xffff;
	_ =	sdelay $0x4  }
0x124: {  	v21 =	vmax.f32 v21, v10  }
0x125: {  	v22 =	vld.idx.msk [tilespmem:v12+s15+$0x0], $0xffff;
	[tilespmem:v13+s15+$0x0] =	vst.idx.msk vm1, v21  }
0x126: {  	v23 =	vld.idx.msk [tilespmem:v14+s15+$0x0], $0xffff;
	_ =	sdelay $0x4  }
0x127: {  	v23 =	vmax.f32 v23, v9  }
0x128: {  	v24 =	vld.idx.msk [tilespmem:v13+s15+$0x0], $0xffff;
	[tilespmem:v14+s15+$0x0] =	vst.idx.msk vm1, v23  }
0x129: {  	v25 =	vld.idx.msk [tilespmem:v15+s15+$0x0], $0xffff;
	_ =	sdelay $0x4  }
0x12a: {  	v25 =	vmax.f32 v25, v8  }
0x12b: {  	v26 =	vld.idx.msk [tilespmem:v14+s15+$0x0], $0xffff;
	[tilespmem:v15+s15+$0x0] =	vst.idx.msk vm1, v25  }
0x12c: {  	v27 =	vld.idx.msk [tilespmem:v16+s15+$0x0], $0xffff;
	_ =	sdelay $0x4  }
0x12d: {  	v27 =	vmax.f32 v27, v7  }
0x12e: {  	v28 =	vld.idx.msk [tilespmem:v15+s15+$0x0], $0xffff;
	[tilespmem:v16+s15+$0x0] =	vst.idx.msk vm1, v27  }
0x12f: {  	v29 =	vld.idx.msk [tilespmem:v17+s15+$0x0], $0xffff;
	_ =	sdelay $0x4  }
0x130: {  	v29 =	vmax.f32 v29, v5  }
0x131: {  	v30 =	vld.idx.msk [tilespmem:v16+s15+$0x0], $0xffff;
	[tilespmem:v17+s15+$0x0] =	vst.idx.msk vm1, v29  }
0x132: {  	v31 =	vld.idx.msk [tilespmem:v18+s15+$0x0], $0xffff;
	_ =	sdelay $0x4  }
0x133: {  	v31 =	vmax.f32 v31, v6  }
0x134: {  	v32 =	vld.idx.msk [tilespmem:v17+s15+$0x0], $0xffff;
	[tilespmem:v18+s15+$0x0] =	vst.idx.msk vm1, v31  }
0x135: {  	v33 =	vld.idx.msk [tilespmem:v19+s15+$0x0], $0xffff;
	_ =	sdelay $0x4  }
0x136: {  	v33 =	vmax.f32 v33, v4  }
0x137: {  	vm2 =	vlt.f32 v22, v20;
	vm3 =	vlt.f32 v24, v21;
	v34 =	vld.idx.msk [tilespmem:v18+s15+$0x0], $0xffff;
	[tilespmem:v19+s15+$0x0] =	vst.idx.msk vm1, v33  }
0x138: {  	vm2 =	vmor vm2, vm3;
	vm3 =	vlt.f32 v26, v23;
	v20 =	vld.idx.msk [tilespmem:v19+s15+$0x0], $0xffff  }
0x139: {  	vm2 =	vmor vm2, vm3;
	vm3 =	vlt.f32 v28, v25  }
0x13a: {  	vm2 =	vmor vm2, vm3;
	vm3 =	vlt.f32 v30, v27  }
0x13b: {  	vm2 =	vmor vm2, vm3;
	vm3 =	vlt.f32 v32, v29  }
0x13c: {  	vm2 =	vmor vm2, vm3;
	vm3 =	vlt.f32 v34, v31  }
0x13d: {  	vm2 =	vmor vm2, vm3;
	vm3 =	vlt.f32 v20, v33  }
0x13e: {  	vm2 =	vmor vm2, vm3  }
0x13f: {  	vm1 =	vmand vm1, vm2  }
0x140: {  	v20 =	vsel vm1, $0x3F800000, v3  }
0x141: {  	(xrf0) =	vmax.scan.msk.f32 $0xffff, v20;
	_ =	sdelay $0x5  }
0x142: {  	v20, _, _ =	vpop (xrf0)  }
0x143: {  	(v2sf) =	vpush v20, $0xF;
	_ =	sdelay $0xe  }
0x144: {  	s26 =	spop (v2sf)  }
0x145: {  	p1 =	sgt.f32 s26, $0.0e+00  }
.Ltmp16:
0x146: {  	_ = 	snop;
	(pc) =	sbr.rel @p1 .LBB2_15-.Ltmp16, $1  }
0x147: {  	_ =	sdelay $0x3  }
.Ltmp17:
0x148: {  	_ = 	snop;
	(pc) =	sbr.rel .LBB2_17-.Ltmp17, $1  }
0x149: {  	_ =	sdelay $0x3  }
.LBB2_20:
0x14a: {  	_ =	sfence.sel $0x180000  }
0x14b: {  	[bflag:$0x0] =	sbarrier.arrive $0xFFFF  }
0x14c: {  	p0 =	sne.s32 s2, $0x0;
	_ =	strace $0x9000004D  }
0x14d: {  	s0 =	sadd.s32 @!p0 $0x100000, s0;
	[bflag:$0x2] =	sbarrier.arrive $0xFFFF  }
0x14e: {  	[sflag:s0] =	ssyncadd.tile.s32 @!p0 $0x1;
	_ =	shalt  }
.Lfunc_end2:
_tile_overlayer_lowered:
.L_overlay_start_2:
0x14f: {  	(tag) =	ssettag $0x2  }
0x150: {  	s0 =	rddreg [dreg:$0x0];
	s2 =	stileid.u32  }
0x151: {  	s1 =	rddreg [dreg:$0x1];
	p0 =	sne.s32 s2, $0x0  }
0x152: {  	s3 =	rddreg [dreg:$0x2];
	[bflag:$0x3] =	sbarrier.arrive $0xFFFF;
	s2 =	simm.s32 @!p0 $0x1C01  }
0x153: {  	[timem:s3], [sflag:s2] =	dma.local @!p0 [hbm:s0], s1  }
0x154: {  	s0 =	simm.s32 @!p0 $0x1  }
0x155: {  	_ =	swait.ge @!p0 [sflag:s0], s1  }
0x156: {  	s1 =	ssub.s32 @!p0 $0x0, s1;
	[sflag:s0] =	ssyncset.done @!p0 $0x0  }
0x157: {  	[sflag:s0] =	ssyncadd.s32 @!p0 s1  }
0x158: {  	[bflag:$0x3] =	sbarrier.arrive $0xFFFF  }
0x159: {  	_ =	shalt  }

// kernel: sparse-core-data-format-call.cloned.1.call-start
scs
called_computation_lowered:
.L_overlay_start_0:
0x0: {  	s2 =	sld [smem:$0x3FD9]  }
0x1: {  	s3 =	sld [smem:$0x3FFE];
	_ =	sdelay $0x1  }
0x2: {  	s1 =	srdreg.scid  }
0x3: {  	s0 =	sand.u32 $0x1, s1  }
0x4: {  	s18 =	sshll.u32 s0, $0xA;
	s2 =	sadd.s32 s3, s2  }
0x5: {  	s2 =	sadd.s32 s2, s18  }
0x6: {  	[smem:$0x3FBC] =	sst s2  }
0x7: {  	_ = 	snop  }
0x8: {  	s2 =	sld [smem:$0x3FD0];
	(tm) =	ssettm $0x1  }
0x9: {  	s19 =	sld [smem:$0x3FFB];
	_ =	sdelay $0x3  }
0xa: {  	_ =	strace s19  }
0xb: {  	s3 =	sld [smem:$0x3FFC];
	_ =	sdelay $0x3  }
0xc: {  	_ =	strace s3  }
0xd: {  	s3 =	sld [smem:$0x3FFD];
	_ =	sdelay $0x3  }
0xe: {  	_ =	strace s3  }
0xf: {  	_ =	strace $0x8FFFFFFF  }
0x10: {  	s20 =	sld [smem:$0x3FDB];
	_ =	sdelay $0x1  }
0x11: {  	s4 =	simm.s32 $_scs_section_size  }
0x12: {  	s5 =	simm.s32 $_size__tile_overlayer_lowered;
	s6 =	simm.s32 $_tile_overlayer_lowered  }
0x13: {  	s23 =	simm.s32 $0x1BFF;
	s22 =	sshll.u32 s6, $0x1;
	s3 =	sadd.s32 s4, s20  }
0x14: {  	s7 =	simm.s32 $0x0;
	s21 =	sshll.u32 s5, $0x1;
	s5 =	sadd.s32 s22, s3  }
0x15: {  	[timem:s7], [sflag:s23] =	dma.local [hbm:s5], s21  }
0x16: {  	_ =	swait.ge [sflag:s23], s21  }
0x17: {  	s4 =	ssub.s32 $0x0, s21;
	[sflag:s23] =	ssyncset.done $0x0  }
0x18: {  	[sflag:s23] =	ssyncadd.s32 s4;
	_ =	sdelay $0x1  }
0x19: {  	s24 =	simm.s32 $0x1B8B  }
0x1a: {  	_ =	swait.ge [sflag:s24], $0x1  }
0x1b: {  	[sflag:s24] =	ssyncset.done $0x0  }
0x1c: {  	s26 =	simm.s32 $0x1B8E;
	s25 =	sld [smem:$0x3FFE];
	[sflag:s24] =	ssyncadd.s32 $0xFFFFFFFF  }
0x1d: {  	s27 =	simm.s32 $execute0_lowered;
	[smem:$0x3FD2] =	sst s26  }
0x1e: {  	s5 =	sshll.u32 s27, $0x1;
	_ =	strace $0x80000046;
	[dreg:$0x1] =	wrdreg $0xFFFFFFFF  }
0x1f: {  	s28 =	simm.s32 $_size_execute0_lowered;
	s3 =	sadd.s32 s3, s5;
	[dreg:$0x0] =	wrdreg $0x0  }
0x20: {  	s5 =	sshll.u32 s28, $0x1;
	[dreg:$0x2] =	wrdreg s3  }
0x21: {  	[dreg:$0x3] =	wrdreg s5  }
0x22: {  	[dreg:$0x4] =	wrdreg $0xC0  }
0x23: {  	_ =	task [dreg:s7], $0x5FFFF  }
0x24: {  	[dreg:$0x1] =	wrdreg $0xFFFFFFFF  }
0x25: {  	[dreg:$0x0] =	wrdreg $0x60  }
0x26: {  	[dreg:$0x2] =	wrdreg s25  }
0x27: {  	[dreg:$0x3] =	wrdreg s2  }
0x28: {  	[dreg:$0x4] =	wrdreg $0x9  }
0x29: {  	_ =	task.clear_ibuf [dreg:s7], $0x5FFFF;
	_ =	strace $0x90000046  }
0x2a: {  	s29 =	simm.s32 $0x9;
	_ =	strace $0x80000048  }
0x2b: {  	_ =	swait.ge [sflag:s29], $0x1  }
0x2c: {  	[sflag:s29] =	ssyncadd.s32 $0xFFFFFFFF  }
0x2d: {  	_ =	strace $0x90000048  }
0x2e: {  	_ =	sfence  }
0x2f: {  	s30 =	sld [smem:$0x0];
	_ =	sdelay $0x2  }
0x30: {  	s31 =	sshll.u32 s1, $0xD;
	s1 =	sshrl.u32 s1, $0x2  }
0x31: {  	s3 =	sand.u32 $0x4000, s31;
	s1 =	sadd.s32 s1, s30  }
0x32: {  	s0 =	sor.u32 s3, s0;
	s1 =	sshll.u32 s1, $0x11  }
0x33: {  	s0 =	sor.u32 s1, s0  }
0x34: {  	s0 =	sadd.s32 $0x8F2B, s0  }
0x35: {  	[sflag:s0] =	ssyncadd.remote.s32 $0x1  }
0x36: {  	_ =	sfence.sel $0xFFFF  }
0x37: {  	[dreg:$0x0] =	wrdreg $0xFFFFFFFF;
	(pc) =	sbr.abs _section_cstart, $3  }
0x38: {  	[dreg:$0x1] =	wrdreg $0xFFFFFFFF  }
0x39: {  	_ =	task.clear_ibuf [dreg:s7], $0x2FFFF;
	_ =	strace $0x9FFFFFFF  }
0x3a: {  	(tm) =	ssettm $0x7FFFFFFF  }
0x3b: {  	_ =	shalt  }
tec
execute0_lowered:
.L_overlay_start_1:
0x0: {  	(tag) =	ssettag $0x1  }
0x1: {  	s8 =	rddreg [dreg:$0x0];
	s2 =	srdreg.scid  }
0x2: {  	s1 =	rddreg [dreg:$0x1];
	s0 =	stileid.u32;
	s31 =	simm.s32 $0x2  }
0x3: {  	s17 =	simm.s32 $0x0;
	s11 =	simm.s32 $0x4E400;
	s12 =	simm.s32 $0x0  }
0x4: {  	s18 =	simm.s32 $0x0;
	s19 =	simm.s32 $0x0;
	s2 =	sshll.u32 s2, $0x4  }
0x5: {  	s4 =	sshll.u32 s0, $0x1;
	s3 =	sor.u32 s0, s2;
	s2 =	sand.u32 $0x1, s0  }
0x6: {  	s16 =	simm.s32 $0x0;
	s4 =	sand.u32 $0x4, s4;
	s5 =	ssub.s32 $0x2, s2  }
0x7: {  	s3 =	sand.u32 $0x1C, s3;
	s7 =	ssub.s32 $0x8, s4;
	s6 =	sshrl.u32 s5, $0x1  }
0x8: {  	s5 =	sand.u32 $0x1, s5;
	s29 =	sshrl.u32 s7, $0x2;
	s9 =	ssub.s32 $0x9C4, s3  }
0x9: {  	s7 =	sshrl.u32 s7, $0x3;
	s5 =	sadd.s32 s5, s6;
	s6 =	sand.u32 $0x1, s29  }
0xa: {  	s8 =	sadd.s32 $0x3C00, s8;
	s10 =	sand.u32 $0x1C, s9;
	s6 =	sadd.s32 s7, s6  }
0xb: {  	p0 =	sne.s32 s10, $0x0;
	s7 =	simm.s32 $0x1;
	s30 =	smul.u32 s5, s6  }
.Ltmp0:
0xc: {  	s9 =	sshrl.u32 s9, $0x5;
	s7 =	simm.s32 @!p0 $0x0;
	(pc) =	sbr.rel .LBB1_1-.Ltmp0, $4  }
0xd: {  	s14 =	smov.u32 s4;
	s5 =	rddreg [dreg:$0x2];
	s7 =	sadd.s32 s7, s9  }
0xe: {  	_ =	strace $0x80000047;
	s6 =	simm.s32 $0x1;
	s7 =	smul.u32 s7, s30  }
0xf: {  	s15 =	smov.u32 s2;
	s13 =	smov.u32 s3;
	[sflag:s6] =	ssyncpa.u1 $0x0  }
0x10: {  	s10 =	simm.s32 $0x200;
	[sflag:s31] =	ssyncpa.u1 $0x0;
	s9 =	sadd.s32 $0x1, s7  }
.LBB1_9:
0x11: {  	s20 =	sadd.s32 $0x20, s13  }
0x12: {  	s17 =	sadd.s32 $0x8, s14;
	s21 =	smov.u32 s14;
	p1 =	sgt.s32 s20, $0x9C3  }
0x13: {  	s21 =	smov.u32 @p1 s17  }
0x14: {  	s23 =	smov.u32 s15;
	s17 =	sadd.s32 $0x2, s15;
	p2 =	sgt.s32 s21, $0x7  }
0x15: {  	s23 =	smov.u32 @p2 s17  }
0x16: {  	s20 =	smov.u32 @p1 s3;
	p1 =	sgt.s32 s23, $0x1  }
0x17: {  	p0 =	slt.u32 s16, $0x2;
	s23 =	smov.u32 @p1 s2;
	p1 =	sne.s32 s16, s9  }
.Ltmp1:
0x18: {  	s22 =	simm.s32 @!p0 $0x2;
	(pc) =	sbr.rel @!p1 .LBB1_10-.Ltmp1, $4  }
0x19: {  	s18 =	smov.u32 s14;
	s19 =	smov.u32 s15;
	_ =	swait.ge @!p0 [sflag:s22], $0x4000  }
0x1a: {  	s12 =	sadd.s32 $0x4000, s12;
	[sflag:s22] =	ssyncset.done @!p0 $0x0;
	s21 =	smov.u32 @p2 s4  }
0x1b: {  	s17 =	smov.u32 s13;
	[sflag:s22] =	ssyncadd.s32 @!p0 $0xFFFFC000;
	s13 =	smov.u32 s20  }
0x1c: {  	s14 =	smov.u32 s21;
	s16 =	sadd.s32 $0x1, s16;
	s15 =	smov.u32 s23  }
.LBB1_1:
0x1d: {  	p0 =	sge.u32 s16, s7  }
0x1e: {  	s20 =	smul.u32 @!p0 $0x271000, s15  }
0x1f: {  	s21 =	sxor.u32 @!p0 $0xFFFFFFFF, s16;
	s22 =	smul.u32 @!p0 $0x4E200, s14  }
0x20: {  	s31 =	sadd.s32 $0xFFFFFFFF, s16;
	s21 =	sshll.u32 @!p0 s21, $0xE;
	s20 =	sadd.s32 @!p0 s8, s20  }
0x21: {  	s23 =	sshll.u32 @!p0 s13, $0x7;
	s21 =	sand.u32 @!p0 $0x4000, s21;
	s20 =	sadd.s32 @!p0 s22, s20  }
0x22: {  	s22 =	simm.s32 @!p0 $0x1000;
	s20 =	sadd.s32 @!p0 s23, s20;
	s23 =	simm.s32 @!p0 $0x271000  }
0x23: {  	[tilespmem:s21], [sflag:$0x1] =	stream.strided.gather @!p0 [hbm4b:s20+s22], $0x4000, s23, s22, $0x38;
	[tilespmem:$0x10000] =	vst v63  }
0x24: {  	p0 =	sge.u32 s31, s7  }
.Ltmp2:
0x25: {  	_ = 	snop;
	(pc) =	sbr.rel @p0 .LBB1_9-.Ltmp2, $1  }
0x26: {  	_ =	sdelay $0x3  }
0x27: {  	s20 =	sand.u32 $0x4000, s12  }
0x28: {  	_ =	swait.ge [sflag:s6], $0x4000;
	s23 =	sshll.u32 s16, $0xE;
	s21 =	sor.u32 $0x40, s20  }
0x29: {  	s22 =	sor.u32 $0x8040, s20;
	[sflag:s6] =	ssyncset.done $0x0;
	s31 =	sand.u32 $0x4000, s23  }
0x2a: {  	s23 =	simm.s32 $0x0;
	[sflag:s6] =	ssyncadd.s32 $0xFFFFC000;
	s20 =	sor.u32 $0x8000, s31  }
.LBB1_3:
0x2b: {  	s24 =	smov.u32 s22;
	s25 =	smov.u32 s21;
	s26 =	simm.s32 $0x0  }
.LBB1_4:
0x2c: {  	v0 =	vmov s24;
	v2 =	vld [tilespmem:s25+$0x30]  }
0x2d: {  	v4 =	vld [tilespmem:s25+$0xFFFFFFD0]  }
0x2e: {  	v6 =	vld [tilespmem:s25+$0xFFFFFFE0]  }
0x2f: {  	v7 =	vld [tilespmem:s25+$0xFFFFFFF0]  }
0x30: {  	s27 =	simm.s32 $0x0;
	v1 =	vld [tilespmem:s25+$0x0]  }
0x31: {  	v3 =	vld [tilespmem:s25+$0x10];
	[tilespmem:v0+s27+$0x30 ss:$0x1] =	vst.idx.msk $0xffff, v2  }
0x32: {  	v5 =	vld [tilespmem:s25+$0x20];
	[tilespmem:v0+s27+$0xFFFFFFD0 ss:$0x1] =	vst.idx.msk $0xffff, v4  }
0x33: {  	s28 =	sadd.s32 $0x80, s25;
	v2 =	vld [tilespmem:s25+$0xFFFFFFC0];
	[tilespmem:v0+s27+$0xFFFFFFE0 ss:$0x1] =	vst.idx.msk $0xffff, v6  }
0x34: {  	s29 =	simm.s32 $0x800;
	s30 =	simm.s32 $0x1000;
	v4 =	vld [tilespmem:s28+$0x30];
	[tilespmem:v0+s27+$0xFFFFFFF0 ss:$0x1] =	vst.idx.msk $0xffff, v7  }
.LBB1_5:
0x35: {  	p0 =	sne.s32 s30, $0x3800;
	v6 =	vld [tilespmem:s28+$0xFFFFFFD0];
	[tilespmem:v0+s27+$0x0 ss:$0x1] =	vst.idx.msk $0xffff, v1  }
0x36: {  	v7 =	vld [tilespmem:s28+$0xFFFFFFE0];
	[tilespmem:v0+s27+$0x10 ss:$0x1] =	vst.idx.msk $0xffff, v3  }
0x37: {  	v8 =	vld [tilespmem:s28+$0xFFFFFFF0];
	[tilespmem:v0+s27+$0x20 ss:$0x1] =	vst.idx.msk $0xffff, v5  }
.Ltmp3:
0x38: {  	v1 =	vld [tilespmem:s28+$0x0];
	[tilespmem:v0+s27+$0xFFFFFFC0 ss:$0x1] =	vst.idx.msk $0xffff, v2;
	s27 =	sshra.s32 s29, $0x2;
	s29 =	smov.u32 s30;
	(pc) =	sbr.rel @p0 .LBB1_5-.Ltmp3, $4  }
0x39: {  	v3 =	vld [tilespmem:s28+$0x10];
	[tilespmem:v0+s27+$0x30 ss:$0x1] =	vst.idx.msk $0xffff, v4  }
0x3a: {  	[tilespmem:v0+s27+$0xFFFFFFD0 ss:$0x1] =	vst.idx.msk $0xffff, v6;
	v5 =	vld [tilespmem:s28+$0x20]  }
0x3b: {  	v2 =	vld [tilespmem:s28+$0xFFFFFFC0];
	[tilespmem:v0+s27+$0xFFFFFFE0 ss:$0x1] =	vst.idx.msk $0xffff, v7;
	s28 =	sadd.s32 $0x80, s28  }
0x3c: {  	s30 =	sadd.s32 $0x800, s30;
	v4 =	vld [tilespmem:s28+$0x30];
	[tilespmem:v0+s27+$0xFFFFFFF0 ss:$0x1] =	vst.idx.msk $0xffff, v8  }
0x3d: {  	_ =	sdelay $0x3  }
0x3e: {  	v6 =	vld [tilespmem:s28+$0xFFFFFFD0];
	[tilespmem:v0+s27+$0x0 ss:$0x1] =	vst.idx.msk $0xffff, v1  }
0x3f: {  	v58 =	vld [tilespmem:s28+$0xFFFFFFE0];
	[tilespmem:v0+s27+$0x10 ss:$0x1] =	vst.idx.msk $0xffff, v3  }
0x40: {  	v59 =	vld [tilespmem:s28+$0xFFFFFFF0];
	[tilespmem:v0+s27+$0x20 ss:$0x1] =	vst.idx.msk $0xffff, v5  }
0x41: {  	s29 =	sshra.s32 s29, $0x2;
	v60 =	vld [tilespmem:s28+$0x0];
	[tilespmem:v0+s27+$0xFFFFFFC0 ss:$0x1] =	vst.idx.msk $0xffff, v2  }
0x42: {  	v61 =	vld [tilespmem:s28+$0x10];
	[tilespmem:v0+s29+$0x30 ss:$0x1] =	vst.idx.msk $0xffff, v4  }
0x43: {  	v62 =	vld [tilespmem:s28+$0x20];
	s26 =	sadd.s32 $0x1, s26;
	[tilespmem:v0+s29+$0xFFFFFFD0 ss:$0x1] =	vst.idx.msk $0xffff, v6  }
0x44: {  	v63 =	vld [tilespmem:s28+$0xFFFFFFC0];
	p0 =	sne.s32 s26, $0x4;
	[tilespmem:v0+s29+$0xFFFFFFE0 ss:$0x1] =	vst.idx.msk $0xffff, v58  }
.Ltmp4:
0x45: {  	[tilespmem:v0+s29+$0xFFFFFFF0 ss:$0x1] =	vst.idx.msk $0xffff, v59;
	(pc) =	sbr.rel @p0 .LBB1_4-.Ltmp4, $4  }
0x46: {  	[tilespmem:v0+s29+$0x0 ss:$0x1] =	vst.idx.msk $0xffff, v60  }
0x47: {  	[tilespmem:v0+s29+$0x10 ss:$0x1] =	vst.idx.msk $0xffff, v61  }
0x48: {  	[tilespmem:v0+s29+$0x20 ss:$0x1] =	vst.idx.msk $0xffff, v62  }
0x49: {  	s25 =	sadd.s32 $0x400, s25;
	s24 =	sadd.s32 $0x80, s24;
	[tilespmem:v0+s29+$0xFFFFFFC0 ss:$0x1] =	vst.idx.msk $0xffff, v63  }
0x4a: {  	s23 =	sadd.s32 $0x1, s23  }
0x4b: {  	p0 =	sne.s32 s23, $0x4  }
.Ltmp5:
0x4c: {  	_ = 	snop;
	(pc) =	sbr.rel @p0 .LBB1_3-.Ltmp5, $2  }
0x4d: {  	_ =	sdelay $0x2  }
0x4e: {  	s21 =	sadd.s32 $0x1000, s21;
	s22 =	sadd.s32 $0x1000, s22  }
0x4f: {  	s17 =	sand.u32 $0x1FFFFFF, s17  }
0x50: {  	s21 =	smulhi.u32 $0x1A2C2A9, s17  }
0x51: {  	s19 =	smul.u32 $0x272000, s19  }
0x52: {  	s18 =	smul.u32 $0x4E400, s18;
	s21 =	sshrl.u32 s21, $0x4  }
0x53: {  	s21 =	smul.u32 $0x9C8, s21  }
.Ltmp6:
0x54: {  	_ = 	snop;
	(pc) =	sbr.rel .LBB1_9-.Ltmp6, $4  }
0x55: {  	s19 =	sadd.s32 s1, s19;
	s17 =	ssub.s32 s17, s21  }
0x56: {  	s18 =	sadd.s32 s18, s19;
	s17 =	sshll.u32 s17, $0x4  }
0x57: {  	s17 =	sadd.s32 s17, s18  }
0x58: {  	[hbm4b:s17+s10] =	stream.strided.scatter [tilespmem:s20], [sflag:$0x2], $0x4000, s11, s10, $0x38;
	[tilespmem:$0x10000] =	vst v63  }
.LBB1_10:
0x59: {  	_ =	sfence.sel $0x180000  }
0x5a: {  	s1 =	simm.s32 $0x1;
	[bflag:$0x0] =	sbarrier.arrive $0xFFFF  }
0x5b: {  	s31 =	simm.s32 $0x2;
	[sflag:s1] =	ssyncpa.u1 $0x1  }
0x5c: {  	[sflag:s31] =	ssyncpa.u1 $0x1  }
0x5d: {  	p0 =	sne.s32 s0, $0x0;
	_ =	strace $0x90000047  }
0x5e: {  	s0 =	sadd.s32 @!p0 $0x100000, s5;
	[bflag:$0x2] =	sbarrier.arrive $0xFFFF  }
0x5f: {  	[sflag:s0] =	ssyncadd.tile.s32 @!p0 $0x1;
	_ =	shalt  }
.Lfunc_end1:
_tile_overlayer_lowered:
.L_overlay_start_2:
0x60: {  	(tag) =	ssettag $0x2  }
0x61: {  	s0 =	rddreg [dreg:$0x0];
	s2 =	stileid.u32  }
0x62: {  	s1 =	rddreg [dreg:$0x1];
	p0 =	sne.s32 s2, $0x0  }
0x63: {  	s3 =	rddreg [dreg:$0x2];
	[bflag:$0x3] =	sbarrier.arrive $0xFFFF;
	s2 =	simm.s32 @!p0 $0x1C01  }
0x64: {  	[timem:s3], [sflag:s2] =	dma.local @!p0 [hbm:s0], s1  }
0x65: {  	s0 =	simm.s32 @!p0 $0x1  }
0x66: {  	_ =	swait.ge @!p0 [sflag:s0], s1  }
0x67: {  	s1 =	ssub.s32 @!p0 $0x0, s1;
	[sflag:s0] =	ssyncset.done @!p0 $0x0  }
0x68: {  	[sflag:s0] =	ssyncadd.s32 @!p0 s1  }
0x69: {  	[bflag:$0x3] =	sbarrier.arrive $0xFFFF  }
0x6a: {  	_ =	shalt  }

</sc_bundles>
